<compile_context>
chip_gen: v7x
topology: tpu7x:2x2x1
jax: 0.10.2.dev20260603
libtpu: 0.0.44.dev20260713+nightly
codegen_flags: <defaults>
</compile_context>

<pallas_src>
import functools

import numpy as np
import jax
import jax.numpy as jnp
from jax import lax
from jax.experimental import pallas as pl
from jax.experimental.pallas import tpu as pltpu
from jax.experimental.pallas import tpu_sc as plsc

N = 10000
D = 128
FDIM = 16
H = 128
C = 16
E = 160000

NC = 2
NS = 16
NW = NC * NS
CHUNK = 128
E_PAD = 163840
NCHUNK = E_PAD // CHUNK
STEPS = NCHUNK // NW
SPW = (E_PAD // NW)
KB = 4
N_PAD = 10240
RPT = N_PAD // NS
WB = 64

_f32 = jnp.float32


@functools.lru_cache(maxsize=None)
def _mesh():
    return plsc.VectorSubcoreMesh(core_axis_name="c", subcore_axis_name="s",
                                  num_cores=NC, num_subcores=NS)


@functools.lru_cache(maxsize=None)
def _make_gather(d):

    def body(x_hbm, src_hbm, dst_hbm, xs_hbm, xd_hbm,
             sidx, didx, srows, drows, gsem, wsem):
        wid = lax.axis_index("s") * NC + lax.axis_index("c")

        def step(g, carry):
            gathers = []
            for b in range(KB):
                base = ((g * KB + b) * NW + wid) * CHUNK
                pltpu.sync_copy(src_hbm.at[pl.ds(base, CHUNK)], sidx.at[b])
                pltpu.sync_copy(dst_hbm.at[pl.ds(base, CHUNK)], didx.at[b])
                gathers.append(pltpu.async_copy(
                    x_hbm.at[sidx.at[b]], srows.at[b], gsem))
                gathers.append(pltpu.async_copy(
                    x_hbm.at[didx.at[b]], drows.at[b], gsem))
            for gd in gathers:
                gd.wait()
            writes = []
            for b in range(KB):
                base = ((g * KB + b) * NW + wid) * CHUNK
                writes.append(pltpu.async_copy(
                    srows.at[b], xs_hbm.at[pl.ds(base, CHUNK)], wsem))
                writes.append(pltpu.async_copy(
                    drows.at[b], xd_hbm.at[pl.ds(base, CHUNK)], wsem))
            for wd in writes:
                wd.wait()
            return carry

        lax.fori_loop(0, STEPS // KB, step, 0)

    return pl.kernel(
        body,
        out_type=(jax.ShapeDtypeStruct((E_PAD, d), jnp.bfloat16),
                  jax.ShapeDtypeStruct((E_PAD, d), jnp.bfloat16)),
        mesh=_mesh(),
        scratch_types=(pltpu.VMEM((KB, CHUNK), jnp.int32),
                       pltpu.VMEM((KB, CHUNK), jnp.int32),
                       pltpu.VMEM((KB, CHUNK, d), jnp.bfloat16),
                       pltpu.VMEM((KB, CHUNK, d), jnp.bfloat16),
                       pltpu.SemaphoreType.DMA,
                       pltpu.SemaphoreType.DMA),
        compiler_params=pltpu.CompilerParams(use_tc_tiling_on_sc=False),
    )


@functools.lru_cache(maxsize=None)
def _make_scatter(with_cnt):

    def body(*refs):
        if with_cnt:
            (msg_hbm, dst_hbm, zeros_hbm, ones_hbm,
             acc_out, cnt_out,
             idx_v, rows_v, ones_v, tmp_v, acc_sh, cnt_sh, sem) = refs
        else:
            (msg_hbm, dst_hbm, zeros_hbm, ones_hbm,
             acc_out,
             idx_v, rows_v, ones_v, tmp_v, acc_sh, sem) = refs
            cnt_sh = None

        cid = lax.axis_index("c")
        sid = lax.axis_index("s")
        wid = sid * NC + cid
        row0 = sid * RPT

        pltpu.sync_copy(zeros_hbm, tmp_v)

        def zstep(j, carry):
            r = row0 + j * WB
            pltpu.sync_copy(tmp_v, acc_sh.at[pl.ds(r, WB)])
            if with_cnt:
                pltpu.sync_copy(tmp_v, cnt_sh.at[pl.ds(r, WB)])
            return carry

        lax.fori_loop(0, RPT // WB, zstep, 0)
        pltpu.sync_copy(ones_hbm, ones_v)
        plsc.subcore_barrier()

        def step(i, carry):
            base = (i * NW + wid) * CHUNK
            pltpu.sync_copy(dst_hbm.at[pl.ds(base, CHUNK)], idx_v)
            pltpu.sync_copy(msg_hbm.at[pl.ds(base, CHUNK)], rows_v)
            pltpu.sync_copy(rows_v, acc_sh.at[idx_v], add=True)
            if with_cnt:
                pltpu.sync_copy(ones_v, cnt_sh.at[idx_v], add=True)
            return carry

        lax.fori_loop(0, STEPS, step, 0)
        plsc.subcore_barrier()

        def wstep(j, carry):
            r = row0 + j * WB
            pltpu.sync_copy(acc_sh.at[pl.ds(r, WB)], tmp_v)
            pltpu.sync_copy(tmp_v, acc_out.at[cid, pl.ds(r, WB)])
            if with_cnt:
                pltpu.sync_copy(cnt_sh.at[pl.ds(r, WB)], tmp_v)
                pltpu.sync_copy(tmp_v, cnt_out.at[cid, pl.ds(r, WB)])
            return carry

        lax.fori_loop(0, RPT // WB, wstep, 0)

    n_out = 2 if with_cnt else 1
    scratch = [pltpu.VMEM((CHUNK,), jnp.int32),
               pltpu.VMEM((CHUNK, FDIM), _f32),
               pltpu.VMEM((CHUNK, FDIM), _f32),
               pltpu.VMEM((WB, FDIM), _f32),
               pltpu.VMEM_SHARED((N_PAD, FDIM), _f32)]
    if with_cnt:
        scratch.append(pltpu.VMEM_SHARED((N_PAD, FDIM), _f32))
    scratch.append(pltpu.SemaphoreType.DMA)

    return pl.kernel(
        body,
        out_type=tuple(jax.ShapeDtypeStruct((NC, N_PAD, FDIM), _f32)
                       for _ in range(n_out)),
        mesh=_mesh(),
        scratch_types=tuple(scratch),
        compiler_params=pltpu.CompilerParams(use_tc_tiling_on_sc=False),
    )


_HI = lax.Precision.HIGHEST


def _fourier_tile(xs, xd, wf, bf, sel, wo_pk, bo_pk):
    n = xs.shape[0]
    freqs = jnp.dot(xd.astype(_f32), wf, preferred_element_type=_f32) + bf
    fb = freqs.astype(jnp.bfloat16).astype(_f32)
    xt = jnp.concatenate([xs] * FDIM, axis=1)
    xb = xt.astype(jnp.bfloat16).astype(_f32)
    z = fb * xb
    zh = z.astype(jnp.bfloat16).astype(_f32)
    zl = z - zh
    proj = (jnp.dot(zh, sel, preferred_element_type=_f32)
            + jnp.dot(zl, sel, preferred_element_type=_f32))
    g = n // 8
    p = jnp.concatenate([proj[e * g:(e + 1) * g] for e in range(8)], axis=1)
    s1 = jnp.sin(p)
    c1 = jnp.cos(p)
    s2 = 2.0 * s1 * c1
    c2 = 1.0 - 2.0 * (s1 * s1)
    s4 = 2.0 * s2 * c2
    c4 = 1.0 - 2.0 * (s2 * s2)
    emb = jnp.concatenate([s1, c1, s2, c2, s4, c4], axis=1)
    return jnp.dot(emb, wo_pk, preferred_element_type=_f32) + bo_pk


def _make_msg(d, bm, dp):

    def body(xs_ref, xd_ref, wf_ref, bf_ref, sel_ref, wo_ref, bo_ref, out_ref):
        out_ref[...] = _fourier_tile(xs_ref[:, :d], xd_ref[:, :d], wf_ref[...],
                                     bf_ref[...], sel_ref[...], wo_ref[...],
                                     bo_ref[...])

    k = 16 * d
    return pl.pallas_call(
        body,
        grid=(E_PAD // bm,),
        in_specs=[pl.BlockSpec((bm, dp), lambda i: (i, 0)),
                  pl.BlockSpec((bm, dp), lambda i: (i, 0)),
                  pl.BlockSpec((d, k), lambda i: (0, 0)),
                  pl.BlockSpec((1, k), lambda i: (0, 0)),
                  pl.BlockSpec((k, FDIM), lambda i: (0, 0)),
                  pl.BlockSpec((6 * 8 * FDIM, 8 * FDIM), lambda i: (0, 0)),
                  pl.BlockSpec((1, 8 * FDIM), lambda i: (0, 0))],
        out_specs=pl.BlockSpec((bm // 8, 8 * FDIM), lambda i: (i, 0)),
        out_shape=jax.ShapeDtypeStruct((E_PAD // 8, 8 * FDIM), _f32),
    )


def _make_update1(bn):

    def body(x_ref, a0, a1, c0, c1, wf, bf, sel, wo, bo,
             wu1a, wu1b, bu1, wu2, bu2, out_ref, outh_ref):
        xb = x_ref[...]
        selfpk = _fourier_tile(xb, xb, wf[...], bf[...], sel[...],
                               wo[...], bo[...])
        selfmsg = jnp.concatenate(
            [selfpk[:, e * FDIM:(e + 1) * FDIM] for e in range(8)], axis=0)
        cnt = c0[...] + c1[...] + 1.0
        aggr = (a0[...] + a1[...] + selfmsg) / cnt
        h = jnp.maximum(jnp.dot(xb, wu1a[...], preferred_element_type=_f32)
                        + jnp.dot(aggr, wu1b[...], preferred_element_type=_f32)
                        + bu1[...], 0.0)
        x2 = jnp.maximum(
            jnp.dot(h, wu2[...], preferred_element_type=_f32) + bu2[...], 0.0)
        out_ref[...] = x2
        outh_ref[...] = jnp.concatenate(
            [x2, jnp.zeros((x2.shape[0], D - FDIM), _f32)],
            axis=1).astype(jnp.bfloat16)

    k = 16 * D
    return pl.pallas_call(
        body,
        grid=(N // bn,),
        in_specs=[pl.BlockSpec((bn, D), lambda i: (i, 0)),
                  pl.BlockSpec((bn, FDIM), lambda i: (i, 0)),
                  pl.BlockSpec((bn, FDIM), lambda i: (i, 0)),
                  pl.BlockSpec((bn, FDIM), lambda i: (i, 0)),
                  pl.BlockSpec((bn, FDIM), lambda i: (i, 0)),
                  pl.BlockSpec((D, k), lambda i: (0, 0)),
                  pl.BlockSpec((1, k), lambda i: (0, 0)),
                  pl.BlockSpec((k, FDIM), lambda i: (0, 0)),
                  pl.BlockSpec((6 * 8 * FDIM, 8 * FDIM), lambda i: (0, 0)),
                  pl.BlockSpec((1, 8 * FDIM), lambda i: (0, 0)),
                  pl.BlockSpec((D, H), lambda i: (0, 0)),
                  pl.BlockSpec((FDIM, H), lambda i: (0, 0)),
                  pl.BlockSpec((1, H), lambda i: (0, 0)),
                  pl.BlockSpec((H, FDIM), lambda i: (0, 0)),
                  pl.BlockSpec((1, FDIM), lambda i: (0, 0))],
        out_specs=[pl.BlockSpec((bn, FDIM), lambda i: (i, 0)),
                   pl.BlockSpec((bn, D), lambda i: (i, 0))],
        out_shape=[jax.ShapeDtypeStruct((N, FDIM), _f32),
                   jax.ShapeDtypeStruct((N, D), jnp.bfloat16)],
    )


def _make_update2(bn):

    def body(x_ref, a0, a1, c0, c1, wf, bf, sel, wo, bo,
             wu1a, wu1b, bu1, wu2, bu2, wc1, bc1, wc2, bc2, out_ref):
        xb = x_ref[...]
        selfpk = _fourier_tile(xb, xb, wf[...], bf[...], sel[...],
                               wo[...], bo[...])
        selfmsg = jnp.concatenate(
            [selfpk[:, e * FDIM:(e + 1) * FDIM] for e in range(8)], axis=0)
        cnt = c0[...] + c1[...] + 1.0
        aggr = (a0[...] + a1[...] + selfmsg) / cnt
        h = jnp.maximum(jnp.dot(xb, wu1a[...], preferred_element_type=_f32)
                        + jnp.dot(aggr, wu1b[...], preferred_element_type=_f32)
                        + bu1[...], 0.0)
        t = jnp.maximum(
            jnp.dot(h, wu2[...], preferred_element_type=_f32) + bu2[...], 0.0)
        x3 = t + xb
        hh = jnp.maximum(
            jnp.dot(x3, wc1[...], preferred_element_type=_f32) + bc1[...], 0.0)
        out_ref[...] = (jnp.dot(hh, wc2[...], preferred_element_type=_f32)
                        + bc2[...])

    k = 16 * FDIM
    return pl.pallas_call(
        body,
        grid=(N // bn,),
        in_specs=[pl.BlockSpec((bn, FDIM), lambda i: (i, 0)),
                  pl.BlockSpec((bn, FDIM), lambda i: (i, 0)),
                  pl.BlockSpec((bn, FDIM), lambda i: (i, 0)),
                  pl.BlockSpec((bn, FDIM), lambda i: (i, 0)),
                  pl.BlockSpec((bn, FDIM), lambda i: (i, 0)),
                  pl.BlockSpec((FDIM, k), lambda i: (0, 0)),
                  pl.BlockSpec((1, k), lambda i: (0, 0)),
                  pl.BlockSpec((k, FDIM), lambda i: (0, 0)),
                  pl.BlockSpec((6 * 8 * FDIM, 8 * FDIM), lambda i: (0, 0)),
                  pl.BlockSpec((1, 8 * FDIM), lambda i: (0, 0)),
                  pl.BlockSpec((FDIM, H), lambda i: (0, 0)),
                  pl.BlockSpec((FDIM, H), lambda i: (0, 0)),
                  pl.BlockSpec((1, H), lambda i: (0, 0)),
                  pl.BlockSpec((H, FDIM), lambda i: (0, 0)),
                  pl.BlockSpec((1, FDIM), lambda i: (0, 0)),
                  pl.BlockSpec((FDIM, H), lambda i: (0, 0)),
                  pl.BlockSpec((1, H), lambda i: (0, 0)),
                  pl.BlockSpec((H, C), lambda i: (0, 0)),
                  pl.BlockSpec((1, C), lambda i: (0, 0))],
        out_specs=pl.BlockSpec((bn, C), lambda i: (i, 0)),
        out_shape=jax.ShapeDtypeStruct((N, C), _f32),
    )


def _selector(d):
    return np.kron(np.eye(FDIM, dtype=np.float32),
                   np.ones((d, 1), dtype=np.float32))


def _gather128(*a):
    return _make_gather(D)(*a)


def _scatter_cnt(*a):
    return _make_scatter(True)(*a)


def _scatter(*a):
    return _make_scatter(False)(*a)


_msg128 = _make_msg(D, 640, D)
_msg16 = _make_msg(FDIM, 640, D)
_update1 = _make_update1(400)
_update2 = _make_update2(1000)

_SEL128 = _selector(D)
_SEL16 = _selector(FDIM)

_J = np.arange(E_PAD)
_PERM = ((_J // 640) * 640 + (_J % 8) * 80 + (_J % 640) // 8).astype(np.int32)


def kernel(x, edge_index, params):
    pad = E_PAD - E
    src = jnp.concatenate([edge_index[0], jnp.zeros((pad,), jnp.int32)])
    dst_g = jnp.concatenate([edge_index[1], jnp.zeros((pad,), jnp.int32)])
    dst_s = jnp.concatenate(
        [edge_index[1], jnp.full((pad,), N_PAD - 1, jnp.int32)])
    p1, p2 = params['layers']
    zeros = jnp.zeros((WB, FDIM), _f32)
    ones = jnp.ones((CHUNK, FDIM), _f32)

    def row(v):
        return v.reshape(1, -1)

    eye8 = jnp.eye(8, dtype=_f32)

    def pack_wo(wo):
        return jnp.concatenate(
            [jnp.kron(eye8, wo[t * FDIM:(t + 1) * FDIM]) for t in range(6)],
            axis=0)

    def pack_bo(bo):
        return jnp.tile(bo.reshape(1, FDIM), (1, 8))

    xs1, xd1 = _gather128(x.astype(jnp.bfloat16), src, dst_g)
    msg1 = _msg128(xs1, xd1, p1['Wf'], row(p1['bf']), _SEL128,
                   pack_wo(p1['Wo']), pack_bo(p1['bo'])).reshape(E_PAD, FDIM)
    dst_p = jnp.take(dst_s, _PERM)
    acc1p, cnt1p = _scatter_cnt(msg1, dst_p, zeros, ones)
    a0, a1 = acc1p[0], acc1p[1]
    c0, c1 = cnt1p[0], cnt1p[1]
    x2, x2h = _update1(x, a0, a1, c0, c1,
                  p1['Wf'], row(p1['bf']), _SEL128,
                  pack_wo(p1['Wo']), pack_bo(p1['bo']),
                  p1['Wu1'][:D], p1['Wu1'][D:], row(p1['bu1']),
                  p1['Wu2'], row(p1['bu2']))

    xs2, xd2 = _gather128(x2h, src, dst_g)
    msg2 = _msg16(xs2, xd2, p2['Wf'], row(p2['bf']), _SEL16,
                  pack_wo(p2['Wo']), pack_bo(p2['bo'])).reshape(E_PAD, FDIM)
    acc2p = _scatter(msg2, dst_p, zeros, ones)
    if isinstance(acc2p, (tuple, list)):
        acc2p = acc2p[0]
    b0, b1 = acc2p[0], acc2p[1]
    out = _update2(x2, b0, b1, c0, c1,
                   p2['Wf'], row(p2['bf']), _SEL16,
                   pack_wo(p2['Wo']), pack_bo(p2['bo']),
                   p2['Wu1'][:FDIM], p2['Wu1'][FDIM:], row(p2['bu1']),
                   p2['Wu2'], row(p2['bu2']),
                   params['Wc1'], row(params['bc1']),
                   params['Wc2'], row(params['bc2']))
    return out

# --- scband reference (transcript-rebuilt; emitter-appended) ---
"""Pipeline reference for scband-molecule-gnn-fourier-5686536700281 (READ-ONLY COPY).

The authoritative reference and input builder live on the scoring server;
editing this copy changes nothing except your own understanding.
"""

import jax, jax.numpy as jnp
import numpy as np

N = 10000
D = 128
FDIM = 16
H = 128
C = 16
E = 160000
L = 2


def _fourier(h_src, h_i, Wf, bf, Wo, bo):
    B, Din = h_src.shape
    Fd = Wo.shape[1]
    freqs = (h_i @ Wf + bf).reshape(B, Fd, Din)
    proj = jnp.einsum('bfd,bd->bf', freqs, h_src)
    emb = jnp.concatenate([
        jnp.sin(proj), jnp.cos(proj),
        jnp.sin(2.0 * proj), jnp.cos(2.0 * proj),
        jnp.sin(4.0 * proj), jnp.cos(4.0 * proj)
    ], axis=-1)
    return emb @ Wo + bo


def _conv(x, edge_index, p):
    n = x.shape[0]
    loops = jnp.arange(n, dtype=edge_index.dtype)
    ei = jnp.concatenate([edge_index, jnp.stack([loops, loops], axis=0)], axis=1)
    src = ei[0]
    dst = ei[1]
    msg = _fourier(x[src], x[dst], p['Wf'], p['bf'], p['Wo'], p['bo'])
    summed = jax.ops.segment_sum(msg, dst, num_segments=n)
    cnt = jax.ops.segment_sum(jnp.ones((ei.shape[1],), x.dtype), dst, num_segments=n)
    aggr = summed / jnp.maximum(cnt, 1.0)[:, None]
    h = jnp.concatenate([x, aggr], axis=-1)
    h = jnp.maximum(h @ p['Wu1'] + p['bu1'], 0.0)
    return h @ p['Wu2'] + p['bu2']


def _forward(x, edge_index, params):
    for p in params['layers']:
        x_res = x
        x = _conv(x, edge_index, p)
        x = jnp.maximum(x, 0.0)
        if x.shape == x_res.shape:
            x = x + x_res
    h = jnp.maximum(x @ params['Wc1'] + params['bc1'], 0.0)
    return h @ params['Wc2'] + params['bc2']


def setup_inputs(seed: int = 0) -> dict:
    key = jax.random.key(seed)
    ks = jax.random.split(key, 16)
    x = jax.random.normal(ks[0], (N, D), dtype=jnp.float32)
    edge_index = jax.random.randint(ks[1], (2, E), 0, N, dtype=jnp.int32)

    def mk(k, shape, fan_in):
        return (jax.random.normal(k, shape, dtype=jnp.float32) / np.sqrt(fan_in)).astype(jnp.float32)

    layers = []
    dims = [D] + [FDIM] * (L - 1)
    i = 2
    for l in range(L):
        din = dims[l]
        p = {
            'Wf': mk(ks[i], (din, FDIM * din), din),
            'bf': jnp.zeros((FDIM * din,), jnp.float32),
            'Wo': mk(ks[i + 1], (6 * FDIM, FDIM), 6 * FDIM),
            'bo': jnp.zeros((FDIM,), jnp.float32),
            'Wu1': mk(ks[i + 2], (din + FDIM, H), din + FDIM),
            'bu1': jnp.zeros((H,), jnp.float32),
            'Wu2': mk(ks[i + 3], (H, FDIM), H),
            'bu2': jnp.zeros((FDIM,), jnp.float32),
        }
        layers.append(p)
        i += 4
    params = {
        'layers': layers,
        'Wc1': mk(ks[i], (FDIM, H), FDIM),
        'bc1': jnp.zeros((H,), jnp.float32),
        'Wc2': mk(ks[i + 1], (H, C), H),
        'bc2': jnp.zeros((C,), jnp.float32),
    }
    return {'x': x, 'edge_index': edge_index, 'params': params}


def reference(x, edge_index, params):
    return _forward(x, edge_index, params)

if __name__ == "__main__":
    import jax
    _d = setup_inputs()
    print(jax.jit(kernel)(*tuple(_d.values())))

</pallas_src>

<mosaic_0001>
#map = affine_map<(d0, d1) -> (0, 0)>
#map1 = affine_map<(d0, d1) -> (0)>
module attributes {stable_mosaic.version = 14 : i64} {
  func.func @body(%arg0: i32, %arg1: i32, %arg2: memref<10000x128xbf16, #tpu.memory_space<hbm>>, %arg3: memref<163840xi32, #tpu.memory_space<hbm>>, %arg4: memref<163840xi32, #tpu.memory_space<hbm>>, %arg5: memref<163840x128xbf16, #tpu.memory_space<hbm>>, %arg6: memref<163840x128xbf16, #tpu.memory_space<hbm>>, %arg7: memref<4x128xi32, #tpu.memory_space<vmem>>, %arg8: memref<4x128xi32, #tpu.memory_space<vmem>>, %arg9: memref<4x128x128xbf16, #tpu.memory_space<vmem>>, %arg10: memref<4x128x128xbf16, #tpu.memory_space<vmem>>, %arg11: memref<!tpu.dma_semaphore, #tpu.memory_space<semaphore_mem>>, %arg12: memref<!tpu.dma_semaphore, #tpu.memory_space<semaphore_mem>>) attributes {dimension_semantics = [#tpu.dimension_semantics<core_parallel>, #tpu.dimension_semantics<subcore_parallel>], iteration_bounds = array<i64: 2, 16>, scalar_prefetch = 0 : i64, scratch_operands = 6 : i64, tpu.core_type = #tpu.core_type<sc_vector_subcore>, window_params = [{transform_indices = #map}, {transform_indices = #map1}, {transform_indices = #map1}, {transform_indices = #map}, {transform_indices = #map}]} {
    %mul3A = arith.constant 2 : i32
    %mul3A_0 = arith.muli %arg1, %mul3A : i32
    %add3A = arith.addi %mul3A_0, %arg0 : i32
    %scan3A = arith.constant 0 : i32
    %scan3A_1 = arith.constant 0 : i32
    %scan3A_2 = arith.constant 10 : i32
    %scan3A_3 = arith.addi %scan3A_1, %scan3A_2 : i32
    %scan3A_4 = arith.constant 1 : i32
    scf.for %scan3A_6 = %scan3A_1 to %scan3A_3 step %scan3A_4  : i32 {
      %mul3A_7 = arith.constant 4 : i32
      %mul3A_8 = arith.muli %scan3A_6, %mul3A_7 : i32
      %add3A_9 = arith.constant 0 : i32
      %add3A_10 = arith.addi %mul3A_8, %add3A_9 : i32
      %mul3A_11 = arith.constant 32 : i32
      %mul3A_12 = arith.muli %add3A_10, %mul3A_11 : i32
      %add3A_13 = arith.addi %mul3A_12, %add3A : i32
      %mul3A_14 = arith.constant 128 : i32
      %mul3A_15 = arith.muli %add3A_13, %mul3A_14 : i32
      %run_scoped3A = arith.constant 0 : i32
      "tpu.region"() ({
        %run_scoped3A_484 = tpu.sem_alloc : memref<!tpu.dma_semaphore, #tpu.memory_space<semaphore_mem>>
        %dma_start3A_485 = arith.constant 0 : i32
        %dma_start3A_486 = tpu.memref_slice %arg7[%run_scoped3A, %dma_start3A_485] : memref<4x128xi32, #tpu.memory_space<vmem>> -> memref<1x128xi32, #tpu.memory_space<vmem>>
        %dma_start3A_487 = tpu.memref_squeeze %dma_start3A_486 : memref<1x128xi32, #tpu.memory_space<vmem>> -> memref<128xi32, #tpu.memory_space<vmem>>
        %dma_start3A_488 = tpu.memref_slice %arg3[%mul3A_15] : memref<163840xi32, #tpu.memory_space<hbm>> -> memref<128xi32, #tpu.memory_space<hbm>>
        %dma_start3A_489 = arith.constant 0 : i32
        %dma_start3A_490 = tpu.memref_slice %arg7[%run_scoped3A, %dma_start3A_489] : memref<4x128xi32, #tpu.memory_space<vmem>> -> memref<1x128xi32, #tpu.memory_space<vmem>>
        %dma_start3A_491 = tpu.memref_squeeze %dma_start3A_490 : memref<1x128xi32, #tpu.memory_space<vmem>> -> memref<128xi32, #tpu.memory_space<vmem>>
        %dma_start3A_492 = tpu.memref_slice %arg3[%mul3A_15] : memref<163840xi32, #tpu.memory_space<hbm>> -> memref<128xi32, #tpu.memory_space<hbm>>
        tpu.enqueue_dma source(%dma_start3A_492 : memref<128xi32, #tpu.memory_space<hbm>>) target(%dma_start3A_491 : memref<128xi32, #tpu.memory_space<vmem>>) target_semaphore(%run_scoped3A_484 : memref<!tpu.dma_semaphore, #tpu.memory_space<semaphore_mem>>)
        %dma_wait3A_493 = arith.constant 0 : i32
        %dma_wait3A_494 = tpu.memref_slice %arg7[%run_scoped3A, %dma_wait3A_493] : memref<4x128xi32, #tpu.memory_space<vmem>> -> memref<1x128xi32, #tpu.memory_space<vmem>>
        %dma_wait3A_495 = tpu.memref_squeeze %dma_wait3A_494 : memref<1x128xi32, #tpu.memory_space<vmem>> -> memref<128xi32, #tpu.memory_space<vmem>>
        %dma_wait3A_496 = tpu.memref_slice %arg3[%mul3A_15] : memref<163840xi32, #tpu.memory_space<hbm>> -> memref<128xi32, #tpu.memory_space<hbm>>
        %dma_wait3A_497 = arith.constant 0 : i32
        %dma_wait3A_498 = tpu.memref_slice %arg7[%run_scoped3A, %dma_wait3A_497] : memref<4x128xi32, #tpu.memory_space<vmem>> -> memref<1x128xi32, #tpu.memory_space<vmem>>
        %dma_wait3A_499 = tpu.memref_squeeze %dma_wait3A_498 : memref<1x128xi32, #tpu.memory_space<vmem>> -> memref<128xi32, #tpu.memory_space<vmem>>
        %dma_wait3A_500 = tpu.memref_slice %arg3[%mul3A_15] : memref<163840xi32, #tpu.memory_space<hbm>> -> memref<128xi32, #tpu.memory_space<hbm>>
        tpu.wait_dma2 semaphore(%run_scoped3A_484 : memref<!tpu.dma_semaphore, #tpu.memory_space<semaphore_mem>>) src(%dma_wait3A_500 : memref<128xi32, #tpu.memory_space<hbm>>) dst(%dma_wait3A_499 : memref<128xi32, #tpu.memory_space<vmem>>)
        tpu.yield
      }) : () -> ()
      %run_scoped3A_16 = arith.constant 0 : i32
      "tpu.region"() ({
        %run_scoped3A_484 = tpu.sem_alloc : memref<!tpu.dma_semaphore, #tpu.memory_space<semaphore_mem>>
        %dma_start3A_485 = arith.constant 0 : i32
        %dma_start3A_486 = tpu.memref_slice %arg8[%run_scoped3A_16, %dma_start3A_485] : memref<4x128xi32, #tpu.memory_space<vmem>> -> memref<1x128xi32, #tpu.memory_space<vmem>>
        %dma_start3A_487 = tpu.memref_squeeze %dma_start3A_486 : memref<1x128xi32, #tpu.memory_space<vmem>> -> memref<128xi32, #tpu.memory_space<vmem>>
        %dma_start3A_488 = tpu.memref_slice %arg4[%mul3A_15] : memref<163840xi32, #tpu.memory_space<hbm>> -> memref<128xi32, #tpu.memory_space<hbm>>
        %dma_start3A_489 = arith.constant 0 : i32
        %dma_start3A_490 = tpu.memref_slice %arg8[%run_scoped3A_16, %dma_start3A_489] : memref<4x128xi32, #tpu.memory_space<vmem>> -> memref<1x128xi32, #tpu.memory_space<vmem>>
        %dma_start3A_491 = tpu.memref_squeeze %dma_start3A_490 : memref<1x128xi32, #tpu.memory_space<vmem>> -> memref<128xi32, #tpu.memory_space<vmem>>
        %dma_start3A_492 = tpu.memref_slice %arg4[%mul3A_15] : memref<163840xi32, #tpu.memory_space<hbm>> -> memref<128xi32, #tpu.memory_space<hbm>>
        tpu.enqueue_dma source(%dma_start3A_492 : memref<128xi32, #tpu.memory_space<hbm>>) target(%dma_start3A_491 : memref<128xi32, #tpu.memory_space<vmem>>) target_semaphore(%run_scoped3A_484 : memref<!tpu.dma_semaphore, #tpu.memory_space<semaphore_mem>>)
        %dma_wait3A_493 = arith.constant 0 : i32
        %dma_wait3A_494 = tpu.memref_slice %arg8[%run_scoped3A_16, %dma_wait3A_493] : memref<4x128xi32, #tpu.memory_space<vmem>> -> memref<1x128xi32, #tpu.memory_space<vmem>>
        %dma_wait3A_495 = tpu.memref_squeeze %dma_wait3A_494 : memref<1x128xi32, #tpu.memory_space<vmem>> -> memref<128xi32, #tpu.memory_space<vmem>>
        %dma_wait3A_496 = tpu.memref_slice %arg4[%mul3A_15] : memref<163840xi32, #tpu.memory_space<hbm>> -> memref<128xi32, #tpu.memory_space<hbm>>
        %dma_wait3A_497 = arith.constant 0 : i32
        %dma_wait3A_498 = tpu.memref_slice %arg8[%run_scoped3A_16, %dma_wait3A_497] : memref<4x128xi32, #tpu.memory_space<vmem>> -> memref<1x128xi32, #tpu.memory_space<vmem>>
        %dma_wait3A_499 = tpu.memref_squeeze %dma_wait3A_498 : memref<1x128xi32, #tpu.memory_space<vmem>> -> memref<128xi32, #tpu.memory_space<vmem>>
        %dma_wait3A_500 = tpu.memref_slice %arg4[%mul3A_15] : memref<163840xi32, #tpu.memory_space<hbm>> -> memref<128xi32, #tpu.memory_space<hbm>>
        tpu.wait_dma2 semaphore(%run_scoped3A_484 : memref<!tpu.dma_semaphore, #tpu.memory_space<semaphore_mem>>) src(%dma_wait3A_500 : memref<128xi32, #tpu.memory_space<hbm>>) dst(%dma_wait3A_499 : memref<128xi32, #tpu.memory_space<vmem>>)
        tpu.yield
      }) : () -> ()
      %dma_start3A = arith.constant 0 : i32
      %dma_start3A_17 = arith.constant 0 : i32
      %dma_start3A_18 = arith.constant 0 : i32
      %dma_start3A_19 = arith.constant 0 : i32
      %dma_start3A_20 = tpu.memref_slice %arg9[%dma_start3A_17, %dma_start3A_18, %dma_start3A_19] : memref<4x128x128xbf16, #tpu.memory_space<vmem>> -> memref<1x128x128xbf16, #tpu.memory_space<vmem>>
      %dma_start3A_21 = tpu.memref_squeeze %dma_start3A_20 : memref<1x128x128xbf16, #tpu.memory_space<vmem>> -> memref<128x128xbf16, #tpu.memory_space<vmem>>
      %dma_start3A_22 = arith.constant 0 : i32
      %dma_start3A_23 = tpu.memref_slice %arg7[%dma_start3A, %dma_start3A_22] : memref<4x128xi32, #tpu.memory_space<vmem>> -> memref<1x128xi32, #tpu.memory_space<vmem>>
      %dma_start3A_24 = tpu.memref_squeeze %dma_start3A_23 : memref<1x128xi32, #tpu.memory_space<vmem>> -> memref<128xi32, #tpu.memory_space<vmem>>
      %dma_start3A_25 = arith.constant 0 : i32
      %dma_start3A_26 = arith.constant 0 : i32
      %dma_start3A_27 = tpu.memref_slice %arg2[%dma_start3A_25, %dma_start3A_26] : memref<10000x128xbf16, #tpu.memory_space<hbm>> -> memref<10000x128xbf16, #tpu.memory_space<hbm>>
      tpu.enqueue_indirect_dma source(%dma_start3A_27 : memref<10000x128xbf16, #tpu.memory_space<hbm>>) target(%dma_start3A_21 : memref<128x128xbf16, #tpu.memory_space<vmem>>) offsets(%dma_start3A_24 : memref<128xi32, #tpu.memory_space<vmem>>) semaphore(%arg11 : memref<!tpu.dma_semaphore, #tpu.memory_space<semaphore_mem>>)
      %dma_start3A_28 = arith.constant 0 : i32
      %dma_start3A_29 = arith.constant 0 : i32
      %dma_start3A_30 = arith.constant 0 : i32
      %dma_start3A_31 = arith.constant 0 : i32
      %dma_start3A_32 = tpu.memref_slice %arg10[%dma_start3A_29, %dma_start3A_30, %dma_start3A_31] : memref<4x128x128xbf16, #tpu.memory_space<vmem>> -> memref<1x128x128xbf16, #tpu.memory_space<vmem>>
      %dma_start3A_33 = tpu.memref_squeeze %dma_start3A_32 : memref<1x128x128xbf16, #tpu.memory_space<vmem>> -> memref<128x128xbf16, #tpu.memory_space<vmem>>
      %dma_start3A_34 = arith.constant 0 : i32
      %dma_start3A_35 = tpu.memref_slice %arg8[%dma_start3A_28, %dma_start3A_34] : memref<4x128xi32, #tpu.memory_space<vmem>> -> memref<1x128xi32, #tpu.memory_space<vmem>>
      %dma_start3A_36 = tpu.memref_squeeze %dma_start3A_35 : memref<1x128xi32, #tpu.memory_space<vmem>> -> memref<128xi32, #tpu.memory_space<vmem>>
      %dma_start3A_37 = arith.constant 0 : i32
      %dma_start3A_38 = arith.constant 0 : i32
      %dma_start3A_39 = tpu.memref_slice %arg2[%dma_start3A_37, %dma_start3A_38] : memref<10000x128xbf16, #tpu.memory_space<hbm>> -> memref<10000x128xbf16, #tpu.memory_space<hbm>>
      tpu.enqueue_indirect_dma source(%dma_start3A_39 : memref<10000x128xbf16, #tpu.memory_space<hbm>>) target(%dma_start3A_33 : memref<128x128xbf16, #tpu.memory_space<vmem>>) offsets(%dma_start3A_36 : memref<128xi32, #tpu.memory_space<vmem>>) semaphore(%arg11 : memref<!tpu.dma_semaphore, #tpu.memory_space<semaphore_mem>>)
      %mul3A_40 = arith.constant 4 : i32
      %mul3A_41 = arith.muli %scan3A_6, %mul3A_40 : i32
      %add3A_42 = arith.constant 1 : i32
      %add3A_43 = arith.addi %mul3A_41, %add3A_42 : i32
      %mul3A_44 = arith.constant 32 : i32
      %mul3A_45 = arith.muli %add3A_43, %mul3A_44 : i32
      %add3A_46 = arith.addi %mul3A_45, %add3A : i32
      %mul3A_47 = arith.constant 128 : i32
      %mul3A_48 = arith.muli %add3A_46, %mul3A_47 : i32
      %run_scoped3A_49 = arith.constant 1 : i32
      "tpu.region"() ({
        %run_scoped3A_484 = tpu.sem_alloc : memref<!tpu.dma_semaphore, #tpu.memory_space<semaphore_mem>>
        %dma_start3A_485 = arith.constant 0 : i32
        %dma_start3A_486 = tpu.memref_slice %arg7[%run_scoped3A_49, %dma_start3A_485] : memref<4x128xi32, #tpu.memory_space<vmem>> -> memref<1x128xi32, #tpu.memory_space<vmem>>
        %dma_start3A_487 = tpu.memref_squeeze %dma_start3A_486 : memref<1x128xi32, #tpu.memory_space<vmem>> -> memref<128xi32, #tpu.memory_space<vmem>>
        %dma_start3A_488 = tpu.memref_slice %arg3[%mul3A_48] : memref<163840xi32, #tpu.memory_space<hbm>> -> memref<128xi32, #tpu.memory_space<hbm>>
        %dma_start3A_489 = arith.constant 0 : i32
        %dma_start3A_490 = tpu.memref_slice %arg7[%run_scoped3A_49, %dma_start3A_489] : memref<4x128xi32, #tpu.memory_space<vmem>> -> memref<1x128xi32, #tpu.memory_space<vmem>>
        %dma_start3A_491 = tpu.memref_squeeze %dma_start3A_490 : memref<1x128xi32, #tpu.memory_space<vmem>> -> memref<128xi32, #tpu.memory_space<vmem>>
        %dma_start3A_492 = tpu.memref_slice %arg3[%mul3A_48] : memref<163840xi32, #tpu.memory_space<hbm>> -> memref<128xi32, #tpu.memory_space<hbm>>
        tpu.enqueue_dma source(%dma_start3A_492 : memref<128xi32, #tpu.memory_space<hbm>>) target(%dma_start3A_491 : memref<128xi32, #tpu.memory_space<vmem>>) target_semaphore(%run_scoped3A_484 : memref<!tpu.dma_semaphore, #tpu.memory_space<semaphore_mem>>)
        %dma_wait3A_493 = arith.constant 0 : i32
        %dma_wait3A_494 = tpu.memref_slice %arg7[%run_scoped3A_49, %dma_wait3A_493] : memref<4x128xi32, #tpu.memory_space<vmem>> -> memref<1x128xi32, #tpu.memory_space<vmem>>
        %dma_wait3A_495 = tpu.memref_squeeze %dma_wait3A_494 : memref<1x128xi32, #tpu.memory_space<vmem>> -> memref<128xi32, #tpu.memory_space<vmem>>
        %dma_wait3A_496 = tpu.memref_slice %arg3[%mul3A_48] : memref<163840xi32, #tpu.memory_space<hbm>> -> memref<128xi32, #tpu.memory_space<hbm>>
        %dma_wait3A_497 = arith.constant 0 : i32
        %dma_wait3A_498 = tpu.memref_slice %arg7[%run_scoped3A_49, %dma_wait3A_497] : memref<4x128xi32, #tpu.memory_space<vmem>> -> memref<1x128xi32, #tpu.memory_space<vmem>>
        %dma_wait3A_499 = tpu.memref_squeeze %dma_wait3A_498 : memref<1x128xi32, #tpu.memory_space<vmem>> -> memref<128xi32, #tpu.memory_space<vmem>>
        %dma_wait3A_500 = tpu.memref_slice %arg3[%mul3A_48] : memref<163840xi32, #tpu.memory_space<hbm>> -> memref<128xi32, #tpu.memory_space<hbm>>
        tpu.wait_dma2 semaphore(%run_scoped3A_484 : memref<!tpu.dma_semaphore, #tpu.memory_space<semaphore_mem>>) src(%dma_wait3A_500 : memref<128xi32, #tpu.memory_space<hbm>>) dst(%dma_wait3A_499 : memref<128xi32, #tpu.memory_space<vmem>>)
        tpu.yield
      }) : () -> ()
      %run_scoped3A_50 = arith.constant 1 : i32
      "tpu.region"() ({
        %run_scoped3A_484 = tpu.sem_alloc : memref<!tpu.dma_semaphore, #tpu.memory_space<semaphore_mem>>
        %dma_start3A_485 = arith.constant 0 : i32
        %dma_start3A_486 = tpu.memref_slice %arg8[%run_scoped3A_50, %dma_start3A_485] : memref<4x128xi32, #tpu.memory_space<vmem>> -> memref<1x128xi32, #tpu.memory_space<vmem>>
        %dma_start3A_487 = tpu.memref_squeeze %dma_start3A_486 : memref<1x128xi32, #tpu.memory_space<vmem>> -> memref<128xi32, #tpu.memory_space<vmem>>
        %dma_start3A_488 = tpu.memref_slice %arg4[%mul3A_48] : memref<163840xi32, #tpu.memory_space<hbm>> -> memref<128xi32, #tpu.memory_space<hbm>>
        %dma_start3A_489 = arith.constant 0 : i32
        %dma_start3A_490 = tpu.memref_slice %arg8[%run_scoped3A_50, %dma_start3A_489] : memref<4x128xi32, #tpu.memory_space<vmem>> -> memref<1x128xi32, #tpu.memory_space<vmem>>
        %dma_start3A_491 = tpu.memref_squeeze %dma_start3A_490 : memref<1x128xi32, #tpu.memory_space<vmem>> -> memref<128xi32, #tpu.memory_space<vmem>>
        %dma_start3A_492 = tpu.memref_slice %arg4[%mul3A_48] : memref<163840xi32, #tpu.memory_space<hbm>> -> memref<128xi32, #tpu.memory_space<hbm>>
        tpu.enqueue_dma source(%dma_start3A_492 : memref<128xi32, #tpu.memory_space<hbm>>) target(%dma_start3A_491 : memref<128xi32, #tpu.memory_space<vmem>>) target_semaphore(%run_scoped3A_484 : memref<!tpu.dma_semaphore, #tpu.memory_space<semaphore_mem>>)
        %dma_wait3A_493 = arith.constant 0 : i32
        %dma_wait3A_494 = tpu.memref_slice %arg8[%run_scoped3A_50, %dma_wait3A_493] : memref<4x128xi32, #tpu.memory_space<vmem>> -> memref<1x128xi32, #tpu.memory_space<vmem>>
        %dma_wait3A_495 = tpu.memref_squeeze %dma_wait3A_494 : memref<1x128xi32, #tpu.memory_space<vmem>> -> memref<128xi32, #tpu.memory_space<vmem>>
        %dma_wait3A_496 = tpu.memref_slice %arg4[%mul3A_48] : memref<163840xi32, #tpu.memory_space<hbm>> -> memref<128xi32, #tpu.memory_space<hbm>>
        %dma_wait3A_497 = arith.constant 0 : i32
        %dma_wait3A_498 = tpu.memref_slice %arg8[%run_scoped3A_50, %dma_wait3A_497] : memref<4x128xi32, #tpu.memory_space<vmem>> -> memref<1x128xi32, #tpu.memory_space<vmem>>
        %dma_wait3A_499 = tpu.memref_squeeze %dma_wait3A_498 : memref<1x128xi32, #tpu.memory_space<vmem>> -> memref<128xi32, #tpu.memory_space<vmem>>
        %dma_wait3A_500 = tpu.memref_slice %arg4[%mul3A_48] : memref<163840xi32, #tpu.memory_space<hbm>> -> memref<128xi32, #tpu.memory_space<hbm>>
        tpu.wait_dma2 semaphore(%run_scoped3A_484 : memref<!tpu.dma_semaphore, #tpu.memory_space<semaphore_mem>>) src(%dma_wait3A_500 : memref<128xi32, #tpu.memory_space<hbm>>) dst(%dma_wait3A_499 : memref<128xi32, #tpu.memory_space<vmem>>)
        tpu.yield
      }) : () -> ()
      %dma_start3A_51 = arith.constant 1 : i32
      %dma_start3A_52 = arith.constant 1 : i32
      %dma_start3A_53 = arith.constant 0 : i32
      %dma_start3A_54 = arith.constant 0 : i32
      %dma_start3A_55 = tpu.memref_slice %arg9[%dma_start3A_52, %dma_start3A_53, %dma_start3A_54] : memref<4x128x128xbf16, #tpu.memory_space<vmem>> -> memref<1x128x128xbf16, #tpu.memory_space<vmem>>
      %dma_start3A_56 = tpu.memref_squeeze %dma_start3A_55 : memref<1x128x128xbf16, #tpu.memory_space<vmem>> -> memref<128x128xbf16, #tpu.memory_space<vmem>>
      %dma_start3A_57 = arith.constant 0 : i32
      %dma_start3A_58 = tpu.memref_slice %arg7[%dma_start3A_51, %dma_start3A_57] : memref<4x128xi32, #tpu.memory_space<vmem>> -> memref<1x128xi32, #tpu.memory_space<vmem>>
      %dma_start3A_59 = tpu.memref_squeeze %dma_start3A_58 : memref<1x128xi32, #tpu.memory_space<vmem>> -> memref<128xi32, #tpu.memory_space<vmem>>
      %dma_start3A_60 = arith.constant 0 : i32
      %dma_start3A_61 = arith.constant 0 : i32
      %dma_start3A_62 = tpu.memref_slice %arg2[%dma_start3A_60, %dma_start3A_61] : memref<10000x128xbf16, #tpu.memory_space<hbm>> -> memref<10000x128xbf16, #tpu.memory_space<hbm>>
      tpu.enqueue_indirect_dma source(%dma_start3A_62 : memref<10000x128xbf16, #tpu.memory_space<hbm>>) target(%dma_start3A_56 : memref<128x128xbf16, #tpu.memory_space<vmem>>) offsets(%dma_start3A_59 : memref<128xi32, #tpu.memory_space<vmem>>) semaphore(%arg11 : memref<!tpu.dma_semaphore, #tpu.memory_space<semaphore_mem>>)
      %dma_start3A_63 = arith.constant 1 : i32
      %dma_start3A_64 = arith.constant 1 : i32
      %dma_start3A_65 = arith.constant 0 : i32
      %dma_start3A_66 = arith.constant 0 : i32
      %dma_start3A_67 = tpu.memref_slice %arg10[%dma_start3A_64, %dma_start3A_65, %dma_start3A_66] : memref<4x128x128xbf16, #tpu.memory_space<vmem>> -> memref<1x128x128xbf16, #tpu.memory_space<vmem>>
      %dma_start3A_68 = tpu.memref_squeeze %dma_start3A_67 : memref<1x128x128xbf16, #tpu.memory_space<vmem>> -> memref<128x128xbf16, #tpu.memory_space<vmem>>
      %dma_start3A_69 = arith.constant 0 : i32
      %dma_start3A_70 = tpu.memref_slice %arg8[%dma_start3A_63, %dma_start3A_69] : memref<4x128xi32, #tpu.memory_space<vmem>> -> memref<1x128xi32, #tpu.memory_space<vmem>>
      %dma_start3A_71 = tpu.memref_squeeze %dma_start3A_70 : memref<1x128xi32, #tpu.memory_space<vmem>> -> memref<128xi32, #tpu.memory_space<vmem>>
      %dma_start3A_72 = arith.constant 0 : i32
      %dma_start3A_73 = arith.constant 0 : i32
      %dma_start3A_74 = tpu.memref_slice %arg2[%dma_start3A_72, %dma_start3A_73] : memref<10000x128xbf16, #tpu.memory_space<hbm>> -> memref<10000x128xbf16, #tpu.memory_space<hbm>>
      tpu.enqueue_indirect_dma source(%dma_start3A_74 : memref<10000x128xbf16, #tpu.memory_space<hbm>>) target(%dma_start3A_68 : memref<128x128xbf16, #tpu.memory_space<vmem>>) offsets(%dma_start3A_71 : memref<128xi32, #tpu.memory_space<vmem>>) semaphore(%arg11 : memref<!tpu.dma_semaphore, #tpu.memory_space<semaphore_mem>>)
      %mul3A_75 = arith.constant 4 : i32
      %mul3A_76 = arith.muli %scan3A_6, %mul3A_75 : i32
      %add3A_77 = arith.constant 2 : i32
      %add3A_78 = arith.addi %mul3A_76, %add3A_77 : i32
      %mul3A_79 = arith.constant 32 : i32
      %mul3A_80 = arith.muli %add3A_78, %mul3A_79 : i32
      %add3A_81 = arith.addi %mul3A_80, %add3A : i32
      %mul3A_82 = arith.constant 128 : i32
      %mul3A_83 = arith.muli %add3A_81, %mul3A_82 : i32
      %run_scoped3A_84 = arith.constant 2 : i32
      "tpu.region"() ({
        %run_scoped3A_484 = tpu.sem_alloc : memref<!tpu.dma_semaphore, #tpu.memory_space<semaphore_mem>>
        %dma_start3A_485 = arith.constant 0 : i32
        %dma_start3A_486 = tpu.memref_slice %arg7[%run_scoped3A_84, %dma_start3A_485] : memref<4x128xi32, #tpu.memory_space<vmem>> -> memref<1x128xi32, #tpu.memory_space<vmem>>
        %dma_start3A_487 = tpu.memref_squeeze %dma_start3A_486 : memref<1x128xi32, #tpu.memory_space<vmem>> -> memref<128xi32, #tpu.memory_space<vmem>>
        %dma_start3A_488 = tpu.memref_slice %arg3[%mul3A_83] : memref<163840xi32, #tpu.memory_space<hbm>> -> memref<128xi32, #tpu.memory_space<hbm>>
        %dma_start3A_489 = arith.constant 0 : i32
        %dma_start3A_490 = tpu.memref_slice %arg7[%run_scoped3A_84, %dma_start3A_489] : memref<4x128xi32, #tpu.memory_space<vmem>> -> memref<1x128xi32, #tpu.memory_space<vmem>>
        %dma_start3A_491 = tpu.memref_squeeze %dma_start3A_490 : memref<1x128xi32, #tpu.memory_space<vmem>> -> memref<128xi32, #tpu.memory_space<vmem>>
        %dma_start3A_492 = tpu.memref_slice %arg3[%mul3A_83] : memref<163840xi32, #tpu.memory_space<hbm>> -> memref<128xi32, #tpu.memory_space<hbm>>
        tpu.enqueue_dma source(%dma_start3A_492 : memref<128xi32, #tpu.memory_space<hbm>>) target(%dma_start3A_491 : memref<128xi32, #tpu.memory_space<vmem>>) target_semaphore(%run_scoped3A_484 : memref<!tpu.dma_semaphore, #tpu.memory_space<semaphore_mem>>)
        %dma_wait3A_493 = arith.constant 0 : i32
        %dma_wait3A_494 = tpu.memref_slice %arg7[%run_scoped3A_84, %dma_wait3A_493] : memref<4x128xi32, #tpu.memory_space<vmem>> -> memref<1x128xi32, #tpu.memory_space<vmem>>
        %dma_wait3A_495 = tpu.memref_squeeze %dma_wait3A_494 : memref<1x128xi32, #tpu.memory_space<vmem>> -> memref<128xi32, #tpu.memory_space<vmem>>
        %dma_wait3A_496 = tpu.memref_slice %arg3[%mul3A_83] : memref<163840xi32, #tpu.memory_space<hbm>> -> memref<128xi32, #tpu.memory_space<hbm>>
        %dma_wait3A_497 = arith.constant 0 : i32
        %dma_wait3A_498 = tpu.memref_slice %arg7[%run_scoped3A_84, %dma_wait3A_497] : memref<4x128xi32, #tpu.memory_space<vmem>> -> memref<1x128xi32, #tpu.memory_space<vmem>>
        %dma_wait3A_499 = tpu.memref_squeeze %dma_wait3A_498 : memref<1x128xi32, #tpu.memory_space<vmem>> -> memref<128xi32, #tpu.memory_space<vmem>>
        %dma_wait3A_500 = tpu.memref_slice %arg3[%mul3A_83] : memref<163840xi32, #tpu.memory_space<hbm>> -> memref<128xi32, #tpu.memory_space<hbm>>
        tpu.wait_dma2 semaphore(%run_scoped3A_484 : memref<!tpu.dma_semaphore, #tpu.memory_space<semaphore_mem>>) src(%dma_wait3A_500 : memref<128xi32, #tpu.memory_space<hbm>>) dst(%dma_wait3A_499 : memref<128xi32, #tpu.memory_space<vmem>>)
        tpu.yield
      }) : () -> ()
      %run_scoped3A_85 = arith.constant 2 : i32
      "tpu.region"() ({
        %run_scoped3A_484 = tpu.sem_alloc : memref<!tpu.dma_semaphore, #tpu.memory_space<semaphore_mem>>
        %dma_start3A_485 = arith.constant 0 : i32
        %dma_start3A_486 = tpu.memref_slice %arg8[%run_scoped3A_85, %dma_start3A_485] : memref<4x128xi32, #tpu.memory_space<vmem>> -> memref<1x128xi32, #tpu.memory_space<vmem>>
        %dma_start3A_487 = tpu.memref_squeeze %dma_start3A_486 : memref<1x128xi32, #tpu.memory_space<vmem>> -> memref<128xi32, #tpu.memory_space<vmem>>
        %dma_start3A_488 = tpu.memref_slice %arg4[%mul3A_83] : memref<163840xi32, #tpu.memory_space<hbm>> -> memref<128xi32, #tpu.memory_space<hbm>>
        %dma_start3A_489 = arith.constant 0 : i32
        %dma_start3A_490 = tpu.memref_slice %arg8[%run_scoped3A_85, %dma_start3A_489] : memref<4x128xi32, #tpu.memory_space<vmem>> -> memref<1x128xi32, #tpu.memory_space<vmem>>
        %dma_start3A_491 = tpu.memref_squeeze %dma_start3A_490 : memref<1x128xi32, #tpu.memory_space<vmem>> -> memref<128xi32, #tpu.memory_space<vmem>>
        %dma_start3A_492 = tpu.memref_slice %arg4[%mul3A_83] : memref<163840xi32, #tpu.memory_space<hbm>> -> memref<128xi32, #tpu.memory_space<hbm>>
        tpu.enqueue_dma source(%dma_start3A_492 : memref<128xi32, #tpu.memory_space<hbm>>) target(%dma_start3A_491 : memref<128xi32, #tpu.memory_space<vmem>>) target_semaphore(%run_scoped3A_484 : memref<!tpu.dma_semaphore, #tpu.memory_space<semaphore_mem>>)
        %dma_wait3A_493 = arith.constant 0 : i32
        %dma_wait3A_494 = tpu.memref_slice %arg8[%run_scoped3A_85, %dma_wait3A_493] : memref<4x128xi32, #tpu.memory_space<vmem>> -> memref<1x128xi32, #tpu.memory_space<vmem>>
        %dma_wait3A_495 = tpu.memref_squeeze %dma_wait3A_494 : memref<1x128xi32, #tpu.memory_space<vmem>> -> memref<128xi32, #tpu.memory_space<vmem>>
        %dma_wait3A_496 = tpu.memref_slice %arg4[%mul3A_83] : memref<163840xi32, #tpu.memory_space<hbm>> -> memref<128xi32, #tpu.memory_space<hbm>>
        %dma_wait3A_497 = arith.constant 0 : i32
        %dma_wait3A_498 = tpu.memref_slice %arg8[%run_scoped3A_85, %dma_wait3A_497] : memref<4x128xi32, #tpu.memory_space<vmem>> -> memref<1x128xi32, #tpu.memory_space<vmem>>
        %dma_wait3A_499 = tpu.memref_squeeze %dma_wait3A_498 : memref<1x128xi32, #tpu.memory_space<vmem>> -> memref<128xi32, #tpu.memory_space<vmem>>
        %dma_wait3A_500 = tpu.memref_slice %arg4[%mul3A_83] : memref<163840xi32, #tpu.memory_space<hbm>> -> memref<128xi32, #tpu.memory_space<hbm>>
        tpu.wait_dma2 semaphore(%run_scoped3A_484 : memref<!tpu.dma_semaphore, #tpu.memory_space<semaphore_mem>>) src(%dma_wait3A_500 : memref<128xi32, #tpu.memory_space<hbm>>) dst(%dma_wait3A_499 : memref<128xi32, #tpu.memory_space<vmem>>)
        tpu.yield
      }) : () -> ()
      %dma_start3A_86 = arith.constant 2 : i32
      %dma_start3A_87 = arith.constant 2 : i32
      %dma_start3A_88 = arith.constant 0 : i32
      %dma_start3A_89 = arith.constant 0 : i32
      %dma_start3A_90 = tpu.memref_slice %arg9[%dma_start3A_87, %dma_start3A_88, %dma_start3A_89] : memref<4x128x128xbf16, #tpu.memory_space<vmem>> -> memref<1x128x128xbf16, #tpu.memory_space<vmem>>
      %dma_start3A_91 = tpu.memref_squeeze %dma_start3A_90 : memref<1x128x128xbf16, #tpu.memory_space<vmem>> -> memref<128x128xbf16, #tpu.memory_space<vmem>>
      %dma_start3A_92 = arith.constant 0 : i32
      %dma_start3A_93 = tpu.memref_slice %arg7[%dma_start3A_86, %dma_start3A_92] : memref<4x128xi32, #tpu.memory_space<vmem>> -> memref<1x128xi32, #tpu.memory_space<vmem>>
      %dma_start3A_94 = tpu.memref_squeeze %dma_start3A_93 : memref<1x128xi32, #tpu.memory_space<vmem>> -> memref<128xi32, #tpu.memory_space<vmem>>
      %dma_start3A_95 = arith.constant 0 : i32
      %dma_start3A_96 = arith.constant 0 : i32
      %dma_start3A_97 = tpu.memref_slice %arg2[%dma_start3A_95, %dma_start3A_96] : memref<10000x128xbf16, #tpu.memory_space<hbm>> -> memref<10000x128xbf16, #tpu.memory_space<hbm>>
      tpu.enqueue_indirect_dma source(%dma_start3A_97 : memref<10000x128xbf16, #tpu.memory_space<hbm>>) target(%dma_start3A_91 : memref<128x128xbf16, #tpu.memory_space<vmem>>) offsets(%dma_start3A_94 : memref<128xi32, #tpu.memory_space<vmem>>) semaphore(%arg11 : memref<!tpu.dma_semaphore, #tpu.memory_space<semaphore_mem>>)
      %dma_start3A_98 = arith.constant 2 : i32
      %dma_start3A_99 = arith.constant 2 : i32
      %dma_start3A_100 = arith.constant 0 : i32
      %dma_start3A_101 = arith.constant 0 : i32
      %dma_start3A_102 = tpu.memref_slice %arg10[%dma_start3A_99, %dma_start3A_100, %dma_start3A_101] : memref<4x128x128xbf16, #tpu.memory_space<vmem>> -> memref<1x128x128xbf16, #tpu.memory_space<vmem>>
      %dma_start3A_103 = tpu.memref_squeeze %dma_start3A_102 : memref<1x128x128xbf16, #tpu.memory_space<vmem>> -> memref<128x128xbf16, #tpu.memory_space<vmem>>
      %dma_start3A_104 = arith.constant 0 : i32
      %dma_start3A_105 = tpu.memref_slice %arg8[%dma_start3A_98, %dma_start3A_104] : memref<4x128xi32, #tpu.memory_space<vmem>> -> memref<1x128xi32, #tpu.memory_space<vmem>>
      %dma_start3A_106 = tpu.memref_squeeze %dma_start3A_105 : memref<1x128xi32, #tpu.memory_space<vmem>> -> memref<128xi32, #tpu.memory_space<vmem>>
      %dma_start3A_107 = arith.constant 0 : i32
      %dma_start3A_108 = arith.constant 0 : i32
      %dma_start3A_109 = tpu.memref_slice %arg2[%dma_start3A_107, %dma_start3A_108] : memref<10000x128xbf16, #tpu.memory_space<hbm>> -> memref<10000x128xbf16, #tpu.memory_space<hbm>>
      tpu.enqueue_indirect_dma source(%dma_start3A_109 : memref<10000x128xbf16, #tpu.memory_space<hbm>>) target(%dma_start3A_103 : memref<128x128xbf16, #tpu.memory_space<vmem>>) offsets(%dma_start3A_106 : memref<128xi32, #tpu.memory_space<vmem>>) semaphore(%arg11 : memref<!tpu.dma_semaphore, #tpu.memory_space<semaphore_mem>>)
      %mul3A_110 = arith.constant 4 : i32
      %mul3A_111 = arith.muli %scan3A_6, %mul3A_110 : i32
      %add3A_112 = arith.constant 3 : i32
      %add3A_113 = arith.addi %mul3A_111, %add3A_112 : i32
      %mul3A_114 = arith.constant 32 : i32
      %mul3A_115 = arith.muli %add3A_113, %mul3A_114 : i32
      %add3A_116 = arith.addi %mul3A_115, %add3A : i32
      %mul3A_117 = arith.constant 128 : i32
      %mul3A_118 = arith.muli %add3A_116, %mul3A_117 : i32
      %run_scoped3A_119 = arith.constant 3 : i32
      "tpu.region"() ({
        %run_scoped3A_484 = tpu.sem_alloc : memref<!tpu.dma_semaphore, #tpu.memory_space<semaphore_mem>>
        %dma_start3A_485 = arith.constant 0 : i32
        %dma_start3A_486 = tpu.memref_slice %arg7[%run_scoped3A_119, %dma_start3A_485] : memref<4x128xi32, #tpu.memory_space<vmem>> -> memref<1x128xi32, #tpu.memory_space<vmem>>
        %dma_start3A_487 = tpu.memref_squeeze %dma_start3A_486 : memref<1x128xi32, #tpu.memory_space<vmem>> -> memref<128xi32, #tpu.memory_space<vmem>>
        %dma_start3A_488 = tpu.memref_slice %arg3[%mul3A_118] : memref<163840xi32, #tpu.memory_space<hbm>> -> memref<128xi32, #tpu.memory_space<hbm>>
        %dma_start3A_489 = arith.constant 0 : i32
        %dma_start3A_490 = tpu.memref_slice %arg7[%run_scoped3A_119, %dma_start3A_489] : memref<4x128xi32, #tpu.memory_space<vmem>> -> memref<1x128xi32, #tpu.memory_space<vmem>>
        %dma_start3A_491 = tpu.memref_squeeze %dma_start3A_490 : memref<1x128xi32, #tpu.memory_space<vmem>> -> memref<128xi32, #tpu.memory_space<vmem>>
        %dma_start3A_492 = tpu.memref_slice %arg3[%mul3A_118] : memref<163840xi32, #tpu.memory_space<hbm>> -> memref<128xi32, #tpu.memory_space<hbm>>
        tpu.enqueue_dma source(%dma_start3A_492 : memref<128xi32, #tpu.memory_space<hbm>>) target(%dma_start3A_491 : memref<128xi32, #tpu.memory_space<vmem>>) target_semaphore(%run_scoped3A_484 : memref<!tpu.dma_semaphore, #tpu.memory_space<semaphore_mem>>)
        %dma_wait3A_493 = arith.constant 0 : i32
        %dma_wait3A_494 = tpu.memref_slice %arg7[%run_scoped3A_119, %dma_wait3A_493] : memref<4x128xi32, #tpu.memory_space<vmem>> -> memref<1x128xi32, #tpu.memory_space<vmem>>
        %dma_wait3A_495 = tpu.memref_squeeze %dma_wait3A_494 : memref<1x128xi32, #tpu.memory_space<vmem>> -> memref<128xi32, #tpu.memory_space<vmem>>
        %dma_wait3A_496 = tpu.memref_slice %arg3[%mul3A_118] : memref<163840xi32, #tpu.memory_space<hbm>> -> memref<128xi32, #tpu.memory_space<hbm>>
        %dma_wait3A_497 = arith.constant 0 : i32
        %dma_wait3A_498 = tpu.memref_slice %arg7[%run_scoped3A_119, %dma_wait3A_497] : memref<4x128xi32, #tpu.memory_space<vmem>> -> memref<1x128xi32, #tpu.memory_space<vmem>>
        %dma_wait3A_499 = tpu.memref_squeeze %dma_wait3A_498 : memref<1x128xi32, #tpu.memory_space<vmem>> -> memref<128xi32, #tpu.memory_space<vmem>>
        %dma_wait3A_500 = tpu.memref_slice %arg3[%mul3A_118] : memref<163840xi32, #tpu.memory_space<hbm>> -> memref<128xi32, #tpu.memory_space<hbm>>
        tpu.wait_dma2 semaphore(%run_scoped3A_484 : memref<!tpu.dma_semaphore, #tpu.memory_space<semaphore_mem>>) src(%dma_wait3A_500 : memref<128xi32, #tpu.memory_space<hbm>>) dst(%dma_wait3A_499 : memref<128xi32, #tpu.memory_space<vmem>>)
        tpu.yield
      }) : () -> ()
      %run_scoped3A_120 = arith.constant 3 : i32
      "tpu.region"() ({
        %run_scoped3A_484 = tpu.sem_alloc : memref<!tpu.dma_semaphore, #tpu.memory_space<semaphore_mem>>
        %dma_start3A_485 = arith.constant 0 : i32
        %dma_start3A_486 = tpu.memref_slice %arg8[%run_scoped3A_120, %dma_start3A_485] : memref<4x128xi32, #tpu.memory_space<vmem>> -> memref<1x128xi32, #tpu.memory_space<vmem>>
        %dma_start3A_487 = tpu.memref_squeeze %dma_start3A_486 : memref<1x128xi32, #tpu.memory_space<vmem>> -> memref<128xi32, #tpu.memory_space<vmem>>
        %dma_start3A_488 = tpu.memref_slice %arg4[%mul3A_118] : memref<163840xi32, #tpu.memory_space<hbm>> -> memref<128xi32, #tpu.memory_space<hbm>>
        %dma_start3A_489 = arith.constant 0 : i32
        %dma_start3A_490 = tpu.memref_slice %arg8[%run_scoped3A_120, %dma_start3A_489] : memref<4x128xi32, #tpu.memory_space<vmem>> -> memref<1x128xi32, #tpu.memory_space<vmem>>
        %dma_start3A_491 = tpu.memref_squeeze %dma_start3A_490 : memref<1x128xi32, #tpu.memory_space<vmem>> -> memref<128xi32, #tpu.memory_space<vmem>>
        %dma_start3A_492 = tpu.memref_slice %arg4[%mul3A_118] : memref<163840xi32, #tpu.memory_space<hbm>> -> memref<128xi32, #tpu.memory_space<hbm>>
        tpu.enqueue_dma source(%dma_start3A_492 : memref<128xi32, #tpu.memory_space<hbm>>) target(%dma_start3A_491 : memref<128xi32, #tpu.memory_space<vmem>>) target_semaphore(%run_scoped3A_484 : memref<!tpu.dma_semaphore, #tpu.memory_space<semaphore_mem>>)
        %dma_wait3A_493 = arith.constant 0 : i32
        %dma_wait3A_494 = tpu.memref_slice %arg8[%run_scoped3A_120, %dma_wait3A_493] : memref<4x128xi32, #tpu.memory_space<vmem>> -> memref<1x128xi32, #tpu.memory_space<vmem>>
        %dma_wait3A_495 = tpu.memref_squeeze %dma_wait3A_494 : memref<1x128xi32, #tpu.memory_space<vmem>> -> memref<128xi32, #tpu.memory_space<vmem>>
        %dma_wait3A_496 = tpu.memref_slice %arg4[%mul3A_118] : memref<163840xi32, #tpu.memory_space<hbm>> -> memref<128xi32, #tpu.memory_space<hbm>>
        %dma_wait3A_497 = arith.constant 0 : i32
        %dma_wait3A_498 = tpu.memref_slice %arg8[%run_scoped3A_120, %dma_wait3A_497] : memref<4x128xi32, #tpu.memory_space<vmem>> -> memref<1x128xi32, #tpu.memory_space<vmem>>
        %dma_wait3A_499 = tpu.memref_squeeze %dma_wait3A_498 : memref<1x128xi32, #tpu.memory_space<vmem>> -> memref<128xi32, #tpu.memory_space<vmem>>
        %dma_wait3A_500 = tpu.memref_slice %arg4[%mul3A_118] : memref<163840xi32, #tpu.memory_space<hbm>> -> memref<128xi32, #tpu.memory_space<hbm>>
        tpu.wait_dma2 semaphore(%run_scoped3A_484 : memref<!tpu.dma_semaphore, #tpu.memory_space<semaphore_mem>>) src(%dma_wait3A_500 : memref<128xi32, #tpu.memory_space<hbm>>) dst(%dma_wait3A_499 : memref<128xi32, #tpu.memory_space<vmem>>)
        tpu.yield
      }) : () -> ()
      %dma_start3A_121 = arith.constant 3 : i32
      %dma_start3A_122 = arith.constant 3 : i32
      %dma_start3A_123 = arith.constant 0 : i32
      %dma_start3A_124 = arith.constant 0 : i32
      %dma_start3A_125 = tpu.memref_slice %arg9[%dma_start3A_122, %dma_start3A_123, %dma_start3A_124] : memref<4x128x128xbf16, #tpu.memory_space<vmem>> -> memref<1x128x128xbf16, #tpu.memory_space<vmem>>
      %dma_start3A_126 = tpu.memref_squeeze %dma_start3A_125 : memref<1x128x128xbf16, #tpu.memory_space<vmem>> -> memref<128x128xbf16, #tpu.memory_space<vmem>>
      %dma_start3A_127 = arith.constant 0 : i32
      %dma_start3A_128 = tpu.memref_slice %arg7[%dma_start3A_121, %dma_start3A_127] : memref<4x128xi32, #tpu.memory_space<vmem>> -> memref<1x128xi32, #tpu.memory_space<vmem>>
      %dma_start3A_129 = tpu.memref_squeeze %dma_start3A_128 : memref<1x128xi32, #tpu.memory_space<vmem>> -> memref<128xi32, #tpu.memory_space<vmem>>
      %dma_start3A_130 = arith.constant 0 : i32
      %dma_start3A_131 = arith.constant 0 : i32
      %dma_start3A_132 = tpu.memref_slice %arg2[%dma_start3A_130, %dma_start3A_131] : memref<10000x128xbf16, #tpu.memory_space<hbm>> -> memref<10000x128xbf16, #tpu.memory_space<hbm>>
      tpu.enqueue_indirect_dma source(%dma_start3A_132 : memref<10000x128xbf16, #tpu.memory_space<hbm>>) target(%dma_start3A_126 : memref<128x128xbf16, #tpu.memory_space<vmem>>) offsets(%dma_start3A_129 : memref<128xi32, #tpu.memory_space<vmem>>) semaphore(%arg11 : memref<!tpu.dma_semaphore, #tpu.memory_space<semaphore_mem>>)
      %dma_start3A_133 = arith.constant 3 : i32
      %dma_start3A_134 = arith.constant 3 : i32
      %dma_start3A_135 = arith.constant 0 : i32
      %dma_start3A_136 = arith.constant 0 : i32
      %dma_start3A_137 = tpu.memref_slice %arg10[%dma_start3A_134, %dma_start3A_135, %dma_start3A_136] : memref<4x128x128xbf16, #tpu.memory_space<vmem>> -> memref<1x128x128xbf16, #tpu.memory_space<vmem>>
      %dma_start3A_138 = tpu.memref_squeeze %dma_start3A_137 : memref<1x128x128xbf16, #tpu.memory_space<vmem>> -> memref<128x128xbf16, #tpu.memory_space<vmem>>
      %dma_start3A_139 = arith.constant 0 : i32
      %dma_start3A_140 = tpu.memref_slice %arg8[%dma_start3A_133, %dma_start3A_139] : memref<4x128xi32, #tpu.memory_space<vmem>> -> memref<1x128xi32, #tpu.memory_space<vmem>>
      %dma_start3A_141 = tpu.memref_squeeze %dma_start3A_140 : memref<1x128xi32, #tpu.memory_space<vmem>> -> memref<128xi32, #tpu.memory_space<vmem>>
      %dma_start3A_142 = arith.constant 0 : i32
      %dma_start3A_143 = arith.constant 0 : i32
      %dma_start3A_144 = tpu.memref_slice %arg2[%dma_start3A_142, %dma_start3A_143] : memref<10000x128xbf16, #tpu.memory_space<hbm>> -> memref<10000x128xbf16, #tpu.memory_space<hbm>>
      tpu.enqueue_indirect_dma source(%dma_start3A_144 : memref<10000x128xbf16, #tpu.memory_space<hbm>>) target(%dma_start3A_138 : memref<128x128xbf16, #tpu.memory_space<vmem>>) offsets(%dma_start3A_141 : memref<128xi32, #tpu.memory_space<vmem>>) semaphore(%arg11 : memref<!tpu.dma_semaphore, #tpu.memory_space<semaphore_mem>>)
      %dma_wait3A = arith.constant 0 : i32
      %dma_wait3A_145 = arith.constant 0 : i32
      %dma_wait3A_146 = arith.constant 0 : i32
      %dma_wait3A_147 = arith.constant 0 : i32
      %dma_wait3A_148 = tpu.memref_slice %arg9[%dma_wait3A_145, %dma_wait3A_146, %dma_wait3A_147] : memref<4x128x128xbf16, #tpu.memory_space<vmem>> -> memref<1x128x128xbf16, #tpu.memory_space<vmem>>
      %dma_wait3A_149 = tpu.memref_squeeze %dma_wait3A_148 : memref<1x128x128xbf16, #tpu.memory_space<vmem>> -> memref<128x128xbf16, #tpu.memory_space<vmem>>
      %dma_wait3A_150 = arith.constant 0 : i32
      %dma_wait3A_151 = tpu.memref_slice %arg7[%dma_wait3A, %dma_wait3A_150] : memref<4x128xi32, #tpu.memory_space<vmem>> -> memref<1x128xi32, #tpu.memory_space<vmem>>
      %dma_wait3A_152 = tpu.memref_squeeze %dma_wait3A_151 : memref<1x128xi32, #tpu.memory_space<vmem>> -> memref<128xi32, #tpu.memory_space<vmem>>
      %dma_wait3A_153 = arith.constant 0 : i32
      %dma_wait3A_154 = arith.constant 0 : i32
      %dma_wait3A_155 = tpu.memref_slice %arg2[%dma_wait3A_153, %dma_wait3A_154] : memref<10000x128xbf16, #tpu.memory_space<hbm>> -> memref<10000x128xbf16, #tpu.memory_space<hbm>>
      tpu.wait_indirect_dma semaphore(%arg11 : memref<!tpu.dma_semaphore, #tpu.memory_space<semaphore_mem>>) src(%dma_wait3A_155 : memref<10000x128xbf16, #tpu.memory_space<hbm>>) dst(%dma_wait3A_149 : memref<128x128xbf16, #tpu.memory_space<vmem>>)
      %dma_wait3A_156 = arith.constant 0 : i32
      %dma_wait3A_157 = arith.constant 0 : i32
      %dma_wait3A_158 = arith.constant 0 : i32
      %dma_wait3A_159 = arith.constant 0 : i32
      %dma_wait3A_160 = tpu.memref_slice %arg10[%dma_wait3A_157, %dma_wait3A_158, %dma_wait3A_159] : memref<4x128x128xbf16, #tpu.memory_space<vmem>> -> memref<1x128x128xbf16, #tpu.memory_space<vmem>>
      %dma_wait3A_161 = tpu.memref_squeeze %dma_wait3A_160 : memref<1x128x128xbf16, #tpu.memory_space<vmem>> -> memref<128x128xbf16, #tpu.memory_space<vmem>>
      %dma_wait3A_162 = arith.constant 0 : i32
      %dma_wait3A_163 = tpu.memref_slice %arg8[%dma_wait3A_156, %dma_wait3A_162] : memref<4x128xi32, #tpu.memory_space<vmem>> -> memref<1x128xi32, #tpu.memory_space<vmem>>
      %dma_wait3A_164 = tpu.memref_squeeze %dma_wait3A_163 : memref<1x128xi32, #tpu.memory_space<vmem>> -> memref<128xi32, #tpu.memory_space<vmem>>
      %dma_wait3A_165 = arith.constant 0 : i32
      %dma_wait3A_166 = arith.constant 0 : i32
      %dma_wait3A_167 = tpu.memref_slice %arg2[%dma_wait3A_165, %dma_wait3A_166] : memref<10000x128xbf16, #tpu.memory_space<hbm>> -> memref<10000x128xbf16, #tpu.memory_space<hbm>>
      tpu.wait_indirect_dma semaphore(%arg11 : memref<!tpu.dma_semaphore, #tpu.memory_space<semaphore_mem>>) src(%dma_wait3A_167 : memref<10000x128xbf16, #tpu.memory_space<hbm>>) dst(%dma_wait3A_161 : memref<128x128xbf16, #tpu.memory_space<vmem>>)
      %dma_wait3A_168 = arith.constant 1 : i32
      %dma_wait3A_169 = arith.constant 1 : i32
      %dma_wait3A_170 = arith.constant 0 : i32
      %dma_wait3A_171 = arith.constant 0 : i32
      %dma_wait3A_172 = tpu.memref_slice %arg9[%dma_wait3A_169, %dma_wait3A_170, %dma_wait3A_171] : memref<4x128x128xbf16, #tpu.memory_space<vmem>> -> memref<1x128x128xbf16, #tpu.memory_space<vmem>>
      %dma_wait3A_173 = tpu.memref_squeeze %dma_wait3A_172 : memref<1x128x128xbf16, #tpu.memory_space<vmem>> -> memref<128x128xbf16, #tpu.memory_space<vmem>>
      %dma_wait3A_174 = arith.constant 0 : i32
      %dma_wait3A_175 = tpu.memref_slice %arg7[%dma_wait3A_168, %dma_wait3A_174] : memref<4x128xi32, #tpu.memory_space<vmem>> -> memref<1x128xi32, #tpu.memory_space<vmem>>
      %dma_wait3A_176 = tpu.memref_squeeze %dma_wait3A_175 : memref<1x128xi32, #tpu.memory_space<vmem>> -> memref<128xi32, #tpu.memory_space<vmem>>
      %dma_wait3A_177 = arith.constant 0 : i32
      %dma_wait3A_178 = arith.constant 0 : i32
      %dma_wait3A_179 = tpu.memref_slice %arg2[%dma_wait3A_177, %dma_wait3A_178] : memref<10000x128xbf16, #tpu.memory_space<hbm>> -> memref<10000x128xbf16, #tpu.memory_space<hbm>>
      tpu.wait_indirect_dma semaphore(%arg11 : memref<!tpu.dma_semaphore, #tpu.memory_space<semaphore_mem>>) src(%dma_wait3A_179 : memref<10000x128xbf16, #tpu.memory_space<hbm>>) dst(%dma_wait3A_173 : memref<128x128xbf16, #tpu.memory_space<vmem>>)
      %dma_wait3A_180 = arith.constant 1 : i32
      %dma_wait3A_181 = arith.constant 1 : i32
      %dma_wait3A_182 = arith.constant 0 : i32
      %dma_wait3A_183 = arith.constant 0 : i32
      %dma_wait3A_184 = tpu.memref_slice %arg10[%dma_wait3A_181, %dma_wait3A_182, %dma_wait3A_183] : memref<4x128x128xbf16, #tpu.memory_space<vmem>> -> memref<1x128x128xbf16, #tpu.memory_space<vmem>>
      %dma_wait3A_185 = tpu.memref_squeeze %dma_wait3A_184 : memref<1x128x128xbf16, #tpu.memory_space<vmem>> -> memref<128x128xbf16, #tpu.memory_space<vmem>>
      %dma_wait3A_186 = arith.constant 0 : i32
      %dma_wait3A_187 = tpu.memref_slice %arg8[%dma_wait3A_180, %dma_wait3A_186] : memref<4x128xi32, #tpu.memory_space<vmem>> -> memref<1x128xi32, #tpu.memory_space<vmem>>
      %dma_wait3A_188 = tpu.memref_squeeze %dma_wait3A_187 : memref<1x128xi32, #tpu.memory_space<vmem>> -> memref<128xi32, #tpu.memory_space<vmem>>
      %dma_wait3A_189 = arith.constant 0 : i32
      %dma_wait3A_190 = arith.constant 0 : i32
      %dma_wait3A_191 = tpu.memref_slice %arg2[%dma_wait3A_189, %dma_wait3A_190] : memref<10000x128xbf16, #tpu.memory_space<hbm>> -> memref<10000x128xbf16, #tpu.memory_space<hbm>>
      tpu.wait_indirect_dma semaphore(%arg11 : memref<!tpu.dma_semaphore, #tpu.memory_space<semaphore_mem>>) src(%dma_wait3A_191 : memref<10000x128xbf16, #tpu.memory_space<hbm>>) dst(%dma_wait3A_185 : memref<128x128xbf16, #tpu.memory_space<vmem>>)
      %dma_wait3A_192 = arith.constant 2 : i32
      %dma_wait3A_193 = arith.constant 2 : i32
      %dma_wait3A_194 = arith.constant 0 : i32
      %dma_wait3A_195 = arith.constant 0 : i32
      %dma_wait3A_196 = tpu.memref_slice %arg9[%dma_wait3A_193, %dma_wait3A_194, %dma_wait3A_195] : memref<4x128x128xbf16, #tpu.memory_space<vmem>> -> memref<1x128x128xbf16, #tpu.memory_space<vmem>>
      %dma_wait3A_197 = tpu.memref_squeeze %dma_wait3A_196 : memref<1x128x128xbf16, #tpu.memory_space<vmem>> -> memref<128x128xbf16, #tpu.memory_space<vmem>>
      %dma_wait3A_198 = arith.constant 0 : i32
      %dma_wait3A_199 = tpu.memref_slice %arg7[%dma_wait3A_192, %dma_wait3A_198] : memref<4x128xi32, #tpu.memory_space<vmem>> -> memref<1x128xi32, #tpu.memory_space<vmem>>
      %dma_wait3A_200 = tpu.memref_squeeze %dma_wait3A_199 : memref<1x128xi32, #tpu.memory_space<vmem>> -> memref<128xi32, #tpu.memory_space<vmem>>
      %dma_wait3A_201 = arith.constant 0 : i32
      %dma_wait3A_202 = arith.constant 0 : i32
      %dma_wait3A_203 = tpu.memref_slice %arg2[%dma_wait3A_201, %dma_wait3A_202] : memref<10000x128xbf16, #tpu.memory_space<hbm>> -> memref<10000x128xbf16, #tpu.memory_space<hbm>>
      tpu.wait_indirect_dma semaphore(%arg11 : memref<!tpu.dma_semaphore, #tpu.memory_space<semaphore_mem>>) src(%dma_wait3A_203 : memref<10000x128xbf16, #tpu.memory_space<hbm>>) dst(%dma_wait3A_197 : memref<128x128xbf16, #tpu.memory_space<vmem>>)
      %dma_wait3A_204 = arith.constant 2 : i32
      %dma_wait3A_205 = arith.constant 2 : i32
      %dma_wait3A_206 = arith.constant 0 : i32
      %dma_wait3A_207 = arith.constant 0 : i32
      %dma_wait3A_208 = tpu.memref_slice %arg10[%dma_wait3A_205, %dma_wait3A_206, %dma_wait3A_207] : memref<4x128x128xbf16, #tpu.memory_space<vmem>> -> memref<1x128x128xbf16, #tpu.memory_space<vmem>>
      %dma_wait3A_209 = tpu.memref_squeeze %dma_wait3A_208 : memref<1x128x128xbf16, #tpu.memory_space<vmem>> -> memref<128x128xbf16, #tpu.memory_space<vmem>>
      %dma_wait3A_210 = arith.constant 0 : i32
      %dma_wait3A_211 = tpu.memref_slice %arg8[%dma_wait3A_204, %dma_wait3A_210] : memref<4x128xi32, #tpu.memory_space<vmem>> -> memref<1x128xi32, #tpu.memory_space<vmem>>
      %dma_wait3A_212 = tpu.memref_squeeze %dma_wait3A_211 : memref<1x128xi32, #tpu.memory_space<vmem>> -> memref<128xi32, #tpu.memory_space<vmem>>
      %dma_wait3A_213 = arith.constant 0 : i32
      %dma_wait3A_214 = arith.constant 0 : i32
      %dma_wait3A_215 = tpu.memref_slice %arg2[%dma_wait3A_213, %dma_wait3A_214] : memref<10000x128xbf16, #tpu.memory_space<hbm>> -> memref<10000x128xbf16, #tpu.memory_space<hbm>>
      tpu.wait_indirect_dma semaphore(%arg11 : memref<!tpu.dma_semaphore, #tpu.memory_space<semaphore_mem>>) src(%dma_wait3A_215 : memref<10000x128xbf16, #tpu.memory_space<hbm>>) dst(%dma_wait3A_209 : memref<128x128xbf16, #tpu.memory_space<vmem>>)
      %dma_wait3A_216 = arith.constant 3 : i32
      %dma_wait3A_217 = arith.constant 3 : i32
      %dma_wait3A_218 = arith.constant 0 : i32
      %dma_wait3A_219 = arith.constant 0 : i32
      %dma_wait3A_220 = tpu.memref_slice %arg9[%dma_wait3A_217, %dma_wait3A_218, %dma_wait3A_219] : memref<4x128x128xbf16, #tpu.memory_space<vmem>> -> memref<1x128x128xbf16, #tpu.memory_space<vmem>>
      %dma_wait3A_221 = tpu.memref_squeeze %dma_wait3A_220 : memref<1x128x128xbf16, #tpu.memory_space<vmem>> -> memref<128x128xbf16, #tpu.memory_space<vmem>>
      %dma_wait3A_222 = arith.constant 0 : i32
      %dma_wait3A_223 = tpu.memref_slice %arg7[%dma_wait3A_216, %dma_wait3A_222] : memref<4x128xi32, #tpu.memory_space<vmem>> -> memref<1x128xi32, #tpu.memory_space<vmem>>
      %dma_wait3A_224 = tpu.memref_squeeze %dma_wait3A_223 : memref<1x128xi32, #tpu.memory_space<vmem>> -> memref<128xi32, #tpu.memory_space<vmem>>
      %dma_wait3A_225 = arith.constant 0 : i32
      %dma_wait3A_226 = arith.constant 0 : i32
      %dma_wait3A_227 = tpu.memref_slice %arg2[%dma_wait3A_225, %dma_wait3A_226] : memref<10000x128xbf16, #tpu.memory_space<hbm>> -> memref<10000x128xbf16, #tpu.memory_space<hbm>>
      tpu.wait_indirect_dma semaphore(%arg11 : memref<!tpu.dma_semaphore, #tpu.memory_space<semaphore_mem>>) src(%dma_wait3A_227 : memref<10000x128xbf16, #tpu.memory_space<hbm>>) dst(%dma_wait3A_221 : memref<128x128xbf16, #tpu.memory_space<vmem>>)
      %dma_wait3A_228 = arith.constant 3 : i32
      %dma_wait3A_229 = arith.constant 3 : i32
      %dma_wait3A_230 = arith.constant 0 : i32
      %dma_wait3A_231 = arith.constant 0 : i32
      %dma_wait3A_232 = tpu.memref_slice %arg10[%dma_wait3A_229, %dma_wait3A_230, %dma_wait3A_231] : memref<4x128x128xbf16, #tpu.memory_space<vmem>> -> memref<1x128x128xbf16, #tpu.memory_space<vmem>>
      %dma_wait3A_233 = tpu.memref_squeeze %dma_wait3A_232 : memref<1x128x128xbf16, #tpu.memory_space<vmem>> -> memref<128x128xbf16, #tpu.memory_space<vmem>>
      %dma_wait3A_234 = arith.constant 0 : i32
      %dma_wait3A_235 = tpu.memref_slice %arg8[%dma_wait3A_228, %dma_wait3A_234] : memref<4x128xi32, #tpu.memory_space<vmem>> -> memref<1x128xi32, #tpu.memory_space<vmem>>
      %dma_wait3A_236 = tpu.memref_squeeze %dma_wait3A_235 : memref<1x128xi32, #tpu.memory_space<vmem>> -> memref<128xi32, #tpu.memory_space<vmem>>
      %dma_wait3A_237 = arith.constant 0 : i32
      %dma_wait3A_238 = arith.constant 0 : i32
      %dma_wait3A_239 = tpu.memref_slice %arg2[%dma_wait3A_237, %dma_wait3A_238] : memref<10000x128xbf16, #tpu.memory_space<hbm>> -> memref<10000x128xbf16, #tpu.memory_space<hbm>>
      tpu.wait_indirect_dma semaphore(%arg11 : memref<!tpu.dma_semaphore, #tpu.memory_space<semaphore_mem>>) src(%dma_wait3A_239 : memref<10000x128xbf16, #tpu.memory_space<hbm>>) dst(%dma_wait3A_233 : memref<128x128xbf16, #tpu.memory_space<vmem>>)
      %mul3A_240 = arith.constant 4 : i32
      %mul3A_241 = arith.muli %scan3A_6, %mul3A_240 : i32
      %add3A_242 = arith.constant 0 : i32
      %add3A_243 = arith.addi %mul3A_241, %add3A_242 : i32
      %mul3A_244 = arith.constant 32 : i32
      %mul3A_245 = arith.muli %add3A_243, %mul3A_244 : i32
      %add3A_246 = arith.addi %mul3A_245, %add3A : i32
      %mul3A_247 = arith.constant 128 : i32
      %mul3A_248 = arith.muli %add3A_246, %mul3A_247 : i32
      %dma_start3A_249 = arith.constant 0 : i32
      %dma_start3A_250 = arith.constant 0 : i32
      %dma_start3A_251 = arith.constant 0 : i32
      %dma_start3A_252 = tpu.memref_slice %arg9[%dma_start3A_249, %dma_start3A_250, %dma_start3A_251] : memref<4x128x128xbf16, #tpu.memory_space<vmem>> -> memref<1x128x128xbf16, #tpu.memory_space<vmem>>
      %dma_start3A_253 = tpu.memref_squeeze %dma_start3A_252 : memref<1x128x128xbf16, #tpu.memory_space<vmem>> -> memref<128x128xbf16, #tpu.memory_space<vmem>>
      %dma_start3A_254 = arith.constant 0 : i32
      %dma_start3A_255 = tpu.memref_slice %arg5[%mul3A_248, %dma_start3A_254] : memref<163840x128xbf16, #tpu.memory_space<hbm>> -> memref<128x128xbf16, #tpu.memory_space<hbm>>
      %dma_start3A_256 = arith.constant 0 : i32
      %dma_start3A_257 = tpu.memref_slice %arg5[%mul3A_248, %dma_start3A_256] : memref<163840x128xbf16, #tpu.memory_space<hbm>> -> memref<128x128xbf16, #tpu.memory_space<hbm>>
      %dma_start3A_258 = arith.constant 0 : i32
      %dma_start3A_259 = arith.constant 0 : i32
      %dma_start3A_260 = tpu.memref_slice %arg9[%dma_start3A_249, %dma_start3A_258, %dma_start3A_259] : memref<4x128x128xbf16, #tpu.memory_space<vmem>> -> memref<1x128x128xbf16, #tpu.memory_space<vmem>>
      %dma_start3A_261 = tpu.memref_squeeze %dma_start3A_260 : memref<1x128x128xbf16, #tpu.memory_space<vmem>> -> memref<128x128xbf16, #tpu.memory_space<vmem>>
      tpu.enqueue_dma source(%dma_start3A_261 : memref<128x128xbf16, #tpu.memory_space<vmem>>) target(%dma_start3A_257 : memref<128x128xbf16, #tpu.memory_space<hbm>>) target_semaphore(%arg12 : memref<!tpu.dma_semaphore, #tpu.memory_space<semaphore_mem>>)
      %dma_start3A_262 = arith.constant 0 : i32
      %dma_start3A_263 = arith.constant 0 : i32
      %dma_start3A_264 = arith.constant 0 : i32
      %dma_start3A_265 = tpu.memref_slice %arg10[%dma_start3A_262, %dma_start3A_263, %dma_start3A_264] : memref<4x128x128xbf16, #tpu.memory_space<vmem>> -> memref<1x128x128xbf16, #tpu.memory_space<vmem>>
      %dma_start3A_266 = tpu.memref_squeeze %dma_start3A_265 : memref<1x128x128xbf16, #tpu.memory_space<vmem>> -> memref<128x128xbf16, #tpu.memory_space<vmem>>
      %dma_start3A_267 = arith.constant 0 : i32
      %dma_start3A_268 = tpu.memref_slice %arg6[%mul3A_248, %dma_start3A_267] : memref<163840x128xbf16, #tpu.memory_space<hbm>> -> memref<128x128xbf16, #tpu.memory_space<hbm>>
      %dma_start3A_269 = arith.constant 0 : i32
      %dma_start3A_270 = tpu.memref_slice %arg6[%mul3A_248, %dma_start3A_269] : memref<163840x128xbf16, #tpu.memory_space<hbm>> -> memref<128x128xbf16, #tpu.memory_space<hbm>>
      %dma_start3A_271 = arith.constant 0 : i32
      %dma_start3A_272 = arith.constant 0 : i32
      %dma_start3A_273 = tpu.memref_slice %arg10[%dma_start3A_262, %dma_start3A_271, %dma_start3A_272] : memref<4x128x128xbf16, #tpu.memory_space<vmem>> -> memref<1x128x128xbf16, #tpu.memory_space<vmem>>
      %dma_start3A_274 = tpu.memref_squeeze %dma_start3A_273 : memref<1x128x128xbf16, #tpu.memory_space<vmem>> -> memref<128x128xbf16, #tpu.memory_space<vmem>>
      tpu.enqueue_dma source(%dma_start3A_274 : memref<128x128xbf16, #tpu.memory_space<vmem>>) target(%dma_start3A_270 : memref<128x128xbf16, #tpu.memory_space<hbm>>) target_semaphore(%arg12 : memref<!tpu.dma_semaphore, #tpu.memory_space<semaphore_mem>>)
      %mul3A_275 = arith.constant 4 : i32
      %mul3A_276 = arith.muli %scan3A_6, %mul3A_275 : i32
      %add3A_277 = arith.constant 1 : i32
      %add3A_278 = arith.addi %mul3A_276, %add3A_277 : i32
      %mul3A_279 = arith.constant 32 : i32
      %mul3A_280 = arith.muli %add3A_278, %mul3A_279 : i32
      %add3A_281 = arith.addi %mul3A_280, %add3A : i32
      %mul3A_282 = arith.constant 128 : i32
      %mul3A_283 = arith.muli %add3A_281, %mul3A_282 : i32
      %dma_start3A_284 = arith.constant 1 : i32
      %dma_start3A_285 = arith.constant 0 : i32
      %dma_start3A_286 = arith.constant 0 : i32
      %dma_start3A_287 = tpu.memref_slice %arg9[%dma_start3A_284, %dma_start3A_285, %dma_start3A_286] : memref<4x128x128xbf16, #tpu.memory_space<vmem>> -> memref<1x128x128xbf16, #tpu.memory_space<vmem>>
      %dma_start3A_288 = tpu.memref_squeeze %dma_start3A_287 : memref<1x128x128xbf16, #tpu.memory_space<vmem>> -> memref<128x128xbf16, #tpu.memory_space<vmem>>
      %dma_start3A_289 = arith.constant 0 : i32
      %dma_start3A_290 = tpu.memref_slice %arg5[%mul3A_283, %dma_start3A_289] : memref<163840x128xbf16, #tpu.memory_space<hbm>> -> memref<128x128xbf16, #tpu.memory_space<hbm>>
      %dma_start3A_291 = arith.constant 0 : i32
      %dma_start3A_292 = tpu.memref_slice %arg5[%mul3A_283, %dma_start3A_291] : memref<163840x128xbf16, #tpu.memory_space<hbm>> -> memref<128x128xbf16, #tpu.memory_space<hbm>>
      %dma_start3A_293 = arith.constant 0 : i32
      %dma_start3A_294 = arith.constant 0 : i32
      %dma_start3A_295 = tpu.memref_slice %arg9[%dma_start3A_284, %dma_start3A_293, %dma_start3A_294] : memref<4x128x128xbf16, #tpu.memory_space<vmem>> -> memref<1x128x128xbf16, #tpu.memory_space<vmem>>
      %dma_start3A_296 = tpu.memref_squeeze %dma_start3A_295 : memref<1x128x128xbf16, #tpu.memory_space<vmem>> -> memref<128x128xbf16, #tpu.memory_space<vmem>>
      tpu.enqueue_dma source(%dma_start3A_296 : memref<128x128xbf16, #tpu.memory_space<vmem>>) target(%dma_start3A_292 : memref<128x128xbf16, #tpu.memory_space<hbm>>) target_semaphore(%arg12 : memref<!tpu.dma_semaphore, #tpu.memory_space<semaphore_mem>>)
      %dma_start3A_297 = arith.constant 1 : i32
      %dma_start3A_298 = arith.constant 0 : i32
      %dma_start3A_299 = arith.constant 0 : i32
      %dma_start3A_300 = tpu.memref_slice %arg10[%dma_start3A_297, %dma_start3A_298, %dma_start3A_299] : memref<4x128x128xbf16, #tpu.memory_space<vmem>> -> memref<1x128x128xbf16, #tpu.memory_space<vmem>>
      %dma_start3A_301 = tpu.memref_squeeze %dma_start3A_300 : memref<1x128x128xbf16, #tpu.memory_space<vmem>> -> memref<128x128xbf16, #tpu.memory_space<vmem>>
      %dma_start3A_302 = arith.constant 0 : i32
      %dma_start3A_303 = tpu.memref_slice %arg6[%mul3A_283, %dma_start3A_302] : memref<163840x128xbf16, #tpu.memory_space<hbm>> -> memref<128x128xbf16, #tpu.memory_space<hbm>>
      %dma_start3A_304 = arith.constant 0 : i32
      %dma_start3A_305 = tpu.memref_slice %arg6[%mul3A_283, %dma_start3A_304] : memref<163840x128xbf16, #tpu.memory_space<hbm>> -> memref<128x128xbf16, #tpu.memory_space<hbm>>
      %dma_start3A_306 = arith.constant 0 : i32
      %dma_start3A_307 = arith.constant 0 : i32
      %dma_start3A_308 = tpu.memref_slice %arg10[%dma_start3A_297, %dma_start3A_306, %dma_start3A_307] : memref<4x128x128xbf16, #tpu.memory_space<vmem>> -> memref<1x128x128xbf16, #tpu.memory_space<vmem>>
      %dma_start3A_309 = tpu.memref_squeeze %dma_start3A_308 : memref<1x128x128xbf16, #tpu.memory_space<vmem>> -> memref<128x128xbf16, #tpu.memory_space<vmem>>
      tpu.enqueue_dma source(%dma_start3A_309 : memref<128x128xbf16, #tpu.memory_space<vmem>>) target(%dma_start3A_305 : memref<128x128xbf16, #tpu.memory_space<hbm>>) target_semaphore(%arg12 : memref<!tpu.dma_semaphore, #tpu.memory_space<semaphore_mem>>)
      %mul3A_310 = arith.constant 4 : i32
      %mul3A_311 = arith.muli %scan3A_6, %mul3A_310 : i32
      %add3A_312 = arith.constant 2 : i32
      %add3A_313 = arith.addi %mul3A_311, %add3A_312 : i32
      %mul3A_314 = arith.constant 32 : i32
      %mul3A_315 = arith.muli %add3A_313, %mul3A_314 : i32
      %add3A_316 = arith.addi %mul3A_315, %add3A : i32
      %mul3A_317 = arith.constant 128 : i32
      %mul3A_318 = arith.muli %add3A_316, %mul3A_317 : i32
      %dma_start3A_319 = arith.constant 2 : i32
      %dma_start3A_320 = arith.constant 0 : i32
      %dma_start3A_321 = arith.constant 0 : i32
      %dma_start3A_322 = tpu.memref_slice %arg9[%dma_start3A_319, %dma_start3A_320, %dma_start3A_321] : memref<4x128x128xbf16, #tpu.memory_space<vmem>> -> memref<1x128x128xbf16, #tpu.memory_space<vmem>>
      %dma_start3A_323 = tpu.memref_squeeze %dma_start3A_322 : memref<1x128x128xbf16, #tpu.memory_space<vmem>> -> memref<128x128xbf16, #tpu.memory_space<vmem>>
      %dma_start3A_324 = arith.constant 0 : i32
      %dma_start3A_325 = tpu.memref_slice %arg5[%mul3A_318, %dma_start3A_324] : memref<163840x128xbf16, #tpu.memory_space<hbm>> -> memref<128x128xbf16, #tpu.memory_space<hbm>>
      %dma_start3A_326 = arith.constant 0 : i32
      %dma_start3A_327 = tpu.memref_slice %arg5[%mul3A_318, %dma_start3A_326] : memref<163840x128xbf16, #tpu.memory_space<hbm>> -> memref<128x128xbf16, #tpu.memory_space<hbm>>
      %dma_start3A_328 = arith.constant 0 : i32
      %dma_start3A_329 = arith.constant 0 : i32
      %dma_start3A_330 = tpu.memref_slice %arg9[%dma_start3A_319, %dma_start3A_328, %dma_start3A_329] : memref<4x128x128xbf16, #tpu.memory_space<vmem>> -> memref<1x128x128xbf16, #tpu.memory_space<vmem>>
      %dma_start3A_331 = tpu.memref_squeeze %dma_start3A_330 : memref<1x128x128xbf16, #tpu.memory_space<vmem>> -> memref<128x128xbf16, #tpu.memory_space<vmem>>
      tpu.enqueue_dma source(%dma_start3A_331 : memref<128x128xbf16, #tpu.memory_space<vmem>>) target(%dma_start3A_327 : memref<128x128xbf16, #tpu.memory_space<hbm>>) target_semaphore(%arg12 : memref<!tpu.dma_semaphore, #tpu.memory_space<semaphore_mem>>)
      %dma_start3A_332 = arith.constant 2 : i32
      %dma_start3A_333 = arith.constant 0 : i32
      %dma_start3A_334 = arith.constant 0 : i32
      %dma_start3A_335 = tpu.memref_slice %arg10[%dma_start3A_332, %dma_start3A_333, %dma_start3A_334] : memref<4x128x128xbf16, #tpu.memory_space<vmem>> -> memref<1x128x128xbf16, #tpu.memory_space<vmem>>
      %dma_start3A_336 = tpu.memref_squeeze %dma_start3A_335 : memref<1x128x128xbf16, #tpu.memory_space<vmem>> -> memref<128x128xbf16, #tpu.memory_space<vmem>>
      %dma_start3A_337 = arith.constant 0 : i32
      %dma_start3A_338 = tpu.memref_slice %arg6[%mul3A_318, %dma_start3A_337] : memref<163840x128xbf16, #tpu.memory_space<hbm>> -> memref<128x128xbf16, #tpu.memory_space<hbm>>
      %dma_start3A_339 = arith.constant 0 : i32
      %dma_start3A_340 = tpu.memref_slice %arg6[%mul3A_318, %dma_start3A_339] : memref<163840x128xbf16, #tpu.memory_space<hbm>> -> memref<128x128xbf16, #tpu.memory_space<hbm>>
      %dma_start3A_341 = arith.constant 0 : i32
      %dma_start3A_342 = arith.constant 0 : i32
      %dma_start3A_343 = tpu.memref_slice %arg10[%dma_start3A_332, %dma_start3A_341, %dma_start3A_342] : memref<4x128x128xbf16, #tpu.memory_space<vmem>> -> memref<1x128x128xbf16, #tpu.memory_space<vmem>>
      %dma_start3A_344 = tpu.memref_squeeze %dma_start3A_343 : memref<1x128x128xbf16, #tpu.memory_space<vmem>> -> memref<128x128xbf16, #tpu.memory_space<vmem>>
      tpu.enqueue_dma source(%dma_start3A_344 : memref<128x128xbf16, #tpu.memory_space<vmem>>) target(%dma_start3A_340 : memref<128x128xbf16, #tpu.memory_space<hbm>>) target_semaphore(%arg12 : memref<!tpu.dma_semaphore, #tpu.memory_space<semaphore_mem>>)
      %mul3A_345 = arith.constant 4 : i32
      %mul3A_346 = arith.muli %scan3A_6, %mul3A_345 : i32
      %add3A_347 = arith.constant 3 : i32
      %add3A_348 = arith.addi %mul3A_346, %add3A_347 : i32
      %mul3A_349 = arith.constant 32 : i32
      %mul3A_350 = arith.muli %add3A_348, %mul3A_349 : i32
      %add3A_351 = arith.addi %mul3A_350, %add3A : i32
      %mul3A_352 = arith.constant 128 : i32
      %mul3A_353 = arith.muli %add3A_351, %mul3A_352 : i32
      %dma_start3A_354 = arith.constant 3 : i32
      %dma_start3A_355 = arith.constant 0 : i32
      %dma_start3A_356 = arith.constant 0 : i32
      %dma_start3A_357 = tpu.memref_slice %arg9[%dma_start3A_354, %dma_start3A_355, %dma_start3A_356] : memref<4x128x128xbf16, #tpu.memory_space<vmem>> -> memref<1x128x128xbf16, #tpu.memory_space<vmem>>
      %dma_start3A_358 = tpu.memref_squeeze %dma_start3A_357 : memref<1x128x128xbf16, #tpu.memory_space<vmem>> -> memref<128x128xbf16, #tpu.memory_space<vmem>>
      %dma_start3A_359 = arith.constant 0 : i32
      %dma_start3A_360 = tpu.memref_slice %arg5[%mul3A_353, %dma_start3A_359] : memref<163840x128xbf16, #tpu.memory_space<hbm>> -> memref<128x128xbf16, #tpu.memory_space<hbm>>
      %dma_start3A_361 = arith.constant 0 : i32
      %dma_start3A_362 = tpu.memref_slice %arg5[%mul3A_353, %dma_start3A_361] : memref<163840x128xbf16, #tpu.memory_space<hbm>> -> memref<128x128xbf16, #tpu.memory_space<hbm>>
      %dma_start3A_363 = arith.constant 0 : i32
      %dma_start3A_364 = arith.constant 0 : i32
      %dma_start3A_365 = tpu.memref_slice %arg9[%dma_start3A_354, %dma_start3A_363, %dma_start3A_364] : memref<4x128x128xbf16, #tpu.memory_space<vmem>> -> memref<1x128x128xbf16, #tpu.memory_space<vmem>>
      %dma_start3A_366 = tpu.memref_squeeze %dma_start3A_365 : memref<1x128x128xbf16, #tpu.memory_space<vmem>> -> memref<128x128xbf16, #tpu.memory_space<vmem>>
      tpu.enqueue_dma source(%dma_start3A_366 : memref<128x128xbf16, #tpu.memory_space<vmem>>) target(%dma_start3A_362 : memref<128x128xbf16, #tpu.memory_space<hbm>>) target_semaphore(%arg12 : memref<!tpu.dma_semaphore, #tpu.memory_space<semaphore_mem>>)
      %dma_start3A_367 = arith.constant 3 : i32
      %dma_start3A_368 = arith.constant 0 : i32
      %dma_start3A_369 = arith.constant 0 : i32
      %dma_start3A_370 = tpu.memref_slice %arg10[%dma_start3A_367, %dma_start3A_368, %dma_start3A_369] : memref<4x128x128xbf16, #tpu.memory_space<vmem>> -> memref<1x128x128xbf16, #tpu.memory_space<vmem>>
      %dma_start3A_371 = tpu.memref_squeeze %dma_start3A_370 : memref<1x128x128xbf16, #tpu.memory_space<vmem>> -> memref<128x128xbf16, #tpu.memory_space<vmem>>
      %dma_start3A_372 = arith.constant 0 : i32
      %dma_start3A_373 = tpu.memref_slice %arg6[%mul3A_353, %dma_start3A_372] : memref<163840x128xbf16, #tpu.memory_space<hbm>> -> memref<128x128xbf16, #tpu.memory_space<hbm>>
      %dma_start3A_374 = arith.constant 0 : i32
      %dma_start3A_375 = tpu.memref_slice %arg6[%mul3A_353, %dma_start3A_374] : memref<163840x128xbf16, #tpu.memory_space<hbm>> -> memref<128x128xbf16, #tpu.memory_space<hbm>>
      %dma_start3A_376 = arith.constant 0 : i32
      %dma_start3A_377 = arith.constant 0 : i32
      %dma_start3A_378 = tpu.memref_slice %arg10[%dma_start3A_367, %dma_start3A_376, %dma_start3A_377] : memref<4x128x128xbf16, #tpu.memory_space<vmem>> -> memref<1x128x128xbf16, #tpu.memory_space<vmem>>
      %dma_start3A_379 = tpu.memref_squeeze %dma_start3A_378 : memref<1x128x128xbf16, #tpu.memory_space<vmem>> -> memref<128x128xbf16, #tpu.memory_space<vmem>>
      tpu.enqueue_dma source(%dma_start3A_379 : memref<128x128xbf16, #tpu.memory_space<vmem>>) target(%dma_start3A_375 : memref<128x128xbf16, #tpu.memory_space<hbm>>) target_semaphore(%arg12 : memref<!tpu.dma_semaphore, #tpu.memory_space<semaphore_mem>>)
      %dma_wait3A_380 = arith.constant 0 : i32
      %dma_wait3A_381 = arith.constant 0 : i32
      %dma_wait3A_382 = arith.constant 0 : i32
      %dma_wait3A_383 = tpu.memref_slice %arg9[%dma_wait3A_380, %dma_wait3A_381, %dma_wait3A_382] : memref<4x128x128xbf16, #tpu.memory_space<vmem>> -> memref<1x128x128xbf16, #tpu.memory_space<vmem>>
      %dma_wait3A_384 = tpu.memref_squeeze %dma_wait3A_383 : memref<1x128x128xbf16, #tpu.memory_space<vmem>> -> memref<128x128xbf16, #tpu.memory_space<vmem>>
      %dma_wait3A_385 = arith.constant 0 : i32
      %dma_wait3A_386 = tpu.memref_slice %arg5[%mul3A_248, %dma_wait3A_385] : memref<163840x128xbf16, #tpu.memory_space<hbm>> -> memref<128x128xbf16, #tpu.memory_space<hbm>>
      %dma_wait3A_387 = arith.constant 0 : i32
      %dma_wait3A_388 = tpu.memref_slice %arg5[%mul3A_248, %dma_wait3A_387] : memref<163840x128xbf16, #tpu.memory_space<hbm>> -> memref<128x128xbf16, #tpu.memory_space<hbm>>
      %dma_wait3A_389 = arith.constant 0 : i32
      %dma_wait3A_390 = arith.constant 0 : i32
      %dma_wait3A_391 = tpu.memref_slice %arg9[%dma_wait3A_380, %dma_wait3A_389, %dma_wait3A_390] : memref<4x128x128xbf16, #tpu.memory_space<vmem>> -> memref<1x128x128xbf16, #tpu.memory_space<vmem>>
      %dma_wait3A_392 = tpu.memref_squeeze %dma_wait3A_391 : memref<1x128x128xbf16, #tpu.memory_space<vmem>> -> memref<128x128xbf16, #tpu.memory_space<vmem>>
      tpu.wait_dma2 semaphore(%arg12 : memref<!tpu.dma_semaphore, #tpu.memory_space<semaphore_mem>>) src(%dma_wait3A_392 : memref<128x128xbf16, #tpu.memory_space<vmem>>) dst(%dma_wait3A_388 : memref<128x128xbf16, #tpu.memory_space<hbm>>)
      %dma_wait3A_393 = arith.constant 0 : i32
      %dma_wait3A_394 = arith.constant 0 : i32
      %dma_wait3A_395 = arith.constant 0 : i32
      %dma_wait3A_396 = tpu.memref_slice %arg10[%dma_wait3A_393, %dma_wait3A_394, %dma_wait3A_395] : memref<4x128x128xbf16, #tpu.memory_space<vmem>> -> memref<1x128x128xbf16, #tpu.memory_space<vmem>>
      %dma_wait3A_397 = tpu.memref_squeeze %dma_wait3A_396 : memref<1x128x128xbf16, #tpu.memory_space<vmem>> -> memref<128x128xbf16, #tpu.memory_space<vmem>>
      %dma_wait3A_398 = arith.constant 0 : i32
      %dma_wait3A_399 = tpu.memref_slice %arg6[%mul3A_248, %dma_wait3A_398] : memref<163840x128xbf16, #tpu.memory_space<hbm>> -> memref<128x128xbf16, #tpu.memory_space<hbm>>
      %dma_wait3A_400 = arith.constant 0 : i32
      %dma_wait3A_401 = tpu.memref_slice %arg6[%mul3A_248, %dma_wait3A_400] : memref<163840x128xbf16, #tpu.memory_space<hbm>> -> memref<128x128xbf16, #tpu.memory_space<hbm>>
      %dma_wait3A_402 = arith.constant 0 : i32
      %dma_wait3A_403 = arith.constant 0 : i32
      %dma_wait3A_404 = tpu.memref_slice %arg10[%dma_wait3A_393, %dma_wait3A_402, %dma_wait3A_403] : memref<4x128x128xbf16, #tpu.memory_space<vmem>> -> memref<1x128x128xbf16, #tpu.memory_space<vmem>>
      %dma_wait3A_405 = tpu.memref_squeeze %dma_wait3A_404 : memref<1x128x128xbf16, #tpu.memory_space<vmem>> -> memref<128x128xbf16, #tpu.memory_space<vmem>>
      tpu.wait_dma2 semaphore(%arg12 : memref<!tpu.dma_semaphore, #tpu.memory_space<semaphore_mem>>) src(%dma_wait3A_405 : memref<128x128xbf16, #tpu.memory_space<vmem>>) dst(%dma_wait3A_401 : memref<128x128xbf16, #tpu.memory_space<hbm>>)
      %dma_wait3A_406 = arith.constant 1 : i32
      %dma_wait3A_407 = arith.constant 0 : i32
      %dma_wait3A_408 = arith.constant 0 : i32
      %dma_wait3A_409 = tpu.memref_slice %arg9[%dma_wait3A_406, %dma_wait3A_407, %dma_wait3A_408] : memref<4x128x128xbf16, #tpu.memory_space<vmem>> -> memref<1x128x128xbf16, #tpu.memory_space<vmem>>
      %dma_wait3A_410 = tpu.memref_squeeze %dma_wait3A_409 : memref<1x128x128xbf16, #tpu.memory_space<vmem>> -> memref<128x128xbf16, #tpu.memory_space<vmem>>
      %dma_wait3A_411 = arith.constant 0 : i32
      %dma_wait3A_412 = tpu.memref_slice %arg5[%mul3A_283, %dma_wait3A_411] : memref<163840x128xbf16, #tpu.memory_space<hbm>> -> memref<128x128xbf16, #tpu.memory_space<hbm>>
      %dma_wait3A_413 = arith.constant 0 : i32
      %dma_wait3A_414 = tpu.memref_slice %arg5[%mul3A_283, %dma_wait3A_413] : memref<163840x128xbf16, #tpu.memory_space<hbm>> -> memref<128x128xbf16, #tpu.memory_space<hbm>>
      %dma_wait3A_415 = arith.constant 0 : i32
      %dma_wait3A_416 = arith.constant 0 : i32
      %dma_wait3A_417 = tpu.memref_slice %arg9[%dma_wait3A_406, %dma_wait3A_415, %dma_wait3A_416] : memref<4x128x128xbf16, #tpu.memory_space<vmem>> -> memref<1x128x128xbf16, #tpu.memory_space<vmem>>
      %dma_wait3A_418 = tpu.memref_squeeze %dma_wait3A_417 : memref<1x128x128xbf16, #tpu.memory_space<vmem>> -> memref<128x128xbf16, #tpu.memory_space<vmem>>
      tpu.wait_dma2 semaphore(%arg12 : memref<!tpu.dma_semaphore, #tpu.memory_space<semaphore_mem>>) src(%dma_wait3A_418 : memref<128x128xbf16, #tpu.memory_space<vmem>>) dst(%dma_wait3A_414 : memref<128x128xbf16, #tpu.memory_space<hbm>>)
      %dma_wait3A_419 = arith.constant 1 : i32
      %dma_wait3A_420 = arith.constant 0 : i32
      %dma_wait3A_421 = arith.constant 0 : i32
      %dma_wait3A_422 = tpu.memref_slice %arg10[%dma_wait3A_419, %dma_wait3A_420, %dma_wait3A_421] : memref<4x128x128xbf16, #tpu.memory_space<vmem>> -> memref<1x128x128xbf16, #tpu.memory_space<vmem>>
      %dma_wait3A_423 = tpu.memref_squeeze %dma_wait3A_422 : memref<1x128x128xbf16, #tpu.memory_space<vmem>> -> memref<128x128xbf16, #tpu.memory_space<vmem>>
      %dma_wait3A_424 = arith.constant 0 : i32
      %dma_wait3A_425 = tpu.memref_slice %arg6[%mul3A_283, %dma_wait3A_424] : memref<163840x128xbf16, #tpu.memory_space<hbm>> -> memref<128x128xbf16, #tpu.memory_space<hbm>>
      %dma_wait3A_426 = arith.constant 0 : i32
      %dma_wait3A_427 = tpu.memref_slice %arg6[%mul3A_283, %dma_wait3A_426] : memref<163840x128xbf16, #tpu.memory_space<hbm>> -> memref<128x128xbf16, #tpu.memory_space<hbm>>
      %dma_wait3A_428 = arith.constant 0 : i32
      %dma_wait3A_429 = arith.constant 0 : i32
      %dma_wait3A_430 = tpu.memref_slice %arg10[%dma_wait3A_419, %dma_wait3A_428, %dma_wait3A_429] : memref<4x128x128xbf16, #tpu.memory_space<vmem>> -> memref<1x128x128xbf16, #tpu.memory_space<vmem>>
      %dma_wait3A_431 = tpu.memref_squeeze %dma_wait3A_430 : memref<1x128x128xbf16, #tpu.memory_space<vmem>> -> memref<128x128xbf16, #tpu.memory_space<vmem>>
      tpu.wait_dma2 semaphore(%arg12 : memref<!tpu.dma_semaphore, #tpu.memory_space<semaphore_mem>>) src(%dma_wait3A_431 : memref<128x128xbf16, #tpu.memory_space<vmem>>) dst(%dma_wait3A_427 : memref<128x128xbf16, #tpu.memory_space<hbm>>)
      %dma_wait3A_432 = arith.constant 2 : i32
      %dma_wait3A_433 = arith.constant 0 : i32
      %dma_wait3A_434 = arith.constant 0 : i32
      %dma_wait3A_435 = tpu.memref_slice %arg9[%dma_wait3A_432, %dma_wait3A_433, %dma_wait3A_434] : memref<4x128x128xbf16, #tpu.memory_space<vmem>> -> memref<1x128x128xbf16, #tpu.memory_space<vmem>>
      %dma_wait3A_436 = tpu.memref_squeeze %dma_wait3A_435 : memref<1x128x128xbf16, #tpu.memory_space<vmem>> -> memref<128x128xbf16, #tpu.memory_space<vmem>>
      %dma_wait3A_437 = arith.constant 0 : i32
      %dma_wait3A_438 = tpu.memref_slice %arg5[%mul3A_318, %dma_wait3A_437] : memref<163840x128xbf16, #tpu.memory_space<hbm>> -> memref<128x128xbf16, #tpu.memory_space<hbm>>
      %dma_wait3A_439 = arith.constant 0 : i32
      %dma_wait3A_440 = tpu.memref_slice %arg5[%mul3A_318, %dma_wait3A_439] : memref<163840x128xbf16, #tpu.memory_space<hbm>> -> memref<128x128xbf16, #tpu.memory_space<hbm>>
      %dma_wait3A_441 = arith.constant 0 : i32
      %dma_wait3A_442 = arith.constant 0 : i32
      %dma_wait3A_443 = tpu.memref_slice %arg9[%dma_wait3A_432, %dma_wait3A_441, %dma_wait3A_442] : memref<4x128x128xbf16, #tpu.memory_space<vmem>> -> memref<1x128x128xbf16, #tpu.memory_space<vmem>>
      %dma_wait3A_444 = tpu.memref_squeeze %dma_wait3A_443 : memref<1x128x128xbf16, #tpu.memory_space<vmem>> -> memref<128x128xbf16, #tpu.memory_space<vmem>>
      tpu.wait_dma2 semaphore(%arg12 : memref<!tpu.dma_semaphore, #tpu.memory_space<semaphore_mem>>) src(%dma_wait3A_444 : memref<128x128xbf16, #tpu.memory_space<vmem>>) dst(%dma_wait3A_440 : memref<128x128xbf16, #tpu.memory_space<hbm>>)
      %dma_wait3A_445 = arith.constant 2 : i32
      %dma_wait3A_446 = arith.constant 0 : i32
      %dma_wait3A_447 = arith.constant 0 : i32
      %dma_wait3A_448 = tpu.memref_slice %arg10[%dma_wait3A_445, %dma_wait3A_446, %dma_wait3A_447] : memref<4x128x128xbf16, #tpu.memory_space<vmem>> -> memref<1x128x128xbf16, #tpu.memory_space<vmem>>
      %dma_wait3A_449 = tpu.memref_squeeze %dma_wait3A_448 : memref<1x128x128xbf16, #tpu.memory_space<vmem>> -> memref<128x128xbf16, #tpu.memory_space<vmem>>
      %dma_wait3A_450 = arith.constant 0 : i32
      %dma_wait3A_451 = tpu.memref_slice %arg6[%mul3A_318, %dma_wait3A_450] : memref<163840x128xbf16, #tpu.memory_space<hbm>> -> memref<128x128xbf16, #tpu.memory_space<hbm>>
      %dma_wait3A_452 = arith.constant 0 : i32
      %dma_wait3A_453 = tpu.memref_slice %arg6[%mul3A_318, %dma_wait3A_452] : memref<163840x128xbf16, #tpu.memory_space<hbm>> -> memref<128x128xbf16, #tpu.memory_space<hbm>>
      %dma_wait3A_454 = arith.constant 0 : i32
      %dma_wait3A_455 = arith.constant 0 : i32
      %dma_wait3A_456 = tpu.memref_slice %arg10[%dma_wait3A_445, %dma_wait3A_454, %dma_wait3A_455] : memref<4x128x128xbf16, #tpu.memory_space<vmem>> -> memref<1x128x128xbf16, #tpu.memory_space<vmem>>
      %dma_wait3A_457 = tpu.memref_squeeze %dma_wait3A_456 : memref<1x128x128xbf16, #tpu.memory_space<vmem>> -> memref<128x128xbf16, #tpu.memory_space<vmem>>
      tpu.wait_dma2 semaphore(%arg12 : memref<!tpu.dma_semaphore, #tpu.memory_space<semaphore_mem>>) src(%dma_wait3A_457 : memref<128x128xbf16, #tpu.memory_space<vmem>>) dst(%dma_wait3A_453 : memref<128x128xbf16, #tpu.memory_space<hbm>>)
      %dma_wait3A_458 = arith.constant 3 : i32
      %dma_wait3A_459 = arith.constant 0 : i32
      %dma_wait3A_460 = arith.constant 0 : i32
      %dma_wait3A_461 = tpu.memref_slice %arg9[%dma_wait3A_458, %dma_wait3A_459, %dma_wait3A_460] : memref<4x128x128xbf16, #tpu.memory_space<vmem>> -> memref<1x128x128xbf16, #tpu.memory_space<vmem>>
      %dma_wait3A_462 = tpu.memref_squeeze %dma_wait3A_461 : memref<1x128x128xbf16, #tpu.memory_space<vmem>> -> memref<128x128xbf16, #tpu.memory_space<vmem>>
      %dma_wait3A_463 = arith.constant 0 : i32
      %dma_wait3A_464 = tpu.memref_slice %arg5[%mul3A_353, %dma_wait3A_463] : memref<163840x128xbf16, #tpu.memory_space<hbm>> -> memref<128x128xbf16, #tpu.memory_space<hbm>>
      %dma_wait3A_465 = arith.constant 0 : i32
      %dma_wait3A_466 = tpu.memref_slice %arg5[%mul3A_353, %dma_wait3A_465] : memref<163840x128xbf16, #tpu.memory_space<hbm>> -> memref<128x128xbf16, #tpu.memory_space<hbm>>
      %dma_wait3A_467 = arith.constant 0 : i32
      %dma_wait3A_468 = arith.constant 0 : i32
      %dma_wait3A_469 = tpu.memref_slice %arg9[%dma_wait3A_458, %dma_wait3A_467, %dma_wait3A_468] : memref<4x128x128xbf16, #tpu.memory_space<vmem>> -> memref<1x128x128xbf16, #tpu.memory_space<vmem>>
      %dma_wait3A_470 = tpu.memref_squeeze %dma_wait3A_469 : memref<1x128x128xbf16, #tpu.memory_space<vmem>> -> memref<128x128xbf16, #tpu.memory_space<vmem>>
      tpu.wait_dma2 semaphore(%arg12 : memref<!tpu.dma_semaphore, #tpu.memory_space<semaphore_mem>>) src(%dma_wait3A_470 : memref<128x128xbf16, #tpu.memory_space<vmem>>) dst(%dma_wait3A_466 : memref<128x128xbf16, #tpu.memory_space<hbm>>)
      %dma_wait3A_471 = arith.constant 3 : i32
      %dma_wait3A_472 = arith.constant 0 : i32
      %dma_wait3A_473 = arith.constant 0 : i32
      %dma_wait3A_474 = tpu.memref_slice %arg10[%dma_wait3A_471, %dma_wait3A_472, %dma_wait3A_473] : memref<4x128x128xbf16, #tpu.memory_space<vmem>> -> memref<1x128x128xbf16, #tpu.memory_space<vmem>>
      %dma_wait3A_475 = tpu.memref_squeeze %dma_wait3A_474 : memref<1x128x128xbf16, #tpu.memory_space<vmem>> -> memref<128x128xbf16, #tpu.memory_space<vmem>>
      %dma_wait3A_476 = arith.constant 0 : i32
      %dma_wait3A_477 = tpu.memref_slice %arg6[%mul3A_353, %dma_wait3A_476] : memref<163840x128xbf16, #tpu.memory_space<hbm>> -> memref<128x128xbf16, #tpu.memory_space<hbm>>
      %dma_wait3A_478 = arith.constant 0 : i32
      %dma_wait3A_479 = tpu.memref_slice %arg6[%mul3A_353, %dma_wait3A_478] : memref<163840x128xbf16, #tpu.memory_space<hbm>> -> memref<128x128xbf16, #tpu.memory_space<hbm>>
      %dma_wait3A_480 = arith.constant 0 : i32
      %dma_wait3A_481 = arith.constant 0 : i32
      %dma_wait3A_482 = tpu.memref_slice %arg10[%dma_wait3A_471, %dma_wait3A_480, %dma_wait3A_481] : memref<4x128x128xbf16, #tpu.memory_space<vmem>> -> memref<1x128x128xbf16, #tpu.memory_space<vmem>>
      %dma_wait3A_483 = tpu.memref_squeeze %dma_wait3A_482 : memref<1x128x128xbf16, #tpu.memory_space<vmem>> -> memref<128x128xbf16, #tpu.memory_space<vmem>>
      tpu.wait_dma2 semaphore(%arg12 : memref<!tpu.dma_semaphore, #tpu.memory_space<semaphore_mem>>) src(%dma_wait3A_483 : memref<128x128xbf16, #tpu.memory_space<vmem>>) dst(%dma_wait3A_479 : memref<128x128xbf16, #tpu.memory_space<hbm>>)
    }
    %scan3A_5 = arith.constant 10 : i32
    return
  }
}

#map = affine_map<(d0, d1) -> (0, 0)>
#map1 = affine_map<(d0, d1) -> (0)>
module attributes {stable_mosaic.version = 14 : i64} {
  func.func @body(%arg0: i32, %arg1: i32, %arg2: memref<10000x128xbf16, #tpu.memory_space<hbm>>, %arg3: memref<163840xi32, #tpu.memory_space<hbm>>, %arg4: memref<163840xi32, #tpu.memory_space<hbm>>, %arg5: memref<163840x128xbf16, #tpu.memory_space<hbm>>, %arg6: memref<163840x128xbf16, #tpu.memory_space<hbm>>, %arg7: memref<4x128xi32, #tpu.memory_space<vmem>>, %arg8: memref<4x128xi32, #tpu.memory_space<vmem>>, %arg9: memref<4x128x128xbf16, #tpu.memory_space<vmem>>, %arg10: memref<4x128x128xbf16, #tpu.memory_space<vmem>>, %arg11: memref<!tpu.dma_semaphore, #tpu.memory_space<semaphore_mem>>, %arg12: memref<!tpu.dma_semaphore, #tpu.memory_space<semaphore_mem>>) attributes {dimension_semantics = [#tpu.dimension_semantics<core_parallel>, #tpu.dimension_semantics<subcore_parallel>], iteration_bounds = array<i64: 2, 16>, scalar_prefetch = 0 : i64, scratch_operands = 6 : i64, tpu.core_type = #tpu.core_type<sc_vector_subcore>, window_params = [{transform_indices = #map}, {transform_indices = #map1}, {transform_indices = #map1}, {transform_indices = #map}, {transform_indices = #map}]} {
    %mul3A = arith.constant 2 : i32
    %mul3A_0 = arith.muli %arg1, %mul3A : i32
    %add3A = arith.addi %mul3A_0, %arg0 : i32
    %scan3A = arith.constant 0 : i32
    %scan3A_1 = arith.constant 0 : i32
    %scan3A_2 = arith.constant 10 : i32
    %scan3A_3 = arith.addi %scan3A_1, %scan3A_2 : i32
    %scan3A_4 = arith.constant 1 : i32
    scf.for %scan3A_6 = %scan3A_1 to %scan3A_3 step %scan3A_4  : i32 {
      %mul3A_7 = arith.constant 4 : i32
      %mul3A_8 = arith.muli %scan3A_6, %mul3A_7 : i32
      %add3A_9 = arith.constant 0 : i32
      %add3A_10 = arith.addi %mul3A_8, %add3A_9 : i32
      %mul3A_11 = arith.constant 32 : i32
      %mul3A_12 = arith.muli %add3A_10, %mul3A_11 : i32
      %add3A_13 = arith.addi %mul3A_12, %add3A : i32
      %mul3A_14 = arith.constant 128 : i32
      %mul3A_15 = arith.muli %add3A_13, %mul3A_14 : i32
      %run_scoped3A = arith.constant 0 : i32
      "tpu.region"() ({
        %run_scoped3A_484 = tpu.sem_alloc : memref<!tpu.dma_semaphore, #tpu.memory_space<semaphore_mem>>
        %dma_start3A_485 = arith.constant 0 : i32
        %dma_start3A_486 = tpu.memref_slice %arg7[%run_scoped3A, %dma_start3A_485] : memref<4x128xi32, #tpu.memory_space<vmem>> -> memref<1x128xi32, #tpu.memory_space<vmem>>
        %dma_start3A_487 = tpu.memref_squeeze %dma_start3A_486 : memref<1x128xi32, #tpu.memory_space<vmem>> -> memref<128xi32, #tpu.memory_space<vmem>>
        %dma_start3A_488 = tpu.memref_slice %arg3[%mul3A_15] : memref<163840xi32, #tpu.memory_space<hbm>> -> memref<128xi32, #tpu.memory_space<hbm>>
        %dma_start3A_489 = arith.constant 0 : i32
        %dma_start3A_490 = tpu.memref_slice %arg7[%run_scoped3A, %dma_start3A_489] : memref<4x128xi32, #tpu.memory_space<vmem>> -> memref<1x128xi32, #tpu.memory_space<vmem>>
        %dma_start3A_491 = tpu.memref_squeeze %dma_start3A_490 : memref<1x128xi32, #tpu.memory_space<vmem>> -> memref<128xi32, #tpu.memory_space<vmem>>
        %dma_start3A_492 = tpu.memref_slice %arg3[%mul3A_15] : memref<163840xi32, #tpu.memory_space<hbm>> -> memref<128xi32, #tpu.memory_space<hbm>>
        tpu.enqueue_dma source(%dma_start3A_492 : memref<128xi32, #tpu.memory_space<hbm>>) target(%dma_start3A_491 : memref<128xi32, #tpu.memory_space<vmem>>) target_semaphore(%run_scoped3A_484 : memref<!tpu.dma_semaphore, #tpu.memory_space<semaphore_mem>>)
        %dma_wait3A_493 = arith.constant 0 : i32
        %dma_wait3A_494 = tpu.memref_slice %arg7[%run_scoped3A, %dma_wait3A_493] : memref<4x128xi32, #tpu.memory_space<vmem>> -> memref<1x128xi32, #tpu.memory_space<vmem>>
        %dma_wait3A_495 = tpu.memref_squeeze %dma_wait3A_494 : memref<1x128xi32, #tpu.memory_space<vmem>> -> memref<128xi32, #tpu.memory_space<vmem>>
        %dma_wait3A_496 = tpu.memref_slice %arg3[%mul3A_15] : memref<163840xi32, #tpu.memory_space<hbm>> -> memref<128xi32, #tpu.memory_space<hbm>>
        %dma_wait3A_497 = arith.constant 0 : i32
        %dma_wait3A_498 = tpu.memref_slice %arg7[%run_scoped3A, %dma_wait3A_497] : memref<4x128xi32, #tpu.memory_space<vmem>> -> memref<1x128xi32, #tpu.memory_space<vmem>>
        %dma_wait3A_499 = tpu.memref_squeeze %dma_wait3A_498 : memref<1x128xi32, #tpu.memory_space<vmem>> -> memref<128xi32, #tpu.memory_space<vmem>>
        %dma_wait3A_500 = tpu.memref_slice %arg3[%mul3A_15] : memref<163840xi32, #tpu.memory_space<hbm>> -> memref<128xi32, #tpu.memory_space<hbm>>
        tpu.wait_dma2 semaphore(%run_scoped3A_484 : memref<!tpu.dma_semaphore, #tpu.memory_space<semaphore_mem>>) src(%dma_wait3A_500 : memref<128xi32, #tpu.memory_space<hbm>>) dst(%dma_wait3A_499 : memref<128xi32, #tpu.memory_space<vmem>>)
        tpu.yield
      }) : () -> ()
      %run_scoped3A_16 = arith.constant 0 : i32
      "tpu.region"() ({
        %run_scoped3A_484 = tpu.sem_alloc : memref<!tpu.dma_semaphore, #tpu.memory_space<semaphore_mem>>
        %dma_start3A_485 = arith.constant 0 : i32
        %dma_start3A_486 = tpu.memref_slice %arg8[%run_scoped3A_16, %dma_start3A_485] : memref<4x128xi32, #tpu.memory_space<vmem>> -> memref<1x128xi32, #tpu.memory_space<vmem>>
        %dma_start3A_487 = tpu.memref_squeeze %dma_start3A_486 : memref<1x128xi32, #tpu.memory_space<vmem>> -> memref<128xi32, #tpu.memory_space<vmem>>
        %dma_start3A_488 = tpu.memref_slice %arg4[%mul3A_15] : memref<163840xi32, #tpu.memory_space<hbm>> -> memref<128xi32, #tpu.memory_space<hbm>>
        %dma_start3A_489 = arith.constant 0 : i32
        %dma_start3A_490 = tpu.memref_slice %arg8[%run_scoped3A_16, %dma_start3A_489] : memref<4x128xi32, #tpu.memory_space<vmem>> -> memref<1x128xi32, #tpu.memory_space<vmem>>
        %dma_start3A_491 = tpu.memref_squeeze %dma_start3A_490 : memref<1x128xi32, #tpu.memory_space<vmem>> -> memref<128xi32, #tpu.memory_space<vmem>>
        %dma_start3A_492 = tpu.memref_slice %arg4[%mul3A_15] : memref<163840xi32, #tpu.memory_space<hbm>> -> memref<128xi32, #tpu.memory_space<hbm>>
        tpu.enqueue_dma source(%dma_start3A_492 : memref<128xi32, #tpu.memory_space<hbm>>) target(%dma_start3A_491 : memref<128xi32, #tpu.memory_space<vmem>>) target_semaphore(%run_scoped3A_484 : memref<!tpu.dma_semaphore, #tpu.memory_space<semaphore_mem>>)
        %dma_wait3A_493 = arith.constant 0 : i32
        %dma_wait3A_494 = tpu.memref_slice %arg8[%run_scoped3A_16, %dma_wait3A_493] : memref<4x128xi32, #tpu.memory_space<vmem>> -> memref<1x128xi32, #tpu.memory_space<vmem>>
        %dma_wait3A_495 = tpu.memref_squeeze %dma_wait3A_494 : memref<1x128xi32, #tpu.memory_space<vmem>> -> memref<128xi32, #tpu.memory_space<vmem>>
        %dma_wait3A_496 = tpu.memref_slice %arg4[%mul3A_15] : memref<163840xi32, #tpu.memory_space<hbm>> -> memref<128xi32, #tpu.memory_space<hbm>>
        %dma_wait3A_497 = arith.constant 0 : i32
        %dma_wait3A_498 = tpu.memref_slice %arg8[%run_scoped3A_16, %dma_wait3A_497] : memref<4x128xi32, #tpu.memory_space<vmem>> -> memref<1x128xi32, #tpu.memory_space<vmem>>
        %dma_wait3A_499 = tpu.memref_squeeze %dma_wait3A_498 : memref<1x128xi32, #tpu.memory_space<vmem>> -> memref<128xi32, #tpu.memory_space<vmem>>
        %dma_wait3A_500 = tpu.memref_slice %arg4[%mul3A_15] : memref<163840xi32, #tpu.memory_space<hbm>> -> memref<128xi32, #tpu.memory_space<hbm>>
        tpu.wait_dma2 semaphore(%run_scoped3A_484 : memref<!tpu.dma_semaphore, #tpu.memory_space<semaphore_mem>>) src(%dma_wait3A_500 : memref<128xi32, #tpu.memory_space<hbm>>) dst(%dma_wait3A_499 : memref<128xi32, #tpu.memory_space<vmem>>)
        tpu.yield
      }) : () -> ()
      %dma_start3A = arith.constant 0 : i32
      %dma_start3A_17 = arith.constant 0 : i32
      %dma_start3A_18 = arith.constant 0 : i32
      %dma_start3A_19 = arith.constant 0 : i32
      %dma_start3A_20 = tpu.memref_slice %arg9[%dma_start3A_17, %dma_start3A_18, %dma_start3A_19] : memref<4x128x128xbf16, #tpu.memory_space<vmem>> -> memref<1x128x128xbf16, #tpu.memory_space<vmem>>
      %dma_start3A_21 = tpu.memref_squeeze %dma_start3A_20 : memref<1x128x128xbf16, #tpu.memory_space<vmem>> -> memref<128x128xbf16, #tpu.memory_space<vmem>>
      %dma_start3A_22 = arith.constant 0 : i32
      %dma_start3A_23 = tpu.memref_slice %arg7[%dma_start3A, %dma_start3A_22] : memref<4x128xi32, #tpu.memory_space<vmem>> -> memref<1x128xi32, #tpu.memory_space<vmem>>
      %dma_start3A_24 = tpu.memref_squeeze %dma_start3A_23 : memref<1x128xi32, #tpu.memory_space<vmem>> -> memref<128xi32, #tpu.memory_space<vmem>>
      %dma_start3A_25 = arith.constant 0 : i32
      %dma_start3A_26 = arith.constant 0 : i32
      %dma_start3A_27 = tpu.memref_slice %arg2[%dma_start3A_25, %dma_start3A_26] : memref<10000x128xbf16, #tpu.memory_space<hbm>> -> memref<10000x128xbf16, #tpu.memory_space<hbm>>
      tpu.enqueue_indirect_dma source(%dma_start3A_27 : memref<10000x128xbf16, #tpu.memory_space<hbm>>) target(%dma_start3A_21 : memref<128x128xbf16, #tpu.memory_space<vmem>>) offsets(%dma_start3A_24 : memref<128xi32, #tpu.memory_space<vmem>>) semaphore(%arg11 : memref<!tpu.dma_semaphore, #tpu.memory_space<semaphore_mem>>)
      %dma_start3A_28 = arith.constant 0 : i32
      %dma_start3A_29 = arith.constant 0 : i32
      %dma_start3A_30 = arith.constant 0 : i32
      %dma_start3A_31 = arith.constant 0 : i32
      %dma_start3A_32 = tpu.memref_slice %arg10[%dma_start3A_29, %dma_start3A_30, %dma_start3A_31] : memref<4x128x128xbf16, #tpu.memory_space<vmem>> -> memref<1x128x128xbf16, #tpu.memory_space<vmem>>
      %dma_start3A_33 = tpu.memref_squeeze %dma_start3A_32 : memref<1x128x128xbf16, #tpu.memory_space<vmem>> -> memref<128x128xbf16, #tpu.memory_space<vmem>>
      %dma_start3A_34 = arith.constant 0 : i32
      %dma_start3A_35 = tpu.memref_slice %arg8[%dma_start3A_28, %dma_start3A_34] : memref<4x128xi32, #tpu.memory_space<vmem>> -> memref<1x128xi32, #tpu.memory_space<vmem>>
      %dma_start3A_36 = tpu.memref_squeeze %dma_start3A_35 : memref<1x128xi32, #tpu.memory_space<vmem>> -> memref<128xi32, #tpu.memory_space<vmem>>
      %dma_start3A_37 = arith.constant 0 : i32
      %dma_start3A_38 = arith.constant 0 : i32
      %dma_start3A_39 = tpu.memref_slice %arg2[%dma_start3A_37, %dma_start3A_38] : memref<10000x128xbf16, #tpu.memory_space<hbm>> -> memref<10000x128xbf16, #tpu.memory_space<hbm>>
      tpu.enqueue_indirect_dma source(%dma_start3A_39 : memref<10000x128xbf16, #tpu.memory_space<hbm>>) target(%dma_start3A_33 : memref<128x128xbf16, #tpu.memory_space<vmem>>) offsets(%dma_start3A_36 : memref<128xi32, #tpu.memory_space<vmem>>) semaphore(%arg11 : memref<!tpu.dma_semaphore, #tpu.memory_space<semaphore_mem>>)
      %mul3A_40 = arith.constant 4 : i32
      %mul3A_41 = arith.muli %scan3A_6, %mul3A_40 : i32
      %add3A_42 = arith.constant 1 : i32
      %add3A_43 = arith.addi %mul3A_41, %add3A_42 : i32
      %mul3A_44 = arith.constant 32 : i32
      %mul3A_45 = arith.muli %add3A_43, %mul3A_44 : i32
      %add3A_46 = arith.addi %mul3A_45, %add3A : i32
      %mul3A_47 = arith.constant 128 : i32
      %mul3A_48 = arith.muli %add3A_46, %mul3A_47 : i32
      %run_scoped3A_49 = arith.constant 1 : i32
      "tpu.region"() ({
        %run_scoped3A_484 = tpu.sem_alloc : memref<!tpu.dma_semaphore, #tpu.memory_space<semaphore_mem>>
        %dma_start3A_485 = arith.constant 0 : i32
        %dma_start3A_486 = tpu.memref_slice %arg7[%run_scoped3A_49, %dma_start3A_485] : memref<4x128xi32, #tpu.memory_space<vmem>> -> memref<1x128xi32, #tpu.memory_space<vmem>>
        %dma_start3A_487 = tpu.memref_squeeze %dma_start3A_486 : memref<1x128xi32, #tpu.memory_space<vmem>> -> memref<128xi32, #tpu.memory_space<vmem>>
        %dma_start3A_488 = tpu.memref_slice %arg3[%mul3A_48] : memref<163840xi32, #tpu.memory_space<hbm>> -> memref<128xi32, #tpu.memory_space<hbm>>
        %dma_start3A_489 = arith.constant 0 : i32
        %dma_start3A_490 = tpu.memref_slice %arg7[%run_scoped3A_49, %dma_start3A_489] : memref<4x128xi32, #tpu.memory_space<vmem>> -> memref<1x128xi32, #tpu.memory_space<vmem>>
        %dma_start3A_491 = tpu.memref_squeeze %dma_start3A_490 : memref<1x128xi32, #tpu.memory_space<vmem>> -> memref<128xi32, #tpu.memory_space<vmem>>
        %dma_start3A_492 = tpu.memref_slice %arg3[%mul3A_48] : memref<163840xi32, #tpu.memory_space<hbm>> -> memref<128xi32, #tpu.memory_space<hbm>>
        tpu.enqueue_dma source(%dma_start3A_492 : memref<128xi32, #tpu.memory_space<hbm>>) target(%dma_start3A_491 : memref<128xi32, #tpu.memory_space<vmem>>) target_semaphore(%run_scoped3A_484 : memref<!tpu.dma_semaphore, #tpu.memory_space<semaphore_mem>>)
        %dma_wait3A_493 = arith.constant 0 : i32
        %dma_wait3A_494 = tpu.memref_slice %arg7[%run_scoped3A_49, %dma_wait3A_493] : memref<4x128xi32, #tpu.memory_space<vmem>> -> memref<1x128xi32, #tpu.memory_space<vmem>>
        %dma_wait3A_495 = tpu.memref_squeeze %dma_wait3A_494 : memref<1x128xi32, #tpu.memory_space<vmem>> -> memref<128xi32, #tpu.memory_space<vmem>>
        %dma_wait3A_496 = tpu.memref_slice %arg3[%mul3A_48] : memref<163840xi32, #tpu.memory_space<hbm>> -> memref<128xi32, #tpu.memory_space<hbm>>
        %dma_wait3A_497 = arith.constant 0 : i32
        %dma_wait3A_498 = tpu.memref_slice %arg7[%run_scoped3A_49, %dma_wait3A_497] : memref<4x128xi32, #tpu.memory_space<vmem>> -> memref<1x128xi32, #tpu.memory_space<vmem>>
        %dma_wait3A_499 = tpu.memref_squeeze %dma_wait3A_498 : memref<1x128xi32, #tpu.memory_space<vmem>> -> memref<128xi32, #tpu.memory_space<vmem>>
        %dma_wait3A_500 = tpu.memref_slice %arg3[%mul3A_48] : memref<163840xi32, #tpu.memory_space<hbm>> -> memref<128xi32, #tpu.memory_space<hbm>>
        tpu.wait_dma2 semaphore(%run_scoped3A_484 : memref<!tpu.dma_semaphore, #tpu.memory_space<semaphore_mem>>) src(%dma_wait3A_500 : memref<128xi32, #tpu.memory_space<hbm>>) dst(%dma_wait3A_499 : memref<128xi32, #tpu.memory_space<vmem>>)
        tpu.yield
      }) : () -> ()
      %run_scoped3A_50 = arith.constant 1 : i32
      "tpu.region"() ({
        %run_scoped3A_484 = tpu.sem_alloc : memref<!tpu.dma_semaphore, #tpu.memory_space<semaphore_mem>>
        %dma_start3A_485 = arith.constant 0 : i32
        %dma_start3A_486 = tpu.memref_slice %arg8[%run_scoped3A_50, %dma_start3A_485] : memref<4x128xi32, #tpu.memory_space<vmem>> -> memref<1x128xi32, #tpu.memory_space<vmem>>
        %dma_start3A_487 = tpu.memref_squeeze %dma_start3A_486 : memref<1x128xi32, #tpu.memory_space<vmem>> -> memref<128xi32, #tpu.memory_space<vmem>>
        %dma_start3A_488 = tpu.memref_slice %arg4[%mul3A_48] : memref<163840xi32, #tpu.memory_space<hbm>> -> memref<128xi32, #tpu.memory_space<hbm>>
        %dma_start3A_489 = arith.constant 0 : i32
        %dma_start3A_490 = tpu.memref_slice %arg8[%run_scoped3A_50, %dma_start3A_489] : memref<4x128xi32, #tpu.memory_space<vmem>> -> memref<1x128xi32, #tpu.memory_space<vmem>>
        %dma_start3A_491 = tpu.memref_squeeze %dma_start3A_490 : memref<1x128xi32, #tpu.memory_space<vmem>> -> memref<128xi32, #tpu.memory_space<vmem>>
        %dma_start3A_492 = tpu.memref_slice %arg4[%mul3A_48] : memref<163840xi32, #tpu.memory_space<hbm>> -> memref<128xi32, #tpu.memory_space<hbm>>
        tpu.enqueue_dma source(%dma_start3A_492 : memref<128xi32, #tpu.memory_space<hbm>>) target(%dma_start3A_491 : memref<128xi32, #tpu.memory_space<vmem>>) target_semaphore(%run_scoped3A_484 : memref<!tpu.dma_semaphore, #tpu.memory_space<semaphore_mem>>)
        %dma_wait3A_493 = arith.constant 0 : i32
        %dma_wait3A_494 = tpu.memref_slice %arg8[%run_scoped3A_50, %dma_wait3A_493] : memref<4x128xi32, #tpu.memory_space<vmem>> -> memref<1x128xi32, #tpu.memory_space<vmem>>
        %dma_wait3A_495 = tpu.memref_squeeze %dma_wait3A_494 : memref<1x128xi32, #tpu.memory_space<vmem>> -> memref<128xi32, #tpu.memory_space<vmem>>
        %dma_wait3A_496 = tpu.memref_slice %arg4[%mul3A_48] : memref<163840xi32, #tpu.memory_space<hbm>> -> memref<128xi32, #tpu.memory_space<hbm>>
        %dma_wait3A_497 = arith.constant 0 : i32
        %dma_wait3A_498 = tpu.memref_slice %arg8[%run_scoped3A_50, %dma_wait3A_497] : memref<4x128xi32, #tpu.memory_space<vmem>> -> memref<1x128xi32, #tpu.memory_space<vmem>>
        %dma_wait3A_499 = tpu.memref_squeeze %dma_wait3A_498 : memref<1x128xi32, #tpu.memory_space<vmem>> -> memref<128xi32, #tpu.memory_space<vmem>>
        %dma_wait3A_500 = tpu.memref_slice %arg4[%mul3A_48] : memref<163840xi32, #tpu.memory_space<hbm>> -> memref<128xi32, #tpu.memory_space<hbm>>
        tpu.wait_dma2 semaphore(%run_scoped3A_484 : memref<!tpu.dma_semaphore, #tpu.memory_space<semaphore_mem>>) src(%dma_wait3A_500 : memref<128xi32, #tpu.memory_space<hbm>>) dst(%dma_wait3A_499 : memref<128xi32, #tpu.memory_space<vmem>>)
        tpu.yield
      }) : () -> ()
      %dma_start3A_51 = arith.constant 1 : i32
      %dma_start3A_52 = arith.constant 1 : i32
      %dma_start3A_53 = arith.constant 0 : i32
      %dma_start3A_54 = arith.constant 0 : i32
      %dma_start3A_55 = tpu.memref_slice %arg9[%dma_start3A_52, %dma_start3A_53, %dma_start3A_54] : memref<4x128x128xbf16, #tpu.memory_space<vmem>> -> memref<1x128x128xbf16, #tpu.memory_space<vmem>>
      %dma_start3A_56 = tpu.memref_squeeze %dma_start3A_55 : memref<1x128x128xbf16, #tpu.memory_space<vmem>> -> memref<128x128xbf16, #tpu.memory_space<vmem>>
      %dma_start3A_57 = arith.constant 0 : i32
      %dma_start3A_58 = tpu.memref_slice %arg7[%dma_start3A_51, %dma_start3A_57] : memref<4x128xi32, #tpu.memory_space<vmem>> -> memref<1x128xi32, #tpu.memory_space<vmem>>
      %dma_start3A_59 = tpu.memref_squeeze %dma_start3A_58 : memref<1x128xi32, #tpu.memory_space<vmem>> -> memref<128xi32, #tpu.memory_space<vmem>>
      %dma_start3A_60 = arith.constant 0 : i32
      %dma_start3A_61 = arith.constant 0 : i32
      %dma_start3A_62 = tpu.memref_slice %arg2[%dma_start3A_60, %dma_start3A_61] : memref<10000x128xbf16, #tpu.memory_space<hbm>> -> memref<10000x128xbf16, #tpu.memory_space<hbm>>
      tpu.enqueue_indirect_dma source(%dma_start3A_62 : memref<10000x128xbf16, #tpu.memory_space<hbm>>) target(%dma_start3A_56 : memref<128x128xbf16, #tpu.memory_space<vmem>>) offsets(%dma_start3A_59 : memref<128xi32, #tpu.memory_space<vmem>>) semaphore(%arg11 : memref<!tpu.dma_semaphore, #tpu.memory_space<semaphore_mem>>)
      %dma_start3A_63 = arith.constant 1 : i32
      %dma_start3A_64 = arith.constant 1 : i32
      %dma_start3A_65 = arith.constant 0 : i32
      %dma_start3A_66 = arith.constant 0 : i32
      %dma_start3A_67 = tpu.memref_slice %arg10[%dma_start3A_64, %dma_start3A_65, %dma_start3A_66] : memref<4x128x128xbf16, #tpu.memory_space<vmem>> -> memref<1x128x128xbf16, #tpu.memory_space<vmem>>
      %dma_start3A_68 = tpu.memref_squeeze %dma_start3A_67 : memref<1x128x128xbf16, #tpu.memory_space<vmem>> -> memref<128x128xbf16, #tpu.memory_space<vmem>>
      %dma_start3A_69 = arith.constant 0 : i32
      %dma_start3A_70 = tpu.memref_slice %arg8[%dma_start3A_63, %dma_start3A_69] : memref<4x128xi32, #tpu.memory_space<vmem>> -> memref<1x128xi32, #tpu.memory_space<vmem>>
      %dma_start3A_71 = tpu.memref_squeeze %dma_start3A_70 : memref<1x128xi32, #tpu.memory_space<vmem>> -> memref<128xi32, #tpu.memory_space<vmem>>
      %dma_start3A_72 = arith.constant 0 : i32
      %dma_start3A_73 = arith.constant 0 : i32
      %dma_start3A_74 = tpu.memref_slice %arg2[%dma_start3A_72, %dma_start3A_73] : memref<10000x128xbf16, #tpu.memory_space<hbm>> -> memref<10000x128xbf16, #tpu.memory_space<hbm>>
      tpu.enqueue_indirect_dma source(%dma_start3A_74 : memref<10000x128xbf16, #tpu.memory_space<hbm>>) target(%dma_start3A_68 : memref<128x128xbf16, #tpu.memory_space<vmem>>) offsets(%dma_start3A_71 : memref<128xi32, #tpu.memory_space<vmem>>) semaphore(%arg11 : memref<!tpu.dma_semaphore, #tpu.memory_space<semaphore_mem>>)
      %mul3A_75 = arith.constant 4 : i32
      %mul3A_76 = arith.muli %scan3A_6, %mul3A_75 : i32
      %add3A_77 = arith.constant 2 : i32
      %add3A_78 = arith.addi %mul3A_76, %add3A_77 : i32
      %mul3A_79 = arith.constant 32 : i32
      %mul3A_80 = arith.muli %add3A_78, %mul3A_79 : i32
      %add3A_81 = arith.addi %mul3A_80, %add3A : i32
      %mul3A_82 = arith.constant 128 : i32
      %mul3A_83 = arith.muli %add3A_81, %mul3A_82 : i32
      %run_scoped3A_84 = arith.constant 2 : i32
      "tpu.region"() ({
        %run_scoped3A_484 = tpu.sem_alloc : memref<!tpu.dma_semaphore, #tpu.memory_space<semaphore_mem>>
        %dma_start3A_485 = arith.constant 0 : i32
        %dma_start3A_486 = tpu.memref_slice %arg7[%run_scoped3A_84, %dma_start3A_485] : memref<4x128xi32, #tpu.memory_space<vmem>> -> memref<1x128xi32, #tpu.memory_space<vmem>>
        %dma_start3A_487 = tpu.memref_squeeze %dma_start3A_486 : memref<1x128xi32, #tpu.memory_space<vmem>> -> memref<128xi32, #tpu.memory_space<vmem>>
        %dma_start3A_488 = tpu.memref_slice %arg3[%mul3A_83] : memref<163840xi32, #tpu.memory_space<hbm>> -> memref<128xi32, #tpu.memory_space<hbm>>
        %dma_start3A_489 = arith.constant 0 : i32
        %dma_start3A_490 = tpu.memref_slice %arg7[%run_scoped3A_84, %dma_start3A_489] : memref<4x128xi32, #tpu.memory_space<vmem>> -> memref<1x128xi32, #tpu.memory_space<vmem>>
        %dma_start3A_491 = tpu.memref_squeeze %dma_start3A_490 : memref<1x128xi32, #tpu.memory_space<vmem>> -> memref<128xi32, #tpu.memory_space<vmem>>
        %dma_start3A_492 = tpu.memref_slice %arg3[%mul3A_83] : memref<163840xi32, #tpu.memory_space<hbm>> -> memref<128xi32, #tpu.memory_space<hbm>>
        tpu.enqueue_dma source(%dma_start3A_492 : memref<128xi32, #tpu.memory_space<hbm>>) target(%dma_start3A_491 : memref<128xi32, #tpu.memory_space<vmem>>) target_semaphore(%run_scoped3A_484 : memref<!tpu.dma_semaphore, #tpu.memory_space<semaphore_mem>>)
        %dma_wait3A_493 = arith.constant 0 : i32
        %dma_wait3A_494 = tpu.memref_slice %arg7[%run_scoped3A_84, %dma_wait3A_493] : memref<4x128xi32, #tpu.memory_space<vmem>> -> memref<1x128xi32, #tpu.memory_space<vmem>>
        %dma_wait3A_495 = tpu.memref_squeeze %dma_wait3A_494 : memref<1x128xi32, #tpu.memory_space<vmem>> -> memref<128xi32, #tpu.memory_space<vmem>>
        %dma_wait3A_496 = tpu.memref_slice %arg3[%mul3A_83] : memref<163840xi32, #tpu.memory_space<hbm>> -> memref<128xi32, #tpu.memory_space<hbm>>
        %dma_wait3A_497 = arith.constant 0 : i32
        %dma_wait3A_498 = tpu.memref_slice %arg7[%run_scoped3A_84, %dma_wait3A_497] : memref<4x128xi32, #tpu.memory_space<vmem>> -> memref<1x128xi32, #tpu.memory_space<vmem>>
        %dma_wait3A_499 = tpu.memref_squeeze %dma_wait3A_498 : memref<1x128xi32, #tpu.memory_space<vmem>> -> memref<128xi32, #tpu.memory_space<vmem>>
        %dma_wait3A_500 = tpu.memref_slice %arg3[%mul3A_83] : memref<163840xi32, #tpu.memory_space<hbm>> -> memref<128xi32, #tpu.memory_space<hbm>>
        tpu.wait_dma2 semaphore(%run_scoped3A_484 : memref<!tpu.dma_semaphore, #tpu.memory_space<semaphore_mem>>) src(%dma_wait3A_500 : memref<128xi32, #tpu.memory_space<hbm>>) dst(%dma_wait3A_499 : memref<128xi32, #tpu.memory_space<vmem>>)
        tpu.yield
      }) : () -> ()
      %run_scoped3A_85 = arith.constant 2 : i32
      "tpu.region"() ({
        %run_scoped3A_484 = tpu.sem_alloc : memref<!tpu.dma_semaphore, #tpu.memory_space<semaphore_mem>>
        %dma_start3A_485 = arith.constant 0 : i32
        %dma_start3A_486 = tpu.memref_slice %arg8[%run_scoped3A_85, %dma_start3A_485] : memref<4x128xi32, #tpu.memory_space<vmem>> -> memref<1x128xi32, #tpu.memory_space<vmem>>
        %dma_start3A_487 = tpu.memref_squeeze %dma_start3A_486 : memref<1x128xi32, #tpu.memory_space<vmem>> -> memref<128xi32, #tpu.memory_space<vmem>>
        %dma_start3A_488 = tpu.memref_slice %arg4[%mul3A_83] : memref<163840xi32, #tpu.memory_space<hbm>> -> memref<128xi32, #tpu.memory_space<hbm>>
        %dma_start3A_489 = arith.constant 0 : i32
        %dma_start3A_490 = tpu.memref_slice %arg8[%run_scoped3A_85, %dma_start3A_489] : memref<4x128xi32, #tpu.memory_space<vmem>> -> memref<1x128xi32, #tpu.memory_space<vmem>>
        %dma_start3A_491 = tpu.memref_squeeze %dma_start3A_490 : memref<1x128xi32, #tpu.memory_space<vmem>> -> memref<128xi32, #tpu.memory_space<vmem>>
        %dma_start3A_492 = tpu.memref_slice %arg4[%mul3A_83] : memref<163840xi32, #tpu.memory_space<hbm>> -> memref<128xi32, #tpu.memory_space<hbm>>
        tpu.enqueue_dma source(%dma_start3A_492 : memref<128xi32, #tpu.memory_space<hbm>>) target(%dma_start3A_491 : memref<128xi32, #tpu.memory_space<vmem>>) target_semaphore(%run_scoped3A_484 : memref<!tpu.dma_semaphore, #tpu.memory_space<semaphore_mem>>)
        %dma_wait3A_493 = arith.constant 0 : i32
        %dma_wait3A_494 = tpu.memref_slice %arg8[%run_scoped3A_85, %dma_wait3A_493] : memref<4x128xi32, #tpu.memory_space<vmem>> -> memref<1x128xi32, #tpu.memory_space<vmem>>
        %dma_wait3A_495 = tpu.memref_squeeze %dma_wait3A_494 : memref<1x128xi32, #tpu.memory_space<vmem>> -> memref<128xi32, #tpu.memory_space<vmem>>
        %dma_wait3A_496 = tpu.memref_slice %arg4[%mul3A_83] : memref<163840xi32, #tpu.memory_space<hbm>> -> memref<128xi32, #tpu.memory_space<hbm>>
        %dma_wait3A_497 = arith.constant 0 : i32
        %dma_wait3A_498 = tpu.memref_slice %arg8[%run_scoped3A_85, %dma_wait3A_497] : memref<4x128xi32, #tpu.memory_space<vmem>> -> memref<1x128xi32, #tpu.memory_space<vmem>>
        %dma_wait3A_499 = tpu.memref_squeeze %dma_wait3A_498 : memref<1x128xi32, #tpu.memory_space<vmem>> -> memref<128xi32, #tpu.memory_space<vmem>>
        %dma_wait3A_500 = tpu.memref_slice %arg4[%mul3A_83] : memref<163840xi32, #tpu.memory_space<hbm>> -> memref<128xi32, #tpu.memory_space<hbm>>
        tpu.wait_dma2 semaphore(%run_scoped3A_484 : memref<!tpu.dma_semaphore, #tpu.memory_space<semaphore_mem>>) src(%dma_wait3A_500 : memref<128xi32, #tpu.memory_space<hbm>>) dst(%dma_wait3A_499 : memref<128xi32, #tpu.memory_space<vmem>>)
        tpu.yield
      }) : () -> ()
      %dma_start3A_86 = arith.constant 2 : i32
      %dma_start3A_87 = arith.constant 2 : i32
      %dma_start3A_88 = arith.constant 0 : i32
      %dma_start3A_89 = arith.constant 0 : i32
      %dma_start3A_90 = tpu.memref_slice %arg9[%dma_start3A_87, %dma_start3A_88, %dma_start3A_89] : memref<4x128x128xbf16, #tpu.memory_space<vmem>> -> memref<1x128x128xbf16, #tpu.memory_space<vmem>>
      %dma_start3A_91 = tpu.memref_squeeze %dma_start3A_90 : memref<1x128x128xbf16, #tpu.memory_space<vmem>> -> memref<128x128xbf16, #tpu.memory_space<vmem>>
      %dma_start3A_92 = arith.constant 0 : i32
      %dma_start3A_93 = tpu.memref_slice %arg7[%dma_start3A_86, %dma_start3A_92] : memref<4x128xi32, #tpu.memory_space<vmem>> -> memref<1x128xi32, #tpu.memory_space<vmem>>
      %dma_start3A_94 = tpu.memref_squeeze %dma_start3A_93 : memref<1x128xi32, #tpu.memory_space<vmem>> -> memref<128xi32, #tpu.memory_space<vmem>>
      %dma_start3A_95 = arith.constant 0 : i32
      %dma_start3A_96 = arith.constant 0 : i32
      %dma_start3A_97 = tpu.memref_slice %arg2[%dma_start3A_95, %dma_start3A_96] : memref<10000x128xbf16, #tpu.memory_space<hbm>> -> memref<10000x128xbf16, #tpu.memory_space<hbm>>
      tpu.enqueue_indirect_dma source(%dma_start3A_97 : memref<10000x128xbf16, #tpu.memory_space<hbm>>) target(%dma_start3A_91 : memref<128x128xbf16, #tpu.memory_space<vmem>>) offsets(%dma_start3A_94 : memref<128xi32, #tpu.memory_space<vmem>>) semaphore(%arg11 : memref<!tpu.dma_semaphore, #tpu.memory_space<semaphore_mem>>)
      %dma_start3A_98 = arith.constant 2 : i32
      %dma_start3A_99 = arith.constant 2 : i32
      %dma_start3A_100 = arith.constant 0 : i32
      %dma_start3A_101 = arith.constant 0 : i32
      %dma_start3A_102 = tpu.memref_slice %arg10[%dma_start3A_99, %dma_start3A_100, %dma_start3A_101] : memref<4x128x128xbf16, #tpu.memory_space<vmem>> -> memref<1x128x128xbf16, #tpu.memory_space<vmem>>
      %dma_start3A_103 = tpu.memref_squeeze %dma_start3A_102 : memref<1x128x128xbf16, #tpu.memory_space<vmem>> -> memref<128x128xbf16, #tpu.memory_space<vmem>>
      %dma_start3A_104 = arith.constant 0 : i32
      %dma_start3A_105 = tpu.memref_slice %arg8[%dma_start3A_98, %dma_start3A_104] : memref<4x128xi32, #tpu.memory_space<vmem>> -> memref<1x128xi32, #tpu.memory_space<vmem>>
      %dma_start3A_106 = tpu.memref_squeeze %dma_start3A_105 : memref<1x128xi32, #tpu.memory_space<vmem>> -> memref<128xi32, #tpu.memory_space<vmem>>
      %dma_start3A_107 = arith.constant 0 : i32
      %dma_start3A_108 = arith.constant 0 : i32
      %dma_start3A_109 = tpu.memref_slice %arg2[%dma_start3A_107, %dma_start3A_108] : memref<10000x128xbf16, #tpu.memory_space<hbm>> -> memref<10000x128xbf16, #tpu.memory_space<hbm>>
      tpu.enqueue_indirect_dma source(%dma_start3A_109 : memref<10000x128xbf16, #tpu.memory_space<hbm>>) target(%dma_start3A_103 : memref<128x128xbf16, #tpu.memory_space<vmem>>) offsets(%dma_start3A_106 : memref<128xi32, #tpu.memory_space<vmem>>) semaphore(%arg11 : memref<!tpu.dma_semaphore, #tpu.memory_space<semaphore_mem>>)
      %mul3A_110 = arith.constant 4 : i32
      %mul3A_111 = arith.muli %scan3A_6, %mul3A_110 : i32
      %add3A_112 = arith.constant 3 : i32
      %add3A_113 = arith.addi %mul3A_111, %add3A_112 : i32
      %mul3A_114 = arith.constant 32 : i32
      %mul3A_115 = arith.muli %add3A_113, %mul3A_114 : i32
      %add3A_116 = arith.addi %mul3A_115, %add3A : i32
      %mul3A_117 = arith.constant 128 : i32
      %mul3A_118 = arith.muli %add3A_116, %mul3A_117 : i32
      %run_scoped3A_119 = arith.constant 3 : i32
      "tpu.region"() ({
        %run_scoped3A_484 = tpu.sem_alloc : memref<!tpu.dma_semaphore, #tpu.memory_space<semaphore_mem>>
        %dma_start3A_485 = arith.constant 0 : i32
        %dma_start3A_486 = tpu.memref_slice %arg7[%run_scoped3A_119, %dma_start3A_485] : memref<4x128xi32, #tpu.memory_space<vmem>> -> memref<1x128xi32, #tpu.memory_space<vmem>>
        %dma_start3A_487 = tpu.memref_squeeze %dma_start3A_486 : memref<1x128xi32, #tpu.memory_space<vmem>> -> memref<128xi32, #tpu.memory_space<vmem>>
        %dma_start3A_488 = tpu.memref_slice %arg3[%mul3A_118] : memref<163840xi32, #tpu.memory_space<hbm>> -> memref<128xi32, #tpu.memory_space<hbm>>
        %dma_start3A_489 = arith.constant 0 : i32
        %dma_start3A_490 = tpu.memref_slice %arg7[%run_scoped3A_119, %dma_start3A_489] : memref<4x128xi32, #tpu.memory_space<vmem>> -> memref<1x128xi32, #tpu.memory_space<vmem>>
        %dma_start3A_491 = tpu.memref_squeeze %dma_start3A_490 : memref<1x128xi32, #tpu.memory_space<vmem>> -> memref<128xi32, #tpu.memory_space<vmem>>
        %dma_start3A_492 = tpu.memref_slice %arg3[%mul3A_118] : memref<163840xi32, #tpu.memory_space<hbm>> -> memref<128xi32, #tpu.memory_space<hbm>>
        tpu.enqueue_dma source(%dma_start3A_492 : memref<128xi32, #tpu.memory_space<hbm>>) target(%dma_start3A_491 : memref<128xi32, #tpu.memory_space<vmem>>) target_semaphore(%run_scoped3A_484 : memref<!tpu.dma_semaphore, #tpu.memory_space<semaphore_mem>>)
        %dma_wait3A_493 = arith.constant 0 : i32
        %dma_wait3A_494 = tpu.memref_slice %arg7[%run_scoped3A_119, %dma_wait3A_493] : memref<4x128xi32, #tpu.memory_space<vmem>> -> memref<1x128xi32, #tpu.memory_space<vmem>>
        %dma_wait3A_495 = tpu.memref_squeeze %dma_wait3A_494 : memref<1x128xi32, #tpu.memory_space<vmem>> -> memref<128xi32, #tpu.memory_space<vmem>>
        %dma_wait3A_496 = tpu.memref_slice %arg3[%mul3A_118] : memref<163840xi32, #tpu.memory_space<hbm>> -> memref<128xi32, #tpu.memory_space<hbm>>
        %dma_wait3A_497 = arith.constant 0 : i32
        %dma_wait3A_498 = tpu.memref_slice %arg7[%run_scoped3A_119, %dma_wait3A_497] : memref<4x128xi32, #tpu.memory_space<vmem>> -> memref<1x128xi32, #tpu.memory_space<vmem>>
        %dma_wait3A_499 = tpu.memref_squeeze %dma_wait3A_498 : memref<1x128xi32, #tpu.memory_space<vmem>> -> memref<128xi32, #tpu.memory_space<vmem>>
        %dma_wait3A_500 = tpu.memref_slice %arg3[%mul3A_118] : memref<163840xi32, #tpu.memory_space<hbm>> -> memref<128xi32, #tpu.memory_space<hbm>>
        tpu.wait_dma2 semaphore(%run_scoped3A_484 : memref<!tpu.dma_semaphore, #tpu.memory_space<semaphore_mem>>) src(%dma_wait3A_500 : memref<128xi32, #tpu.memory_space<hbm>>) dst(%dma_wait3A_499 : memref<128xi32, #tpu.memory_space<vmem>>)
        tpu.yield
      }) : () -> ()
      %run_scoped3A_120 = arith.constant 3 : i32
      "tpu.region"() ({
        %run_scoped3A_484 = tpu.sem_alloc : memref<!tpu.dma_semaphore, #tpu.memory_space<semaphore_mem>>
        %dma_start3A_485 = arith.constant 0 : i32
        %dma_start3A_486 = tpu.memref_slice %arg8[%run_scoped3A_120, %dma_start3A_485] : memref<4x128xi32, #tpu.memory_space<vmem>> -> memref<1x128xi32, #tpu.memory_space<vmem>>
        %dma_start3A_487 = tpu.memref_squeeze %dma_start3A_486 : memref<1x128xi32, #tpu.memory_space<vmem>> -> memref<128xi32, #tpu.memory_space<vmem>>
        %dma_start3A_488 = tpu.memref_slice %arg4[%mul3A_118] : memref<163840xi32, #tpu.memory_space<hbm>> -> memref<128xi32, #tpu.memory_space<hbm>>
        %dma_start3A_489 = arith.constant 0 : i32
        %dma_start3A_490 = tpu.memref_slice %arg8[%run_scoped3A_120, %dma_start3A_489] : memref<4x128xi32, #tpu.memory_space<vmem>> -> memref<1x128xi32, #tpu.memory_space<vmem>>
        %dma_start3A_491 = tpu.memref_squeeze %dma_start3A_490 : memref<1x128xi32, #tpu.memory_space<vmem>> -> memref<128xi32, #tpu.memory_space<vmem>>
        %dma_start3A_492 = tpu.memref_slice %arg4[%mul3A_118] : memref<163840xi32, #tpu.memory_space<hbm>> -> memref<128xi32, #tpu.memory_space<hbm>>
        tpu.enqueue_dma source(%dma_start3A_492 : memref<128xi32, #tpu.memory_space<hbm>>) target(%dma_start3A_491 : memref<128xi32, #tpu.memory_space<vmem>>) target_semaphore(%run_scoped3A_484 : memref<!tpu.dma_semaphore, #tpu.memory_space<semaphore_mem>>)
        %dma_wait3A_493 = arith.constant 0 : i32
        %dma_wait3A_494 = tpu.memref_slice %arg8[%run_scoped3A_120, %dma_wait3A_493] : memref<4x128xi32, #tpu.memory_space<vmem>> -> memref<1x128xi32, #tpu.memory_space<vmem>>
        %dma_wait3A_495 = tpu.memref_squeeze %dma_wait3A_494 : memref<1x128xi32, #tpu.memory_space<vmem>> -> memref<128xi32, #tpu.memory_space<vmem>>
        %dma_wait3A_496 = tpu.memref_slice %arg4[%mul3A_118] : memref<163840xi32, #tpu.memory_space<hbm>> -> memref<128xi32, #tpu.memory_space<hbm>>
        %dma_wait3A_497 = arith.constant 0 : i32
        %dma_wait3A_498 = tpu.memref_slice %arg8[%run_scoped3A_120, %dma_wait3A_497] : memref<4x128xi32, #tpu.memory_space<vmem>> -> memref<1x128xi32, #tpu.memory_space<vmem>>
        %dma_wait3A_499 = tpu.memref_squeeze %dma_wait3A_498 : memref<1x128xi32, #tpu.memory_space<vmem>> -> memref<128xi32, #tpu.memory_space<vmem>>
        %dma_wait3A_500 = tpu.memref_slice %arg4[%mul3A_118] : memref<163840xi32, #tpu.memory_space<hbm>> -> memref<128xi32, #tpu.memory_space<hbm>>
        tpu.wait_dma2 semaphore(%run_scoped3A_484 : memref<!tpu.dma_semaphore, #tpu.memory_space<semaphore_mem>>) src(%dma_wait3A_500 : memref<128xi32, #tpu.memory_space<hbm>>) dst(%dma_wait3A_499 : memref<128xi32, #tpu.memory_space<vmem>>)
        tpu.yield
      }) : () -> ()
      %dma_start3A_121 = arith.constant 3 : i32
      %dma_start3A_122 = arith.constant 3 : i32
      %dma_start3A_123 = arith.constant 0 : i32
      %dma_start3A_124 = arith.constant 0 : i32
      %dma_start3A_125 = tpu.memref_slice %arg9[%dma_start3A_122, %dma_start3A_123, %dma_start3A_124] : memref<4x128x128xbf16, #tpu.memory_space<vmem>> -> memref<1x128x128xbf16, #tpu.memory_space<vmem>>
      %dma_start3A_126 = tpu.memref_squeeze %dma_start3A_125 : memref<1x128x128xbf16, #tpu.memory_space<vmem>> -> memref<128x128xbf16, #tpu.memory_space<vmem>>
      %dma_start3A_127 = arith.constant 0 : i32
      %dma_start3A_128 = tpu.memref_slice %arg7[%dma_start3A_121, %dma_start3A_127] : memref<4x128xi32, #tpu.memory_space<vmem>> -> memref<1x128xi32, #tpu.memory_space<vmem>>
      %dma_start3A_129 = tpu.memref_squeeze %dma_start3A_128 : memref<1x128xi32, #tpu.memory_space<vmem>> -> memref<128xi32, #tpu.memory_space<vmem>>
      %dma_start3A_130 = arith.constant 0 : i32
      %dma_start3A_131 = arith.constant 0 : i32
      %dma_start3A_132 = tpu.memref_slice %arg2[%dma_start3A_130, %dma_start3A_131] : memref<10000x128xbf16, #tpu.memory_space<hbm>> -> memref<10000x128xbf16, #tpu.memory_space<hbm>>
      tpu.enqueue_indirect_dma source(%dma_start3A_132 : memref<10000x128xbf16, #tpu.memory_space<hbm>>) target(%dma_start3A_126 : memref<128x128xbf16, #tpu.memory_space<vmem>>) offsets(%dma_start3A_129 : memref<128xi32, #tpu.memory_space<vmem>>) semaphore(%arg11 : memref<!tpu.dma_semaphore, #tpu.memory_space<semaphore_mem>>)
      %dma_start3A_133 = arith.constant 3 : i32
      %dma_start3A_134 = arith.constant 3 : i32
      %dma_start3A_135 = arith.constant 0 : i32
      %dma_start3A_136 = arith.constant 0 : i32
      %dma_start3A_137 = tpu.memref_slice %arg10[%dma_start3A_134, %dma_start3A_135, %dma_start3A_136] : memref<4x128x128xbf16, #tpu.memory_space<vmem>> -> memref<1x128x128xbf16, #tpu.memory_space<vmem>>
      %dma_start3A_138 = tpu.memref_squeeze %dma_start3A_137 : memref<1x128x128xbf16, #tpu.memory_space<vmem>> -> memref<128x128xbf16, #tpu.memory_space<vmem>>
      %dma_start3A_139 = arith.constant 0 : i32
      %dma_start3A_140 = tpu.memref_slice %arg8[%dma_start3A_133, %dma_start3A_139] : memref<4x128xi32, #tpu.memory_space<vmem>> -> memref<1x128xi32, #tpu.memory_space<vmem>>
      %dma_start3A_141 = tpu.memref_squeeze %dma_start3A_140 : memref<1x128xi32, #tpu.memory_space<vmem>> -> memref<128xi32, #tpu.memory_space<vmem>>
      %dma_start3A_142 = arith.constant 0 : i32
      %dma_start3A_143 = arith.constant 0 : i32
      %dma_start3A_144 = tpu.memref_slice %arg2[%dma_start3A_142, %dma_start3A_143] : memref<10000x128xbf16, #tpu.memory_space<hbm>> -> memref<10000x128xbf16, #tpu.memory_space<hbm>>
      tpu.enqueue_indirect_dma source(%dma_start3A_144 : memref<10000x128xbf16, #tpu.memory_space<hbm>>) target(%dma_start3A_138 : memref<128x128xbf16, #tpu.memory_space<vmem>>) offsets(%dma_start3A_141 : memref<128xi32, #tpu.memory_space<vmem>>) semaphore(%arg11 : memref<!tpu.dma_semaphore, #tpu.memory_space<semaphore_mem>>)
      %dma_wait3A = arith.constant 0 : i32
      %dma_wait3A_145 = arith.constant 0 : i32
      %dma_wait3A_146 = arith.constant 0 : i32
      %dma_wait3A_147 = arith.constant 0 : i32
      %dma_wait3A_148 = tpu.memref_slice %arg9[%dma_wait3A_145, %dma_wait3A_146, %dma_wait3A_147] : memref<4x128x128xbf16, #tpu.memory_space<vmem>> -> memref<1x128x128xbf16, #tpu.memory_space<vmem>>
      %dma_wait3A_149 = tpu.memref_squeeze %dma_wait3A_148 : memref<1x128x128xbf16, #tpu.memory_space<vmem>> -> memref<128x128xbf16, #tpu.memory_space<vmem>>
      %dma_wait3A_150 = arith.constant 0 : i32
      %dma_wait3A_151 = tpu.memref_slice %arg7[%dma_wait3A, %dma_wait3A_150] : memref<4x128xi32, #tpu.memory_space<vmem>> -> memref<1x128xi32, #tpu.memory_space<vmem>>
      %dma_wait3A_152 = tpu.memref_squeeze %dma_wait3A_151 : memref<1x128xi32, #tpu.memory_space<vmem>> -> memref<128xi32, #tpu.memory_space<vmem>>
      %dma_wait3A_153 = arith.constant 0 : i32
      %dma_wait3A_154 = arith.constant 0 : i32
      %dma_wait3A_155 = tpu.memref_slice %arg2[%dma_wait3A_153, %dma_wait3A_154] : memref<10000x128xbf16, #tpu.memory_space<hbm>> -> memref<10000x128xbf16, #tpu.memory_space<hbm>>
      tpu.wait_indirect_dma semaphore(%arg11 : memref<!tpu.dma_semaphore, #tpu.memory_space<semaphore_mem>>) src(%dma_wait3A_155 : memref<10000x128xbf16, #tpu.memory_space<hbm>>) dst(%dma_wait3A_149 : memref<128x128xbf16, #tpu.memory_space<vmem>>)
      %dma_wait3A_156 = arith.constant 0 : i32
      %dma_wait3A_157 = arith.constant 0 : i32
      %dma_wait3A_158 = arith.constant 0 : i32
      %dma_wait3A_159 = arith.constant 0 : i32
      %dma_wait3A_160 = tpu.memref_slice %arg10[%dma_wait3A_157, %dma_wait3A_158, %dma_wait3A_159] : memref<4x128x128xbf16, #tpu.memory_space<vmem>> -> memref<1x128x128xbf16, #tpu.memory_space<vmem>>
      %dma_wait3A_161 = tpu.memref_squeeze %dma_wait3A_160 : memref<1x128x128xbf16, #tpu.memory_space<vmem>> -> memref<128x128xbf16, #tpu.memory_space<vmem>>
      %dma_wait3A_162 = arith.constant 0 : i32
      %dma_wait3A_163 = tpu.memref_slice %arg8[%dma_wait3A_156, %dma_wait3A_162] : memref<4x128xi32, #tpu.memory_space<vmem>> -> memref<1x128xi32, #tpu.memory_space<vmem>>
      %dma_wait3A_164 = tpu.memref_squeeze %dma_wait3A_163 : memref<1x128xi32, #tpu.memory_space<vmem>> -> memref<128xi32, #tpu.memory_space<vmem>>
      %dma_wait3A_165 = arith.constant 0 : i32
      %dma_wait3A_166 = arith.constant 0 : i32
      %dma_wait3A_167 = tpu.memref_slice %arg2[%dma_wait3A_165, %dma_wait3A_166] : memref<10000x128xbf16, #tpu.memory_space<hbm>> -> memref<10000x128xbf16, #tpu.memory_space<hbm>>
      tpu.wait_indirect_dma semaphore(%arg11 : memref<!tpu.dma_semaphore, #tpu.memory_space<semaphore_mem>>) src(%dma_wait3A_167 : memref<10000x128xbf16, #tpu.memory_space<hbm>>) dst(%dma_wait3A_161 : memref<128x128xbf16, #tpu.memory_space<vmem>>)
      %dma_wait3A_168 = arith.constant 1 : i32
      %dma_wait3A_169 = arith.constant 1 : i32
      %dma_wait3A_170 = arith.constant 0 : i32
      %dma_wait3A_171 = arith.constant 0 : i32
      %dma_wait3A_172 = tpu.memref_slice %arg9[%dma_wait3A_169, %dma_wait3A_170, %dma_wait3A_171] : memref<4x128x128xbf16, #tpu.memory_space<vmem>> -> memref<1x128x128xbf16, #tpu.memory_space<vmem>>
      %dma_wait3A_173 = tpu.memref_squeeze %dma_wait3A_172 : memref<1x128x128xbf16, #tpu.memory_space<vmem>> -> memref<128x128xbf16, #tpu.memory_space<vmem>>
      %dma_wait3A_174 = arith.constant 0 : i32
      %dma_wait3A_175 = tpu.memref_slice %arg7[%dma_wait3A_168, %dma_wait3A_174] : memref<4x128xi32, #tpu.memory_space<vmem>> -> memref<1x128xi32, #tpu.memory_space<vmem>>
      %dma_wait3A_176 = tpu.memref_squeeze %dma_wait3A_175 : memref<1x128xi32, #tpu.memory_space<vmem>> -> memref<128xi32, #tpu.memory_space<vmem>>
      %dma_wait3A_177 = arith.constant 0 : i32
      %dma_wait3A_178 = arith.constant 0 : i32
      %dma_wait3A_179 = tpu.memref_slice %arg2[%dma_wait3A_177, %dma_wait3A_178] : memref<10000x128xbf16, #tpu.memory_space<hbm>> -> memref<10000x128xbf16, #tpu.memory_space<hbm>>
      tpu.wait_indirect_dma semaphore(%arg11 : memref<!tpu.dma_semaphore, #tpu.memory_space<semaphore_mem>>) src(%dma_wait3A_179 : memref<10000x128xbf16, #tpu.memory_space<hbm>>) dst(%dma_wait3A_173 : memref<128x128xbf16, #tpu.memory_space<vmem>>)
      %dma_wait3A_180 = arith.constant 1 : i32
      %dma_wait3A_181 = arith.constant 1 : i32
      %dma_wait3A_182 = arith.constant 0 : i32
      %dma_wait3A_183 = arith.constant 0 : i32
      %dma_wait3A_184 = tpu.memref_slice %arg10[%dma_wait3A_181, %dma_wait3A_182, %dma_wait3A_183] : memref<4x128x128xbf16, #tpu.memory_space<vmem>> -> memref<1x128x128xbf16, #tpu.memory_space<vmem>>
      %dma_wait3A_185 = tpu.memref_squeeze %dma_wait3A_184 : memref<1x128x128xbf16, #tpu.memory_space<vmem>> -> memref<128x128xbf16, #tpu.memory_space<vmem>>
      %dma_wait3A_186 = arith.constant 0 : i32
      %dma_wait3A_187 = tpu.memref_slice %arg8[%dma_wait3A_180, %dma_wait3A_186] : memref<4x128xi32, #tpu.memory_space<vmem>> -> memref<1x128xi32, #tpu.memory_space<vmem>>
      %dma_wait3A_188 = tpu.memref_squeeze %dma_wait3A_187 : memref<1x128xi32, #tpu.memory_space<vmem>> -> memref<128xi32, #tpu.memory_space<vmem>>
      %dma_wait3A_189 = arith.constant 0 : i32
      %dma_wait3A_190 = arith.constant 0 : i32
      %dma_wait3A_191 = tpu.memref_slice %arg2[%dma_wait3A_189, %dma_wait3A_190] : memref<10000x128xbf16, #tpu.memory_space<hbm>> -> memref<10000x128xbf16, #tpu.memory_space<hbm>>
      tpu.wait_indirect_dma semaphore(%arg11 : memref<!tpu.dma_semaphore, #tpu.memory_space<semaphore_mem>>) src(%dma_wait3A_191 : memref<10000x128xbf16, #tpu.memory_space<hbm>>) dst(%dma_wait3A_185 : memref<128x128xbf16, #tpu.memory_space<vmem>>)
      %dma_wait3A_192 = arith.constant 2 : i32
      %dma_wait3A_193 = arith.constant 2 : i32
      %dma_wait3A_194 = arith.constant 0 : i32
      %dma_wait3A_195 = arith.constant 0 : i32
      %dma_wait3A_196 = tpu.memref_slice %arg9[%dma_wait3A_193, %dma_wait3A_194, %dma_wait3A_195] : memref<4x128x128xbf16, #tpu.memory_space<vmem>> -> memref<1x128x128xbf16, #tpu.memory_space<vmem>>
      %dma_wait3A_197 = tpu.memref_squeeze %dma_wait3A_196 : memref<1x128x128xbf16, #tpu.memory_space<vmem>> -> memref<128x128xbf16, #tpu.memory_space<vmem>>
      %dma_wait3A_198 = arith.constant 0 : i32
      %dma_wait3A_199 = tpu.memref_slice %arg7[%dma_wait3A_192, %dma_wait3A_198] : memref<4x128xi32, #tpu.memory_space<vmem>> -> memref<1x128xi32, #tpu.memory_space<vmem>>
      %dma_wait3A_200 = tpu.memref_squeeze %dma_wait3A_199 : memref<1x128xi32, #tpu.memory_space<vmem>> -> memref<128xi32, #tpu.memory_space<vmem>>
      %dma_wait3A_201 = arith.constant 0 : i32
      %dma_wait3A_202 = arith.constant 0 : i32
      %dma_wait3A_203 = tpu.memref_slice %arg2[%dma_wait3A_201, %dma_wait3A_202] : memref<10000x128xbf16, #tpu.memory_space<hbm>> -> memref<10000x128xbf16, #tpu.memory_space<hbm>>
      tpu.wait_indirect_dma semaphore(%arg11 : memref<!tpu.dma_semaphore, #tpu.memory_space<semaphore_mem>>) src(%dma_wait3A_203 : memref<10000x128xbf16, #tpu.memory_space<hbm>>) dst(%dma_wait3A_197 : memref<128x128xbf16, #tpu.memory_space<vmem>>)
      %dma_wait3A_204 = arith.constant 2 : i32
      %dma_wait3A_205 = arith.constant 2 : i32
      %dma_wait3A_206 = arith.constant 0 : i32
      %dma_wait3A_207 = arith.constant 0 : i32
      %dma_wait3A_208 = tpu.memref_slice %arg10[%dma_wait3A_205, %dma_wait3A_206, %dma_wait3A_207] : memref<4x128x128xbf16, #tpu.memory_space<vmem>> -> memref<1x128x128xbf16, #tpu.memory_space<vmem>>
      %dma_wait3A_209 = tpu.memref_squeeze %dma_wait3A_208 : memref<1x128x128xbf16, #tpu.memory_space<vmem>> -> memref<128x128xbf16, #tpu.memory_space<vmem>>
      %dma_wait3A_210 = arith.constant 0 : i32
      %dma_wait3A_211 = tpu.memref_slice %arg8[%dma_wait3A_204, %dma_wait3A_210] : memref<4x128xi32, #tpu.memory_space<vmem>> -> memref<1x128xi32, #tpu.memory_space<vmem>>
      %dma_wait3A_212 = tpu.memref_squeeze %dma_wait3A_211 : memref<1x128xi32, #tpu.memory_space<vmem>> -> memref<128xi32, #tpu.memory_space<vmem>>
      %dma_wait3A_213 = arith.constant 0 : i32
      %dma_wait3A_214 = arith.constant 0 : i32
      %dma_wait3A_215 = tpu.memref_slice %arg2[%dma_wait3A_213, %dma_wait3A_214] : memref<10000x128xbf16, #tpu.memory_space<hbm>> -> memref<10000x128xbf16, #tpu.memory_space<hbm>>
      tpu.wait_indirect_dma semaphore(%arg11 : memref<!tpu.dma_semaphore, #tpu.memory_space<semaphore_mem>>) src(%dma_wait3A_215 : memref<10000x128xbf16, #tpu.memory_space<hbm>>) dst(%dma_wait3A_209 : memref<128x128xbf16, #tpu.memory_space<vmem>>)
      %dma_wait3A_216 = arith.constant 3 : i32
      %dma_wait3A_217 = arith.constant 3 : i32
      %dma_wait3A_218 = arith.constant 0 : i32
      %dma_wait3A_219 = arith.constant 0 : i32
      %dma_wait3A_220 = tpu.memref_slice %arg9[%dma_wait3A_217, %dma_wait3A_218, %dma_wait3A_219] : memref<4x128x128xbf16, #tpu.memory_space<vmem>> -> memref<1x128x128xbf16, #tpu.memory_space<vmem>>
      %dma_wait3A_221 = tpu.memref_squeeze %dma_wait3A_220 : memref<1x128x128xbf16, #tpu.memory_space<vmem>> -> memref<128x128xbf16, #tpu.memory_space<vmem>>
      %dma_wait3A_222 = arith.constant 0 : i32
      %dma_wait3A_223 = tpu.memref_slice %arg7[%dma_wait3A_216, %dma_wait3A_222] : memref<4x128xi32, #tpu.memory_space<vmem>> -> memref<1x128xi32, #tpu.memory_space<vmem>>
      %dma_wait3A_224 = tpu.memref_squeeze %dma_wait3A_223 : memref<1x128xi32, #tpu.memory_space<vmem>> -> memref<128xi32, #tpu.memory_space<vmem>>
      %dma_wait3A_225 = arith.constant 0 : i32
      %dma_wait3A_226 = arith.constant 0 : i32
      %dma_wait3A_227 = tpu.memref_slice %arg2[%dma_wait3A_225, %dma_wait3A_226] : memref<10000x128xbf16, #tpu.memory_space<hbm>> -> memref<10000x128xbf16, #tpu.memory_space<hbm>>
      tpu.wait_indirect_dma semaphore(%arg11 : memref<!tpu.dma_semaphore, #tpu.memory_space<semaphore_mem>>) src(%dma_wait3A_227 : memref<10000x128xbf16, #tpu.memory_space<hbm>>) dst(%dma_wait3A_221 : memref<128x128xbf16, #tpu.memory_space<vmem>>)
      %dma_wait3A_228 = arith.constant 3 : i32
      %dma_wait3A_229 = arith.constant 3 : i32
      %dma_wait3A_230 = arith.constant 0 : i32
      %dma_wait3A_231 = arith.constant 0 : i32
      %dma_wait3A_232 = tpu.memref_slice %arg10[%dma_wait3A_229, %dma_wait3A_230, %dma_wait3A_231] : memref<4x128x128xbf16, #tpu.memory_space<vmem>> -> memref<1x128x128xbf16, #tpu.memory_space<vmem>>
      %dma_wait3A_233 = tpu.memref_squeeze %dma_wait3A_232 : memref<1x128x128xbf16, #tpu.memory_space<vmem>> -> memref<128x128xbf16, #tpu.memory_space<vmem>>
      %dma_wait3A_234 = arith.constant 0 : i32
      %dma_wait3A_235 = tpu.memref_slice %arg8[%dma_wait3A_228, %dma_wait3A_234] : memref<4x128xi32, #tpu.memory_space<vmem>> -> memref<1x128xi32, #tpu.memory_space<vmem>>
      %dma_wait3A_236 = tpu.memref_squeeze %dma_wait3A_235 : memref<1x128xi32, #tpu.memory_space<vmem>> -> memref<128xi32, #tpu.memory_space<vmem>>
      %dma_wait3A_237 = arith.constant 0 : i32
      %dma_wait3A_238 = arith.constant 0 : i32
      %dma_wait3A_239 = tpu.memref_slice %arg2[%dma_wait3A_237, %dma_wait3A_238] : memref<10000x128xbf16, #tpu.memory_space<hbm>> -> memref<10000x128xbf16, #tpu.memory_space<hbm>>
      tpu.wait_indirect_dma semaphore(%arg11 : memref<!tpu.dma_semaphore, #tpu.memory_space<semaphore_mem>>) src(%dma_wait3A_239 : memref<10000x128xbf16, #tpu.memory_space<hbm>>) dst(%dma_wait3A_233 : memref<128x128xbf16, #tpu.memory_space<vmem>>)
      %mul3A_240 = arith.constant 4 : i32
      %mul3A_241 = arith.muli %scan3A_6, %mul3A_240 : i32
      %add3A_242 = arith.constant 0 : i32
      %add3A_243 = arith.addi %mul3A_241, %add3A_242 : i32
      %mul3A_244 = arith.constant 32 : i32
      %mul3A_245 = arith.muli %add3A_243, %mul3A_244 : i32
      %add3A_246 = arith.addi %mul3A_245, %add3A : i32
      %mul3A_247 = arith.constant 128 : i32
      %mul3A_248 = arith.muli %add3A_246, %mul3A_247 : i32
      %dma_start3A_249 = arith.constant 0 : i32
      %dma_start3A_250 = arith.constant 0 : i32
      %dma_start3A_251 = arith.constant 0 : i32
      %dma_start3A_252 = tpu.memref_slice %arg9[%dma_start3A_249, %dma_start3A_250, %dma_start3A_251] : memref<4x128x128xbf16, #tpu.memory_space<vmem>> -> memref<1x128x128xbf16, #tpu.memory_space<vmem>>
      %dma_start3A_253 = tpu.memref_squeeze %dma_start3A_252 : memref<1x128x128xbf16, #tpu.memory_space<vmem>> -> memref<128x128xbf16, #tpu.memory_space<vmem>>
      %dma_start3A_254 = arith.constant 0 : i32
      %dma_start3A_255 = tpu.memref_slice %arg5[%mul3A_248, %dma_start3A_254] : memref<163840x128xbf16, #tpu.memory_space<hbm>> -> memref<128x128xbf16, #tpu.memory_space<hbm>>
      %dma_start3A_256 = arith.constant 0 : i32
      %dma_start3A_257 = tpu.memref_slice %arg5[%mul3A_248, %dma_start3A_256] : memref<163840x128xbf16, #tpu.memory_space<hbm>> -> memref<128x128xbf16, #tpu.memory_space<hbm>>
      %dma_start3A_258 = arith.constant 0 : i32
      %dma_start3A_259 = arith.constant 0 : i32
      %dma_start3A_260 = tpu.memref_slice %arg9[%dma_start3A_249, %dma_start3A_258, %dma_start3A_259] : memref<4x128x128xbf16, #tpu.memory_space<vmem>> -> memref<1x128x128xbf16, #tpu.memory_space<vmem>>
      %dma_start3A_261 = tpu.memref_squeeze %dma_start3A_260 : memref<1x128x128xbf16, #tpu.memory_space<vmem>> -> memref<128x128xbf16, #tpu.memory_space<vmem>>
      tpu.enqueue_dma source(%dma_start3A_261 : memref<128x128xbf16, #tpu.memory_space<vmem>>) target(%dma_start3A_257 : memref<128x128xbf16, #tpu.memory_space<hbm>>) target_semaphore(%arg12 : memref<!tpu.dma_semaphore, #tpu.memory_space<semaphore_mem>>)
      %dma_start3A_262 = arith.constant 0 : i32
      %dma_start3A_263 = arith.constant 0 : i32
      %dma_start3A_264 = arith.constant 0 : i32
      %dma_start3A_265 = tpu.memref_slice %arg10[%dma_start3A_262, %dma_start3A_263, %dma_start3A_264] : memref<4x128x128xbf16, #tpu.memory_space<vmem>> -> memref<1x128x128xbf16, #tpu.memory_space<vmem>>
      %dma_start3A_266 = tpu.memref_squeeze %dma_start3A_265 : memref<1x128x128xbf16, #tpu.memory_space<vmem>> -> memref<128x128xbf16, #tpu.memory_space<vmem>>
      %dma_start3A_267 = arith.constant 0 : i32
      %dma_start3A_268 = tpu.memref_slice %arg6[%mul3A_248, %dma_start3A_267] : memref<163840x128xbf16, #tpu.memory_space<hbm>> -> memref<128x128xbf16, #tpu.memory_space<hbm>>
      %dma_start3A_269 = arith.constant 0 : i32
      %dma_start3A_270 = tpu.memref_slice %arg6[%mul3A_248, %dma_start3A_269] : memref<163840x128xbf16, #tpu.memory_space<hbm>> -> memref<128x128xbf16, #tpu.memory_space<hbm>>
      %dma_start3A_271 = arith.constant 0 : i32
      %dma_start3A_272 = arith.constant 0 : i32
      %dma_start3A_273 = tpu.memref_slice %arg10[%dma_start3A_262, %dma_start3A_271, %dma_start3A_272] : memref<4x128x128xbf16, #tpu.memory_space<vmem>> -> memref<1x128x128xbf16, #tpu.memory_space<vmem>>
      %dma_start3A_274 = tpu.memref_squeeze %dma_start3A_273 : memref<1x128x128xbf16, #tpu.memory_space<vmem>> -> memref<128x128xbf16, #tpu.memory_space<vmem>>
      tpu.enqueue_dma source(%dma_start3A_274 : memref<128x128xbf16, #tpu.memory_space<vmem>>) target(%dma_start3A_270 : memref<128x128xbf16, #tpu.memory_space<hbm>>) target_semaphore(%arg12 : memref<!tpu.dma_semaphore, #tpu.memory_space<semaphore_mem>>)
      %mul3A_275 = arith.constant 4 : i32
      %mul3A_276 = arith.muli %scan3A_6, %mul3A_275 : i32
      %add3A_277 = arith.constant 1 : i32
      %add3A_278 = arith.addi %mul3A_276, %add3A_277 : i32
      %mul3A_279 = arith.constant 32 : i32
      %mul3A_280 = arith.muli %add3A_278, %mul3A_279 : i32
      %add3A_281 = arith.addi %mul3A_280, %add3A : i32
      %mul3A_282 = arith.constant 128 : i32
      %mul3A_283 = arith.muli %add3A_281, %mul3A_282 : i32
      %dma_start3A_284 = arith.constant 1 : i32
      %dma_start3A_285 = arith.constant 0 : i32
      %dma_start3A_286 = arith.constant 0 : i32
      %dma_start3A_287 = tpu.memref_slice %arg9[%dma_start3A_284, %dma_start3A_285, %dma_start3A_286] : memref<4x128x128xbf16, #tpu.memory_space<vmem>> -> memref<1x128x128xbf16, #tpu.memory_space<vmem>>
      %dma_start3A_288 = tpu.memref_squeeze %dma_start3A_287 : memref<1x128x128xbf16, #tpu.memory_space<vmem>> -> memref<128x128xbf16, #tpu.memory_space<vmem>>
      %dma_start3A_289 = arith.constant 0 : i32
      %dma_start3A_290 = tpu.memref_slice %arg5[%mul3A_283, %dma_start3A_289] : memref<163840x128xbf16, #tpu.memory_space<hbm>> -> memref<128x128xbf16, #tpu.memory_space<hbm>>
      %dma_start3A_291 = arith.constant 0 : i32
      %dma_start3A_292 = tpu.memref_slice %arg5[%mul3A_283, %dma_start3A_291] : memref<163840x128xbf16, #tpu.memory_space<hbm>> -> memref<128x128xbf16, #tpu.memory_space<hbm>>
      %dma_start3A_293 = arith.constant 0 : i32
      %dma_start3A_294 = arith.constant 0 : i32
      %dma_start3A_295 = tpu.memref_slice %arg9[%dma_start3A_284, %dma_start3A_293, %dma_start3A_294] : memref<4x128x128xbf16, #tpu.memory_space<vmem>> -> memref<1x128x128xbf16, #tpu.memory_space<vmem>>
      %dma_start3A_296 = tpu.memref_squeeze %dma_start3A_295 : memref<1x128x128xbf16, #tpu.memory_space<vmem>> -> memref<128x128xbf16, #tpu.memory_space<vmem>>
      tpu.enqueue_dma source(%dma_start3A_296 : memref<128x128xbf16, #tpu.memory_space<vmem>>) target(%dma_start3A_292 : memref<128x128xbf16, #tpu.memory_space<hbm>>) target_semaphore(%arg12 : memref<!tpu.dma_semaphore, #tpu.memory_space<semaphore_mem>>)
      %dma_start3A_297 = arith.constant 1 : i32
      %dma_start3A_298 = arith.constant 0 : i32
      %dma_start3A_299 = arith.constant 0 : i32
      %dma_start3A_300 = tpu.memref_slice %arg10[%dma_start3A_297, %dma_start3A_298, %dma_start3A_299] : memref<4x128x128xbf16, #tpu.memory_space<vmem>> -> memref<1x128x128xbf16, #tpu.memory_space<vmem>>
      %dma_start3A_301 = tpu.memref_squeeze %dma_start3A_300 : memref<1x128x128xbf16, #tpu.memory_space<vmem>> -> memref<128x128xbf16, #tpu.memory_space<vmem>>
      %dma_start3A_302 = arith.constant 0 : i32
      %dma_start3A_303 = tpu.memref_slice %arg6[%mul3A_283, %dma_start3A_302] : memref<163840x128xbf16, #tpu.memory_space<hbm>> -> memref<128x128xbf16, #tpu.memory_space<hbm>>
      %dma_start3A_304 = arith.constant 0 : i32
      %dma_start3A_305 = tpu.memref_slice %arg6[%mul3A_283, %dma_start3A_304] : memref<163840x128xbf16, #tpu.memory_space<hbm>> -> memref<128x128xbf16, #tpu.memory_space<hbm>>
      %dma_start3A_306 = arith.constant 0 : i32
      %dma_start3A_307 = arith.constant 0 : i32
      %dma_start3A_308 = tpu.memref_slice %arg10[%dma_start3A_297, %dma_start3A_306, %dma_start3A_307] : memref<4x128x128xbf16, #tpu.memory_space<vmem>> -> memref<1x128x128xbf16, #tpu.memory_space<vmem>>
      %dma_start3A_309 = tpu.memref_squeeze %dma_start3A_308 : memref<1x128x128xbf16, #tpu.memory_space<vmem>> -> memref<128x128xbf16, #tpu.memory_space<vmem>>
      tpu.enqueue_dma source(%dma_start3A_309 : memref<128x128xbf16, #tpu.memory_space<vmem>>) target(%dma_start3A_305 : memref<128x128xbf16, #tpu.memory_space<hbm>>) target_semaphore(%arg12 : memref<!tpu.dma_semaphore, #tpu.memory_space<semaphore_mem>>)
      %mul3A_310 = arith.constant 4 : i32
      %mul3A_311 = arith.muli %scan3A_6, %mul3A_310 : i32
      %add3A_312 = arith.constant 2 : i32
      %add3A_313 = arith.addi %mul3A_311, %add3A_312 : i32
      %mul3A_314 = arith.constant 32 : i32
      %mul3A_315 = arith.muli %add3A_313, %mul3A_314 : i32
      %add3A_316 = arith.addi %mul3A_315, %add3A : i32
      %mul3A_317 = arith.constant 128 : i32
      %mul3A_318 = arith.muli %add3A_316, %mul3A_317 : i32
      %dma_start3A_319 = arith.constant 2 : i32
      %dma_start3A_320 = arith.constant 0 : i32
      %dma_start3A_321 = arith.constant 0 : i32
      %dma_start3A_322 = tpu.memref_slice %arg9[%dma_start3A_319, %dma_start3A_320, %dma_start3A_321] : memref<4x128x128xbf16, #tpu.memory_space<vmem>> -> memref<1x128x128xbf16, #tpu.memory_space<vmem>>
      %dma_start3A_323 = tpu.memref_squeeze %dma_start3A_322 : memref<1x128x128xbf16, #tpu.memory_space<vmem>> -> memref<128x128xbf16, #tpu.memory_space<vmem>>
      %dma_start3A_324 = arith.constant 0 : i32
      %dma_start3A_325 = tpu.memref_slice %arg5[%mul3A_318, %dma_start3A_324] : memref<163840x128xbf16, #tpu.memory_space<hbm>> -> memref<128x128xbf16, #tpu.memory_space<hbm>>
      %dma_start3A_326 = arith.constant 0 : i32
      %dma_start3A_327 = tpu.memref_slice %arg5[%mul3A_318, %dma_start3A_326] : memref<163840x128xbf16, #tpu.memory_space<hbm>> -> memref<128x128xbf16, #tpu.memory_space<hbm>>
      %dma_start3A_328 = arith.constant 0 : i32
      %dma_start3A_329 = arith.constant 0 : i32
      %dma_start3A_330 = tpu.memref_slice %arg9[%dma_start3A_319, %dma_start3A_328, %dma_start3A_329] : memref<4x128x128xbf16, #tpu.memory_space<vmem>> -> memref<1x128x128xbf16, #tpu.memory_space<vmem>>
      %dma_start3A_331 = tpu.memref_squeeze %dma_start3A_330 : memref<1x128x128xbf16, #tpu.memory_space<vmem>> -> memref<128x128xbf16, #tpu.memory_space<vmem>>
      tpu.enqueue_dma source(%dma_start3A_331 : memref<128x128xbf16, #tpu.memory_space<vmem>>) target(%dma_start3A_327 : memref<128x128xbf16, #tpu.memory_space<hbm>>) target_semaphore(%arg12 : memref<!tpu.dma_semaphore, #tpu.memory_space<semaphore_mem>>)
      %dma_start3A_332 = arith.constant 2 : i32
      %dma_start3A_333 = arith.constant 0 : i32
      %dma_start3A_334 = arith.constant 0 : i32
      %dma_start3A_335 = tpu.memref_slice %arg10[%dma_start3A_332, %dma_start3A_333, %dma_start3A_334] : memref<4x128x128xbf16, #tpu.memory_space<vmem>> -> memref<1x128x128xbf16, #tpu.memory_space<vmem>>
      %dma_start3A_336 = tpu.memref_squeeze %dma_start3A_335 : memref<1x128x128xbf16, #tpu.memory_space<vmem>> -> memref<128x128xbf16, #tpu.memory_space<vmem>>
      %dma_start3A_337 = arith.constant 0 : i32
      %dma_start3A_338 = tpu.memref_slice %arg6[%mul3A_318, %dma_start3A_337] : memref<163840x128xbf16, #tpu.memory_space<hbm>> -> memref<128x128xbf16, #tpu.memory_space<hbm>>
      %dma_start3A_339 = arith.constant 0 : i32
      %dma_start3A_340 = tpu.memref_slice %arg6[%mul3A_318, %dma_start3A_339] : memref<163840x128xbf16, #tpu.memory_space<hbm>> -> memref<128x128xbf16, #tpu.memory_space<hbm>>
      %dma_start3A_341 = arith.constant 0 : i32
      %dma_start3A_342 = arith.constant 0 : i32
      %dma_start3A_343 = tpu.memref_slice %arg10[%dma_start3A_332, %dma_start3A_341, %dma_start3A_342] : memref<4x128x128xbf16, #tpu.memory_space<vmem>> -> memref<1x128x128xbf16, #tpu.memory_space<vmem>>
      %dma_start3A_344 = tpu.memref_squeeze %dma_start3A_343 : memref<1x128x128xbf16, #tpu.memory_space<vmem>> -> memref<128x128xbf16, #tpu.memory_space<vmem>>
      tpu.enqueue_dma source(%dma_start3A_344 : memref<128x128xbf16, #tpu.memory_space<vmem>>) target(%dma_start3A_340 : memref<128x128xbf16, #tpu.memory_space<hbm>>) target_semaphore(%arg12 : memref<!tpu.dma_semaphore, #tpu.memory_space<semaphore_mem>>)
      %mul3A_345 = arith.constant 4 : i32
      %mul3A_346 = arith.muli %scan3A_6, %mul3A_345 : i32
      %add3A_347 = arith.constant 3 : i32
      %add3A_348 = arith.addi %mul3A_346, %add3A_347 : i32
      %mul3A_349 = arith.constant 32 : i32
      %mul3A_350 = arith.muli %add3A_348, %mul3A_349 : i32
      %add3A_351 = arith.addi %mul3A_350, %add3A : i32
      %mul3A_352 = arith.constant 128 : i32
      %mul3A_353 = arith.muli %add3A_351, %mul3A_352 : i32
      %dma_start3A_354 = arith.constant 3 : i32
      %dma_start3A_355 = arith.constant 0 : i32
      %dma_start3A_356 = arith.constant 0 : i32
      %dma_start3A_357 = tpu.memref_slice %arg9[%dma_start3A_354, %dma_start3A_355, %dma_start3A_356] : memref<4x128x128xbf16, #tpu.memory_space<vmem>> -> memref<1x128x128xbf16, #tpu.memory_space<vmem>>
      %dma_start3A_358 = tpu.memref_squeeze %dma_start3A_357 : memref<1x128x128xbf16, #tpu.memory_space<vmem>> -> memref<128x128xbf16, #tpu.memory_space<vmem>>
      %dma_start3A_359 = arith.constant 0 : i32
      %dma_start3A_360 = tpu.memref_slice %arg5[%mul3A_353, %dma_start3A_359] : memref<163840x128xbf16, #tpu.memory_space<hbm>> -> memref<128x128xbf16, #tpu.memory_space<hbm>>
      %dma_start3A_361 = arith.constant 0 : i32
      %dma_start3A_362 = tpu.memref_slice %arg5[%mul3A_353, %dma_start3A_361] : memref<163840x128xbf16, #tpu.memory_space<hbm>> -> memref<128x128xbf16, #tpu.memory_space<hbm>>
      %dma_start3A_363 = arith.constant 0 : i32
      %dma_start3A_364 = arith.constant 0 : i32
      %dma_start3A_365 = tpu.memref_slice %arg9[%dma_start3A_354, %dma_start3A_363, %dma_start3A_364] : memref<4x128x128xbf16, #tpu.memory_space<vmem>> -> memref<1x128x128xbf16, #tpu.memory_space<vmem>>
      %dma_start3A_366 = tpu.memref_squeeze %dma_start3A_365 : memref<1x128x128xbf16, #tpu.memory_space<vmem>> -> memref<128x128xbf16, #tpu.memory_space<vmem>>
      tpu.enqueue_dma source(%dma_start3A_366 : memref<128x128xbf16, #tpu.memory_space<vmem>>) target(%dma_start3A_362 : memref<128x128xbf16, #tpu.memory_space<hbm>>) target_semaphore(%arg12 : memref<!tpu.dma_semaphore, #tpu.memory_space<semaphore_mem>>)
      %dma_start3A_367 = arith.constant 3 : i32
      %dma_start3A_368 = arith.constant 0 : i32
      %dma_start3A_369 = arith.constant 0 : i32
      %dma_start3A_370 = tpu.memref_slice %arg10[%dma_start3A_367, %dma_start3A_368, %dma_start3A_369] : memref<4x128x128xbf16, #tpu.memory_space<vmem>> -> memref<1x128x128xbf16, #tpu.memory_space<vmem>>
      %dma_start3A_371 = tpu.memref_squeeze %dma_start3A_370 : memref<1x128x128xbf16, #tpu.memory_space<vmem>> -> memref<128x128xbf16, #tpu.memory_space<vmem>>
      %dma_start3A_372 = arith.constant 0 : i32
      %dma_start3A_373 = tpu.memref_slice %arg6[%mul3A_353, %dma_start3A_372] : memref<163840x128xbf16, #tpu.memory_space<hbm>> -> memref<128x128xbf16, #tpu.memory_space<hbm>>
      %dma_start3A_374 = arith.constant 0 : i32
      %dma_start3A_375 = tpu.memref_slice %arg6[%mul3A_353, %dma_start3A_374] : memref<163840x128xbf16, #tpu.memory_space<hbm>> -> memref<128x128xbf16, #tpu.memory_space<hbm>>
      %dma_start3A_376 = arith.constant 0 : i32
      %dma_start3A_377 = arith.constant 0 : i32
      %dma_start3A_378 = tpu.memref_slice %arg10[%dma_start3A_367, %dma_start3A_376, %dma_start3A_377] : memref<4x128x128xbf16, #tpu.memory_space<vmem>> -> memref<1x128x128xbf16, #tpu.memory_space<vmem>>
      %dma_start3A_379 = tpu.memref_squeeze %dma_start3A_378 : memref<1x128x128xbf16, #tpu.memory_space<vmem>> -> memref<128x128xbf16, #tpu.memory_space<vmem>>
      tpu.enqueue_dma source(%dma_start3A_379 : memref<128x128xbf16, #tpu.memory_space<vmem>>) target(%dma_start3A_375 : memref<128x128xbf16, #tpu.memory_space<hbm>>) target_semaphore(%arg12 : memref<!tpu.dma_semaphore, #tpu.memory_space<semaphore_mem>>)
      %dma_wait3A_380 = arith.constant 0 : i32
      %dma_wait3A_381 = arith.constant 0 : i32
      %dma_wait3A_382 = arith.constant 0 : i32
      %dma_wait3A_383 = tpu.memref_slice %arg9[%dma_wait3A_380, %dma_wait3A_381, %dma_wait3A_382] : memref<4x128x128xbf16, #tpu.memory_space<vmem>> -> memref<1x128x128xbf16, #tpu.memory_space<vmem>>
      %dma_wait3A_384 = tpu.memref_squeeze %dma_wait3A_383 : memref<1x128x128xbf16, #tpu.memory_space<vmem>> -> memref<128x128xbf16, #tpu.memory_space<vmem>>
      %dma_wait3A_385 = arith.constant 0 : i32
      %dma_wait3A_386 = tpu.memref_slice %arg5[%mul3A_248, %dma_wait3A_385] : memref<163840x128xbf16, #tpu.memory_space<hbm>> -> memref<128x128xbf16, #tpu.memory_space<hbm>>
      %dma_wait3A_387 = arith.constant 0 : i32
      %dma_wait3A_388 = tpu.memref_slice %arg5[%mul3A_248, %dma_wait3A_387] : memref<163840x128xbf16, #tpu.memory_space<hbm>> -> memref<128x128xbf16, #tpu.memory_space<hbm>>
      %dma_wait3A_389 = arith.constant 0 : i32
      %dma_wait3A_390 = arith.constant 0 : i32
      %dma_wait3A_391 = tpu.memref_slice %arg9[%dma_wait3A_380, %dma_wait3A_389, %dma_wait3A_390] : memref<4x128x128xbf16, #tpu.memory_space<vmem>> -> memref<1x128x128xbf16, #tpu.memory_space<vmem>>
      %dma_wait3A_392 = tpu.memref_squeeze %dma_wait3A_391 : memref<1x128x128xbf16, #tpu.memory_space<vmem>> -> memref<128x128xbf16, #tpu.memory_space<vmem>>
      tpu.wait_dma2 semaphore(%arg12 : memref<!tpu.dma_semaphore, #tpu.memory_space<semaphore_mem>>) src(%dma_wait3A_392 : memref<128x128xbf16, #tpu.memory_space<vmem>>) dst(%dma_wait3A_388 : memref<128x128xbf16, #tpu.memory_space<hbm>>)
      %dma_wait3A_393 = arith.constant 0 : i32
      %dma_wait3A_394 = arith.constant 0 : i32
      %dma_wait3A_395 = arith.constant 0 : i32
      %dma_wait3A_396 = tpu.memref_slice %arg10[%dma_wait3A_393, %dma_wait3A_394, %dma_wait3A_395] : memref<4x128x128xbf16, #tpu.memory_space<vmem>> -> memref<1x128x128xbf16, #tpu.memory_space<vmem>>
      %dma_wait3A_397 = tpu.memref_squeeze %dma_wait3A_396 : memref<1x128x128xbf16, #tpu.memory_space<vmem>> -> memref<128x128xbf16, #tpu.memory_space<vmem>>
      %dma_wait3A_398 = arith.constant 0 : i32
      %dma_wait3A_399 = tpu.memref_slice %arg6[%mul3A_248, %dma_wait3A_398] : memref<163840x128xbf16, #tpu.memory_space<hbm>> -> memref<128x128xbf16, #tpu.memory_space<hbm>>
      %dma_wait3A_400 = arith.constant 0 : i32
      %dma_wait3A_401 = tpu.memref_slice %arg6[%mul3A_248, %dma_wait3A_400] : memref<163840x128xbf16, #tpu.memory_space<hbm>> -> memref<128x128xbf16, #tpu.memory_space<hbm>>
      %dma_wait3A_402 = arith.constant 0 : i32
      %dma_wait3A_403 = arith.constant 0 : i32
      %dma_wait3A_404 = tpu.memref_slice %arg10[%dma_wait3A_393, %dma_wait3A_402, %dma_wait3A_403] : memref<4x128x128xbf16, #tpu.memory_space<vmem>> -> memref<1x128x128xbf16, #tpu.memory_space<vmem>>
      %dma_wait3A_405 = tpu.memref_squeeze %dma_wait3A_404 : memref<1x128x128xbf16, #tpu.memory_space<vmem>> -> memref<128x128xbf16, #tpu.memory_space<vmem>>
      tpu.wait_dma2 semaphore(%arg12 : memref<!tpu.dma_semaphore, #tpu.memory_space<semaphore_mem>>) src(%dma_wait3A_405 : memref<128x128xbf16, #tpu.memory_space<vmem>>) dst(%dma_wait3A_401 : memref<128x128xbf16, #tpu.memory_space<hbm>>)
      %dma_wait3A_406 = arith.constant 1 : i32
      %dma_wait3A_407 = arith.constant 0 : i32
      %dma_wait3A_408 = arith.constant 0 : i32
      %dma_wait3A_409 = tpu.memref_slice %arg9[%dma_wait3A_406, %dma_wait3A_407, %dma_wait3A_408] : memref<4x128x128xbf16, #tpu.memory_space<vmem>> -> memref<1x128x128xbf16, #tpu.memory_space<vmem>>
      %dma_wait3A_410 = tpu.memref_squeeze %dma_wait3A_409 : memref<1x128x128xbf16, #tpu.memory_space<vmem>> -> memref<128x128xbf16, #tpu.memory_space<vmem>>
      %dma_wait3A_411 = arith.constant 0 : i32
      %dma_wait3A_412 = tpu.memref_slice %arg5[%mul3A_283, %dma_wait3A_411] : memref<163840x128xbf16, #tpu.memory_space<hbm>> -> memref<128x128xbf16, #tpu.memory_space<hbm>>
      %dma_wait3A_413 = arith.constant 0 : i32
      %dma_wait3A_414 = tpu.memref_slice %arg5[%mul3A_283, %dma_wait3A_413] : memref<163840x128xbf16, #tpu.memory_space<hbm>> -> memref<128x128xbf16, #tpu.memory_space<hbm>>
      %dma_wait3A_415 = arith.constant 0 : i32
      %dma_wait3A_416 = arith.constant 0 : i32
      %dma_wait3A_417 = tpu.memref_slice %arg9[%dma_wait3A_406, %dma_wait3A_415, %dma_wait3A_416] : memref<4x128x128xbf16, #tpu.memory_space<vmem>> -> memref<1x128x128xbf16, #tpu.memory_space<vmem>>
      %dma_wait3A_418 = tpu.memref_squeeze %dma_wait3A_417 : memref<1x128x128xbf16, #tpu.memory_space<vmem>> -> memref<128x128xbf16, #tpu.memory_space<vmem>>
      tpu.wait_dma2 semaphore(%arg12 : memref<!tpu.dma_semaphore, #tpu.memory_space<semaphore_mem>>) src(%dma_wait3A_418 : memref<128x128xbf16, #tpu.memory_space<vmem>>) dst(%dma_wait3A_414 : memref<128x128xbf16, #tpu.memory_space<hbm>>)
      %dma_wait3A_419 = arith.constant 1 : i32
      %dma_wait3A_420 = arith.constant 0 : i32
      %dma_wait3A_421 = arith.constant 0 : i32
      %dma_wait3A_422 = tpu.memref_slice %arg10[%dma_wait3A_419, %dma_wait3A_420, %dma_wait3A_421] : memref<4x128x128xbf16, #tpu.memory_space<vmem>> -> memref<1x128x128xbf16, #tpu.memory_space<vmem>>
      %dma_wait3A_423 = tpu.memref_squeeze %dma_wait3A_422 : memref<1x128x128xbf16, #tpu.memory_space<vmem>> -> memref<128x128xbf16, #tpu.memory_space<vmem>>
      %dma_wait3A_424 = arith.constant 0 : i32
      %dma_wait3A_425 = tpu.memref_slice %arg6[%mul3A_283, %dma_wait3A_424] : memref<163840x128xbf16, #tpu.memory_space<hbm>> -> memref<128x128xbf16, #tpu.memory_space<hbm>>
      %dma_wait3A_426 = arith.constant 0 : i32
      %dma_wait3A_427 = tpu.memref_slice %arg6[%mul3A_283, %dma_wait3A_426] : memref<163840x128xbf16, #tpu.memory_space<hbm>> -> memref<128x128xbf16, #tpu.memory_space<hbm>>
      %dma_wait3A_428 = arith.constant 0 : i32
      %dma_wait3A_429 = arith.constant 0 : i32
      %dma_wait3A_430 = tpu.memref_slice %arg10[%dma_wait3A_419, %dma_wait3A_428, %dma_wait3A_429] : memref<4x128x128xbf16, #tpu.memory_space<vmem>> -> memref<1x128x128xbf16, #tpu.memory_space<vmem>>
      %dma_wait3A_431 = tpu.memref_squeeze %dma_wait3A_430 : memref<1x128x128xbf16, #tpu.memory_space<vmem>> -> memref<128x128xbf16, #tpu.memory_space<vmem>>
      tpu.wait_dma2 semaphore(%arg12 : memref<!tpu.dma_semaphore, #tpu.memory_space<semaphore_mem>>) src(%dma_wait3A_431 : memref<128x128xbf16, #tpu.memory_space<vmem>>) dst(%dma_wait3A_427 : memref<128x128xbf16, #tpu.memory_space<hbm>>)
      %dma_wait3A_432 = arith.constant 2 : i32
      %dma_wait3A_433 = arith.constant 0 : i32
      %dma_wait3A_434 = arith.constant 0 : i32
      %dma_wait3A_435 = tpu.memref_slice %arg9[%dma_wait3A_432, %dma_wait3A_433, %dma_wait3A_434] : memref<4x128x128xbf16, #tpu.memory_space<vmem>> -> memref<1x128x128xbf16, #tpu.memory_space<vmem>>
      %dma_wait3A_436 = tpu.memref_squeeze %dma_wait3A_435 : memref<1x128x128xbf16, #tpu.memory_space<vmem>> -> memref<128x128xbf16, #tpu.memory_space<vmem>>
      %dma_wait3A_437 = arith.constant 0 : i32
      %dma_wait3A_438 = tpu.memref_slice %arg5[%mul3A_318, %dma_wait3A_437] : memref<163840x128xbf16, #tpu.memory_space<hbm>> -> memref<128x128xbf16, #tpu.memory_space<hbm>>
      %dma_wait3A_439 = arith.constant 0 : i32
      %dma_wait3A_440 = tpu.memref_slice %arg5[%mul3A_318, %dma_wait3A_439] : memref<163840x128xbf16, #tpu.memory_space<hbm>> -> memref<128x128xbf16, #tpu.memory_space<hbm>>
      %dma_wait3A_441 = arith.constant 0 : i32
      %dma_wait3A_442 = arith.constant 0 : i32
      %dma_wait3A_443 = tpu.memref_slice %arg9[%dma_wait3A_432, %dma_wait3A_441, %dma_wait3A_442] : memref<4x128x128xbf16, #tpu.memory_space<vmem>> -> memref<1x128x128xbf16, #tpu.memory_space<vmem>>
      %dma_wait3A_444 = tpu.memref_squeeze %dma_wait3A_443 : memref<1x128x128xbf16, #tpu.memory_space<vmem>> -> memref<128x128xbf16, #tpu.memory_space<vmem>>
      tpu.wait_dma2 semaphore(%arg12 : memref<!tpu.dma_semaphore, #tpu.memory_space<semaphore_mem>>) src(%dma_wait3A_444 : memref<128x128xbf16, #tpu.memory_space<vmem>>) dst(%dma_wait3A_440 : memref<128x128xbf16, #tpu.memory_space<hbm>>)
      %dma_wait3A_445 = arith.constant 2 : i32
      %dma_wait3A_446 = arith.constant 0 : i32
      %dma_wait3A_447 = arith.constant 0 : i32
      %dma_wait3A_448 = tpu.memref_slice %arg10[%dma_wait3A_445, %dma_wait3A_446, %dma_wait3A_447] : memref<4x128x128xbf16, #tpu.memory_space<vmem>> -> memref<1x128x128xbf16, #tpu.memory_space<vmem>>
      %dma_wait3A_449 = tpu.memref_squeeze %dma_wait3A_448 : memref<1x128x128xbf16, #tpu.memory_space<vmem>> -> memref<128x128xbf16, #tpu.memory_space<vmem>>
      %dma_wait3A_450 = arith.constant 0 : i32
      %dma_wait3A_451 = tpu.memref_slice %arg6[%mul3A_318, %dma_wait3A_450] : memref<163840x128xbf16, #tpu.memory_space<hbm>> -> memref<128x128xbf16, #tpu.memory_space<hbm>>
      %dma_wait3A_452 = arith.constant 0 : i32
      %dma_wait3A_453 = tpu.memref_slice %arg6[%mul3A_318, %dma_wait3A_452] : memref<163840x128xbf16, #tpu.memory_space<hbm>> -> memref<128x128xbf16, #tpu.memory_space<hbm>>
      %dma_wait3A_454 = arith.constant 0 : i32
      %dma_wait3A_455 = arith.constant 0 : i32
      %dma_wait3A_456 = tpu.memref_slice %arg10[%dma_wait3A_445, %dma_wait3A_454, %dma_wait3A_455] : memref<4x128x128xbf16, #tpu.memory_space<vmem>> -> memref<1x128x128xbf16, #tpu.memory_space<vmem>>
      %dma_wait3A_457 = tpu.memref_squeeze %dma_wait3A_456 : memref<1x128x128xbf16, #tpu.memory_space<vmem>> -> memref<128x128xbf16, #tpu.memory_space<vmem>>
      tpu.wait_dma2 semaphore(%arg12 : memref<!tpu.dma_semaphore, #tpu.memory_space<semaphore_mem>>) src(%dma_wait3A_457 : memref<128x128xbf16, #tpu.memory_space<vmem>>) dst(%dma_wait3A_453 : memref<128x128xbf16, #tpu.memory_space<hbm>>)
      %dma_wait3A_458 = arith.constant 3 : i32
      %dma_wait3A_459 = arith.constant 0 : i32
      %dma_wait3A_460 = arith.constant 0 : i32
      %dma_wait3A_461 = tpu.memref_slice %arg9[%dma_wait3A_458, %dma_wait3A_459, %dma_wait3A_460] : memref<4x128x128xbf16, #tpu.memory_space<vmem>> -> memref<1x128x128xbf16, #tpu.memory_space<vmem>>
      %dma_wait3A_462 = tpu.memref_squeeze %dma_wait3A_461 : memref<1x128x128xbf16, #tpu.memory_space<vmem>> -> memref<128x128xbf16, #tpu.memory_space<vmem>>
      %dma_wait3A_463 = arith.constant 0 : i32
      %dma_wait3A_464 = tpu.memref_slice %arg5[%mul3A_353, %dma_wait3A_463] : memref<163840x128xbf16, #tpu.memory_space<hbm>> -> memref<128x128xbf16, #tpu.memory_space<hbm>>
      %dma_wait3A_465 = arith.constant 0 : i32
      %dma_wait3A_466 = tpu.memref_slice %arg5[%mul3A_353, %dma_wait3A_465] : memref<163840x128xbf16, #tpu.memory_space<hbm>> -> memref<128x128xbf16, #tpu.memory_space<hbm>>
      %dma_wait3A_467 = arith.constant 0 : i32
      %dma_wait3A_468 = arith.constant 0 : i32
      %dma_wait3A_469 = tpu.memref_slice %arg9[%dma_wait3A_458, %dma_wait3A_467, %dma_wait3A_468] : memref<4x128x128xbf16, #tpu.memory_space<vmem>> -> memref<1x128x128xbf16, #tpu.memory_space<vmem>>
      %dma_wait3A_470 = tpu.memref_squeeze %dma_wait3A_469 : memref<1x128x128xbf16, #tpu.memory_space<vmem>> -> memref<128x128xbf16, #tpu.memory_space<vmem>>
      tpu.wait_dma2 semaphore(%arg12 : memref<!tpu.dma_semaphore, #tpu.memory_space<semaphore_mem>>) src(%dma_wait3A_470 : memref<128x128xbf16, #tpu.memory_space<vmem>>) dst(%dma_wait3A_466 : memref<128x128xbf16, #tpu.memory_space<hbm>>)
      %dma_wait3A_471 = arith.constant 3 : i32
      %dma_wait3A_472 = arith.constant 0 : i32
      %dma_wait3A_473 = arith.constant 0 : i32
      %dma_wait3A_474 = tpu.memref_slice %arg10[%dma_wait3A_471, %dma_wait3A_472, %dma_wait3A_473] : memref<4x128x128xbf16, #tpu.memory_space<vmem>> -> memref<1x128x128xbf16, #tpu.memory_space<vmem>>
      %dma_wait3A_475 = tpu.memref_squeeze %dma_wait3A_474 : memref<1x128x128xbf16, #tpu.memory_space<vmem>> -> memref<128x128xbf16, #tpu.memory_space<vmem>>
      %dma_wait3A_476 = arith.constant 0 : i32
      %dma_wait3A_477 = tpu.memref_slice %arg6[%mul3A_353, %dma_wait3A_476] : memref<163840x128xbf16, #tpu.memory_space<hbm>> -> memref<128x128xbf16, #tpu.memory_space<hbm>>
      %dma_wait3A_478 = arith.constant 0 : i32
      %dma_wait3A_479 = tpu.memref_slice %arg6[%mul3A_353, %dma_wait3A_478] : memref<163840x128xbf16, #tpu.memory_space<hbm>> -> memref<128x128xbf16, #tpu.memory_space<hbm>>
      %dma_wait3A_480 = arith.constant 0 : i32
      %dma_wait3A_481 = arith.constant 0 : i32
      %dma_wait3A_482 = tpu.memref_slice %arg10[%dma_wait3A_471, %dma_wait3A_480, %dma_wait3A_481] : memref<4x128x128xbf16, #tpu.memory_space<vmem>> -> memref<1x128x128xbf16, #tpu.memory_space<vmem>>
      %dma_wait3A_483 = tpu.memref_squeeze %dma_wait3A_482 : memref<1x128x128xbf16, #tpu.memory_space<vmem>> -> memref<128x128xbf16, #tpu.memory_space<vmem>>
      tpu.wait_dma2 semaphore(%arg12 : memref<!tpu.dma_semaphore, #tpu.memory_space<semaphore_mem>>) src(%dma_wait3A_483 : memref<128x128xbf16, #tpu.memory_space<vmem>>) dst(%dma_wait3A_479 : memref<128x128xbf16, #tpu.memory_space<hbm>>)
    }
    %scan3A_5 = arith.constant 10 : i32
    return
  }
}

#map = affine_map<(d0, d1) -> (0, 0)>
#map1 = affine_map<(d0, d1) -> (0)>
#map2 = affine_map<(d0, d1) -> (0, 0, 0)>
module attributes {stable_mosaic.version = 14 : i64} {
  func.func @body(%arg0: i32, %arg1: i32, %arg2: memref<163840x16xf32, #tpu.memory_space<hbm>>, %arg3: memref<163840xi32, #tpu.memory_space<hbm>>, %arg4: memref<64x16xf32, #tpu.memory_space<hbm>>, %arg5: memref<128x16xf32, #tpu.memory_space<hbm>>, %arg6: memref<2x10240x16xf32, #tpu.memory_space<hbm>>, %arg7: memref<2x10240x16xf32, #tpu.memory_space<hbm>>, %arg8: memref<128xi32, #tpu.memory_space<vmem>>, %arg9: memref<128x16xf32, #tpu.memory_space<vmem>>, %arg10: memref<128x16xf32, #tpu.memory_space<vmem>>, %arg11: memref<64x16xf32, #tpu.memory_space<vmem>>, %arg12: memref<10240x16xf32, #tpu.memory_space<vmem_shared>>, %arg13: memref<10240x16xf32, #tpu.memory_space<vmem_shared>>, %arg14: memref<!tpu.dma_semaphore, #tpu.memory_space<semaphore_mem>>) attributes {dimension_semantics = [#tpu.dimension_semantics<core_parallel>, #tpu.dimension_semantics<subcore_parallel>], iteration_bounds = array<i64: 2, 16>, scalar_prefetch = 0 : i64, scratch_operands = 7 : i64, tpu.core_type = #tpu.core_type<sc_vector_subcore>, window_params = [{transform_indices = #map}, {transform_indices = #map1}, {transform_indices = #map}, {transform_indices = #map}, {transform_indices = #map2}, {transform_indices = #map2}]} {
    %mul3A = arith.constant 2 : i32
    %mul3A_0 = arith.muli %arg1, %mul3A : i32
    %add3A = arith.addi %mul3A_0, %arg0 : i32
    %mul3A_1 = arith.constant 640 : i32
    %mul3A_2 = arith.muli %arg1, %mul3A_1 : i32
    "tpu.region"() ({
      %run_scoped3A = tpu.sem_alloc : memref<!tpu.dma_semaphore, #tpu.memory_space<semaphore_mem>>
      tpu.enqueue_dma source(%arg4 : memref<64x16xf32, #tpu.memory_space<hbm>>) target(%arg11 : memref<64x16xf32, #tpu.memory_space<vmem>>) target_semaphore(%run_scoped3A : memref<!tpu.dma_semaphore, #tpu.memory_space<semaphore_mem>>)
      tpu.wait_dma2 semaphore(%run_scoped3A : memref<!tpu.dma_semaphore, #tpu.memory_space<semaphore_mem>>) src(%arg4 : memref<64x16xf32, #tpu.memory_space<hbm>>) dst(%arg11 : memref<64x16xf32, #tpu.memory_space<vmem>>)
      tpu.yield
    }) : () -> ()
    %scan3A = arith.constant 0 : i32
    %scan3A_3 = arith.constant 0 : i32
    %scan3A_4 = arith.constant 10 : i32
    %scan3A_5 = arith.addi %scan3A_3, %scan3A_4 : i32
    %scan3A_6 = arith.constant 1 : i32
    scf.for %scan3A_21 = %scan3A_3 to %scan3A_5 step %scan3A_6  : i32 {
      %mul3A_22 = arith.constant 64 : i32
      %mul3A_23 = arith.muli %scan3A_21, %mul3A_22 : i32
      %add3A_24 = arith.addi %mul3A_2, %mul3A_23 : i32
      "tpu.region"() ({
        %run_scoped3A = tpu.sem_alloc : memref<!tpu.dma_semaphore, #tpu.memory_space<semaphore_mem>>
        %dma_start3A = arith.constant 0 : i32
        %dma_start3A_25 = tpu.memref_slice %arg12[%add3A_24, %dma_start3A] : memref<10240x16xf32, #tpu.memory_space<vmem_shared>> -> memref<64x16xf32, #tpu.memory_space<vmem_shared>>
        %dma_start3A_26 = arith.constant 0 : i32
        %dma_start3A_27 = tpu.memref_slice %arg12[%add3A_24, %dma_start3A_26] : memref<10240x16xf32, #tpu.memory_space<vmem_shared>> -> memref<64x16xf32, #tpu.memory_space<vmem_shared>>
        tpu.enqueue_dma source(%arg11 : memref<64x16xf32, #tpu.memory_space<vmem>>) target(%dma_start3A_27 : memref<64x16xf32, #tpu.memory_space<vmem_shared>>) target_semaphore(%run_scoped3A : memref<!tpu.dma_semaphore, #tpu.memory_space<semaphore_mem>>)
        %dma_wait3A = arith.constant 0 : i32
        %dma_wait3A_28 = tpu.memref_slice %arg12[%add3A_24, %dma_wait3A] : memref<10240x16xf32, #tpu.memory_space<vmem_shared>> -> memref<64x16xf32, #tpu.memory_space<vmem_shared>>
        %dma_wait3A_29 = arith.constant 0 : i32
        %dma_wait3A_30 = tpu.memref_slice %arg12[%add3A_24, %dma_wait3A_29] : memref<10240x16xf32, #tpu.memory_space<vmem_shared>> -> memref<64x16xf32, #tpu.memory_space<vmem_shared>>
        tpu.wait_dma2 semaphore(%run_scoped3A : memref<!tpu.dma_semaphore, #tpu.memory_space<semaphore_mem>>) src(%arg11 : memref<64x16xf32, #tpu.memory_space<vmem>>) dst(%dma_wait3A_30 : memref<64x16xf32, #tpu.memory_space<vmem_shared>>)
        tpu.yield
      }) : () -> ()
      "tpu.region"() ({
        %run_scoped3A = tpu.sem_alloc : memref<!tpu.dma_semaphore, #tpu.memory_space<semaphore_mem>>
        %dma_start3A = arith.constant 0 : i32
        %dma_start3A_25 = tpu.memref_slice %arg13[%add3A_24, %dma_start3A] : memref<10240x16xf32, #tpu.memory_space<vmem_shared>> -> memref<64x16xf32, #tpu.memory_space<vmem_shared>>
        %dma_start3A_26 = arith.constant 0 : i32
        %dma_start3A_27 = tpu.memref_slice %arg13[%add3A_24, %dma_start3A_26] : memref<10240x16xf32, #tpu.memory_space<vmem_shared>> -> memref<64x16xf32, #tpu.memory_space<vmem_shared>>
        tpu.enqueue_dma source(%arg11 : memref<64x16xf32, #tpu.memory_space<vmem>>) target(%dma_start3A_27 : memref<64x16xf32, #tpu.memory_space<vmem_shared>>) target_semaphore(%run_scoped3A : memref<!tpu.dma_semaphore, #tpu.memory_space<semaphore_mem>>)
        %dma_wait3A = arith.constant 0 : i32
        %dma_wait3A_28 = tpu.memref_slice %arg13[%add3A_24, %dma_wait3A] : memref<10240x16xf32, #tpu.memory_space<vmem_shared>> -> memref<64x16xf32, #tpu.memory_space<vmem_shared>>
        %dma_wait3A_29 = arith.constant 0 : i32
        %dma_wait3A_30 = tpu.memref_slice %arg13[%add3A_24, %dma_wait3A_29] : memref<10240x16xf32, #tpu.memory_space<vmem_shared>> -> memref<64x16xf32, #tpu.memory_space<vmem_shared>>
        tpu.wait_dma2 semaphore(%run_scoped3A : memref<!tpu.dma_semaphore, #tpu.memory_space<semaphore_mem>>) src(%arg11 : memref<64x16xf32, #tpu.memory_space<vmem>>) dst(%dma_wait3A_30 : memref<64x16xf32, #tpu.memory_space<vmem_shared>>)
        tpu.yield
      }) : () -> ()
    }
    %scan3A_7 = arith.constant 10 : i32
    "tpu.region"() ({
      %run_scoped3A = tpu.sem_alloc : memref<!tpu.dma_semaphore, #tpu.memory_space<semaphore_mem>>
      tpu.enqueue_dma source(%arg5 : memref<128x16xf32, #tpu.memory_space<hbm>>) target(%arg10 : memref<128x16xf32, #tpu.memory_space<vmem>>) target_semaphore(%run_scoped3A : memref<!tpu.dma_semaphore, #tpu.memory_space<semaphore_mem>>)
      tpu.wait_dma2 semaphore(%run_scoped3A : memref<!tpu.dma_semaphore, #tpu.memory_space<semaphore_mem>>) src(%arg5 : memref<128x16xf32, #tpu.memory_space<hbm>>) dst(%arg10 : memref<128x16xf32, #tpu.memory_space<vmem>>)
      tpu.yield
    }) : () -> ()
    %barrier3A = arith.constant 0 : index
    tpu.barrier barrier_id(%barrier3A)
    %scan3A_8 = arith.constant 0 : i32
    %scan3A_9 = arith.constant 0 : i32
    %scan3A_10 = arith.constant 40 : i32
    %scan3A_11 = arith.addi %scan3A_9, %scan3A_10 : i32
    %scan3A_12 = arith.constant 1 : i32
    scf.for %scan3A_21 = %scan3A_9 to %scan3A_11 step %scan3A_12  : i32 {
      %mul3A_22 = arith.constant 32 : i32
      %mul3A_23 = arith.muli %scan3A_21, %mul3A_22 : i32
      %add3A_24 = arith.addi %mul3A_23, %add3A : i32
      %mul3A_25 = arith.constant 128 : i32
      %mul3A_26 = arith.muli %add3A_24, %mul3A_25 : i32
      "tpu.region"() ({
        %run_scoped3A = tpu.sem_alloc : memref<!tpu.dma_semaphore, #tpu.memory_space<semaphore_mem>>
        %dma_start3A = tpu.memref_slice %arg3[%mul3A_26] : memref<163840xi32, #tpu.memory_space<hbm>> -> memref<128xi32, #tpu.memory_space<hbm>>
        %dma_start3A_27 = tpu.memref_slice %arg3[%mul3A_26] : memref<163840xi32, #tpu.memory_space<hbm>> -> memref<128xi32, #tpu.memory_space<hbm>>
        tpu.enqueue_dma source(%dma_start3A_27 : memref<128xi32, #tpu.memory_space<hbm>>) target(%arg8 : memref<128xi32, #tpu.memory_space<vmem>>) target_semaphore(%run_scoped3A : memref<!tpu.dma_semaphore, #tpu.memory_space<semaphore_mem>>)
        %dma_wait3A = tpu.memref_slice %arg3[%mul3A_26] : memref<163840xi32, #tpu.memory_space<hbm>> -> memref<128xi32, #tpu.memory_space<hbm>>
        %dma_wait3A_28 = tpu.memref_slice %arg3[%mul3A_26] : memref<163840xi32, #tpu.memory_space<hbm>> -> memref<128xi32, #tpu.memory_space<hbm>>
        tpu.wait_dma2 semaphore(%run_scoped3A : memref<!tpu.dma_semaphore, #tpu.memory_space<semaphore_mem>>) src(%dma_wait3A_28 : memref<128xi32, #tpu.memory_space<hbm>>) dst(%arg8 : memref<128xi32, #tpu.memory_space<vmem>>)
        tpu.yield
      }) : () -> ()
      "tpu.region"() ({
        %run_scoped3A = tpu.sem_alloc : memref<!tpu.dma_semaphore, #tpu.memory_space<semaphore_mem>>
        %dma_start3A = arith.constant 0 : i32
        %dma_start3A_27 = tpu.memref_slice %arg2[%mul3A_26, %dma_start3A] : memref<163840x16xf32, #tpu.memory_space<hbm>> -> memref<128x16xf32, #tpu.memory_space<hbm>>
        %dma_start3A_28 = arith.constant 0 : i32
        %dma_start3A_29 = tpu.memref_slice %arg2[%mul3A_26, %dma_start3A_28] : memref<163840x16xf32, #tpu.memory_space<hbm>> -> memref<128x16xf32, #tpu.memory_space<hbm>>
        tpu.enqueue_dma source(%dma_start3A_29 : memref<128x16xf32, #tpu.memory_space<hbm>>) target(%arg9 : memref<128x16xf32, #tpu.memory_space<vmem>>) target_semaphore(%run_scoped3A : memref<!tpu.dma_semaphore, #tpu.memory_space<semaphore_mem>>)
        %dma_wait3A = arith.constant 0 : i32
        %dma_wait3A_30 = tpu.memref_slice %arg2[%mul3A_26, %dma_wait3A] : memref<163840x16xf32, #tpu.memory_space<hbm>> -> memref<128x16xf32, #tpu.memory_space<hbm>>
        %dma_wait3A_31 = arith.constant 0 : i32
        %dma_wait3A_32 = tpu.memref_slice %arg2[%mul3A_26, %dma_wait3A_31] : memref<163840x16xf32, #tpu.memory_space<hbm>> -> memref<128x16xf32, #tpu.memory_space<hbm>>
        tpu.wait_dma2 semaphore(%run_scoped3A : memref<!tpu.dma_semaphore, #tpu.memory_space<semaphore_mem>>) src(%dma_wait3A_32 : memref<128x16xf32, #tpu.memory_space<hbm>>) dst(%arg9 : memref<128x16xf32, #tpu.memory_space<vmem>>)
        tpu.yield
      }) : () -> ()
      "tpu.region"() ({
        %run_scoped3A = tpu.sem_alloc : memref<!tpu.dma_semaphore, #tpu.memory_space<semaphore_mem>>
        %dma_start3A = arith.constant 0 : i32
        %dma_start3A_27 = arith.constant 0 : i32
        %dma_start3A_28 = tpu.memref_slice %arg12[%dma_start3A, %dma_start3A_27] : memref<10240x16xf32, #tpu.memory_space<vmem_shared>> -> memref<10240x16xf32, #tpu.memory_space<vmem_shared>>
        tpu.enqueue_indirect_dma source(%arg9 : memref<128x16xf32, #tpu.memory_space<vmem>>) target(%dma_start3A_28 : memref<10240x16xf32, #tpu.memory_space<vmem_shared>>) offsets(%arg8 : memref<128xi32, #tpu.memory_space<vmem>>) semaphore(%run_scoped3A : memref<!tpu.dma_semaphore, #tpu.memory_space<semaphore_mem>>) {add = true}
        %dma_wait3A = arith.constant 0 : i32
        %dma_wait3A_29 = arith.constant 0 : i32
        %dma_wait3A_30 = tpu.memref_slice %arg12[%dma_wait3A, %dma_wait3A_29] : memref<10240x16xf32, #tpu.memory_space<vmem_shared>> -> memref<10240x16xf32, #tpu.memory_space<vmem_shared>>
        tpu.wait_indirect_dma semaphore(%run_scoped3A : memref<!tpu.dma_semaphore, #tpu.memory_space<semaphore_mem>>) src(%arg9 : memref<128x16xf32, #tpu.memory_space<vmem>>) dst(%dma_wait3A_30 : memref<10240x16xf32, #tpu.memory_space<vmem_shared>>)
        tpu.yield
      }) : () -> ()
      "tpu.region"() ({
        %run_scoped3A = tpu.sem_alloc : memref<!tpu.dma_semaphore, #tpu.memory_space<semaphore_mem>>
        %dma_start3A = arith.constant 0 : i32
        %dma_start3A_27 = arith.constant 0 : i32
        %dma_start3A_28 = tpu.memref_slice %arg13[%dma_start3A, %dma_start3A_27] : memref<10240x16xf32, #tpu.memory_space<vmem_shared>> -> memref<10240x16xf32, #tpu.memory_space<vmem_shared>>
        tpu.enqueue_indirect_dma source(%arg10 : memref<128x16xf32, #tpu.memory_space<vmem>>) target(%dma_start3A_28 : memref<10240x16xf32, #tpu.memory_space<vmem_shared>>) offsets(%arg8 : memref<128xi32, #tpu.memory_space<vmem>>) semaphore(%run_scoped3A : memref<!tpu.dma_semaphore, #tpu.memory_space<semaphore_mem>>) {add = true}
        %dma_wait3A = arith.constant 0 : i32
        %dma_wait3A_29 = arith.constant 0 : i32
        %dma_wait3A_30 = tpu.memref_slice %arg13[%dma_wait3A, %dma_wait3A_29] : memref<10240x16xf32, #tpu.memory_space<vmem_shared>> -> memref<10240x16xf32, #tpu.memory_space<vmem_shared>>
        tpu.wait_indirect_dma semaphore(%run_scoped3A : memref<!tpu.dma_semaphore, #tpu.memory_space<semaphore_mem>>) src(%arg10 : memref<128x16xf32, #tpu.memory_space<vmem>>) dst(%dma_wait3A_30 : memref<10240x16xf32, #tpu.memory_space<vmem_shared>>)
        tpu.yield
      }) : () -> ()
    }
    %scan3A_13 = arith.constant 40 : i32
    %barrier3A_14 = arith.constant 0 : index
    tpu.barrier barrier_id(%barrier3A_14)
    %scan3A_15 = arith.constant 0 : i32
    %scan3A_16 = arith.constant 0 : i32
    %scan3A_17 = arith.constant 10 : i32
    %scan3A_18 = arith.addi %scan3A_16, %scan3A_17 : i32
    %scan3A_19 = arith.constant 1 : i32
    scf.for %scan3A_21 = %scan3A_16 to %scan3A_18 step %scan3A_19  : i32 {
      %mul3A_22 = arith.constant 64 : i32
      %mul3A_23 = arith.muli %scan3A_21, %mul3A_22 : i32
      %add3A_24 = arith.addi %mul3A_2, %mul3A_23 : i32
      "tpu.region"() ({
        %run_scoped3A = tpu.sem_alloc : memref<!tpu.dma_semaphore, #tpu.memory_space<semaphore_mem>>
        %dma_start3A = arith.constant 0 : i32
        %dma_start3A_25 = tpu.memref_slice %arg12[%add3A_24, %dma_start3A] : memref<10240x16xf32, #tpu.memory_space<vmem_shared>> -> memref<64x16xf32, #tpu.memory_space<vmem_shared>>
        %dma_start3A_26 = arith.constant 0 : i32
        %dma_start3A_27 = tpu.memref_slice %arg12[%add3A_24, %dma_start3A_26] : memref<10240x16xf32, #tpu.memory_space<vmem_shared>> -> memref<64x16xf32, #tpu.memory_space<vmem_shared>>
        tpu.enqueue_dma source(%dma_start3A_27 : memref<64x16xf32, #tpu.memory_space<vmem_shared>>) target(%arg11 : memref<64x16xf32, #tpu.memory_space<vmem>>) target_semaphore(%run_scoped3A : memref<!tpu.dma_semaphore, #tpu.memory_space<semaphore_mem>>)
        %dma_wait3A = arith.constant 0 : i32
        %dma_wait3A_28 = tpu.memref_slice %arg12[%add3A_24, %dma_wait3A] : memref<10240x16xf32, #tpu.memory_space<vmem_shared>> -> memref<64x16xf32, #tpu.memory_space<vmem_shared>>
        %dma_wait3A_29 = arith.constant 0 : i32
        %dma_wait3A_30 = tpu.memref_slice %arg12[%add3A_24, %dma_wait3A_29] : memref<10240x16xf32, #tpu.memory_space<vmem_shared>> -> memref<64x16xf32, #tpu.memory_space<vmem_shared>>
        tpu.wait_dma2 semaphore(%run_scoped3A : memref<!tpu.dma_semaphore, #tpu.memory_space<semaphore_mem>>) src(%dma_wait3A_30 : memref<64x16xf32, #tpu.memory_space<vmem_shared>>) dst(%arg11 : memref<64x16xf32, #tpu.memory_space<vmem>>)
        tpu.yield
      }) : () -> ()
      "tpu.region"() ({
        %run_scoped3A = tpu.sem_alloc : memref<!tpu.dma_semaphore, #tpu.memory_space<semaphore_mem>>
        %dma_start3A = arith.constant 0 : i32
        %dma_start3A_25 = tpu.memref_slice %arg6[%arg0, %add3A_24, %dma_start3A] : memref<2x10240x16xf32, #tpu.memory_space<hbm>> -> memref<1x64x16xf32, #tpu.memory_space<hbm>>
        %dma_start3A_26 = tpu.memref_squeeze %dma_start3A_25 : memref<1x64x16xf32, #tpu.memory_space<hbm>> -> memref<64x16xf32, #tpu.memory_space<hbm>>
        %dma_start3A_27 = arith.constant 0 : i32
        %dma_start3A_28 = tpu.memref_slice %arg6[%arg0, %add3A_24, %dma_start3A_27] : memref<2x10240x16xf32, #tpu.memory_space<hbm>> -> memref<1x64x16xf32, #tpu.memory_space<hbm>>
        %dma_start3A_29 = tpu.memref_squeeze %dma_start3A_28 : memref<1x64x16xf32, #tpu.memory_space<hbm>> -> memref<64x16xf32, #tpu.memory_space<hbm>>
        tpu.enqueue_dma source(%arg11 : memref<64x16xf32, #tpu.memory_space<vmem>>) target(%dma_start3A_29 : memref<64x16xf32, #tpu.memory_space<hbm>>) target_semaphore(%run_scoped3A : memref<!tpu.dma_semaphore, #tpu.memory_space<semaphore_mem>>)
        %dma_wait3A = arith.constant 0 : i32
        %dma_wait3A_30 = tpu.memref_slice %arg6[%arg0, %add3A_24, %dma_wait3A] : memref<2x10240x16xf32, #tpu.memory_space<hbm>> -> memref<1x64x16xf32, #tpu.memory_space<hbm>>
        %dma_wait3A_31 = tpu.memref_squeeze %dma_wait3A_30 : memref<1x64x16xf32, #tpu.memory_space<hbm>> -> memref<64x16xf32, #tpu.memory_space<hbm>>
        %dma_wait3A_32 = arith.constant 0 : i32
        %dma_wait3A_33 = tpu.memref_slice %arg6[%arg0, %add3A_24, %dma_wait3A_32] : memref<2x10240x16xf32, #tpu.memory_space<hbm>> -> memref<1x64x16xf32, #tpu.memory_space<hbm>>
        %dma_wait3A_34 = tpu.memref_squeeze %dma_wait3A_33 : memref<1x64x16xf32, #tpu.memory_space<hbm>> -> memref<64x16xf32, #tpu.memory_space<hbm>>
        tpu.wait_dma2 semaphore(%run_scoped3A : memref<!tpu.dma_semaphore, #tpu.memory_space<semaphore_mem>>) src(%arg11 : memref<64x16xf32, #tpu.memory_space<vmem>>) dst(%dma_wait3A_34 : memref<64x16xf32, #tpu.memory_space<hbm>>)
        tpu.yield
      }) : () -> ()
      "tpu.region"() ({
        %run_scoped3A = tpu.sem_alloc : memref<!tpu.dma_semaphore, #tpu.memory_space<semaphore_mem>>
        %dma_start3A = arith.constant 0 : i32
        %dma_start3A_25 = tpu.memref_slice %arg13[%add3A_24, %dma_start3A] : memref<10240x16xf32, #tpu.memory_space<vmem_shared>> -> memref<64x16xf32, #tpu.memory_space<vmem_shared>>
        %dma_start3A_26 = arith.constant 0 : i32
        %dma_start3A_27 = tpu.memref_slice %arg13[%add3A_24, %dma_start3A_26] : memref<10240x16xf32, #tpu.memory_space<vmem_shared>> -> memref<64x16xf32, #tpu.memory_space<vmem_shared>>
        tpu.enqueue_dma source(%dma_start3A_27 : memref<64x16xf32, #tpu.memory_space<vmem_shared>>) target(%arg11 : memref<64x16xf32, #tpu.memory_space<vmem>>) target_semaphore(%run_scoped3A : memref<!tpu.dma_semaphore, #tpu.memory_space<semaphore_mem>>)
        %dma_wait3A = arith.constant 0 : i32
        %dma_wait3A_28 = tpu.memref_slice %arg13[%add3A_24, %dma_wait3A] : memref<10240x16xf32, #tpu.memory_space<vmem_shared>> -> memref<64x16xf32, #tpu.memory_space<vmem_shared>>
        %dma_wait3A_29 = arith.constant 0 : i32
        %dma_wait3A_30 = tpu.memref_slice %arg13[%add3A_24, %dma_wait3A_29] : memref<10240x16xf32, #tpu.memory_space<vmem_shared>> -> memref<64x16xf32, #tpu.memory_space<vmem_shared>>
        tpu.wait_dma2 semaphore(%run_scoped3A : memref<!tpu.dma_semaphore, #tpu.memory_space<semaphore_mem>>) src(%dma_wait3A_30 : memref<64x16xf32, #tpu.memory_space<vmem_shared>>) dst(%arg11 : memref<64x16xf32, #tpu.memory_space<vmem>>)
        tpu.yield
      }) : () -> ()
      "tpu.region"() ({
        %run_scoped3A = tpu.sem_alloc : memref<!tpu.dma_semaphore, #tpu.memory_space<semaphore_mem>>
        %dma_start3A = arith.constant 0 : i32
        %dma_start3A_25 = tpu.memref_slice %arg7[%arg0, %add3A_24, %dma_start3A] : memref<2x10240x16xf32, #tpu.memory_space<hbm>> -> memref<1x64x16xf32, #tpu.memory_space<hbm>>
        %dma_start3A_26 = tpu.memref_squeeze %dma_start3A_25 : memref<1x64x16xf32, #tpu.memory_space<hbm>> -> memref<64x16xf32, #tpu.memory_space<hbm>>
        %dma_start3A_27 = arith.constant 0 : i32
        %dma_start3A_28 = tpu.memref_slice %arg7[%arg0, %add3A_24, %dma_start3A_27] : memref<2x10240x16xf32, #tpu.memory_space<hbm>> -> memref<1x64x16xf32, #tpu.memory_space<hbm>>
        %dma_start3A_29 = tpu.memref_squeeze %dma_start3A_28 : memref<1x64x16xf32, #tpu.memory_space<hbm>> -> memref<64x16xf32, #tpu.memory_space<hbm>>
        tpu.enqueue_dma source(%arg11 : memref<64x16xf32, #tpu.memory_space<vmem>>) target(%dma_start3A_29 : memref<64x16xf32, #tpu.memory_space<hbm>>) target_semaphore(%run_scoped3A : memref<!tpu.dma_semaphore, #tpu.memory_space<semaphore_mem>>)
        %dma_wait3A = arith.constant 0 : i32
        %dma_wait3A_30 = tpu.memref_slice %arg7[%arg0, %add3A_24, %dma_wait3A] : memref<2x10240x16xf32, #tpu.memory_space<hbm>> -> memref<1x64x16xf32, #tpu.memory_space<hbm>>
        %dma_wait3A_31 = tpu.memref_squeeze %dma_wait3A_30 : memref<1x64x16xf32, #tpu.memory_space<hbm>> -> memref<64x16xf32, #tpu.memory_space<hbm>>
        %dma_wait3A_32 = arith.constant 0 : i32
        %dma_wait3A_33 = tpu.memref_slice %arg7[%arg0, %add3A_24, %dma_wait3A_32] : memref<2x10240x16xf32, #tpu.memory_space<hbm>> -> memref<1x64x16xf32, #tpu.memory_space<hbm>>
        %dma_wait3A_34 = tpu.memref_squeeze %dma_wait3A_33 : memref<1x64x16xf32, #tpu.memory_space<hbm>> -> memref<64x16xf32, #tpu.memory_space<hbm>>
        tpu.wait_dma2 semaphore(%run_scoped3A : memref<!tpu.dma_semaphore, #tpu.memory_space<semaphore_mem>>) src(%arg11 : memref<64x16xf32, #tpu.memory_space<vmem>>) dst(%dma_wait3A_34 : memref<64x16xf32, #tpu.memory_space<hbm>>)
        tpu.yield
      }) : () -> ()
    }
    %scan3A_20 = arith.constant 10 : i32
    return
  }
}

#map = affine_map<(d0, d1) -> (0, 0)>
#map1 = affine_map<(d0, d1) -> (0)>
#map2 = affine_map<(d0, d1) -> (0, 0, 0)>
module attributes {stable_mosaic.version = 14 : i64} {
  func.func @body(%arg0: i32, %arg1: i32, %arg2: memref<163840x16xf32, #tpu.memory_space<hbm>>, %arg3: memref<163840xi32, #tpu.memory_space<hbm>>, %arg4: memref<64x16xf32, #tpu.memory_space<hbm>>, %arg5: memref<128x16xf32, #tpu.memory_space<hbm>>, %arg6: memref<2x10240x16xf32, #tpu.memory_space<hbm>>, %arg7: memref<128xi32, #tpu.memory_space<vmem>>, %arg8: memref<128x16xf32, #tpu.memory_space<vmem>>, %arg9: memref<128x16xf32, #tpu.memory_space<vmem>>, %arg10: memref<64x16xf32, #tpu.memory_space<vmem>>, %arg11: memref<10240x16xf32, #tpu.memory_space<vmem_shared>>, %arg12: memref<!tpu.dma_semaphore, #tpu.memory_space<semaphore_mem>>) attributes {dimension_semantics = [#tpu.dimension_semantics<core_parallel>, #tpu.dimension_semantics<subcore_parallel>], iteration_bounds = array<i64: 2, 16>, scalar_prefetch = 0 : i64, scratch_operands = 6 : i64, tpu.core_type = #tpu.core_type<sc_vector_subcore>, window_params = [{transform_indices = #map}, {transform_indices = #map1}, {transform_indices = #map}, {transform_indices = #map}, {transform_indices = #map2}]} {
    %mul3A = arith.constant 2 : i32
    %mul3A_0 = arith.muli %arg1, %mul3A : i32
    %add3A = arith.addi %mul3A_0, %arg0 : i32
    %mul3A_1 = arith.constant 640 : i32
    %mul3A_2 = arith.muli %arg1, %mul3A_1 : i32
    "tpu.region"() ({
      %run_scoped3A = tpu.sem_alloc : memref<!tpu.dma_semaphore, #tpu.memory_space<semaphore_mem>>
      tpu.enqueue_dma source(%arg4 : memref<64x16xf32, #tpu.memory_space<hbm>>) target(%arg10 : memref<64x16xf32, #tpu.memory_space<vmem>>) target_semaphore(%run_scoped3A : memref<!tpu.dma_semaphore, #tpu.memory_space<semaphore_mem>>)
      tpu.wait_dma2 semaphore(%run_scoped3A : memref<!tpu.dma_semaphore, #tpu.memory_space<semaphore_mem>>) src(%arg4 : memref<64x16xf32, #tpu.memory_space<hbm>>) dst(%arg10 : memref<64x16xf32, #tpu.memory_space<vmem>>)
      tpu.yield
    }) : () -> ()
    %scan3A = arith.constant 0 : i32
    %scan3A_3 = arith.constant 0 : i32
    %scan3A_4 = arith.constant 10 : i32
    %scan3A_5 = arith.addi %scan3A_3, %scan3A_4 : i32
    %scan3A_6 = arith.constant 1 : i32
    scf.for %scan3A_21 = %scan3A_3 to %scan3A_5 step %scan3A_6  : i32 {
      %mul3A_22 = arith.constant 64 : i32
      %mul3A_23 = arith.muli %scan3A_21, %mul3A_22 : i32
      %add3A_24 = arith.addi %mul3A_2, %mul3A_23 : i32
      "tpu.region"() ({
        %run_scoped3A = tpu.sem_alloc : memref<!tpu.dma_semaphore, #tpu.memory_space<semaphore_mem>>
        %dma_start3A = arith.constant 0 : i32
        %dma_start3A_25 = tpu.memref_slice %arg11[%add3A_24, %dma_start3A] : memref<10240x16xf32, #tpu.memory_space<vmem_shared>> -> memref<64x16xf32, #tpu.memory_space<vmem_shared>>
        %dma_start3A_26 = arith.constant 0 : i32
        %dma_start3A_27 = tpu.memref_slice %arg11[%add3A_24, %dma_start3A_26] : memref<10240x16xf32, #tpu.memory_space<vmem_shared>> -> memref<64x16xf32, #tpu.memory_space<vmem_shared>>
        tpu.enqueue_dma source(%arg10 : memref<64x16xf32, #tpu.memory_space<vmem>>) target(%dma_start3A_27 : memref<64x16xf32, #tpu.memory_space<vmem_shared>>) target_semaphore(%run_scoped3A : memref<!tpu.dma_semaphore, #tpu.memory_space<semaphore_mem>>)
        %dma_wait3A = arith.constant 0 : i32
        %dma_wait3A_28 = tpu.memref_slice %arg11[%add3A_24, %dma_wait3A] : memref<10240x16xf32, #tpu.memory_space<vmem_shared>> -> memref<64x16xf32, #tpu.memory_space<vmem_shared>>
        %dma_wait3A_29 = arith.constant 0 : i32
        %dma_wait3A_30 = tpu.memref_slice %arg11[%add3A_24, %dma_wait3A_29] : memref<10240x16xf32, #tpu.memory_space<vmem_shared>> -> memref<64x16xf32, #tpu.memory_space<vmem_shared>>
        tpu.wait_dma2 semaphore(%run_scoped3A : memref<!tpu.dma_semaphore, #tpu.memory_space<semaphore_mem>>) src(%arg10 : memref<64x16xf32, #tpu.memory_space<vmem>>) dst(%dma_wait3A_30 : memref<64x16xf32, #tpu.memory_space<vmem_shared>>)
        tpu.yield
      }) : () -> ()
    }
    %scan3A_7 = arith.constant 10 : i32
    "tpu.region"() ({
      %run_scoped3A = tpu.sem_alloc : memref<!tpu.dma_semaphore, #tpu.memory_space<semaphore_mem>>
      tpu.enqueue_dma source(%arg5 : memref<128x16xf32, #tpu.memory_space<hbm>>) target(%arg9 : memref<128x16xf32, #tpu.memory_space<vmem>>) target_semaphore(%run_scoped3A : memref<!tpu.dma_semaphore, #tpu.memory_space<semaphore_mem>>)
      tpu.wait_dma2 semaphore(%run_scoped3A : memref<!tpu.dma_semaphore, #tpu.memory_space<semaphore_mem>>) src(%arg5 : memref<128x16xf32, #tpu.memory_space<hbm>>) dst(%arg9 : memref<128x16xf32, #tpu.memory_space<vmem>>)
      tpu.yield
    }) : () -> ()
    %barrier3A = arith.constant 0 : index
    tpu.barrier barrier_id(%barrier3A)
    %scan3A_8 = arith.constant 0 : i32
    %scan3A_9 = arith.constant 0 : i32
    %scan3A_10 = arith.constant 40 : i32
    %scan3A_11 = arith.addi %scan3A_9, %scan3A_10 : i32
    %scan3A_12 = arith.constant 1 : i32
    scf.for %scan3A_21 = %scan3A_9 to %scan3A_11 step %scan3A_12  : i32 {
      %mul3A_22 = arith.constant 32 : i32
      %mul3A_23 = arith.muli %scan3A_21, %mul3A_22 : i32
      %add3A_24 = arith.addi %mul3A_23, %add3A : i32
      %mul3A_25 = arith.constant 128 : i32
      %mul3A_26 = arith.muli %add3A_24, %mul3A_25 : i32
      "tpu.region"() ({
        %run_scoped3A = tpu.sem_alloc : memref<!tpu.dma_semaphore, #tpu.memory_space<semaphore_mem>>
        %dma_start3A = tpu.memref_slice %arg3[%mul3A_26] : memref<163840xi32, #tpu.memory_space<hbm>> -> memref<128xi32, #tpu.memory_space<hbm>>
        %dma_start3A_27 = tpu.memref_slice %arg3[%mul3A_26] : memref<163840xi32, #tpu.memory_space<hbm>> -> memref<128xi32, #tpu.memory_space<hbm>>
        tpu.enqueue_dma source(%dma_start3A_27 : memref<128xi32, #tpu.memory_space<hbm>>) target(%arg7 : memref<128xi32, #tpu.memory_space<vmem>>) target_semaphore(%run_scoped3A : memref<!tpu.dma_semaphore, #tpu.memory_space<semaphore_mem>>)
        %dma_wait3A = tpu.memref_slice %arg3[%mul3A_26] : memref<163840xi32, #tpu.memory_space<hbm>> -> memref<128xi32, #tpu.memory_space<hbm>>
        %dma_wait3A_28 = tpu.memref_slice %arg3[%mul3A_26] : memref<163840xi32, #tpu.memory_space<hbm>> -> memref<128xi32, #tpu.memory_space<hbm>>
        tpu.wait_dma2 semaphore(%run_scoped3A : memref<!tpu.dma_semaphore, #tpu.memory_space<semaphore_mem>>) src(%dma_wait3A_28 : memref<128xi32, #tpu.memory_space<hbm>>) dst(%arg7 : memref<128xi32, #tpu.memory_space<vmem>>)
        tpu.yield
      }) : () -> ()
      "tpu.region"() ({
        %run_scoped3A = tpu.sem_alloc : memref<!tpu.dma_semaphore, #tpu.memory_space<semaphore_mem>>
        %dma_start3A = arith.constant 0 : i32
        %dma_start3A_27 = tpu.memref_slice %arg2[%mul3A_26, %dma_start3A] : memref<163840x16xf32, #tpu.memory_space<hbm>> -> memref<128x16xf32, #tpu.memory_space<hbm>>
        %dma_start3A_28 = arith.constant 0 : i32
        %dma_start3A_29 = tpu.memref_slice %arg2[%mul3A_26, %dma_start3A_28] : memref<163840x16xf32, #tpu.memory_space<hbm>> -> memref<128x16xf32, #tpu.memory_space<hbm>>
        tpu.enqueue_dma source(%dma_start3A_29 : memref<128x16xf32, #tpu.memory_space<hbm>>) target(%arg8 : memref<128x16xf32, #tpu.memory_space<vmem>>) target_semaphore(%run_scoped3A : memref<!tpu.dma_semaphore, #tpu.memory_space<semaphore_mem>>)
        %dma_wait3A = arith.constant 0 : i32
        %dma_wait3A_30 = tpu.memref_slice %arg2[%mul3A_26, %dma_wait3A] : memref<163840x16xf32, #tpu.memory_space<hbm>> -> memref<128x16xf32, #tpu.memory_space<hbm>>
        %dma_wait3A_31 = arith.constant 0 : i32
        %dma_wait3A_32 = tpu.memref_slice %arg2[%mul3A_26, %dma_wait3A_31] : memref<163840x16xf32, #tpu.memory_space<hbm>> -> memref<128x16xf32, #tpu.memory_space<hbm>>
        tpu.wait_dma2 semaphore(%run_scoped3A : memref<!tpu.dma_semaphore, #tpu.memory_space<semaphore_mem>>) src(%dma_wait3A_32 : memref<128x16xf32, #tpu.memory_space<hbm>>) dst(%arg8 : memref<128x16xf32, #tpu.memory_space<vmem>>)
        tpu.yield
      }) : () -> ()
      "tpu.region"() ({
        %run_scoped3A = tpu.sem_alloc : memref<!tpu.dma_semaphore, #tpu.memory_space<semaphore_mem>>
        %dma_start3A = arith.constant 0 : i32
        %dma_start3A_27 = arith.constant 0 : i32
        %dma_start3A_28 = tpu.memref_slice %arg11[%dma_start3A, %dma_start3A_27] : memref<10240x16xf32, #tpu.memory_space<vmem_shared>> -> memref<10240x16xf32, #tpu.memory_space<vmem_shared>>
        tpu.enqueue_indirect_dma source(%arg8 : memref<128x16xf32, #tpu.memory_space<vmem>>) target(%dma_start3A_28 : memref<10240x16xf32, #tpu.memory_space<vmem_shared>>) offsets(%arg7 : memref<128xi32, #tpu.memory_space<vmem>>) semaphore(%run_scoped3A : memref<!tpu.dma_semaphore, #tpu.memory_space<semaphore_mem>>) {add = true}
        %dma_wait3A = arith.constant 0 : i32
        %dma_wait3A_29 = arith.constant 0 : i32
        %dma_wait3A_30 = tpu.memref_slice %arg11[%dma_wait3A, %dma_wait3A_29] : memref<10240x16xf32, #tpu.memory_space<vmem_shared>> -> memref<10240x16xf32, #tpu.memory_space<vmem_shared>>
        tpu.wait_indirect_dma semaphore(%run_scoped3A : memref<!tpu.dma_semaphore, #tpu.memory_space<semaphore_mem>>) src(%arg8 : memref<128x16xf32, #tpu.memory_space<vmem>>) dst(%dma_wait3A_30 : memref<10240x16xf32, #tpu.memory_space<vmem_shared>>)
        tpu.yield
      }) : () -> ()
    }
    %scan3A_13 = arith.constant 40 : i32
    %barrier3A_14 = arith.constant 0 : index
    tpu.barrier barrier_id(%barrier3A_14)
    %scan3A_15 = arith.constant 0 : i32
    %scan3A_16 = arith.constant 0 : i32
    %scan3A_17 = arith.constant 10 : i32
    %scan3A_18 = arith.addi %scan3A_16, %scan3A_17 : i32
    %scan3A_19 = arith.constant 1 : i32
    scf.for %scan3A_21 = %scan3A_16 to %scan3A_18 step %scan3A_19  : i32 {
      %mul3A_22 = arith.constant 64 : i32
      %mul3A_23 = arith.muli %scan3A_21, %mul3A_22 : i32
      %add3A_24 = arith.addi %mul3A_2, %mul3A_23 : i32
      "tpu.region"() ({
        %run_scoped3A = tpu.sem_alloc : memref<!tpu.dma_semaphore, #tpu.memory_space<semaphore_mem>>
        %dma_start3A = arith.constant 0 : i32
        %dma_start3A_25 = tpu.memref_slice %arg11[%add3A_24, %dma_start3A] : memref<10240x16xf32, #tpu.memory_space<vmem_shared>> -> memref<64x16xf32, #tpu.memory_space<vmem_shared>>
        %dma_start3A_26 = arith.constant 0 : i32
        %dma_start3A_27 = tpu.memref_slice %arg11[%add3A_24, %dma_start3A_26] : memref<10240x16xf32, #tpu.memory_space<vmem_shared>> -> memref<64x16xf32, #tpu.memory_space<vmem_shared>>
        tpu.enqueue_dma source(%dma_start3A_27 : memref<64x16xf32, #tpu.memory_space<vmem_shared>>) target(%arg10 : memref<64x16xf32, #tpu.memory_space<vmem>>) target_semaphore(%run_scoped3A : memref<!tpu.dma_semaphore, #tpu.memory_space<semaphore_mem>>)
        %dma_wait3A = arith.constant 0 : i32
        %dma_wait3A_28 = tpu.memref_slice %arg11[%add3A_24, %dma_wait3A] : memref<10240x16xf32, #tpu.memory_space<vmem_shared>> -> memref<64x16xf32, #tpu.memory_space<vmem_shared>>
        %dma_wait3A_29 = arith.constant 0 : i32
        %dma_wait3A_30 = tpu.memref_slice %arg11[%add3A_24, %dma_wait3A_29] : memref<10240x16xf32, #tpu.memory_space<vmem_shared>> -> memref<64x16xf32, #tpu.memory_space<vmem_shared>>
        tpu.wait_dma2 semaphore(%run_scoped3A : memref<!tpu.dma_semaphore, #tpu.memory_space<semaphore_mem>>) src(%dma_wait3A_30 : memref<64x16xf32, #tpu.memory_space<vmem_shared>>) dst(%arg10 : memref<64x16xf32, #tpu.memory_space<vmem>>)
        tpu.yield
      }) : () -> ()
      "tpu.region"() ({
        %run_scoped3A = tpu.sem_alloc : memref<!tpu.dma_semaphore, #tpu.memory_space<semaphore_mem>>
        %dma_start3A = arith.constant 0 : i32
        %dma_start3A_25 = tpu.memref_slice %arg6[%arg0, %add3A_24, %dma_start3A] : memref<2x10240x16xf32, #tpu.memory_space<hbm>> -> memref<1x64x16xf32, #tpu.memory_space<hbm>>
        %dma_start3A_26 = tpu.memref_squeeze %dma_start3A_25 : memref<1x64x16xf32, #tpu.memory_space<hbm>> -> memref<64x16xf32, #tpu.memory_space<hbm>>
        %dma_start3A_27 = arith.constant 0 : i32
        %dma_start3A_28 = tpu.memref_slice %arg6[%arg0, %add3A_24, %dma_start3A_27] : memref<2x10240x16xf32, #tpu.memory_space<hbm>> -> memref<1x64x16xf32, #tpu.memory_space<hbm>>
        %dma_start3A_29 = tpu.memref_squeeze %dma_start3A_28 : memref<1x64x16xf32, #tpu.memory_space<hbm>> -> memref<64x16xf32, #tpu.memory_space<hbm>>
        tpu.enqueue_dma source(%arg10 : memref<64x16xf32, #tpu.memory_space<vmem>>) target(%dma_start3A_29 : memref<64x16xf32, #tpu.memory_space<hbm>>) target_semaphore(%run_scoped3A : memref<!tpu.dma_semaphore, #tpu.memory_space<semaphore_mem>>)
        %dma_wait3A = arith.constant 0 : i32
        %dma_wait3A_30 = tpu.memref_slice %arg6[%arg0, %add3A_24, %dma_wait3A] : memref<2x10240x16xf32, #tpu.memory_space<hbm>> -> memref<1x64x16xf32, #tpu.memory_space<hbm>>
        %dma_wait3A_31 = tpu.memref_squeeze %dma_wait3A_30 : memref<1x64x16xf32, #tpu.memory_space<hbm>> -> memref<64x16xf32, #tpu.memory_space<hbm>>
        %dma_wait3A_32 = arith.constant 0 : i32
        %dma_wait3A_33 = tpu.memref_slice %arg6[%arg0, %add3A_24, %dma_wait3A_32] : memref<2x10240x16xf32, #tpu.memory_space<hbm>> -> memref<1x64x16xf32, #tpu.memory_space<hbm>>
        %dma_wait3A_34 = tpu.memref_squeeze %dma_wait3A_33 : memref<1x64x16xf32, #tpu.memory_space<hbm>> -> memref<64x16xf32, #tpu.memory_space<hbm>>
        tpu.wait_dma2 semaphore(%run_scoped3A : memref<!tpu.dma_semaphore, #tpu.memory_space<semaphore_mem>>) src(%arg10 : memref<64x16xf32, #tpu.memory_space<vmem>>) dst(%dma_wait3A_34 : memref<64x16xf32, #tpu.memory_space<hbm>>)
        tpu.yield
      }) : () -> ()
    }
    %scan3A_20 = arith.constant 10 : i32
    return
  }
}

module attributes {stable_mosaic.version = 14 : i64} {
  func.func @body(%arg0: i32, %arg1: memref<640x128xbf16, #tpu.memory_space<vmem>>, %arg2: memref<640x128xbf16, #tpu.memory_space<vmem>>, %arg3: memref<128x2048xf32, #tpu.memory_space<vmem>>, %arg4: memref<1x2048xf32, #tpu.memory_space<vmem>>, %arg5: memref<2048x16xf32, #tpu.memory_space<vmem>>, %arg6: memref<768x128xf32, #tpu.memory_space<vmem>>, %arg7: memref<1x128xf32, #tpu.memory_space<vmem>>, %arg8: memref<80x128xf32, #tpu.memory_space<vmem>>) attributes {dimension_semantics = [#tpu.dimension_semantics<arbitrary>], iteration_bounds = array<i64: 256>, scalar_prefetch = 0 : i64, scratch_operands = 0 : i64, tpu.core_type = #tpu.core_type<tc>, window_params = [{transform_indices = @transform_0, window_bounds = array<i64: 640, 128>}, {transform_indices = @transform_1, window_bounds = array<i64: 640, 128>}, {pipeline_mode = #tpu.pipeline_mode<synchronous>, transform_indices = @transform_2, window_bounds = array<i64: 128, 2048>}, {pipeline_mode = #tpu.pipeline_mode<synchronous>, transform_indices = @transform_3, window_bounds = array<i64: 1, 2048>}, {pipeline_mode = #tpu.pipeline_mode<synchronous>, transform_indices = @transform_4, window_bounds = array<i64: 2048, 16>}, {pipeline_mode = #tpu.pipeline_mode<synchronous>, transform_indices = @transform_5, window_bounds = array<i64: 768, 128>}, {pipeline_mode = #tpu.pipeline_mode<synchronous>, transform_indices = @transform_6, window_bounds = array<i64: 1, 128>}, {transform_indices = @transform_7, window_bounds = array<i64: 80, 128>}]} {
    %get3A = arith.constant 0 : index
    %get3A_0 = arith.constant 0 : index
    %get3A_1 = vector.load %arg1[%get3A, %get3A_0] : memref<640x128xbf16, #tpu.memory_space<vmem>>, vector<640x128xbf16>
    %get3A_2 = arith.constant 0 : index
    %get3A_3 = arith.constant 0 : index
    %get3A_4 = vector.load %arg2[%get3A_2, %get3A_3] : memref<640x128xbf16, #tpu.memory_space<vmem>>, vector<640x128xbf16>
    %get3A_5 = arith.constant 0 : index
    %get3A_6 = arith.constant 0 : index
    %get3A_7 = vector.load %arg3[%get3A_5, %get3A_6] : memref<128x2048xf32, #tpu.memory_space<vmem>>, vector<128x2048xf32>
    %get3A_8 = arith.constant 0 : index
    %get3A_9 = arith.constant 0 : index
    %get3A_10 = vector.load %arg4[%get3A_8, %get3A_9] : memref<1x2048xf32, #tpu.memory_space<vmem>>, vector<1x2048xf32>
    %get3A_11 = arith.constant 0 : index
    %get3A_12 = arith.constant 0 : index
    %get3A_13 = vector.load %arg5[%get3A_11, %get3A_12] : memref<2048x16xf32, #tpu.memory_space<vmem>>, vector<2048x16xf32>
    %get3A_14 = arith.constant 0 : index
    %get3A_15 = arith.constant 0 : index
    %get3A_16 = vector.load %arg6[%get3A_14, %get3A_15] : memref<768x128xf32, #tpu.memory_space<vmem>>, vector<768x128xf32>
    %get3A_17 = arith.constant 0 : index
    %get3A_18 = arith.constant 0 : index
    %get3A_19 = vector.load %arg7[%get3A_17, %get3A_18] : memref<1x128xf32, #tpu.memory_space<vmem>>, vector<1x128xf32>
    %convert_element_type3A = arith.extf %get3A_4 : vector<640x128xbf16> to vector<640x128xf32>
    %dot_general3A = arith.constant dense<0.000000e+00> : vector<640x2048xf32>
    %dot_general3A_20 = tpu.matmul %convert_element_type3A, %get3A_7, %dot_general3A {dimension_numbers = #tpu.dot_dimension_numbers<[1], [0], [0], [1], [0, 0, 1, 1], [], []>, transpose_lhs_hint = false} : vector<640x128xf32>, vector<128x2048xf32>, vector<640x2048xf32> -> vector<640x2048xf32>
    %add3A = vector.broadcast %get3A_10 : vector<1x2048xf32> to vector<640x2048xf32>
    %add3A_21 = arith.addf %dot_general3A_20, %add3A : vector<640x2048xf32>
    %convert_element_type3A_22 = arith.truncf %add3A_21 : vector<640x2048xf32> to vector<640x2048xbf16>
    %convert_element_type3A_23 = arith.extf %convert_element_type3A_22 : vector<640x2048xbf16> to vector<640x2048xf32>
    %concatenate3A = tpu.concatenate %get3A_1, %get3A_1, %get3A_1, %get3A_1, %get3A_1, %get3A_1, %get3A_1, %get3A_1, %get3A_1, %get3A_1, %get3A_1, %get3A_1, %get3A_1, %get3A_1, %get3A_1, %get3A_1 in 1 : vector<640x128xbf16>, vector<640x128xbf16>, vector<640x128xbf16>, vector<640x128xbf16>, vector<640x128xbf16>, vector<640x128xbf16>, vector<640x128xbf16>, vector<640x128xbf16>, vector<640x128xbf16>, vector<640x128xbf16>, vector<640x128xbf16>, vector<640x128xbf16>, vector<640x128xbf16>, vector<640x128xbf16>, vector<640x128xbf16>, vector<640x128xbf16> -> vector<640x2048xbf16>
    %convert_element_type3A_24 = arith.extf %concatenate3A : vector<640x2048xbf16> to vector<640x2048xf32>
    %mul3A = arith.mulf %convert_element_type3A_23, %convert_element_type3A_24 : vector<640x2048xf32>
    %convert_element_type3A_25 = arith.truncf %mul3A : vector<640x2048xf32> to vector<640x2048xbf16>
    %convert_element_type3A_26 = arith.extf %convert_element_type3A_25 : vector<640x2048xbf16> to vector<640x2048xf32>
    %sub3A = arith.subf %mul3A, %convert_element_type3A_26 : vector<640x2048xf32>
    %dot_general3A_27 = arith.constant dense<0.000000e+00> : vector<640x16xf32>
    %dot_general3A_28 = tpu.matmul %convert_element_type3A_26, %get3A_13, %dot_general3A_27 {dimension_numbers = #tpu.dot_dimension_numbers<[1], [0], [0], [1], [0, 0, 1, 1], [], []>, transpose_lhs_hint = false} : vector<640x2048xf32>, vector<2048x16xf32>, vector<640x16xf32> -> vector<640x16xf32>
    %dot_general3A_29 = arith.constant dense<0.000000e+00> : vector<640x16xf32>
    %dot_general3A_30 = tpu.matmul %sub3A, %get3A_13, %dot_general3A_29 {dimension_numbers = #tpu.dot_dimension_numbers<[1], [0], [0], [1], [0, 0, 1, 1], [], []>, transpose_lhs_hint = false} : vector<640x2048xf32>, vector<2048x16xf32>, vector<640x16xf32> -> vector<640x16xf32>
    %add3A_31 = arith.addf %dot_general3A_28, %dot_general3A_30 : vector<640x16xf32>
    %slice3A = vector.extract_strided_slice %add3A_31 {offsets = [0, 0], sizes = [80, 16], strides = [1, 1]} : vector<640x16xf32> to vector<80x16xf32>
    %slice3A_32 = vector.extract_strided_slice %add3A_31 {offsets = [80, 0], sizes = [80, 16], strides = [1, 1]} : vector<640x16xf32> to vector<80x16xf32>
    %slice3A_33 = vector.extract_strided_slice %add3A_31 {offsets = [160, 0], sizes = [80, 16], strides = [1, 1]} : vector<640x16xf32> to vector<80x16xf32>
    %slice3A_34 = vector.extract_strided_slice %add3A_31 {offsets = [240, 0], sizes = [80, 16], strides = [1, 1]} : vector<640x16xf32> to vector<80x16xf32>
    %slice3A_35 = vector.extract_strided_slice %add3A_31 {offsets = [320, 0], sizes = [80, 16], strides = [1, 1]} : vector<640x16xf32> to vector<80x16xf32>
    %slice3A_36 = vector.extract_strided_slice %add3A_31 {offsets = [400, 0], sizes = [80, 16], strides = [1, 1]} : vector<640x16xf32> to vector<80x16xf32>
    %slice3A_37 = vector.extract_strided_slice %add3A_31 {offsets = [480, 0], sizes = [80, 16], strides = [1, 1]} : vector<640x16xf32> to vector<80x16xf32>
    %slice3A_38 = vector.extract_strided_slice %add3A_31 {offsets = [560, 0], sizes = [80, 16], strides = [1, 1]} : vector<640x16xf32> to vector<80x16xf32>
    %concatenate3A_39 = tpu.concatenate %slice3A, %slice3A_32, %slice3A_33, %slice3A_34, %slice3A_35, %slice3A_36, %slice3A_37, %slice3A_38 in 1 : vector<80x16xf32>, vector<80x16xf32>, vector<80x16xf32>, vector<80x16xf32>, vector<80x16xf32>, vector<80x16xf32>, vector<80x16xf32>, vector<80x16xf32> -> vector<80x128xf32>
    %sin3A = math.sin %concatenate3A_39 : vector<80x128xf32>
    %cos3A = math.cos %concatenate3A_39 : vector<80x128xf32>
    %mul3A_40 = arith.constant 2.000000e+00 : f32
    %mul3A_41 = vector.broadcast %mul3A_40 : f32 to vector<80x128xf32>
    %mul3A_42 = arith.mulf %mul3A_41, %sin3A : vector<80x128xf32>
    %mul3A_43 = arith.mulf %mul3A_42, %cos3A : vector<80x128xf32>
    %mul3A_44 = arith.mulf %sin3A, %sin3A : vector<80x128xf32>
    %mul3A_45 = arith.constant 2.000000e+00 : f32
    %mul3A_46 = vector.broadcast %mul3A_45 : f32 to vector<80x128xf32>
    %mul3A_47 = arith.mulf %mul3A_46, %mul3A_44 : vector<80x128xf32>
    %sub3A_48 = arith.constant 1.000000e+00 : f32
    %sub3A_49 = vector.broadcast %sub3A_48 : f32 to vector<80x128xf32>
    %sub3A_50 = arith.subf %sub3A_49, %mul3A_47 : vector<80x128xf32>
    %mul3A_51 = arith.constant 2.000000e+00 : f32
    %mul3A_52 = vector.broadcast %mul3A_51 : f32 to vector<80x128xf32>
    %mul3A_53 = arith.mulf %mul3A_52, %mul3A_43 : vector<80x128xf32>
    %mul3A_54 = arith.mulf %mul3A_53, %sub3A_50 : vector<80x128xf32>
    %mul3A_55 = arith.mulf %mul3A_43, %mul3A_43 : vector<80x128xf32>
    %mul3A_56 = arith.constant 2.000000e+00 : f32
    %mul3A_57 = vector.broadcast %mul3A_56 : f32 to vector<80x128xf32>
    %mul3A_58 = arith.mulf %mul3A_57, %mul3A_55 : vector<80x128xf32>
    %sub3A_59 = arith.constant 1.000000e+00 : f32
    %sub3A_60 = vector.broadcast %sub3A_59 : f32 to vector<80x128xf32>
    %sub3A_61 = arith.subf %sub3A_60, %mul3A_58 : vector<80x128xf32>
    %concatenate3A_62 = tpu.concatenate %sin3A, %cos3A, %mul3A_43, %sub3A_50, %mul3A_54, %sub3A_61 in 1 : vector<80x128xf32>, vector<80x128xf32>, vector<80x128xf32>, vector<80x128xf32>, vector<80x128xf32>, vector<80x128xf32> -> vector<80x768xf32>
    %dot_general3A_63 = arith.constant dense<0.000000e+00> : vector<80x128xf32>
    %dot_general3A_64 = tpu.matmul %concatenate3A_62, %get3A_16, %dot_general3A_63 {dimension_numbers = #tpu.dot_dimension_numbers<[1], [0], [0], [1], [0, 0, 1, 1], [], []>, transpose_lhs_hint = false} : vector<80x768xf32>, vector<768x128xf32>, vector<80x128xf32> -> vector<80x128xf32>
    %add3A_65 = vector.broadcast %get3A_19 : vector<1x128xf32> to vector<80x128xf32>
    %add3A_66 = arith.addf %dot_general3A_64, %add3A_65 : vector<80x128xf32>
    %swap3A = arith.constant 0 : index
    %swap3A_67 = arith.constant 0 : index
    %swap3A_68 = vector.load %arg8[%swap3A, %swap3A_67] : memref<80x128xf32, #tpu.memory_space<vmem>>, vector<80x128xf32>
    tpu.vector_store %arg8[%swap3A, %swap3A_67], %add3A_66 {strides = array<i32>} : memref<80x128xf32, #tpu.memory_space<vmem>>, vector<80x128xf32>,
    return
  }
  func.func @transform_0(%arg0: i32) -> (i32, i32) {
    %c0_i32 = arith.constant 0 : i32
    %c0_i32_0 = arith.constant 0 : i32
    return %arg0, %c0_i32 : i32, i32
  }
  func.func @transform_1(%arg0: i32) -> (i32, i32) {
    %c0_i32 = arith.constant 0 : i32
    %c0_i32_0 = arith.constant 0 : i32
    return %arg0, %c0_i32 : i32, i32
  }
  func.func @transform_2(%arg0: i32) -> (i32, i32) {
    %c0_i32 = arith.constant 0 : i32
    %c0_i32_0 = arith.constant 0 : i32
    %c0_i32_1 = arith.constant 0 : i32
    return %c0_i32, %c0_i32_0 : i32, i32
  }
  func.func @transform_3(%arg0: i32) -> (i32, i32) {
    %c0_i32 = arith.constant 0 : i32
    %c0_i32_0 = arith.constant 0 : i32
    %c0_i32_1 = arith.constant 0 : i32
    return %c0_i32, %c0_i32_0 : i32, i32
  }
  func.func @transform_4(%arg0: i32) -> (i32, i32) {
    %c0_i32 = arith.constant 0 : i32
    %c0_i32_0 = arith.constant 0 : i32
    %c0_i32_1 = arith.constant 0 : i32
    return %c0_i32, %c0_i32_0 : i32, i32
  }
  func.func @transform_5(%arg0: i32) -> (i32, i32) {
    %c0_i32 = arith.constant 0 : i32
    %c0_i32_0 = arith.constant 0 : i32
    %c0_i32_1 = arith.constant 0 : i32
    return %c0_i32, %c0_i32_0 : i32, i32
  }
  func.func @transform_6(%arg0: i32) -> (i32, i32) {
    %c0_i32 = arith.constant 0 : i32
    %c0_i32_0 = arith.constant 0 : i32
    %c0_i32_1 = arith.constant 0 : i32
    return %c0_i32, %c0_i32_0 : i32, i32
  }
  func.func @transform_7(%arg0: i32) -> (i32, i32) {
    %c0_i32 = arith.constant 0 : i32
    %c0_i32_0 = arith.constant 0 : i32
    return %arg0, %c0_i32 : i32, i32
  }
}

module attributes {stable_mosaic.version = 14 : i64} {
  func.func @body(%arg0: i32, %arg1: memref<400x128xf32, #tpu.memory_space<vmem>>, %arg2: memref<400x16xf32, #tpu.memory_space<vmem>>, %arg3: memref<400x16xf32, #tpu.memory_space<vmem>>, %arg4: memref<400x16xf32, #tpu.memory_space<vmem>>, %arg5: memref<400x16xf32, #tpu.memory_space<vmem>>, %arg6: memref<128x2048xf32, #tpu.memory_space<vmem>>, %arg7: memref<1x2048xf32, #tpu.memory_space<vmem>>, %arg8: memref<2048x16xf32, #tpu.memory_space<vmem>>, %arg9: memref<768x128xf32, #tpu.memory_space<vmem>>, %arg10: memref<1x128xf32, #tpu.memory_space<vmem>>, %arg11: memref<128x128xf32, #tpu.memory_space<vmem>>, %arg12: memref<16x128xf32, #tpu.memory_space<vmem>>, %arg13: memref<1x128xf32, #tpu.memory_space<vmem>>, %arg14: memref<128x16xf32, #tpu.memory_space<vmem>>, %arg15: memref<1x16xf32, #tpu.memory_space<vmem>>, %arg16: memref<400x16xf32, #tpu.memory_space<vmem>>, %arg17: memref<400x128xbf16, #tpu.memory_space<vmem>>) attributes {dimension_semantics = [#tpu.dimension_semantics<arbitrary>], iteration_bounds = array<i64: 25>, scalar_prefetch = 0 : i64, scratch_operands = 0 : i64, tpu.core_type = #tpu.core_type<tc>, window_params = [{transform_indices = @transform_0, window_bounds = array<i64: 400, 128>}, {transform_indices = @transform_1, window_bounds = array<i64: 400, 16>}, {transform_indices = @transform_2, window_bounds = array<i64: 400, 16>}, {transform_indices = @transform_3, window_bounds = array<i64: 400, 16>}, {transform_indices = @transform_4, window_bounds = array<i64: 400, 16>}, {pipeline_mode = #tpu.pipeline_mode<synchronous>, transform_indices = @transform_5, window_bounds = array<i64: 128, 2048>}, {pipeline_mode = #tpu.pipeline_mode<synchronous>, transform_indices = @transform_6, window_bounds = array<i64: 1, 2048>}, {pipeline_mode = #tpu.pipeline_mode<synchronous>, transform_indices = @transform_7, window_bounds = array<i64: 2048, 16>}, {pipeline_mode = #tpu.pipeline_mode<synchronous>, transform_indices = @transform_8, window_bounds = array<i64: 768, 128>}, {pipeline_mode = #tpu.pipeline_mode<synchronous>, transform_indices = @transform_9, window_bounds = array<i64: 1, 128>}, {pipeline_mode = #tpu.pipeline_mode<synchronous>, transform_indices = @transform_10, window_bounds = array<i64: 128, 128>}, {pipeline_mode = #tpu.pipeline_mode<synchronous>, transform_indices = @transform_11, window_bounds = array<i64: 16, 128>}, {pipeline_mode = #tpu.pipeline_mode<synchronous>, transform_indices = @transform_12, window_bounds = array<i64: 1, 128>}, {pipeline_mode = #tpu.pipeline_mode<synchronous>, transform_indices = @transform_13, window_bounds = array<i64: 128, 16>}, {pipeline_mode = #tpu.pipeline_mode<synchronous>, transform_indices = @transform_14, window_bounds = array<i64: 1, 16>}, {transform_indices = @transform_15, window_bounds = array<i64: 400, 16>}, {transform_indices = @transform_16, window_bounds = array<i64: 400, 128>}]} {
    %get3A = arith.constant 0 : index
    %get3A_0 = arith.constant 0 : index
    %get3A_1 = vector.load %arg1[%get3A, %get3A_0] : memref<400x128xf32, #tpu.memory_space<vmem>>, vector<400x128xf32>
    %get3A_2 = arith.constant 0 : index
    %get3A_3 = arith.constant 0 : index
    %get3A_4 = vector.load %arg6[%get3A_2, %get3A_3] : memref<128x2048xf32, #tpu.memory_space<vmem>>, vector<128x2048xf32>
    %get3A_5 = arith.constant 0 : index
    %get3A_6 = arith.constant 0 : index
    %get3A_7 = vector.load %arg7[%get3A_5, %get3A_6] : memref<1x2048xf32, #tpu.memory_space<vmem>>, vector<1x2048xf32>
    %get3A_8 = arith.constant 0 : index
    %get3A_9 = arith.constant 0 : index
    %get3A_10 = vector.load %arg8[%get3A_8, %get3A_9] : memref<2048x16xf32, #tpu.memory_space<vmem>>, vector<2048x16xf32>
    %get3A_11 = arith.constant 0 : index
    %get3A_12 = arith.constant 0 : index
    %get3A_13 = vector.load %arg9[%get3A_11, %get3A_12] : memref<768x128xf32, #tpu.memory_space<vmem>>, vector<768x128xf32>
    %get3A_14 = arith.constant 0 : index
    %get3A_15 = arith.constant 0 : index
    %get3A_16 = vector.load %arg10[%get3A_14, %get3A_15] : memref<1x128xf32, #tpu.memory_space<vmem>>, vector<1x128xf32>
    %dot_general3A = arith.constant dense<0.000000e+00> : vector<400x2048xf32>
    %dot_general3A_17 = tpu.matmul %get3A_1, %get3A_4, %dot_general3A {dimension_numbers = #tpu.dot_dimension_numbers<[1], [0], [0], [1], [0, 0, 1, 1], [], []>, transpose_lhs_hint = false} : vector<400x128xf32>, vector<128x2048xf32>, vector<400x2048xf32> -> vector<400x2048xf32>
    %add3A = vector.broadcast %get3A_7 : vector<1x2048xf32> to vector<400x2048xf32>
    %add3A_18 = arith.addf %dot_general3A_17, %add3A : vector<400x2048xf32>
    %convert_element_type3A = arith.truncf %add3A_18 : vector<400x2048xf32> to vector<400x2048xbf16>
    %convert_element_type3A_19 = arith.extf %convert_element_type3A : vector<400x2048xbf16> to vector<400x2048xf32>
    %concatenate3A = tpu.concatenate %get3A_1, %get3A_1, %get3A_1, %get3A_1, %get3A_1, %get3A_1, %get3A_1, %get3A_1, %get3A_1, %get3A_1, %get3A_1, %get3A_1, %get3A_1, %get3A_1, %get3A_1, %get3A_1 in 1 : vector<400x128xf32>, vector<400x128xf32>, vector<400x128xf32>, vector<400x128xf32>, vector<400x128xf32>, vector<400x128xf32>, vector<400x128xf32>, vector<400x128xf32>, vector<400x128xf32>, vector<400x128xf32>, vector<400x128xf32>, vector<400x128xf32>, vector<400x128xf32>, vector<400x128xf32>, vector<400x128xf32>, vector<400x128xf32> -> vector<400x2048xf32>
    %convert_element_type3A_20 = arith.truncf %concatenate3A : vector<400x2048xf32> to vector<400x2048xbf16>
    %convert_element_type3A_21 = arith.extf %convert_element_type3A_20 : vector<400x2048xbf16> to vector<400x2048xf32>
    %mul3A = arith.mulf %convert_element_type3A_19, %convert_element_type3A_21 : vector<400x2048xf32>
    %convert_element_type3A_22 = arith.truncf %mul3A : vector<400x2048xf32> to vector<400x2048xbf16>
    %convert_element_type3A_23 = arith.extf %convert_element_type3A_22 : vector<400x2048xbf16> to vector<400x2048xf32>
    %sub3A = arith.subf %mul3A, %convert_element_type3A_23 : vector<400x2048xf32>
    %dot_general3A_24 = arith.constant dense<0.000000e+00> : vector<400x16xf32>
    %dot_general3A_25 = tpu.matmul %convert_element_type3A_23, %get3A_10, %dot_general3A_24 {dimension_numbers = #tpu.dot_dimension_numbers<[1], [0], [0], [1], [0, 0, 1, 1], [], []>, transpose_lhs_hint = false} : vector<400x2048xf32>, vector<2048x16xf32>, vector<400x16xf32> -> vector<400x16xf32>
    %dot_general3A_26 = arith.constant dense<0.000000e+00> : vector<400x16xf32>
    %dot_general3A_27 = tpu.matmul %sub3A, %get3A_10, %dot_general3A_26 {dimension_numbers = #tpu.dot_dimension_numbers<[1], [0], [0], [1], [0, 0, 1, 1], [], []>, transpose_lhs_hint = false} : vector<400x2048xf32>, vector<2048x16xf32>, vector<400x16xf32> -> vector<400x16xf32>
    %add3A_28 = arith.addf %dot_general3A_25, %dot_general3A_27 : vector<400x16xf32>
    %slice3A = vector.extract_strided_slice %add3A_28 {offsets = [0, 0], sizes = [50, 16], strides = [1, 1]} : vector<400x16xf32> to vector<50x16xf32>
    %slice3A_29 = vector.extract_strided_slice %add3A_28 {offsets = [50, 0], sizes = [50, 16], strides = [1, 1]} : vector<400x16xf32> to vector<50x16xf32>
    %slice3A_30 = vector.extract_strided_slice %add3A_28 {offsets = [100, 0], sizes = [50, 16], strides = [1, 1]} : vector<400x16xf32> to vector<50x16xf32>
    %slice3A_31 = vector.extract_strided_slice %add3A_28 {offsets = [150, 0], sizes = [50, 16], strides = [1, 1]} : vector<400x16xf32> to vector<50x16xf32>
    %slice3A_32 = vector.extract_strided_slice %add3A_28 {offsets = [200, 0], sizes = [50, 16], strides = [1, 1]} : vector<400x16xf32> to vector<50x16xf32>
    %slice3A_33 = vector.extract_strided_slice %add3A_28 {offsets = [250, 0], sizes = [50, 16], strides = [1, 1]} : vector<400x16xf32> to vector<50x16xf32>
    %slice3A_34 = vector.extract_strided_slice %add3A_28 {offsets = [300, 0], sizes = [50, 16], strides = [1, 1]} : vector<400x16xf32> to vector<50x16xf32>
    %slice3A_35 = vector.extract_strided_slice %add3A_28 {offsets = [350, 0], sizes = [50, 16], strides = [1, 1]} : vector<400x16xf32> to vector<50x16xf32>
    %concatenate3A_36 = tpu.concatenate %slice3A, %slice3A_29, %slice3A_30, %slice3A_31, %slice3A_32, %slice3A_33, %slice3A_34, %slice3A_35 in 1 : vector<50x16xf32>, vector<50x16xf32>, vector<50x16xf32>, vector<50x16xf32>, vector<50x16xf32>, vector<50x16xf32>, vector<50x16xf32>, vector<50x16xf32> -> vector<50x128xf32>
    %sin3A = math.sin %concatenate3A_36 : vector<50x128xf32>
    %cos3A = math.cos %concatenate3A_36 : vector<50x128xf32>
    %mul3A_37 = arith.constant 2.000000e+00 : f32
    %mul3A_38 = vector.broadcast %mul3A_37 : f32 to vector<50x128xf32>
    %mul3A_39 = arith.mulf %mul3A_38, %sin3A : vector<50x128xf32>
    %mul3A_40 = arith.mulf %mul3A_39, %cos3A : vector<50x128xf32>
    %mul3A_41 = arith.mulf %sin3A, %sin3A : vector<50x128xf32>
    %mul3A_42 = arith.constant 2.000000e+00 : f32
    %mul3A_43 = vector.broadcast %mul3A_42 : f32 to vector<50x128xf32>
    %mul3A_44 = arith.mulf %mul3A_43, %mul3A_41 : vector<50x128xf32>
    %sub3A_45 = arith.constant 1.000000e+00 : f32
    %sub3A_46 = vector.broadcast %sub3A_45 : f32 to vector<50x128xf32>
    %sub3A_47 = arith.subf %sub3A_46, %mul3A_44 : vector<50x128xf32>
    %mul3A_48 = arith.constant 2.000000e+00 : f32
    %mul3A_49 = vector.broadcast %mul3A_48 : f32 to vector<50x128xf32>
    %mul3A_50 = arith.mulf %mul3A_49, %mul3A_40 : vector<50x128xf32>
    %mul3A_51 = arith.mulf %mul3A_50, %sub3A_47 : vector<50x128xf32>
    %mul3A_52 = arith.mulf %mul3A_40, %mul3A_40 : vector<50x128xf32>
    %mul3A_53 = arith.constant 2.000000e+00 : f32
    %mul3A_54 = vector.broadcast %mul3A_53 : f32 to vector<50x128xf32>
    %mul3A_55 = arith.mulf %mul3A_54, %mul3A_52 : vector<50x128xf32>
    %sub3A_56 = arith.constant 1.000000e+00 : f32
    %sub3A_57 = vector.broadcast %sub3A_56 : f32 to vector<50x128xf32>
    %sub3A_58 = arith.subf %sub3A_57, %mul3A_55 : vector<50x128xf32>
    %concatenate3A_59 = tpu.concatenate %sin3A, %cos3A, %mul3A_40, %sub3A_47, %mul3A_51, %sub3A_58 in 1 : vector<50x128xf32>, vector<50x128xf32>, vector<50x128xf32>, vector<50x128xf32>, vector<50x128xf32>, vector<50x128xf32> -> vector<50x768xf32>
    %dot_general3A_60 = arith.constant dense<0.000000e+00> : vector<50x128xf32>
    %dot_general3A_61 = tpu.matmul %concatenate3A_59, %get3A_13, %dot_general3A_60 {dimension_numbers = #tpu.dot_dimension_numbers<[1], [0], [0], [1], [0, 0, 1, 1], [], []>, transpose_lhs_hint = false} : vector<50x768xf32>, vector<768x128xf32>, vector<50x128xf32> -> vector<50x128xf32>
    %add3A_62 = vector.broadcast %get3A_16 : vector<1x128xf32> to vector<50x128xf32>
    %add3A_63 = arith.addf %dot_general3A_61, %add3A_62 : vector<50x128xf32>
    %slice3A_64 = vector.extract_strided_slice %add3A_63 {offsets = [0, 0], sizes = [50, 16], strides = [1, 1]} : vector<50x128xf32> to vector<50x16xf32>
    %slice3A_65 = vector.extract_strided_slice %add3A_63 {offsets = [0, 16], sizes = [50, 16], strides = [1, 1]} : vector<50x128xf32> to vector<50x16xf32>
    %slice3A_66 = vector.extract_strided_slice %add3A_63 {offsets = [0, 32], sizes = [50, 16], strides = [1, 1]} : vector<50x128xf32> to vector<50x16xf32>
    %slice3A_67 = vector.extract_strided_slice %add3A_63 {offsets = [0, 48], sizes = [50, 16], strides = [1, 1]} : vector<50x128xf32> to vector<50x16xf32>
    %slice3A_68 = vector.extract_strided_slice %add3A_63 {offsets = [0, 64], sizes = [50, 16], strides = [1, 1]} : vector<50x128xf32> to vector<50x16xf32>
    %slice3A_69 = vector.extract_strided_slice %add3A_63 {offsets = [0, 80], sizes = [50, 16], strides = [1, 1]} : vector<50x128xf32> to vector<50x16xf32>
    %slice3A_70 = vector.extract_strided_slice %add3A_63 {offsets = [0, 96], sizes = [50, 16], strides = [1, 1]} : vector<50x128xf32> to vector<50x16xf32>
    %slice3A_71 = vector.extract_strided_slice %add3A_63 {offsets = [0, 112], sizes = [50, 16], strides = [1, 1]} : vector<50x128xf32> to vector<50x16xf32>
    %concatenate3A_72 = tpu.concatenate %slice3A_64, %slice3A_65, %slice3A_66, %slice3A_67, %slice3A_68, %slice3A_69, %slice3A_70, %slice3A_71 in 0 : vector<50x16xf32>, vector<50x16xf32>, vector<50x16xf32>, vector<50x16xf32>, vector<50x16xf32>, vector<50x16xf32>, vector<50x16xf32>, vector<50x16xf32> -> vector<400x16xf32>
    %get3A_73 = arith.constant 0 : index
    %get3A_74 = arith.constant 0 : index
    %get3A_75 = vector.load %arg4[%get3A_73, %get3A_74] : memref<400x16xf32, #tpu.memory_space<vmem>>, vector<400x16xf32>
    %get3A_76 = arith.constant 0 : index
    %get3A_77 = arith.constant 0 : index
    %get3A_78 = vector.load %arg5[%get3A_76, %get3A_77] : memref<400x16xf32, #tpu.memory_space<vmem>>, vector<400x16xf32>
    %add3A_79 = arith.addf %get3A_75, %get3A_78 : vector<400x16xf32>
    %add3A_80 = arith.constant 1.000000e+00 : f32
    %add3A_81 = vector.broadcast %add3A_80 : f32 to vector<400x16xf32>
    %add3A_82 = arith.addf %add3A_79, %add3A_81 : vector<400x16xf32>
    %get3A_83 = arith.constant 0 : index
    %get3A_84 = arith.constant 0 : index
    %get3A_85 = vector.load %arg2[%get3A_83, %get3A_84] : memref<400x16xf32, #tpu.memory_space<vmem>>, vector<400x16xf32>
    %get3A_86 = arith.constant 0 : index
    %get3A_87 = arith.constant 0 : index
    %get3A_88 = vector.load %arg3[%get3A_86, %get3A_87] : memref<400x16xf32, #tpu.memory_space<vmem>>, vector<400x16xf32>
    %add3A_89 = arith.addf %get3A_85, %get3A_88 : vector<400x16xf32>
    %add3A_90 = arith.addf %add3A_89, %concatenate3A_72 : vector<400x16xf32>
    %div3A = arith.divf %add3A_90, %add3A_82 : vector<400x16xf32>
    %get3A_91 = arith.constant 0 : index
    %get3A_92 = arith.constant 0 : index
    %get3A_93 = vector.load %arg11[%get3A_91, %get3A_92] : memref<128x128xf32, #tpu.memory_space<vmem>>, vector<128x128xf32>
    %dot_general3A_94 = arith.constant dense<0.000000e+00> : vector<400x128xf32>
    %dot_general3A_95 = tpu.matmul %get3A_1, %get3A_93, %dot_general3A_94 {dimension_numbers = #tpu.dot_dimension_numbers<[1], [0], [0], [1], [0, 0, 1, 1], [], []>, transpose_lhs_hint = false} : vector<400x128xf32>, vector<128x128xf32>, vector<400x128xf32> -> vector<400x128xf32>
    %get3A_96 = arith.constant 0 : index
    %get3A_97 = arith.constant 0 : index
    %get3A_98 = vector.load %arg12[%get3A_96, %get3A_97] : memref<16x128xf32, #tpu.memory_space<vmem>>, vector<16x128xf32>
    %dot_general3A_99 = arith.constant dense<0.000000e+00> : vector<400x128xf32>
    %dot_general3A_100 = tpu.matmul %div3A, %get3A_98, %dot_general3A_99 {dimension_numbers = #tpu.dot_dimension_numbers<[1], [0], [0], [1], [0, 0, 1, 1], [], []>, transpose_lhs_hint = false} : vector<400x16xf32>, vector<16x128xf32>, vector<400x128xf32> -> vector<400x128xf32>
    %add3A_101 = arith.addf %dot_general3A_95, %dot_general3A_100 : vector<400x128xf32>
    %get3A_102 = arith.constant 0 : index
    %get3A_103 = arith.constant 0 : index
    %get3A_104 = vector.load %arg13[%get3A_102, %get3A_103] : memref<1x128xf32, #tpu.memory_space<vmem>>, vector<1x128xf32>
    %add3A_105 = vector.broadcast %get3A_104 : vector<1x128xf32> to vector<400x128xf32>
    %add3A_106 = arith.addf %add3A_101, %add3A_105 : vector<400x128xf32>
    %max3A = arith.constant 0.000000e+00 : f32
    %max3A_107 = vector.broadcast %max3A : f32 to vector<400x128xf32>
    %max3A_108 = arith.maximumf %add3A_106, %max3A_107 : vector<400x128xf32>
    %get3A_109 = arith.constant 0 : index
    %get3A_110 = arith.constant 0 : index
    %get3A_111 = vector.load %arg14[%get3A_109, %get3A_110] : memref<128x16xf32, #tpu.memory_space<vmem>>, vector<128x16xf32>
    %dot_general3A_112 = arith.constant dense<0.000000e+00> : vector<400x16xf32>
    %dot_general3A_113 = tpu.matmul %max3A_108, %get3A_111, %dot_general3A_112 {dimension_numbers = #tpu.dot_dimension_numbers<[1], [0], [0], [1], [0, 0, 1, 1], [], []>, transpose_lhs_hint = false} : vector<400x128xf32>, vector<128x16xf32>, vector<400x16xf32> -> vector<400x16xf32>
    %get3A_114 = arith.constant 0 : index
    %get3A_115 = arith.constant 0 : index
    %get3A_116 = vector.load %arg15[%get3A_114, %get3A_115] : memref<1x16xf32, #tpu.memory_space<vmem>>, vector<1x16xf32>
    %add3A_117 = vector.broadcast %get3A_116 : vector<1x16xf32> to vector<400x16xf32>
    %add3A_118 = arith.addf %dot_general3A_113, %add3A_117 : vector<400x16xf32>
    %max3A_119 = arith.constant 0.000000e+00 : f32
    %max3A_120 = vector.broadcast %max3A_119 : f32 to vector<400x16xf32>
    %max3A_121 = arith.maximumf %add3A_118, %max3A_120 : vector<400x16xf32>
    %swap3A = arith.constant 0 : index
    %swap3A_122 = arith.constant 0 : index
    %swap3A_123 = vector.load %arg16[%swap3A, %swap3A_122] : memref<400x16xf32, #tpu.memory_space<vmem>>, vector<400x16xf32>
    tpu.vector_store %arg16[%swap3A, %swap3A_122], %max3A_121 {strides = array<i32>} : memref<400x16xf32, #tpu.memory_space<vmem>>, vector<400x16xf32>,
    %broadcast_in_dim3A = arith.constant 0.000000e+00 : f32
    %broadcast_in_dim3A_124 = vector.broadcast %broadcast_in_dim3A : f32 to vector<400x112xf32>
    %concatenate3A_125 = tpu.concatenate %max3A_121, %broadcast_in_dim3A_124 in 1 : vector<400x16xf32>, vector<400x112xf32> -> vector<400x128xf32>
    %convert_element_type3A_126 = arith.truncf %concatenate3A_125 : vector<400x128xf32> to vector<400x128xbf16>
    %swap3A_127 = arith.constant 0 : index
    %swap3A_128 = arith.constant 0 : index
    %swap3A_129 = vector.load %arg17[%swap3A_127, %swap3A_128] : memref<400x128xbf16, #tpu.memory_space<vmem>>, vector<400x128xbf16>
    tpu.vector_store %arg17[%swap3A_127, %swap3A_128], %convert_element_type3A_126 {strides = array<i32>} : memref<400x128xbf16, #tpu.memory_space<vmem>>, vector<400x128xbf16>,
    return
  }
  func.func @transform_0(%arg0: i32) -> (i32, i32) {
    %c0_i32 = arith.constant 0 : i32
    %c0_i32_0 = arith.constant 0 : i32
    return %arg0, %c0_i32 : i32, i32
  }
  func.func @transform_1(%arg0: i32) -> (i32, i32) {
    %c0_i32 = arith.constant 0 : i32
    %c0_i32_0 = arith.constant 0 : i32
    return %arg0, %c0_i32 : i32, i32
  }
  func.func @transform_2(%arg0: i32) -> (i32, i32) {
    %c0_i32 = arith.constant 0 : i32
    %c0_i32_0 = arith.constant 0 : i32
    return %arg0, %c0_i32 : i32, i32
  }
  func.func @transform_3(%arg0: i32) -> (i32, i32) {
    %c0_i32 = arith.constant 0 : i32
    %c0_i32_0 = arith.constant 0 : i32
    return %arg0, %c0_i32 : i32, i32
  }
  func.func @transform_4(%arg0: i32) -> (i32, i32) {
    %c0_i32 = arith.constant 0 : i32
    %c0_i32_0 = arith.constant 0 : i32
    return %arg0, %c0_i32 : i32, i32
  }
  func.func @transform_5(%arg0: i32) -> (i32, i32) {
    %c0_i32 = arith.constant 0 : i32
    %c0_i32_0 = arith.constant 0 : i32
    %c0_i32_1 = arith.constant 0 : i32
    return %c0_i32, %c0_i32_0 : i32, i32
  }
  func.func @transform_6(%arg0: i32) -> (i32, i32) {
    %c0_i32 = arith.constant 0 : i32
    %c0_i32_0 = arith.constant 0 : i32
    %c0_i32_1 = arith.constant 0 : i32
    return %c0_i32, %c0_i32_0 : i32, i32
  }
  func.func @transform_7(%arg0: i32) -> (i32, i32) {
    %c0_i32 = arith.constant 0 : i32
    %c0_i32_0 = arith.constant 0 : i32
    %c0_i32_1 = arith.constant 0 : i32
    return %c0_i32, %c0_i32_0 : i32, i32
  }
  func.func @transform_8(%arg0: i32) -> (i32, i32) {
    %c0_i32 = arith.constant 0 : i32
    %c0_i32_0 = arith.constant 0 : i32
    %c0_i32_1 = arith.constant 0 : i32
    return %c0_i32, %c0_i32_0 : i32, i32
  }
  func.func @transform_9(%arg0: i32) -> (i32, i32) {
    %c0_i32 = arith.constant 0 : i32
    %c0_i32_0 = arith.constant 0 : i32
    %c0_i32_1 = arith.constant 0 : i32
    return %c0_i32, %c0_i32_0 : i32, i32
  }
  func.func @transform_10(%arg0: i32) -> (i32, i32) {
    %c0_i32 = arith.constant 0 : i32
    %c0_i32_0 = arith.constant 0 : i32
    %c0_i32_1 = arith.constant 0 : i32
    return %c0_i32, %c0_i32_0 : i32, i32
  }
  func.func @transform_11(%arg0: i32) -> (i32, i32) {
    %c0_i32 = arith.constant 0 : i32
    %c0_i32_0 = arith.constant 0 : i32
    %c0_i32_1 = arith.constant 0 : i32
    return %c0_i32, %c0_i32_0 : i32, i32
  }
  func.func @transform_12(%arg0: i32) -> (i32, i32) {
    %c0_i32 = arith.constant 0 : i32
    %c0_i32_0 = arith.constant 0 : i32
    %c0_i32_1 = arith.constant 0 : i32
    return %c0_i32, %c0_i32_0 : i32, i32
  }
  func.func @transform_13(%arg0: i32) -> (i32, i32) {
    %c0_i32 = arith.constant 0 : i32
    %c0_i32_0 = arith.constant 0 : i32
    %c0_i32_1 = arith.constant 0 : i32
    return %c0_i32, %c0_i32_0 : i32, i32
  }
  func.func @transform_14(%arg0: i32) -> (i32, i32) {
    %c0_i32 = arith.constant 0 : i32
    %c0_i32_0 = arith.constant 0 : i32
    %c0_i32_1 = arith.constant 0 : i32
    return %c0_i32, %c0_i32_0 : i32, i32
  }
  func.func @transform_15(%arg0: i32) -> (i32, i32) {
    %c0_i32 = arith.constant 0 : i32
    %c0_i32_0 = arith.constant 0 : i32
    return %arg0, %c0_i32 : i32, i32
  }
  func.func @transform_16(%arg0: i32) -> (i32, i32) {
    %c0_i32 = arith.constant 0 : i32
    %c0_i32_0 = arith.constant 0 : i32
    return %arg0, %c0_i32 : i32, i32
  }
}

module attributes {stable_mosaic.version = 14 : i64} {
  func.func @body(%arg0: i32, %arg1: memref<640x128xbf16, #tpu.memory_space<vmem>>, %arg2: memref<640x128xbf16, #tpu.memory_space<vmem>>, %arg3: memref<16x256xf32, #tpu.memory_space<vmem>>, %arg4: memref<1x256xf32, #tpu.memory_space<vmem>>, %arg5: memref<256x16xf32, #tpu.memory_space<vmem>>, %arg6: memref<768x128xf32, #tpu.memory_space<vmem>>, %arg7: memref<1x128xf32, #tpu.memory_space<vmem>>, %arg8: memref<80x128xf32, #tpu.memory_space<vmem>>) attributes {dimension_semantics = [#tpu.dimension_semantics<arbitrary>], iteration_bounds = array<i64: 256>, scalar_prefetch = 0 : i64, scratch_operands = 0 : i64, tpu.core_type = #tpu.core_type<tc>, window_params = [{transform_indices = @transform_0, window_bounds = array<i64: 640, 128>}, {transform_indices = @transform_1, window_bounds = array<i64: 640, 128>}, {pipeline_mode = #tpu.pipeline_mode<synchronous>, transform_indices = @transform_2, window_bounds = array<i64: 16, 256>}, {pipeline_mode = #tpu.pipeline_mode<synchronous>, transform_indices = @transform_3, window_bounds = array<i64: 1, 256>}, {pipeline_mode = #tpu.pipeline_mode<synchronous>, transform_indices = @transform_4, window_bounds = array<i64: 256, 16>}, {pipeline_mode = #tpu.pipeline_mode<synchronous>, transform_indices = @transform_5, window_bounds = array<i64: 768, 128>}, {pipeline_mode = #tpu.pipeline_mode<synchronous>, transform_indices = @transform_6, window_bounds = array<i64: 1, 128>}, {transform_indices = @transform_7, window_bounds = array<i64: 80, 128>}]} {
    %get3A = arith.constant 0 : index
    %get3A_0 = arith.constant 0 : index
    %get3A_1 = vector.load %arg1[%get3A, %get3A_0] : memref<640x128xbf16, #tpu.memory_space<vmem>>, vector<640x16xbf16>
    %get3A_2 = arith.constant 0 : index
    %get3A_3 = arith.constant 0 : index
    %get3A_4 = vector.load %arg2[%get3A_2, %get3A_3] : memref<640x128xbf16, #tpu.memory_space<vmem>>, vector<640x16xbf16>
    %get3A_5 = arith.constant 0 : index
    %get3A_6 = arith.constant 0 : index
    %get3A_7 = vector.load %arg3[%get3A_5, %get3A_6] : memref<16x256xf32, #tpu.memory_space<vmem>>, vector<16x256xf32>
    %get3A_8 = arith.constant 0 : index
    %get3A_9 = arith.constant 0 : index
    %get3A_10 = vector.load %arg4[%get3A_8, %get3A_9] : memref<1x256xf32, #tpu.memory_space<vmem>>, vector<1x256xf32>
    %get3A_11 = arith.constant 0 : index
    %get3A_12 = arith.constant 0 : index
    %get3A_13 = vector.load %arg5[%get3A_11, %get3A_12] : memref<256x16xf32, #tpu.memory_space<vmem>>, vector<256x16xf32>
    %get3A_14 = arith.constant 0 : index
    %get3A_15 = arith.constant 0 : index
    %get3A_16 = vector.load %arg6[%get3A_14, %get3A_15] : memref<768x128xf32, #tpu.memory_space<vmem>>, vector<768x128xf32>
    %get3A_17 = arith.constant 0 : index
    %get3A_18 = arith.constant 0 : index
    %get3A_19 = vector.load %arg7[%get3A_17, %get3A_18] : memref<1x128xf32, #tpu.memory_space<vmem>>, vector<1x128xf32>
    %convert_element_type3A = arith.extf %get3A_4 : vector<640x16xbf16> to vector<640x16xf32>
    %dot_general3A = arith.constant dense<0.000000e+00> : vector<640x256xf32>
    %dot_general3A_20 = tpu.matmul %convert_element_type3A, %get3A_7, %dot_general3A {dimension_numbers = #tpu.dot_dimension_numbers<[1], [0], [0], [1], [0, 0, 1, 1], [], []>, transpose_lhs_hint = false} : vector<640x16xf32>, vector<16x256xf32>, vector<640x256xf32> -> vector<640x256xf32>
    %add3A = vector.broadcast %get3A_10 : vector<1x256xf32> to vector<640x256xf32>
    %add3A_21 = arith.addf %dot_general3A_20, %add3A : vector<640x256xf32>
    %convert_element_type3A_22 = arith.truncf %add3A_21 : vector<640x256xf32> to vector<640x256xbf16>
    %convert_element_type3A_23 = arith.extf %convert_element_type3A_22 : vector<640x256xbf16> to vector<640x256xf32>
    %concatenate3A = tpu.concatenate %get3A_1, %get3A_1, %get3A_1, %get3A_1, %get3A_1, %get3A_1, %get3A_1, %get3A_1, %get3A_1, %get3A_1, %get3A_1, %get3A_1, %get3A_1, %get3A_1, %get3A_1, %get3A_1 in 1 : vector<640x16xbf16>, vector<640x16xbf16>, vector<640x16xbf16>, vector<640x16xbf16>, vector<640x16xbf16>, vector<640x16xbf16>, vector<640x16xbf16>, vector<640x16xbf16>, vector<640x16xbf16>, vector<640x16xbf16>, vector<640x16xbf16>, vector<640x16xbf16>, vector<640x16xbf16>, vector<640x16xbf16>, vector<640x16xbf16>, vector<640x16xbf16> -> vector<640x256xbf16>
    %convert_element_type3A_24 = arith.extf %concatenate3A : vector<640x256xbf16> to vector<640x256xf32>
    %mul3A = arith.mulf %convert_element_type3A_23, %convert_element_type3A_24 : vector<640x256xf32>
    %convert_element_type3A_25 = arith.truncf %mul3A : vector<640x256xf32> to vector<640x256xbf16>
    %convert_element_type3A_26 = arith.extf %convert_element_type3A_25 : vector<640x256xbf16> to vector<640x256xf32>
    %sub3A = arith.subf %mul3A, %convert_element_type3A_26 : vector<640x256xf32>
    %dot_general3A_27 = arith.constant dense<0.000000e+00> : vector<640x16xf32>
    %dot_general3A_28 = tpu.matmul %convert_element_type3A_26, %get3A_13, %dot_general3A_27 {dimension_numbers = #tpu.dot_dimension_numbers<[1], [0], [0], [1], [0, 0, 1, 1], [], []>, transpose_lhs_hint = false} : vector<640x256xf32>, vector<256x16xf32>, vector<640x16xf32> -> vector<640x16xf32>
    %dot_general3A_29 = arith.constant dense<0.000000e+00> : vector<640x16xf32>
    %dot_general3A_30 = tpu.matmul %sub3A, %get3A_13, %dot_general3A_29 {dimension_numbers = #tpu.dot_dimension_numbers<[1], [0], [0], [1], [0, 0, 1, 1], [], []>, transpose_lhs_hint = false} : vector<640x256xf32>, vector<256x16xf32>, vector<640x16xf32> -> vector<640x16xf32>
    %add3A_31 = arith.addf %dot_general3A_28, %dot_general3A_30 : vector<640x16xf32>
    %slice3A = vector.extract_strided_slice %add3A_31 {offsets = [0, 0], sizes = [80, 16], strides = [1, 1]} : vector<640x16xf32> to vector<80x16xf32>
    %slice3A_32 = vector.extract_strided_slice %add3A_31 {offsets = [80, 0], sizes = [80, 16], strides = [1, 1]} : vector<640x16xf32> to vector<80x16xf32>
    %slice3A_33 = vector.extract_strided_slice %add3A_31 {offsets = [160, 0], sizes = [80, 16], strides = [1, 1]} : vector<640x16xf32> to vector<80x16xf32>
    %slice3A_34 = vector.extract_strided_slice %add3A_31 {offsets = [240, 0], sizes = [80, 16], strides = [1, 1]} : vector<640x16xf32> to vector<80x16xf32>
    %slice3A_35 = vector.extract_strided_slice %add3A_31 {offsets = [320, 0], sizes = [80, 16], strides = [1, 1]} : vector<640x16xf32> to vector<80x16xf32>
    %slice3A_36 = vector.extract_strided_slice %add3A_31 {offsets = [400, 0], sizes = [80, 16], strides = [1, 1]} : vector<640x16xf32> to vector<80x16xf32>
    %slice3A_37 = vector.extract_strided_slice %add3A_31 {offsets = [480, 0], sizes = [80, 16], strides = [1, 1]} : vector<640x16xf32> to vector<80x16xf32>
    %slice3A_38 = vector.extract_strided_slice %add3A_31 {offsets = [560, 0], sizes = [80, 16], strides = [1, 1]} : vector<640x16xf32> to vector<80x16xf32>
    %concatenate3A_39 = tpu.concatenate %slice3A, %slice3A_32, %slice3A_33, %slice3A_34, %slice3A_35, %slice3A_36, %slice3A_37, %slice3A_38 in 1 : vector<80x16xf32>, vector<80x16xf32>, vector<80x16xf32>, vector<80x16xf32>, vector<80x16xf32>, vector<80x16xf32>, vector<80x16xf32>, vector<80x16xf32> -> vector<80x128xf32>
    %sin3A = math.sin %concatenate3A_39 : vector<80x128xf32>
    %cos3A = math.cos %concatenate3A_39 : vector<80x128xf32>
    %mul3A_40 = arith.constant 2.000000e+00 : f32
    %mul3A_41 = vector.broadcast %mul3A_40 : f32 to vector<80x128xf32>
    %mul3A_42 = arith.mulf %mul3A_41, %sin3A : vector<80x128xf32>
    %mul3A_43 = arith.mulf %mul3A_42, %cos3A : vector<80x128xf32>
    %mul3A_44 = arith.mulf %sin3A, %sin3A : vector<80x128xf32>
    %mul3A_45 = arith.constant 2.000000e+00 : f32
    %mul3A_46 = vector.broadcast %mul3A_45 : f32 to vector<80x128xf32>
    %mul3A_47 = arith.mulf %mul3A_46, %mul3A_44 : vector<80x128xf32>
    %sub3A_48 = arith.constant 1.000000e+00 : f32
    %sub3A_49 = vector.broadcast %sub3A_48 : f32 to vector<80x128xf32>
    %sub3A_50 = arith.subf %sub3A_49, %mul3A_47 : vector<80x128xf32>
    %mul3A_51 = arith.constant 2.000000e+00 : f32
    %mul3A_52 = vector.broadcast %mul3A_51 : f32 to vector<80x128xf32>
    %mul3A_53 = arith.mulf %mul3A_52, %mul3A_43 : vector<80x128xf32>
    %mul3A_54 = arith.mulf %mul3A_53, %sub3A_50 : vector<80x128xf32>
    %mul3A_55 = arith.mulf %mul3A_43, %mul3A_43 : vector<80x128xf32>
    %mul3A_56 = arith.constant 2.000000e+00 : f32
    %mul3A_57 = vector.broadcast %mul3A_56 : f32 to vector<80x128xf32>
    %mul3A_58 = arith.mulf %mul3A_57, %mul3A_55 : vector<80x128xf32>
    %sub3A_59 = arith.constant 1.000000e+00 : f32
    %sub3A_60 = vector.broadcast %sub3A_59 : f32 to vector<80x128xf32>
    %sub3A_61 = arith.subf %sub3A_60, %mul3A_58 : vector<80x128xf32>
    %concatenate3A_62 = tpu.concatenate %sin3A, %cos3A, %mul3A_43, %sub3A_50, %mul3A_54, %sub3A_61 in 1 : vector<80x128xf32>, vector<80x128xf32>, vector<80x128xf32>, vector<80x128xf32>, vector<80x128xf32>, vector<80x128xf32> -> vector<80x768xf32>
    %dot_general3A_63 = arith.constant dense<0.000000e+00> : vector<80x128xf32>
    %dot_general3A_64 = tpu.matmul %concatenate3A_62, %get3A_16, %dot_general3A_63 {dimension_numbers = #tpu.dot_dimension_numbers<[1], [0], [0], [1], [0, 0, 1, 1], [], []>, transpose_lhs_hint = false} : vector<80x768xf32>, vector<768x128xf32>, vector<80x128xf32> -> vector<80x128xf32>
    %add3A_65 = vector.broadcast %get3A_19 : vector<1x128xf32> to vector<80x128xf32>
    %add3A_66 = arith.addf %dot_general3A_64, %add3A_65 : vector<80x128xf32>
    %swap3A = arith.constant 0 : index
    %swap3A_67 = arith.constant 0 : index
    %swap3A_68 = vector.load %arg8[%swap3A, %swap3A_67] : memref<80x128xf32, #tpu.memory_space<vmem>>, vector<80x128xf32>
    tpu.vector_store %arg8[%swap3A, %swap3A_67], %add3A_66 {strides = array<i32>} : memref<80x128xf32, #tpu.memory_space<vmem>>, vector<80x128xf32>,
    return
  }
  func.func @transform_0(%arg0: i32) -> (i32, i32) {
    %c0_i32 = arith.constant 0 : i32
    %c0_i32_0 = arith.constant 0 : i32
    return %arg0, %c0_i32 : i32, i32
  }
  func.func @transform_1(%arg0: i32) -> (i32, i32) {
    %c0_i32 = arith.constant 0 : i32
    %c0_i32_0 = arith.constant 0 : i32
    return %arg0, %c0_i32 : i32, i32
  }
  func.func @transform_2(%arg0: i32) -> (i32, i32) {
    %c0_i32 = arith.constant 0 : i32
    %c0_i32_0 = arith.constant 0 : i32
    %c0_i32_1 = arith.constant 0 : i32
    return %c0_i32, %c0_i32_0 : i32, i32
  }
  func.func @transform_3(%arg0: i32) -> (i32, i32) {
    %c0_i32 = arith.constant 0 : i32
    %c0_i32_0 = arith.constant 0 : i32
    %c0_i32_1 = arith.constant 0 : i32
    return %c0_i32, %c0_i32_0 : i32, i32
  }
  func.func @transform_4(%arg0: i32) -> (i32, i32) {
    %c0_i32 = arith.constant 0 : i32
    %c0_i32_0 = arith.constant 0 : i32
    %c0_i32_1 = arith.constant 0 : i32
    return %c0_i32, %c0_i32_0 : i32, i32
  }
  func.func @transform_5(%arg0: i32) -> (i32, i32) {
    %c0_i32 = arith.constant 0 : i32
    %c0_i32_0 = arith.constant 0 : i32
    %c0_i32_1 = arith.constant 0 : i32
    return %c0_i32, %c0_i32_0 : i32, i32
  }
  func.func @transform_6(%arg0: i32) -> (i32, i32) {
    %c0_i32 = arith.constant 0 : i32
    %c0_i32_0 = arith.constant 0 : i32
    %c0_i32_1 = arith.constant 0 : i32
    return %c0_i32, %c0_i32_0 : i32, i32
  }
  func.func @transform_7(%arg0: i32) -> (i32, i32) {
    %c0_i32 = arith.constant 0 : i32
    %c0_i32_0 = arith.constant 0 : i32
    return %arg0, %c0_i32 : i32, i32
  }
}

module attributes {stable_mosaic.version = 14 : i64} {
  func.func @body(%arg0: i32, %arg1: memref<1000x16xf32, #tpu.memory_space<vmem>>, %arg2: memref<1000x16xf32, #tpu.memory_space<vmem>>, %arg3: memref<1000x16xf32, #tpu.memory_space<vmem>>, %arg4: memref<1000x16xf32, #tpu.memory_space<vmem>>, %arg5: memref<1000x16xf32, #tpu.memory_space<vmem>>, %arg6: memref<16x256xf32, #tpu.memory_space<vmem>>, %arg7: memref<1x256xf32, #tpu.memory_space<vmem>>, %arg8: memref<256x16xf32, #tpu.memory_space<vmem>>, %arg9: memref<768x128xf32, #tpu.memory_space<vmem>>, %arg10: memref<1x128xf32, #tpu.memory_space<vmem>>, %arg11: memref<16x128xf32, #tpu.memory_space<vmem>>, %arg12: memref<16x128xf32, #tpu.memory_space<vmem>>, %arg13: memref<1x128xf32, #tpu.memory_space<vmem>>, %arg14: memref<128x16xf32, #tpu.memory_space<vmem>>, %arg15: memref<1x16xf32, #tpu.memory_space<vmem>>, %arg16: memref<16x128xf32, #tpu.memory_space<vmem>>, %arg17: memref<1x128xf32, #tpu.memory_space<vmem>>, %arg18: memref<128x16xf32, #tpu.memory_space<vmem>>, %arg19: memref<1x16xf32, #tpu.memory_space<vmem>>, %arg20: memref<1000x16xf32, #tpu.memory_space<vmem>>) attributes {dimension_semantics = [#tpu.dimension_semantics<arbitrary>], iteration_bounds = array<i64: 10>, scalar_prefetch = 0 : i64, scratch_operands = 0 : i64, tpu.core_type = #tpu.core_type<tc>, window_params = [{transform_indices = @transform_0, window_bounds = array<i64: 1000, 16>}, {transform_indices = @transform_1, window_bounds = array<i64: 1000, 16>}, {transform_indices = @transform_2, window_bounds = array<i64: 1000, 16>}, {transform_indices = @transform_3, window_bounds = array<i64: 1000, 16>}, {transform_indices = @transform_4, window_bounds = array<i64: 1000, 16>}, {pipeline_mode = #tpu.pipeline_mode<synchronous>, transform_indices = @transform_5, window_bounds = array<i64: 16, 256>}, {pipeline_mode = #tpu.pipeline_mode<synchronous>, transform_indices = @transform_6, window_bounds = array<i64: 1, 256>}, {pipeline_mode = #tpu.pipeline_mode<synchronous>, transform_indices = @transform_7, window_bounds = array<i64: 256, 16>}, {pipeline_mode = #tpu.pipeline_mode<synchronous>, transform_indices = @transform_8, window_bounds = array<i64: 768, 128>}, {pipeline_mode = #tpu.pipeline_mode<synchronous>, transform_indices = @transform_9, window_bounds = array<i64: 1, 128>}, {pipeline_mode = #tpu.pipeline_mode<synchronous>, transform_indices = @transform_10, window_bounds = array<i64: 16, 128>}, {pipeline_mode = #tpu.pipeline_mode<synchronous>, transform_indices = @transform_11, window_bounds = array<i64: 16, 128>}, {pipeline_mode = #tpu.pipeline_mode<synchronous>, transform_indices = @transform_12, window_bounds = array<i64: 1, 128>}, {pipeline_mode = #tpu.pipeline_mode<synchronous>, transform_indices = @transform_13, window_bounds = array<i64: 128, 16>}, {pipeline_mode = #tpu.pipeline_mode<synchronous>, transform_indices = @transform_14, window_bounds = array<i64: 1, 16>}, {pipeline_mode = #tpu.pipeline_mode<synchronous>, transform_indices = @transform_15, window_bounds = array<i64: 16, 128>}, {pipeline_mode = #tpu.pipeline_mode<synchronous>, transform_indices = @transform_16, window_bounds = array<i64: 1, 128>}, {pipeline_mode = #tpu.pipeline_mode<synchronous>, transform_indices = @transform_17, window_bounds = array<i64: 128, 16>}, {pipeline_mode = #tpu.pipeline_mode<synchronous>, transform_indices = @transform_18, window_bounds = array<i64: 1, 16>}, {transform_indices = @transform_19, window_bounds = array<i64: 1000, 16>}]} {
    %get3A = arith.constant 0 : index
    %get3A_0 = arith.constant 0 : index
    %get3A_1 = vector.load %arg1[%get3A, %get3A_0] : memref<1000x16xf32, #tpu.memory_space<vmem>>, vector<1000x16xf32>
    %get3A_2 = arith.constant 0 : index
    %get3A_3 = arith.constant 0 : index
    %get3A_4 = vector.load %arg6[%get3A_2, %get3A_3] : memref<16x256xf32, #tpu.memory_space<vmem>>, vector<16x256xf32>
    %get3A_5 = arith.constant 0 : index
    %get3A_6 = arith.constant 0 : index
    %get3A_7 = vector.load %arg7[%get3A_5, %get3A_6] : memref<1x256xf32, #tpu.memory_space<vmem>>, vector<1x256xf32>
    %get3A_8 = arith.constant 0 : index
    %get3A_9 = arith.constant 0 : index
    %get3A_10 = vector.load %arg8[%get3A_8, %get3A_9] : memref<256x16xf32, #tpu.memory_space<vmem>>, vector<256x16xf32>
    %get3A_11 = arith.constant 0 : index
    %get3A_12 = arith.constant 0 : index
    %get3A_13 = vector.load %arg9[%get3A_11, %get3A_12] : memref<768x128xf32, #tpu.memory_space<vmem>>, vector<768x128xf32>
    %get3A_14 = arith.constant 0 : index
    %get3A_15 = arith.constant 0 : index
    %get3A_16 = vector.load %arg10[%get3A_14, %get3A_15] : memref<1x128xf32, #tpu.memory_space<vmem>>, vector<1x128xf32>
    %dot_general3A = arith.constant dense<0.000000e+00> : vector<1000x256xf32>
    %dot_general3A_17 = tpu.matmul %get3A_1, %get3A_4, %dot_general3A {dimension_numbers = #tpu.dot_dimension_numbers<[1], [0], [0], [1], [0, 0, 1, 1], [], []>, transpose_lhs_hint = false} : vector<1000x16xf32>, vector<16x256xf32>, vector<1000x256xf32> -> vector<1000x256xf32>
    %add3A = vector.broadcast %get3A_7 : vector<1x256xf32> to vector<1000x256xf32>
    %add3A_18 = arith.addf %dot_general3A_17, %add3A : vector<1000x256xf32>
    %convert_element_type3A = arith.truncf %add3A_18 : vector<1000x256xf32> to vector<1000x256xbf16>
    %convert_element_type3A_19 = arith.extf %convert_element_type3A : vector<1000x256xbf16> to vector<1000x256xf32>
    %concatenate3A = tpu.concatenate %get3A_1, %get3A_1, %get3A_1, %get3A_1, %get3A_1, %get3A_1, %get3A_1, %get3A_1, %get3A_1, %get3A_1, %get3A_1, %get3A_1, %get3A_1, %get3A_1, %get3A_1, %get3A_1 in 1 : vector<1000x16xf32>, vector<1000x16xf32>, vector<1000x16xf32>, vector<1000x16xf32>, vector<1000x16xf32>, vector<1000x16xf32>, vector<1000x16xf32>, vector<1000x16xf32>, vector<1000x16xf32>, vector<1000x16xf32>, vector<1000x16xf32>, vector<1000x16xf32>, vector<1000x16xf32>, vector<1000x16xf32>, vector<1000x16xf32>, vector<1000x16xf32> -> vector<1000x256xf32>
    %convert_element_type3A_20 = arith.truncf %concatenate3A : vector<1000x256xf32> to vector<1000x256xbf16>
    %convert_element_type3A_21 = arith.extf %convert_element_type3A_20 : vector<1000x256xbf16> to vector<1000x256xf32>
    %mul3A = arith.mulf %convert_element_type3A_19, %convert_element_type3A_21 : vector<1000x256xf32>
    %convert_element_type3A_22 = arith.truncf %mul3A : vector<1000x256xf32> to vector<1000x256xbf16>
    %convert_element_type3A_23 = arith.extf %convert_element_type3A_22 : vector<1000x256xbf16> to vector<1000x256xf32>
    %sub3A = arith.subf %mul3A, %convert_element_type3A_23 : vector<1000x256xf32>
    %dot_general3A_24 = arith.constant dense<0.000000e+00> : vector<1000x16xf32>
    %dot_general3A_25 = tpu.matmul %convert_element_type3A_23, %get3A_10, %dot_general3A_24 {dimension_numbers = #tpu.dot_dimension_numbers<[1], [0], [0], [1], [0, 0, 1, 1], [], []>, transpose_lhs_hint = false} : vector<1000x256xf32>, vector<256x16xf32>, vector<1000x16xf32> -> vector<1000x16xf32>
    %dot_general3A_26 = arith.constant dense<0.000000e+00> : vector<1000x16xf32>
    %dot_general3A_27 = tpu.matmul %sub3A, %get3A_10, %dot_general3A_26 {dimension_numbers = #tpu.dot_dimension_numbers<[1], [0], [0], [1], [0, 0, 1, 1], [], []>, transpose_lhs_hint = false} : vector<1000x256xf32>, vector<256x16xf32>, vector<1000x16xf32> -> vector<1000x16xf32>
    %add3A_28 = arith.addf %dot_general3A_25, %dot_general3A_27 : vector<1000x16xf32>
    %slice3A = vector.extract_strided_slice %add3A_28 {offsets = [0, 0], sizes = [125, 16], strides = [1, 1]} : vector<1000x16xf32> to vector<125x16xf32>
    %slice3A_29 = vector.extract_strided_slice %add3A_28 {offsets = [125, 0], sizes = [125, 16], strides = [1, 1]} : vector<1000x16xf32> to vector<125x16xf32>
    %slice3A_30 = vector.extract_strided_slice %add3A_28 {offsets = [250, 0], sizes = [125, 16], strides = [1, 1]} : vector<1000x16xf32> to vector<125x16xf32>
    %slice3A_31 = vector.extract_strided_slice %add3A_28 {offsets = [375, 0], sizes = [125, 16], strides = [1, 1]} : vector<1000x16xf32> to vector<125x16xf32>
    %slice3A_32 = vector.extract_strided_slice %add3A_28 {offsets = [500, 0], sizes = [125, 16], strides = [1, 1]} : vector<1000x16xf32> to vector<125x16xf32>
    %slice3A_33 = vector.extract_strided_slice %add3A_28 {offsets = [625, 0], sizes = [125, 16], strides = [1, 1]} : vector<1000x16xf32> to vector<125x16xf32>
    %slice3A_34 = vector.extract_strided_slice %add3A_28 {offsets = [750, 0], sizes = [125, 16], strides = [1, 1]} : vector<1000x16xf32> to vector<125x16xf32>
    %slice3A_35 = vector.extract_strided_slice %add3A_28 {offsets = [875, 0], sizes = [125, 16], strides = [1, 1]} : vector<1000x16xf32> to vector<125x16xf32>
    %concatenate3A_36 = tpu.concatenate %slice3A, %slice3A_29, %slice3A_30, %slice3A_31, %slice3A_32, %slice3A_33, %slice3A_34, %slice3A_35 in 1 : vector<125x16xf32>, vector<125x16xf32>, vector<125x16xf32>, vector<125x16xf32>, vector<125x16xf32>, vector<125x16xf32>, vector<125x16xf32>, vector<125x16xf32> -> vector<125x128xf32>
    %sin3A = math.sin %concatenate3A_36 : vector<125x128xf32>
    %cos3A = math.cos %concatenate3A_36 : vector<125x128xf32>
    %mul3A_37 = arith.constant 2.000000e+00 : f32
    %mul3A_38 = vector.broadcast %mul3A_37 : f32 to vector<125x128xf32>
    %mul3A_39 = arith.mulf %mul3A_38, %sin3A : vector<125x128xf32>
    %mul3A_40 = arith.mulf %mul3A_39, %cos3A : vector<125x128xf32>
    %mul3A_41 = arith.mulf %sin3A, %sin3A : vector<125x128xf32>
    %mul3A_42 = arith.constant 2.000000e+00 : f32
    %mul3A_43 = vector.broadcast %mul3A_42 : f32 to vector<125x128xf32>
    %mul3A_44 = arith.mulf %mul3A_43, %mul3A_41 : vector<125x128xf32>
    %sub3A_45 = arith.constant 1.000000e+00 : f32
    %sub3A_46 = vector.broadcast %sub3A_45 : f32 to vector<125x128xf32>
    %sub3A_47 = arith.subf %sub3A_46, %mul3A_44 : vector<125x128xf32>
    %mul3A_48 = arith.constant 2.000000e+00 : f32
    %mul3A_49 = vector.broadcast %mul3A_48 : f32 to vector<125x128xf32>
    %mul3A_50 = arith.mulf %mul3A_49, %mul3A_40 : vector<125x128xf32>
    %mul3A_51 = arith.mulf %mul3A_50, %sub3A_47 : vector<125x128xf32>
    %mul3A_52 = arith.mulf %mul3A_40, %mul3A_40 : vector<125x128xf32>
    %mul3A_53 = arith.constant 2.000000e+00 : f32
    %mul3A_54 = vector.broadcast %mul3A_53 : f32 to vector<125x128xf32>
    %mul3A_55 = arith.mulf %mul3A_54, %mul3A_52 : vector<125x128xf32>
    %sub3A_56 = arith.constant 1.000000e+00 : f32
    %sub3A_57 = vector.broadcast %sub3A_56 : f32 to vector<125x128xf32>
    %sub3A_58 = arith.subf %sub3A_57, %mul3A_55 : vector<125x128xf32>
    %concatenate3A_59 = tpu.concatenate %sin3A, %cos3A, %mul3A_40, %sub3A_47, %mul3A_51, %sub3A_58 in 1 : vector<125x128xf32>, vector<125x128xf32>, vector<125x128xf32>, vector<125x128xf32>, vector<125x128xf32>, vector<125x128xf32> -> vector<125x768xf32>
    %dot_general3A_60 = arith.constant dense<0.000000e+00> : vector<125x128xf32>
    %dot_general3A_61 = tpu.matmul %concatenate3A_59, %get3A_13, %dot_general3A_60 {dimension_numbers = #tpu.dot_dimension_numbers<[1], [0], [0], [1], [0, 0, 1, 1], [], []>, transpose_lhs_hint = false} : vector<125x768xf32>, vector<768x128xf32>, vector<125x128xf32> -> vector<125x128xf32>
    %add3A_62 = vector.broadcast %get3A_16 : vector<1x128xf32> to vector<125x128xf32>
    %add3A_63 = arith.addf %dot_general3A_61, %add3A_62 : vector<125x128xf32>
    %slice3A_64 = vector.extract_strided_slice %add3A_63 {offsets = [0, 0], sizes = [125, 16], strides = [1, 1]} : vector<125x128xf32> to vector<125x16xf32>
    %slice3A_65 = vector.extract_strided_slice %add3A_63 {offsets = [0, 16], sizes = [125, 16], strides = [1, 1]} : vector<125x128xf32> to vector<125x16xf32>
    %slice3A_66 = vector.extract_strided_slice %add3A_63 {offsets = [0, 32], sizes = [125, 16], strides = [1, 1]} : vector<125x128xf32> to vector<125x16xf32>
    %slice3A_67 = vector.extract_strided_slice %add3A_63 {offsets = [0, 48], sizes = [125, 16], strides = [1, 1]} : vector<125x128xf32> to vector<125x16xf32>
    %slice3A_68 = vector.extract_strided_slice %add3A_63 {offsets = [0, 64], sizes = [125, 16], strides = [1, 1]} : vector<125x128xf32> to vector<125x16xf32>
    %slice3A_69 = vector.extract_strided_slice %add3A_63 {offsets = [0, 80], sizes = [125, 16], strides = [1, 1]} : vector<125x128xf32> to vector<125x16xf32>
    %slice3A_70 = vector.extract_strided_slice %add3A_63 {offsets = [0, 96], sizes = [125, 16], strides = [1, 1]} : vector<125x128xf32> to vector<125x16xf32>
    %slice3A_71 = vector.extract_strided_slice %add3A_63 {offsets = [0, 112], sizes = [125, 16], strides = [1, 1]} : vector<125x128xf32> to vector<125x16xf32>
    %concatenate3A_72 = tpu.concatenate %slice3A_64, %slice3A_65, %slice3A_66, %slice3A_67, %slice3A_68, %slice3A_69, %slice3A_70, %slice3A_71 in 0 : vector<125x16xf32>, vector<125x16xf32>, vector<125x16xf32>, vector<125x16xf32>, vector<125x16xf32>, vector<125x16xf32>, vector<125x16xf32>, vector<125x16xf32> -> vector<1000x16xf32>
    %get3A_73 = arith.constant 0 : index
    %get3A_74 = arith.constant 0 : index
    %get3A_75 = vector.load %arg4[%get3A_73, %get3A_74] : memref<1000x16xf32, #tpu.memory_space<vmem>>, vector<1000x16xf32>
    %get3A_76 = arith.constant 0 : index
    %get3A_77 = arith.constant 0 : index
    %get3A_78 = vector.load %arg5[%get3A_76, %get3A_77] : memref<1000x16xf32, #tpu.memory_space<vmem>>, vector<1000x16xf32>
    %add3A_79 = arith.addf %get3A_75, %get3A_78 : vector<1000x16xf32>
    %add3A_80 = arith.constant 1.000000e+00 : f32
    %add3A_81 = vector.broadcast %add3A_80 : f32 to vector<1000x16xf32>
    %add3A_82 = arith.addf %add3A_79, %add3A_81 : vector<1000x16xf32>
    %get3A_83 = arith.constant 0 : index
    %get3A_84 = arith.constant 0 : index
    %get3A_85 = vector.load %arg2[%get3A_83, %get3A_84] : memref<1000x16xf32, #tpu.memory_space<vmem>>, vector<1000x16xf32>
    %get3A_86 = arith.constant 0 : index
    %get3A_87 = arith.constant 0 : index
    %get3A_88 = vector.load %arg3[%get3A_86, %get3A_87] : memref<1000x16xf32, #tpu.memory_space<vmem>>, vector<1000x16xf32>
    %add3A_89 = arith.addf %get3A_85, %get3A_88 : vector<1000x16xf32>
    %add3A_90 = arith.addf %add3A_89, %concatenate3A_72 : vector<1000x16xf32>
    %div3A = arith.divf %add3A_90, %add3A_82 : vector<1000x16xf32>
    %get3A_91 = arith.constant 0 : index
    %get3A_92 = arith.constant 0 : index
    %get3A_93 = vector.load %arg11[%get3A_91, %get3A_92] : memref<16x128xf32, #tpu.memory_space<vmem>>, vector<16x128xf32>
    %dot_general3A_94 = arith.constant dense<0.000000e+00> : vector<1000x128xf32>
    %dot_general3A_95 = tpu.matmul %get3A_1, %get3A_93, %dot_general3A_94 {dimension_numbers = #tpu.dot_dimension_numbers<[1], [0], [0], [1], [0, 0, 1, 1], [], []>, transpose_lhs_hint = false} : vector<1000x16xf32>, vector<16x128xf32>, vector<1000x128xf32> -> vector<1000x128xf32>
    %get3A_96 = arith.constant 0 : index
    %get3A_97 = arith.constant 0 : index
    %get3A_98 = vector.load %arg12[%get3A_96, %get3A_97] : memref<16x128xf32, #tpu.memory_space<vmem>>, vector<16x128xf32>
    %dot_general3A_99 = arith.constant dense<0.000000e+00> : vector<1000x128xf32>
    %dot_general3A_100 = tpu.matmul %div3A, %get3A_98, %dot_general3A_99 {dimension_numbers = #tpu.dot_dimension_numbers<[1], [0], [0], [1], [0, 0, 1, 1], [], []>, transpose_lhs_hint = false} : vector<1000x16xf32>, vector<16x128xf32>, vector<1000x128xf32> -> vector<1000x128xf32>
    %add3A_101 = arith.addf %dot_general3A_95, %dot_general3A_100 : vector<1000x128xf32>
    %get3A_102 = arith.constant 0 : index
    %get3A_103 = arith.constant 0 : index
    %get3A_104 = vector.load %arg13[%get3A_102, %get3A_103] : memref<1x128xf32, #tpu.memory_space<vmem>>, vector<1x128xf32>
    %add3A_105 = vector.broadcast %get3A_104 : vector<1x128xf32> to vector<1000x128xf32>
    %add3A_106 = arith.addf %add3A_101, %add3A_105 : vector<1000x128xf32>
    %max3A = arith.constant 0.000000e+00 : f32
    %max3A_107 = vector.broadcast %max3A : f32 to vector<1000x128xf32>
    %max3A_108 = arith.maximumf %add3A_106, %max3A_107 : vector<1000x128xf32>
    %get3A_109 = arith.constant 0 : index
    %get3A_110 = arith.constant 0 : index
    %get3A_111 = vector.load %arg14[%get3A_109, %get3A_110] : memref<128x16xf32, #tpu.memory_space<vmem>>, vector<128x16xf32>
    %dot_general3A_112 = arith.constant dense<0.000000e+00> : vector<1000x16xf32>
    %dot_general3A_113 = tpu.matmul %max3A_108, %get3A_111, %dot_general3A_112 {dimension_numbers = #tpu.dot_dimension_numbers<[1], [0], [0], [1], [0, 0, 1, 1], [], []>, transpose_lhs_hint = false} : vector<1000x128xf32>, vector<128x16xf32>, vector<1000x16xf32> -> vector<1000x16xf32>
    %get3A_114 = arith.constant 0 : index
    %get3A_115 = arith.constant 0 : index
    %get3A_116 = vector.load %arg15[%get3A_114, %get3A_115] : memref<1x16xf32, #tpu.memory_space<vmem>>, vector<1x16xf32>
    %add3A_117 = vector.broadcast %get3A_116 : vector<1x16xf32> to vector<1000x16xf32>
    %add3A_118 = arith.addf %dot_general3A_113, %add3A_117 : vector<1000x16xf32>
    %max3A_119 = arith.constant 0.000000e+00 : f32
    %max3A_120 = vector.broadcast %max3A_119 : f32 to vector<1000x16xf32>
    %max3A_121 = arith.maximumf %add3A_118, %max3A_120 : vector<1000x16xf32>
    %add3A_122 = arith.addf %max3A_121, %get3A_1 : vector<1000x16xf32>
    %get3A_123 = arith.constant 0 : index
    %get3A_124 = arith.constant 0 : index
    %get3A_125 = vector.load %arg16[%get3A_123, %get3A_124] : memref<16x128xf32, #tpu.memory_space<vmem>>, vector<16x128xf32>
    %dot_general3A_126 = arith.constant dense<0.000000e+00> : vector<1000x128xf32>
    %dot_general3A_127 = tpu.matmul %add3A_122, %get3A_125, %dot_general3A_126 {dimension_numbers = #tpu.dot_dimension_numbers<[1], [0], [0], [1], [0, 0, 1, 1], [], []>, transpose_lhs_hint = false} : vector<1000x16xf32>, vector<16x128xf32>, vector<1000x128xf32> -> vector<1000x128xf32>
    %get3A_128 = arith.constant 0 : index
    %get3A_129 = arith.constant 0 : index
    %get3A_130 = vector.load %arg17[%get3A_128, %get3A_129] : memref<1x128xf32, #tpu.memory_space<vmem>>, vector<1x128xf32>
    %add3A_131 = vector.broadcast %get3A_130 : vector<1x128xf32> to vector<1000x128xf32>
    %add3A_132 = arith.addf %dot_general3A_127, %add3A_131 : vector<1000x128xf32>
    %max3A_133 = arith.constant 0.000000e+00 : f32
    %max3A_134 = vector.broadcast %max3A_133 : f32 to vector<1000x128xf32>
    %max3A_135 = arith.maximumf %add3A_132, %max3A_134 : vector<1000x128xf32>
    %get3A_136 = arith.constant 0 : index
    %get3A_137 = arith.constant 0 : index
    %get3A_138 = vector.load %arg18[%get3A_136, %get3A_137] : memref<128x16xf32, #tpu.memory_space<vmem>>, vector<128x16xf32>
    %dot_general3A_139 = arith.constant dense<0.000000e+00> : vector<1000x16xf32>
    %dot_general3A_140 = tpu.matmul %max3A_135, %get3A_138, %dot_general3A_139 {dimension_numbers = #tpu.dot_dimension_numbers<[1], [0], [0], [1], [0, 0, 1, 1], [], []>, transpose_lhs_hint = false} : vector<1000x128xf32>, vector<128x16xf32>, vector<1000x16xf32> -> vector<1000x16xf32>
    %get3A_141 = arith.constant 0 : index
    %get3A_142 = arith.constant 0 : index
    %get3A_143 = vector.load %arg19[%get3A_141, %get3A_142] : memref<1x16xf32, #tpu.memory_space<vmem>>, vector<1x16xf32>
    %add3A_144 = vector.broadcast %get3A_143 : vector<1x16xf32> to vector<1000x16xf32>
    %add3A_145 = arith.addf %dot_general3A_140, %add3A_144 : vector<1000x16xf32>
    %swap3A = arith.constant 0 : index
    %swap3A_146 = arith.constant 0 : index
    %swap3A_147 = vector.load %arg20[%swap3A, %swap3A_146] : memref<1000x16xf32, #tpu.memory_space<vmem>>, vector<1000x16xf32>
    tpu.vector_store %arg20[%swap3A, %swap3A_146], %add3A_145 {strides = array<i32>} : memref<1000x16xf32, #tpu.memory_space<vmem>>, vector<1000x16xf32>,
    return
  }
  func.func @transform_0(%arg0: i32) -> (i32, i32) {
    %c0_i32 = arith.constant 0 : i32
    %c0_i32_0 = arith.constant 0 : i32
    return %arg0, %c0_i32 : i32, i32
  }
  func.func @transform_1(%arg0: i32) -> (i32, i32) {
    %c0_i32 = arith.constant 0 : i32
    %c0_i32_0 = arith.constant 0 : i32
    return %arg0, %c0_i32 : i32, i32
  }
  func.func @transform_2(%arg0: i32) -> (i32, i32) {
    %c0_i32 = arith.constant 0 : i32
    %c0_i32_0 = arith.constant 0 : i32
    return %arg0, %c0_i32 : i32, i32
  }
  func.func @transform_3(%arg0: i32) -> (i32, i32) {
    %c0_i32 = arith.constant 0 : i32
    %c0_i32_0 = arith.constant 0 : i32
    return %arg0, %c0_i32 : i32, i32
  }
  func.func @transform_4(%arg0: i32) -> (i32, i32) {
    %c0_i32 = arith.constant 0 : i32
    %c0_i32_0 = arith.constant 0 : i32
    return %arg0, %c0_i32 : i32, i32
  }
  func.func @transform_5(%arg0: i32) -> (i32, i32) {
    %c0_i32 = arith.constant 0 : i32
    %c0_i32_0 = arith.constant 0 : i32
    %c0_i32_1 = arith.constant 0 : i32
    return %c0_i32, %c0_i32_0 : i32, i32
  }
  func.func @transform_6(%arg0: i32) -> (i32, i32) {
    %c0_i32 = arith.constant 0 : i32
    %c0_i32_0 = arith.constant 0 : i32
    %c0_i32_1 = arith.constant 0 : i32
    return %c0_i32, %c0_i32_0 : i32, i32
  }
  func.func @transform_7(%arg0: i32) -> (i32, i32) {
    %c0_i32 = arith.constant 0 : i32
    %c0_i32_0 = arith.constant 0 : i32
    %c0_i32_1 = arith.constant 0 : i32
    return %c0_i32, %c0_i32_0 : i32, i32
  }
  func.func @transform_8(%arg0: i32) -> (i32, i32) {
    %c0_i32 = arith.constant 0 : i32
    %c0_i32_0 = arith.constant 0 : i32
    %c0_i32_1 = arith.constant 0 : i32
    return %c0_i32, %c0_i32_0 : i32, i32
  }
  func.func @transform_9(%arg0: i32) -> (i32, i32) {
    %c0_i32 = arith.constant 0 : i32
    %c0_i32_0 = arith.constant 0 : i32
    %c0_i32_1 = arith.constant 0 : i32
    return %c0_i32, %c0_i32_0 : i32, i32
  }
  func.func @transform_10(%arg0: i32) -> (i32, i32) {
    %c0_i32 = arith.constant 0 : i32
    %c0_i32_0 = arith.constant 0 : i32
    %c0_i32_1 = arith.constant 0 : i32
    return %c0_i32, %c0_i32_0 : i32, i32
  }
  func.func @transform_11(%arg0: i32) -> (i32, i32) {
    %c0_i32 = arith.constant 0 : i32
    %c0_i32_0 = arith.constant 0 : i32
    %c0_i32_1 = arith.constant 0 : i32
    return %c0_i32, %c0_i32_0 : i32, i32
  }
  func.func @transform_12(%arg0: i32) -> (i32, i32) {
    %c0_i32 = arith.constant 0 : i32
    %c0_i32_0 = arith.constant 0 : i32
    %c0_i32_1 = arith.constant 0 : i32
    return %c0_i32, %c0_i32_0 : i32, i32
  }
  func.func @transform_13(%arg0: i32) -> (i32, i32) {
    %c0_i32 = arith.constant 0 : i32
    %c0_i32_0 = arith.constant 0 : i32
    %c0_i32_1 = arith.constant 0 : i32
    return %c0_i32, %c0_i32_0 : i32, i32
  }
  func.func @transform_14(%arg0: i32) -> (i32, i32) {
    %c0_i32 = arith.constant 0 : i32
    %c0_i32_0 = arith.constant 0 : i32
    %c0_i32_1 = arith.constant 0 : i32
    return %c0_i32, %c0_i32_0 : i32, i32
  }
  func.func @transform_15(%arg0: i32) -> (i32, i32) {
    %c0_i32 = arith.constant 0 : i32
    %c0_i32_0 = arith.constant 0 : i32
    %c0_i32_1 = arith.constant 0 : i32
    return %c0_i32, %c0_i32_0 : i32, i32
  }
  func.func @transform_16(%arg0: i32) -> (i32, i32) {
    %c0_i32 = arith.constant 0 : i32
    %c0_i32_0 = arith.constant 0 : i32
    %c0_i32_1 = arith.constant 0 : i32
    return %c0_i32, %c0_i32_0 : i32, i32
  }
  func.func @transform_17(%arg0: i32) -> (i32, i32) {
    %c0_i32 = arith.constant 0 : i32
    %c0_i32_0 = arith.constant 0 : i32
    %c0_i32_1 = arith.constant 0 : i32
    return %c0_i32, %c0_i32_0 : i32, i32
  }
  func.func @transform_18(%arg0: i32) -> (i32, i32) {
    %c0_i32 = arith.constant 0 : i32
    %c0_i32_0 = arith.constant 0 : i32
    %c0_i32_1 = arith.constant 0 : i32
    return %c0_i32, %c0_i32_0 : i32, i32
  }
  func.func @transform_19(%arg0: i32) -> (i32, i32) {
    %c0_i32 = arith.constant 0 : i32
    %c0_i32_0 = arith.constant 0 : i32
    return %arg0, %c0_i32 : i32, i32
  }
}

</mosaic_0001>

<sc_bundles>
// kernel: gather_offload_async_start
scs
__scs_entry_jumppad:
0x0: {  	(pc) =	sbr.rel $0x88, $3  }
0x1: {  	(tag) =	ssettag $0x0;
	lr =	simm.s32 $0x1  }
0x2: {  	[smem:$0x3F8B] =	sst lr;
	_ =	strace $0xD0000000  }
0x3: {  	_ = 	snop  }
0x4: {  	_ = 	snop  }
0x5: {  	_ = 	snop  }
0x6: {  	_ = 	snop  }
0x7: {  	_ = 	snop  }
__scs_overlays_trampoline_lowered:
0x8: {  	[smem:$0x3F9A] =	sst s0  }
0x9: {  	[smem:$0x3F9B] =	sst s1  }
0xa: {  	[smem:$0x3F9C] =	sst s2  }
0xb: {  	[smem:$0x3F9D] =	sst s3  }
0xc: {  	[smem:$0x3F9E] =	sst s4  }
0xd: {  	[smem:$0x3F9F] =	sst s5  }
0xe: {  	[smem:$0x3FA0] =	sst s6  }
0xf: {  	[smem:$0x3FA1] =	sst s7  }
0x10: {  	[smem:$0x3FA2] =	sst s8  }
0x11: {  	[smem:$0x3FA3] =	sst s9;
	s0 =	simm.s32 @!p0 $0x0  }
0x12: {  	s1 =	sld [smem:$0x3F89];
	s0 =	simm.s32 @p0 $0x1  }
0x13: {  	[smem:$0x3FA4] =	sst s0;
	s0 =	simm.s32 @!p1 $0x0  }
0x14: {  	s2 =	sld [smem:$0x3F88];
	s0 =	simm.s32 @p1 $0x1  }
0x15: {  	[smem:$0x3FA5] =	sst s0;
	s0 =	simm.s32 @!p2 $0x0  }
0x16: {  	s3 =	sld [smem:$0x3FDB];
	s0 =	simm.s32 @p2 $0x1  }
0x17: {  	s4 =	simm.s32 $0x1BF5;
	[smem:$0x3FA7] =	sst s0  }
0x18: {  	s0 =	sld [smem:$0x3F8A];
	_ =	swait.ge [sflag:s4], $0x0  }
0x19: {  	s7 =	sld [smem:$0x3F8B]  }
0x1a: {  	s8 =	sadd.s32 $0xFFFFE003, lr  }
0x1b: {  	s9 =	sadd.s32 $0xFFFFFEF7, lr;
	s5 =	simm.s32 $0xFFFFFFFF;
	p2 =	slt.u32 s8, $0xFFFFF086  }
0x1c: {  	p1 =	slt.u32 s9, $0xF7A;
	s5 =	simm.s32 @!p2 $0x0  }
0x1d: {  	s5 =	simm.s32 @p1 $0x1;
	p0 =	seq.s32 s7, s2  }
0x1e: {  	s7 =	smul.u32 @!p0 $0xF7A, s2;
	p2 =	seq.s32 @!p0 s5, $0x0  }
0x1f: {  	s9 =	smul.u32 $0xF7A, s1;
	s8 =	simm.s32 @!p0 $0x1BF5;
	p2 =	por !p2, p0  }
0x20: {  	[sflag:s8] =	ssyncset.s32 @!p0 $0xFFFFF086;
	s6 =	sadd.s32 @!p0 s3, s7;
	s7 =	simm.s32 @!p0 $0x108  }
0x21: {  	s3 =	sadd.s32 s3, s9;
	s6 =	sadd.s32 @!p0 $0x88, s6;
	s7 =	simm.s32 @p2 $0x1082  }
0x22: {  	[simem:s7], [sflag:s8] =	dma.local @!p0 [hbm:s6], $0xF7A  }
0x23: {  	s9 =	sor.u32 $0xD0000000, s2;
	s6 =	simm.s32 $0x108;
	_ =	swait.ge @!p0 [sflag:s8], $0x0  }
0x24: {  	s3 =	sadd.s32 $0x88, s3;
	s6 =	simm.s32 @!p1 $0x1082;
	[sflag:s4] =	ssyncset.s32 $0xFFFFF086  }
0x25: {  	[simem:s6], [sflag:s4] =	dma.local [hbm:s3], $0xF7A  }
0x26: {  	[smem:$0x3F8B] =	sst s1;
	(tag) =	ssettag s2;
	_ =	strace s9  }
0x27: {  	s1 =	sld [smem:$0x3F9B]  }
0x28: {  	s2 =	sld [smem:$0x3F9C]  }
0x29: {  	s4 =	sld [smem:$0x3F9E]  }
0x2a: {  	p0 =	seq.s32 s5, $0x0;
	s5 =	sld [smem:$0x3F9F]  }
0x2b: {  	s6 =	sld [smem:$0x3FA0]  }
0x2c: {  	s7 =	sld [smem:$0x3FA1]  }
0x2d: {  	s3 =	simm.s32 $0x108;
	s8 =	sld [smem:$0x3FA2]  }
0x2e: {  	s3 =	simm.s32 @!p0 $0x1082;
	s9 =	sld [smem:$0x3FA3]  }
0x2f: {  	lr =	sadd.s32 s0, s3;
	s0 =	sld [smem:$0x3F9A]  }
0x30: {  	s3 =	sld [smem:$0x3F9D]  }
0x31: {  	[smem:$0x3FA6] =	sst s10  }
0x32: {  	s10 =	sld [smem:$0x3FA4];
	_ =	sdelay $0x3  }
0x33: {  	p0 =	seq.s32 s10, $0x1;
	s10 =	sld [smem:$0x3FA6];
	_ =	sdelay $0x3  }
0x34: {  	[smem:$0x3FA6] =	sst s10  }
0x35: {  	s10 =	sld [smem:$0x3FA5];
	_ =	sdelay $0x3  }
0x36: {  	p1 =	seq.s32 s10, $0x1;
	s10 =	sld [smem:$0x3FA6];
	_ =	sdelay $0x3  }
0x37: {  	[smem:$0x3FA6] =	sst s10  }
0x38: {  	s10 =	sld [smem:$0x3FA7]  }
0x39: {  	_ = 	snop;
	(pc) =	sbr.ind lr, $3  }
0x3a: {  	_ = 	snop  }
0x3b: {  	_ = 	snop  }
0x3c: {  	p2 =	seq.s32 s10, $0x1;
	s10 =	sld [smem:$0x3FA6]  }
0x3d: {  	_ =	shalt  }
0x3e: {  	_ =	shalt  }
0x3f: {  	_ =	shalt  }
0x40: {  	_ =	shalt  }
0x41: {  	_ =	shalt  }
0x42: {  	_ =	shalt  }
0x43: {  	_ =	shalt  }
0x44: {  	_ =	shalt  }
0x45: {  	_ =	shalt  }
0x46: {  	_ =	shalt  }
0x47: {  	_ =	shalt  }
0x48: {  	_ =	shalt  }
0x49: {  	_ =	shalt  }
0x4a: {  	_ =	shalt  }
0x4b: {  	_ =	shalt  }
0x4c: {  	_ =	shalt  }
0x4d: {  	_ =	shalt  }
0x4e: {  	_ =	shalt  }
0x4f: {  	_ =	shalt  }
0x50: {  	_ =	shalt  }
0x51: {  	_ =	shalt  }
0x52: {  	_ =	shalt  }
0x53: {  	_ =	shalt  }
0x54: {  	_ =	shalt  }
0x55: {  	_ =	shalt  }
0x56: {  	_ =	shalt  }
0x57: {  	_ =	shalt  }
0x58: {  	_ =	shalt  }
0x59: {  	_ =	shalt  }
0x5a: {  	_ =	shalt  }
0x5b: {  	_ =	shalt  }
0x5c: {  	_ =	shalt  }
0x5d: {  	_ =	shalt  }
0x5e: {  	_ =	shalt  }
0x5f: {  	_ =	shalt  }
0x60: {  	_ =	shalt  }
0x61: {  	_ =	shalt  }
0x62: {  	_ =	shalt  }
0x63: {  	_ =	shalt  }
0x64: {  	_ =	shalt  }
0x65: {  	_ =	shalt  }
0x66: {  	_ =	shalt  }
0x67: {  	_ =	shalt  }
0x68: {  	_ =	shalt  }
0x69: {  	_ =	shalt  }
0x6a: {  	_ =	shalt  }
0x6b: {  	_ =	shalt  }
0x6c: {  	_ =	shalt  }
0x6d: {  	_ =	shalt  }
0x6e: {  	_ =	shalt  }
0x6f: {  	_ =	shalt  }
0x70: {  	_ =	shalt  }
0x71: {  	_ =	shalt  }
0x72: {  	_ =	shalt  }
0x73: {  	_ =	shalt  }
0x74: {  	_ =	shalt  }
0x75: {  	_ =	shalt  }
0x76: {  	_ =	shalt  }
0x77: {  	_ =	shalt  }
0x78: {  	_ =	shalt  }
0x79: {  	_ =	shalt  }
0x7a: {  	_ =	shalt  }
0x7b: {  	_ =	shalt  }
0x7c: {  	_ =	shalt  }
0x7d: {  	_ =	shalt  }
0x7e: {  	_ =	shalt  }
0x7f: {  	_ =	shalt  }
0x80: {  	_ =	shalt  }
0x81: {  	_ =	shalt  }
0x82: {  	_ =	shalt  }
0x83: {  	_ =	shalt  }
0x84: {  	_ =	shalt  }
0x85: {  	_ =	shalt  }
0x86: {  	_ =	shalt  }
0x87: {  	_ =	shalt  }
.Lfunc_end0:
.L_simem_size_0:
called_computation_lowered:
.L_overlay_start_0:
0x88: {  	s2 =	sld [smem:$0x3FD9]  }
0x89: {  	s3 =	sld [smem:$0x3FFE];
	_ =	sdelay $0x1  }
0x8a: {  	s1 =	srdreg.scid  }
0x8b: {  	s0 =	sand.u32 $0x1, s1  }
0x8c: {  	s16 =	sshll.u32 s0, $0xA;
	s2 =	sadd.s32 s3, s2  }
0x8d: {  	s2 =	sadd.s32 s2, s16  }
0x8e: {  	[smem:$0x3FB2] =	sst s2  }
0x8f: {  	_ = 	snop  }
0x90: {  	(tm) =	ssettm $0x1  }
0x91: {  	s17 =	sld [smem:$0x3FFB];
	_ =	sdelay $0x3  }
0x92: {  	_ =	strace s17  }
0x93: {  	s2 =	sld [smem:$0x3FFC];
	_ =	sdelay $0x3  }
0x94: {  	_ =	strace s2  }
0x95: {  	s2 =	sld [smem:$0x3FFD];
	_ =	sdelay $0x3  }
0x96: {  	_ =	strace s2  }
0x97: {  	_ =	strace $0x8FFFFFFF  }
0x98: {  	s18 =	sld [smem:$0x3FDB];
	_ =	sdelay $0x1  }
0x99: {  	s19 =	simm.s32 $_scs_section_size  }
0x9a: {  	s4 =	simm.s32 $_size__tile_overlayer_lowered;
	s5 =	simm.s32 $_tile_overlayer_lowered  }
0x9b: {  	s22 =	simm.s32 $0x1BFF;
	s21 =	sshll.u32 s5, $0x1;
	s2 =	sadd.s32 s19, s18  }
0x9c: {  	s6 =	simm.s32 $0x0;
	s20 =	sshll.u32 s4, $0x1;
	s4 =	sadd.s32 s21, s2  }
0x9d: {  	[timem:s6], [sflag:s22] =	dma.local [hbm:s4], s20  }
0x9e: {  	_ =	swait.ge [sflag:s22], s20  }
0x9f: {  	s3 =	ssub.s32 $0x0, s20;
	[sflag:s22] =	ssyncset.done $0x0  }
0xa0: {  	[sflag:s22] =	ssyncadd.s32 s3;
	_ =	sdelay $0x1  }
0xa1: {  	s23 =	simm.s32 $0x1B8B  }
0xa2: {  	_ =	swait.ge [sflag:s23], $0x1  }
0xa3: {  	[sflag:s23] =	ssyncset.done $0x0  }
0xa4: {  	s25 =	simm.s32 $0x1B8E;
	s24 =	sld [smem:$0x3FFE];
	[sflag:s23] =	ssyncadd.s32 $0xFFFFFFFF  }
0xa5: {  	s26 =	simm.s32 $execute0_lowered;
	[smem:$0x3FD2] =	sst s25  }
0xa6: {  	s4 =	sshll.u32 s26, $0x1;
	_ =	strace $0x80000049;
	[dreg:$0x1] =	wrdreg $0xFFFFFFFF  }
0xa7: {  	s28 =	simm.s32 $_size_execute0_lowered;
	s2 =	sadd.s32 s2, s4;
	[dreg:$0x0] =	wrdreg $0x0  }
0xa8: {  	s4 =	sshll.u32 s28, $0x1;
	[dreg:$0x2] =	wrdreg s2  }
0xa9: {  	[dreg:$0x3] =	wrdreg s4  }
0xaa: {  	[dreg:$0x4] =	wrdreg $0xC0  }
0xab: {  	_ =	task [dreg:s6], $0x5FFFF  }
0xac: {  	[dreg:$0x1] =	wrdreg $0xFFFFFFFF  }
0xad: {  	[dreg:$0x0] =	wrdreg $0x60  }
0xae: {  	[dreg:$0x2] =	wrdreg s24  }
0xaf: {  	[dreg:$0x3] =	wrdreg $0x9  }
0xb0: {  	_ =	task.clear_ibuf [dreg:s6], $0x4FFFF;
	_ =	strace $0x90000049  }
0xb1: {  	s29 =	simm.s32 $0x9;
	_ =	strace $0x8000004B  }
0xb2: {  	_ =	swait.ge [sflag:s29], $0x1  }
0xb3: {  	[sflag:s29] =	ssyncadd.s32 $0xFFFFFFFF  }
0xb4: {  	_ =	strace $0x9000004B  }
0xb5: {  	_ =	sfence  }
0xb6: {  	s30 =	sld [smem:$0x0];
	_ =	sdelay $0x2  }
0xb7: {  	s31 =	sshll.u32 s1, $0xD;
	s1 =	sshrl.u32 s1, $0x2  }
0xb8: {  	s3 =	sand.u32 $0x4000, s31;
	s1 =	sadd.s32 s1, s30  }
0xb9: {  	s0 =	sor.u32 s3, s0;
	s1 =	sshll.u32 s1, $0x11  }
0xba: {  	s0 =	sor.u32 s1, s0  }
0xbb: {  	s0 =	sadd.s32 $0x8F2B, s0  }
0xbc: {  	[sflag:s0] =	ssyncadd.remote.s32 $0x1  }
0xbd: {  	_ =	sfence.sel $0xFFFF  }
0xbe: {  	[dreg:$0x0] =	wrdreg $0xFFFFFFFF;
	(pc) =	sbr.abs _section_cstart, $3  }
0xbf: {  	[dreg:$0x1] =	wrdreg $0xFFFFFFFF  }
0xc0: {  	_ =	task.clear_ibuf [dreg:s6], $0x2FFFF;
	_ =	strace $0x9FFFFFFF  }
0xc1: {  	(tm) =	ssettm $0x7FFFFFFF  }
tec
execute0_lowered:
.L_overlay_start_1:
0x0: {  	(tag) =	ssettag $0x1  }
0x1: {  	s0 =	srdreg.scid;
	s5 =	rddreg [dreg:$0x0]  }
0x2: {  	s1 =	stileid.u32;
	s6 =	simm.s32 $0x1;
	s9 =	simm.s32 $0x1  }
0x3: {  	s10 =	simm.s32 $0x3;
	s13 =	simm.s32 $0x0;
	s2 =	sshll.u32 s0, $0xC  }
0x4: {  	s12 =	simm.s32 $0x0;
	s3 =	sshll.u32 s1, $0xD;
	s2 =	sand.u32 $0x1000, s2  }
0x5: {  	s0 =	rddreg [dreg:$0x1];
	_ =	strace $0x8000004A;
	s2 =	sor.u32 s3, s2  }
0x6: {  	s4 =	sadd.s32 $0x25800, s5;
	[sflag:s6] =	ssyncpa.u1 $0x0;
	s8 =	ssub.s32 $0x28000, s2  }
.Ltmp0:
0x7: {  	s3 =	sadd.s32 $0x20800, s5;
	s7 =	sand.u32 $0x1F000, s8;
	(pc) =	sbr.rel .LBB2_1-.Ltmp0, $4  }
0x8: {  	s5 =	sadd.s32 $0x7E00, s5;
	s11 =	smov.u32 s2;
	p0 =	sne.s32 s7, $0x0  }
0x9: {  	s8 =	sshrl.u32 s8, $0x11;
	s7 =	simm.s32 $0x2;
	s9 =	simm.s32 @!p0 $0x0  }
0xa: {  	[sflag:s7] =	ssyncpa.u1 $0x0;
	p0 =	por $0x0, $0x0;
	s8 =	sadd.s32 s9, s8  }
0xb: {  	vm0 =	vmmov $0xffff;
	[sflag:s10] =	ssyncpa.u1 $0x0;
	s10 =	simm.s32 $0x0;
	s9 =	sadd.s32 $0x1, s8  }
.LBB2_4:
0xc: {  	v2 =	vnsel vm1, $0x0, v2  }
0xd: {  	vm1 =	vgt.s32 v0, $0x0;
	v2 =	vmin.u32 v2, $0x27FFF  }
0xe: {  	v0 =	vnsel vm1, $0x0, v0  }
0xf: {  	v0 =	vmin.u32 v0, $0x27FFF  }
0x10: {  	[tilespmem:s15], [sflag:$0x1] =	stream.indirect_vreg.gather [hbm4b:s3+s10], $0x1, v1, vm0, $0x4038;
	[tilespmem:$0x4000] =	vst v63  }
0x11: {  	(ifvalue) =	ssetifvalue $0x7FFFFFFF  }
0x12: {  	[tilespmem:s16], [sflag:$0x1] =	stream.indirect_vreg.gather [hbm4b:s3+s10], $0x1, v2, vm0, $0x4038;
	[tilespmem:$0x4000] =	vst v63  }
0x13: {  	s29 =	sadd.s32 $0x10, s16;
	(ifvalue) =	ssetifvalue $0x7FFFFFFF  }
0x14: {  	[tilespmem:s29], [sflag:$0x1] =	stream.indirect_vreg.gather [hbm4b:s3+s10], $0x1, v0, vm0, $0x4038;
	[tilespmem:$0x4000] =	vst v63  }
0x15: {  	_ =	swait.ge [sflag:s6], $0x1000  }
0x16: {  	s30 =	sshrl.u32 s13, $0x3;
	[sflag:s6] =	ssyncset.done $0x0  }
0x17: {  	s31 =	sand.u32 $0x7, s13;
	s15 =	sadd.s32 s5, s30;
	[sflag:s6] =	ssyncadd.s32 $0xFFFFF000  }
0x18: {  	[hbm4b:s15+s31] =	stream.linear.scatter [tilespmem:s14], [sflag:$0x3], $0x1000, $0x38;
	[tilespmem:$0x4000] =	vst v63  }
.LBB2_5:
0x19: {  	s15 =	sadd.s32 $0x20000, s11  }
0x1a: {  	p2 =	sgt.s32 s15, $0x27FFF  }
0x1b: {  	s15 =	smov.u32 @p2 s2;
	p2 =	sne.s32 s12, s9  }
.Ltmp1:
0x1c: {  	p1 =	slt.u32 s12, $0x2;
	(pc) =	sbr.rel @!p2 .LBB2_6-.Ltmp1, $4  }
0x1d: {  	s14 =	simm.s32 @!p1 $0x3  }
0x1e: {  	s16 =	sadd.s32 $0x1, s12;
	_ =	swait.ge @!p1 [sflag:s14], $0x1000  }
0x1f: {  	s13 =	smov.u32 s11;
	p0 =	por !p0, !p0;
	[sflag:s14] =	ssyncset.done @!p1 $0x0  }
0x20: {  	s12 =	smov.u32 s16;
	s11 =	smov.u32 s15;
	[sflag:s14] =	ssyncadd.s32 @!p1 $0xFFFFF000  }
.LBB2_1:
0x21: {  	p1 =	sge.u32 s12, s8  }
0x22: {  	s14 =	sxor.u32 @!p1 $0xFFFFFFFF, s12  }
0x23: {  	s31 =	sadd.s32 $0xFFFFFFFF, s12;
	s15 =	sshrl.u32 @!p1 s11, $0x3;
	s14 =	sshll.u32 @!p1 s14, $0xC  }
0x24: {  	s16 =	sand.u32 @!p1 $0x7, s11;
	s15 =	sadd.s32 @!p1 s4, s15;
	s14 =	sand.u32 @!p1 $0x1000, s14  }
0x25: {  	[tilespmem:s14], [sflag:$0x2] =	stream.linear.gather @!p1 [hbm4b:s15+s16], $0x1000, $0x38;
	[tilespmem:$0x4000] =	vst v63  }
0x26: {  	p1 =	sge.u32 s31, s8  }
.Ltmp2:
0x27: {  	_ = 	snop;
	(pc) =	sbr.rel @p1 .LBB2_5-.Ltmp2, $1  }
0x28: {  	_ =	sdelay $0x3  }
0x29: {  	s14 =	simm.s32 $0x1  }
0x2a: {  	_ =	swait.ge [sflag:s7], $0x1000;
	s14 =	simm.s32 @!p0 $0x0  }
0x2b: {  	[sflag:s7] =	ssyncset.done $0x0;
	s14 =	sshll.u32 s14, $0xC  }
0x2c: {  	[sflag:s7] =	ssyncadd.s32 $0xFFFFF000;
	(ifvalue) =	ssetifvalue $0x7FFFFFFF;
	v0 =	vld.msk [tilespmem:s14+$0x0 ss:$0x1], $0xffff;
	_ =	sdelay $0x4  }
0x2d: {  	s15 =	sadd.s32 $0x10, s14;
	vm1 =	vgt.s32 v0, $0x0  }
0x2e: {  	v2 =	vld.msk [tilespmem:s15+$0x0 ss:$0x1], $0xffff;
	v1 =	vnsel vm1, $0x0, v0  }
0x2f: {  	v1 =	vmin.u32 v1, $0x27FFF;
	_ =	sdelay $0x1  }
0x30: {  	s16 =	sshll.u32 s12, $0xC;
	s18 =	simm.s32 $0x20  }
0x31: {  	s16 =	sand.u32 $0x1000, s16;
	s17 =	sadd.s32 $0x10, s15;
	s15 =	sor.u32 $0x2000, s14  }
0x32: {  	s14 =	sor.u32 $0x2000, s16;
	s16 =	sadd.s32 $0x10, s15;
	v0 =	vld.msk [tilespmem:s17+$0x0 ss:$0x1], $0xffff;
	vm1 =	vgt.s32 v2, $0x0;
	(ifvalue) =	ssetifvalue $0x7FFFFFFF  }
.LBB2_3:
0x33: {  	[tilespmem:s15], [sflag:$0x1] =	stream.indirect_vreg.gather [hbm4b:s3+s10], $0x1, v1, vm0, $0x4038;
	[tilespmem:$0x4000] =	vst v63  }
0x34: {  	s18 =	sadd.s32 $0x10, s18  }
0x35: {  	v2 =	vnsel vm1, $0x0, v2;
	p1 =	slt.u32 s18, $0xFF0  }
.Ltmp3:
0x36: {  	s15 =	smov.u32 s16;
	v1 =	vmin.u32 v2, $0x27FFF;
	(pc) =	sbr.rel @p1 .LBB2_3-.Ltmp3, $3  }
0x37: {  	_ =	sdelay $0x1  }
0x38: {  	s17 =	sadd.s32 $0x10, s17  }
0x39: {  	vm1 =	vgt.s32 v0, $0x0;
	s16 =	sadd.s32 $0x10, s16;
	v2 =	vmov v0;
	(ifvalue) =	ssetifvalue $0x7FFFFFFF;
	v0 =	vld.msk [tilespmem:s17+$0x0 ss:$0x1], $0xffff  }
.Ltmp4:
0x3a: {  	_ = 	snop;
	(pc) =	sbr.rel .LBB2_4-.Ltmp4, $1  }
0x3b: {  	_ =	sdelay $0x3  }
.LBB2_6:
0x3c: {  	_ =	sfence.sel $0x180000  }
0x3d: {  	s2 =	simm.s32 $0x2;
	[bflag:$0x0] =	sbarrier.arrive $0xFFFF  }
0x3e: {  	s30 =	simm.s32 $0x3;
	[sflag:s2] =	ssyncpa.u1 $0x1  }
0x3f: {  	s31 =	simm.s32 $0x1;
	[sflag:s30] =	ssyncpa.u1 $0x1  }
0x40: {  	[sflag:s31] =	ssyncpa.u1 $0x1  }
0x41: {  	p0 =	sne.s32 s1, $0x0;
	_ =	strace $0x9000004A  }
0x42: {  	s0 =	sadd.s32 @!p0 $0x100000, s0;
	[bflag:$0x2] =	sbarrier.arrive $0xFFFF  }
0x43: {  	[sflag:s0] =	ssyncadd.tile.s32 @!p0 $0x1;
	_ =	shalt  }
.Lfunc_end2:
_tile_overlayer_lowered:
.L_overlay_start_2:
0x44: {  	(tag) =	ssettag $0x2  }
0x45: {  	s0 =	rddreg [dreg:$0x0];
	s2 =	stileid.u32  }
0x46: {  	s1 =	rddreg [dreg:$0x1];
	p0 =	sne.s32 s2, $0x0  }
0x47: {  	s3 =	rddreg [dreg:$0x2];
	[bflag:$0x3] =	sbarrier.arrive $0xFFFF;
	s2 =	simm.s32 @!p0 $0x1C01  }
0x48: {  	[timem:s3], [sflag:s2] =	dma.local @!p0 [hbm:s0], s1  }
0x49: {  	s0 =	simm.s32 @!p0 $0x1  }
0x4a: {  	_ =	swait.ge @!p0 [sflag:s0], s1  }
0x4b: {  	s1 =	ssub.s32 @!p0 $0x0, s1;
	[sflag:s0] =	ssyncset.done @!p0 $0x0  }
0x4c: {  	[sflag:s0] =	ssyncadd.s32 @!p0 s1  }
0x4d: {  	[bflag:$0x3] =	sbarrier.arrive $0xFFFF  }
0x4e: {  	_ =	shalt  }

// kernel: kernel.10.cloned.1.call-start
scs
__scs_entry_jumppad:
0x0: {  	(pc) =	sbr.rel $0x88, $3  }
0x1: {  	(tag) =	ssettag $0x0;
	lr =	simm.s32 $0x1  }
0x2: {  	[smem:$0x3F8B] =	sst lr;
	_ =	strace $0xD0000000  }
0x3: {  	_ = 	snop  }
0x4: {  	_ = 	snop  }
0x5: {  	_ = 	snop  }
0x6: {  	_ = 	snop  }
0x7: {  	_ = 	snop  }
__scs_overlays_trampoline_lowered:
0x8: {  	[smem:$0x3F9A] =	sst s0  }
0x9: {  	[smem:$0x3F9B] =	sst s1  }
0xa: {  	[smem:$0x3F9C] =	sst s2  }
0xb: {  	[smem:$0x3F9D] =	sst s3  }
0xc: {  	[smem:$0x3F9E] =	sst s4  }
0xd: {  	[smem:$0x3F9F] =	sst s5  }
0xe: {  	[smem:$0x3FA0] =	sst s6  }
0xf: {  	[smem:$0x3FA1] =	sst s7  }
0x10: {  	[smem:$0x3FA2] =	sst s8  }
0x11: {  	[smem:$0x3FA3] =	sst s9;
	s0 =	simm.s32 @!p0 $0x0  }
0x12: {  	s1 =	sld [smem:$0x3F89];
	s0 =	simm.s32 @p0 $0x1  }
0x13: {  	[smem:$0x3FA4] =	sst s0;
	s0 =	simm.s32 @!p1 $0x0  }
0x14: {  	s2 =	sld [smem:$0x3F88];
	s0 =	simm.s32 @p1 $0x1  }
0x15: {  	[smem:$0x3FA5] =	sst s0;
	s0 =	simm.s32 @!p2 $0x0  }
0x16: {  	s3 =	sld [smem:$0x3FDB];
	s0 =	simm.s32 @p2 $0x1  }
0x17: {  	s4 =	simm.s32 $0x1BF5;
	[smem:$0x3FA7] =	sst s0  }
0x18: {  	s0 =	sld [smem:$0x3F8A];
	_ =	swait.ge [sflag:s4], $0x0  }
0x19: {  	s7 =	sld [smem:$0x3F8B]  }
0x1a: {  	s8 =	sadd.s32 $0xFFFFE003, lr  }
0x1b: {  	s9 =	sadd.s32 $0xFFFFFEF7, lr;
	s5 =	simm.s32 $0xFFFFFFFF;
	p2 =	slt.u32 s8, $0xFFFFF086  }
0x1c: {  	p1 =	slt.u32 s9, $0xF7A;
	s5 =	simm.s32 @!p2 $0x0  }
0x1d: {  	s5 =	simm.s32 @p1 $0x1;
	p0 =	seq.s32 s7, s2  }
0x1e: {  	s7 =	smul.u32 @!p0 $0xF7A, s2;
	p2 =	seq.s32 @!p0 s5, $0x0  }
0x1f: {  	s9 =	smul.u32 $0xF7A, s1;
	s8 =	simm.s32 @!p0 $0x1BF5;
	p2 =	por !p2, p0  }
0x20: {  	[sflag:s8] =	ssyncset.s32 @!p0 $0xFFFFF086;
	s6 =	sadd.s32 @!p0 s3, s7;
	s7 =	simm.s32 @!p0 $0x108  }
0x21: {  	s3 =	sadd.s32 s3, s9;
	s6 =	sadd.s32 @!p0 $0x88, s6;
	s7 =	simm.s32 @p2 $0x1082  }
0x22: {  	[simem:s7], [sflag:s8] =	dma.local @!p0 [hbm:s6], $0xF7A  }
0x23: {  	s9 =	sor.u32 $0xD0000000, s2;
	s6 =	simm.s32 $0x108;
	_ =	swait.ge @!p0 [sflag:s8], $0x0  }
0x24: {  	s3 =	sadd.s32 $0x88, s3;
	s6 =	simm.s32 @!p1 $0x1082;
	[sflag:s4] =	ssyncset.s32 $0xFFFFF086  }
0x25: {  	[simem:s6], [sflag:s4] =	dma.local [hbm:s3], $0xF7A  }
0x26: {  	[smem:$0x3F8B] =	sst s1;
	(tag) =	ssettag s2;
	_ =	strace s9  }
0x27: {  	s1 =	sld [smem:$0x3F9B]  }
0x28: {  	s2 =	sld [smem:$0x3F9C]  }
0x29: {  	s4 =	sld [smem:$0x3F9E]  }
0x2a: {  	p0 =	seq.s32 s5, $0x0;
	s5 =	sld [smem:$0x3F9F]  }
0x2b: {  	s6 =	sld [smem:$0x3FA0]  }
0x2c: {  	s7 =	sld [smem:$0x3FA1]  }
0x2d: {  	s3 =	simm.s32 $0x108;
	s8 =	sld [smem:$0x3FA2]  }
0x2e: {  	s3 =	simm.s32 @!p0 $0x1082;
	s9 =	sld [smem:$0x3FA3]  }
0x2f: {  	lr =	sadd.s32 s0, s3;
	s0 =	sld [smem:$0x3F9A]  }
0x30: {  	s3 =	sld [smem:$0x3F9D]  }
0x31: {  	[smem:$0x3FA6] =	sst s10  }
0x32: {  	s10 =	sld [smem:$0x3FA4];
	_ =	sdelay $0x3  }
0x33: {  	p0 =	seq.s32 s10, $0x1;
	s10 =	sld [smem:$0x3FA6];
	_ =	sdelay $0x3  }
0x34: {  	[smem:$0x3FA6] =	sst s10  }
0x35: {  	s10 =	sld [smem:$0x3FA5];
	_ =	sdelay $0x3  }
0x36: {  	p1 =	seq.s32 s10, $0x1;
	s10 =	sld [smem:$0x3FA6];
	_ =	sdelay $0x3  }
0x37: {  	[smem:$0x3FA6] =	sst s10  }
0x38: {  	s10 =	sld [smem:$0x3FA7]  }
0x39: {  	_ = 	snop;
	(pc) =	sbr.ind lr, $3  }
0x3a: {  	_ = 	snop  }
0x3b: {  	_ = 	snop  }
0x3c: {  	p2 =	seq.s32 s10, $0x1;
	s10 =	sld [smem:$0x3FA6]  }
0x3d: {  	_ =	shalt  }
0x3e: {  	_ =	shalt  }
0x3f: {  	_ =	shalt  }
0x40: {  	_ =	shalt  }
0x41: {  	_ =	shalt  }
0x42: {  	_ =	shalt  }
0x43: {  	_ =	shalt  }
0x44: {  	_ =	shalt  }
0x45: {  	_ =	shalt  }
0x46: {  	_ =	shalt  }
0x47: {  	_ =	shalt  }
0x48: {  	_ =	shalt  }
0x49: {  	_ =	shalt  }
0x4a: {  	_ =	shalt  }
0x4b: {  	_ =	shalt  }
0x4c: {  	_ =	shalt  }
0x4d: {  	_ =	shalt  }
0x4e: {  	_ =	shalt  }
0x4f: {  	_ =	shalt  }
0x50: {  	_ =	shalt  }
0x51: {  	_ =	shalt  }
0x52: {  	_ =	shalt  }
0x53: {  	_ =	shalt  }
0x54: {  	_ =	shalt  }
0x55: {  	_ =	shalt  }
0x56: {  	_ =	shalt  }
0x57: {  	_ =	shalt  }
0x58: {  	_ =	shalt  }
0x59: {  	_ =	shalt  }
0x5a: {  	_ =	shalt  }
0x5b: {  	_ =	shalt  }
0x5c: {  	_ =	shalt  }
0x5d: {  	_ =	shalt  }
0x5e: {  	_ =	shalt  }
0x5f: {  	_ =	shalt  }
0x60: {  	_ =	shalt  }
0x61: {  	_ =	shalt  }
0x62: {  	_ =	shalt  }
0x63: {  	_ =	shalt  }
0x64: {  	_ =	shalt  }
0x65: {  	_ =	shalt  }
0x66: {  	_ =	shalt  }
0x67: {  	_ =	shalt  }
0x68: {  	_ =	shalt  }
0x69: {  	_ =	shalt  }
0x6a: {  	_ =	shalt  }
0x6b: {  	_ =	shalt  }
0x6c: {  	_ =	shalt  }
0x6d: {  	_ =	shalt  }
0x6e: {  	_ =	shalt  }
0x6f: {  	_ =	shalt  }
0x70: {  	_ =	shalt  }
0x71: {  	_ =	shalt  }
0x72: {  	_ =	shalt  }
0x73: {  	_ =	shalt  }
0x74: {  	_ =	shalt  }
0x75: {  	_ =	shalt  }
0x76: {  	_ =	shalt  }
0x77: {  	_ =	shalt  }
0x78: {  	_ =	shalt  }
0x79: {  	_ =	shalt  }
0x7a: {  	_ =	shalt  }
0x7b: {  	_ =	shalt  }
0x7c: {  	_ =	shalt  }
0x7d: {  	_ =	shalt  }
0x7e: {  	_ =	shalt  }
0x7f: {  	_ =	shalt  }
0x80: {  	_ =	shalt  }
0x81: {  	_ =	shalt  }
0x82: {  	_ =	shalt  }
0x83: {  	_ =	shalt  }
0x84: {  	_ =	shalt  }
0x85: {  	_ =	shalt  }
0x86: {  	_ =	shalt  }
0x87: {  	_ =	shalt  }
.Lfunc_end0:
.L_simem_size_0:
called_computation.1_lowered:
.L_overlay_start_0:
0x88: {  	s2 =	sld [smem:$0x3FD9]  }
0x89: {  	s3 =	sld [smem:$0x3FFE];
	_ =	sdelay $0x1  }
0x8a: {  	s1 =	srdreg.scid  }
0x8b: {  	s0 =	sand.u32 $0x1, s1  }
0x8c: {  	s16 =	sshll.u32 s0, $0xA;
	s2 =	sadd.s32 s3, s2  }
0x8d: {  	s2 =	sadd.s32 s2, s16  }
0x8e: {  	[smem:$0x3FB2] =	sst s2  }
0x8f: {  	_ = 	snop  }
0x90: {  	(tm) =	ssettm $0x1  }
0x91: {  	s17 =	sld [smem:$0x3FFB];
	_ =	sdelay $0x3  }
0x92: {  	_ =	strace s17  }
0x93: {  	s2 =	sld [smem:$0x3FFC];
	_ =	sdelay $0x3  }
0x94: {  	_ =	strace s2  }
0x95: {  	s2 =	sld [smem:$0x3FFD];
	_ =	sdelay $0x3  }
0x96: {  	_ =	strace s2  }
0x97: {  	_ =	strace $0x8FFFFFFF  }
0x98: {  	s18 =	sld [smem:$0x3FDB];
	_ =	sdelay $0x1  }
0x99: {  	s19 =	simm.s32 $_scs_section_size  }
0x9a: {  	s4 =	simm.s32 $_size__tile_overlayer_lowered;
	s5 =	simm.s32 $_tile_overlayer_lowered  }
0x9b: {  	s22 =	simm.s32 $0x1BFF;
	s21 =	sshll.u32 s5, $0x1;
	s2 =	sadd.s32 s19, s18  }
0x9c: {  	s6 =	simm.s32 $0x0;
	s20 =	sshll.u32 s4, $0x1;
	s4 =	sadd.s32 s21, s2  }
0x9d: {  	[timem:s6], [sflag:s22] =	dma.local [hbm:s4], s20  }
0x9e: {  	_ =	swait.ge [sflag:s22], s20  }
0x9f: {  	s3 =	ssub.s32 $0x0, s20;
	[sflag:s22] =	ssyncset.done $0x0  }
0xa0: {  	[sflag:s22] =	ssyncadd.s32 s3;
	_ =	sdelay $0x1  }
0xa1: {  	s23 =	simm.s32 $0x1B8B  }
0xa2: {  	_ =	swait.ge [sflag:s23], $0x1  }
0xa3: {  	[sflag:s23] =	ssyncset.done $0x0  }
0xa4: {  	s25 =	simm.s32 $0x1B8E;
	s24 =	sld [smem:$0x3FFE];
	[sflag:s23] =	ssyncadd.s32 $0xFFFFFFFF  }
0xa5: {  	s26 =	simm.s32 $execute0_lowered;
	[smem:$0x3FD2] =	sst s25  }
0xa6: {  	s4 =	sshll.u32 s26, $0x1;
	_ =	strace $0x80000046;
	[dreg:$0x1] =	wrdreg $0xFFFFFFFF  }
0xa7: {  	s28 =	simm.s32 $_size_execute0_lowered;
	s2 =	sadd.s32 s2, s4;
	[dreg:$0x0] =	wrdreg $0x0  }
0xa8: {  	s4 =	sshll.u32 s28, $0x1;
	[dreg:$0x2] =	wrdreg s2  }
0xa9: {  	[dreg:$0x3] =	wrdreg s4  }
0xaa: {  	[dreg:$0x4] =	wrdreg $0xC0  }
0xab: {  	_ =	task [dreg:s6], $0x5FFFF  }
0xac: {  	[dreg:$0x1] =	wrdreg $0xFFFFFFFF  }
0xad: {  	[dreg:$0x0] =	wrdreg $0x60  }
0xae: {  	[dreg:$0x2] =	wrdreg s24  }
0xaf: {  	[dreg:$0x3] =	wrdreg $0x9  }
0xb0: {  	_ =	task.clear_ibuf [dreg:s6], $0x4FFFF;
	_ =	strace $0x90000046  }
0xb1: {  	s29 =	simm.s32 $0x9;
	_ =	strace $0x80000048  }
0xb2: {  	_ =	swait.ge [sflag:s29], $0x1  }
0xb3: {  	[sflag:s29] =	ssyncadd.s32 $0xFFFFFFFF  }
0xb4: {  	_ =	strace $0x90000048  }
0xb5: {  	_ =	sfence  }
0xb6: {  	s30 =	sld [smem:$0x0];
	_ =	sdelay $0x2  }
0xb7: {  	s31 =	sshll.u32 s1, $0xD;
	s1 =	sshrl.u32 s1, $0x2  }
0xb8: {  	s3 =	sand.u32 $0x4000, s31;
	s1 =	sadd.s32 s1, s30  }
0xb9: {  	s0 =	sor.u32 s3, s0;
	s1 =	sshll.u32 s1, $0x11  }
0xba: {  	s0 =	sor.u32 s1, s0  }
0xbb: {  	s0 =	sadd.s32 $0x8F2B, s0  }
0xbc: {  	[sflag:s0] =	ssyncadd.remote.s32 $0x1  }
0xbd: {  	_ =	sfence.sel $0xFFFF  }
0xbe: {  	[dreg:$0x0] =	wrdreg $0xFFFFFFFF;
	(pc) =	sbr.abs _section_cstart, $3  }
0xbf: {  	[dreg:$0x1] =	wrdreg $0xFFFFFFFF  }
0xc0: {  	_ =	task.clear_ibuf [dreg:s6], $0x2FFFF;
	_ =	strace $0x9FFFFFFF  }
0xc1: {  	(tm) =	ssettm $0x7FFFFFFF  }
tec
execute0_lowered:
.L_overlay_start_1:
0x0: {  	(tag) =	ssettag $0x1  }
0x1: {  	s3 =	rddreg [dreg:$0x0]  }
0x2: {  	s0 =	rddreg [dreg:$0x1]  }
0x3: {  	s2 =	simm.s32 $0x0;
	s4 =	srdreg.scid;
	s1 =	stileid.u32  }
0x4: {  	[smem:$0x7FF] =	sst s2;
	s4 =	sand.u32 $0x1, s4;
	s5 =	sshll.u32 s1, $0xB  }
0x5: {  	s7 =	sadd.s32 $0x1B800, s3;
	s8 =	sadd.s32 $0x2F800, s3;
	s11 =	sshll.u32 s1, $0x5  }
0x6: {  	s13 =	sadd.s32 $0x16F800, s3;
	s28 =	sadd.s32 $0x2A800, s3;
	s3 =	sadd.s32 $0x7E00, s3  }
0x7: {  	s23 =	sshll.u32 s1, $0x8;
	_ =	strace $0x80000047;
	s6 =	sshll.u32 s4, $0xA  }
0x8: {  	s12 =	sshll.u32 s4, $0x4;
	s21 =	ssub.s32 $0x2, s4;
	s9 =	sor.u32 s6, s5  }
0x9: {  	s4 =	sshll.u32 s4, $0x7;
	s11 =	sor.u32 s12, s11;
	s10 =	sor.u32 $0x18000, s9  }
0xa: {  	s4 =	sor.u32 s4, s23;
	s26 =	sshrl.u32 s21, $0x1;
	s14 =	sadd.s32 s10, s8  }
0xb: {  	s12 =	sor.u32 $0x600, s11;
	s10 =	sadd.s32 s10, s13;
	[dreg:$0x2] =	wrdreg s14  }
0xc: {  	s23 =	simm.s32 $0x0;
	s29 =	sadd.s32 s12, s7;
	[dreg:$0x3] =	wrdreg s10  }
0xd: {  	s31 =	sor.u32 $0x10000, s9;
	s30 =	sadd.s32 s12, s28;
	[dreg:$0x4] =	wrdreg s29  }
0xe: {  	s17 =	sor.u32 $0x400, s11;
	s15 =	sadd.s32 s31, s8;
	[dreg:$0x5] =	wrdreg s30  }
0xf: {  	s9 =	sor.u32 $0x8000, s9;
	s16 =	sadd.s32 s31, s13;
	[dreg:$0x6] =	wrdreg s15  }
0x10: {  	s22 =	sor.u32 $0x200, s11;
	s18 =	sadd.s32 s17, s7;
	[dreg:$0x7] =	wrdreg s16  }
0x11: {  	s4 =	sshrl.u32 s4, $0x3;
	s19 =	sadd.s32 s17, s28;
	[dreg:$0x8] =	wrdreg s18  }
0x12: {  	s11 =	simm.s32 $0x2400;
	s20 =	sadd.s32 s9, s8;
	[dreg:$0x9] =	wrdreg s19  }
0x13: {  	s9 =	sadd.s32 s9, s13;
	s24 =	sadd.s32 s22, s7;
	[dreg:$0xa] =	wrdreg s20  }
0x14: {  	s25 =	sadd.s32 s22, s28;
	s28 =	sadd.s32 s4, s28;
	[dreg:$0xb] =	wrdreg s9  }
0x15: {  	s4 =	sadd.s32 s4, s7;
	s31 =	ssub.s32 s21, s26;
	[dreg:$0xc] =	wrdreg s24  }
0x16: {  	s7 =	simm.s32 $0x80;
	s12 =	simm.s32 $0xA400;
	[dreg:$0xd] =	wrdreg s25  }
0x17: {  	s17 =	simm.s32 $0x180;
	s21 =	simm.s32 $0x1;
	[dreg:$0xe] =	wrdreg s28  }
0x18: {  	s22 =	simm.s32 $0x2;
	s29 =	sadd.s32 s5, s13;
	[dreg:$0xf] =	wrdreg s4  }
0x19: {  	s5 =	sadd.s32 s5, s8;
	s4 =	smax.u32 s31, $0x1;
	s8 =	simm.s32 $0x400  }
0x1a: {  	s9 =	simm.s32 $0x8400;
	s10 =	simm.s32 $0x280;
	s13 =	simm.s32 $0x100  }
0x1b: {  	s14 =	simm.s32 $0x300;
	s15 =	simm.s32 $0x4400;
	s16 =	simm.s32 $0xC400  }
0x1c: {  	s18 =	simm.s32 $0x380;
	s19 =	simm.s32 $0x6400;
	s30 =	sadd.s32 s6, s29  }
0x1d: {  	s20 =	simm.s32 $0xE400;
	s5 =	sadd.s32 s6, s5;
	[dreg:$0x10] =	wrdreg s30  }
0x1e: {  	s6 =	simm.s32 $0x200;
	[dreg:$0x11] =	wrdreg s5;
	s5 =	simm.s32 $0x3  }
.LBB2_1:
0x1f: {  	s24 =	rddreg [dreg:$0xf]  }
0x20: {  	s24 =	sadd.s32 $0x0, s24  }
0x21: {  	[tilespmem:s2], [sflag:$0x3] =	stream.linear.gather [hbm4b:s24+s2], $0x80, $0x38;
	[tilespmem:$0x10400] =	vst v63  }
0x22: {  	_ =	swait.ge [sflag:s5], $0x80  }
0x23: {  	s28 =	rddreg [dreg:$0xe];
	[sflag:s5] =	ssyncset.done $0x0  }
0x24: {  	[sflag:s5] =	ssyncadd.s32 $0xFFFFFF80;
	s24 =	sadd.s32 $0x0, s28  }
0x25: {  	[tilespmem:s6], [sflag:$0x3] =	stream.linear.gather [hbm4b:s24+s2], $0x80, $0x38;
	[tilespmem:$0x10400] =	vst v63  }
0x26: {  	_ =	swait.ge [sflag:s5], $0x80  }
0x27: {  	[sflag:s5] =	ssyncset.done $0x0  }
0x28: {  	[sflag:s5] =	ssyncadd.s32 $0xFFFFFF80  }
0x29: {  	[tilespmem:s8], [sflag:$0x1] =	stream.indirect.gather [hbm4b:s3+s7], $0x40, s2, s7, $0xb8;
	[tilespmem:$0x10400] =	vst v63  }
0x2a: {  	s30 =	rddreg [dreg:$0xc]  }
0x2b: {  	[tilespmem:s9], [sflag:$0x1] =	stream.indirect.gather [hbm4b:s3+s7], $0x40, s6, s7, $0xb8;
	[tilespmem:$0x10400] =	vst v63  }
0x2c: {  	s24 =	sadd.s32 $0x0, s30  }
0x2d: {  	[tilespmem:s7], [sflag:$0x3] =	stream.linear.gather [hbm4b:s24+s2], $0x80, $0x38;
	[tilespmem:$0x10400] =	vst v63  }
0x2e: {  	_ =	swait.ge [sflag:s5], $0x80  }
0x2f: {  	s31 =	rddreg [dreg:$0xd];
	[sflag:s5] =	ssyncset.done $0x0  }
0x30: {  	[sflag:s5] =	ssyncadd.s32 $0xFFFFFF80;
	s24 =	sadd.s32 $0x0, s31  }
0x31: {  	[tilespmem:s10], [sflag:$0x3] =	stream.linear.gather [hbm4b:s24+s2], $0x80, $0x38;
	[tilespmem:$0x10400] =	vst v63  }
0x32: {  	_ =	swait.ge [sflag:s5], $0x80  }
0x33: {  	[sflag:s5] =	ssyncset.done $0x0  }
0x34: {  	[sflag:s5] =	ssyncadd.s32 $0xFFFFFF80  }
0x35: {  	[tilespmem:s11], [sflag:$0x1] =	stream.indirect.gather [hbm4b:s3+s7], $0x40, s7, s7, $0xb8;
	[tilespmem:$0x10400] =	vst v63  }
0x36: {  	s25 =	rddreg [dreg:$0x8]  }
0x37: {  	[tilespmem:s12], [sflag:$0x1] =	stream.indirect.gather [hbm4b:s3+s7], $0x40, s10, s7, $0xb8;
	[tilespmem:$0x10400] =	vst v63  }
0x38: {  	s24 =	sadd.s32 $0x0, s25  }
0x39: {  	[tilespmem:s13], [sflag:$0x3] =	stream.linear.gather [hbm4b:s24+s2], $0x80, $0x38;
	[tilespmem:$0x10400] =	vst v63  }
0x3a: {  	_ =	swait.ge [sflag:s5], $0x80  }
0x3b: {  	s26 =	rddreg [dreg:$0x9];
	[sflag:s5] =	ssyncset.done $0x0  }
0x3c: {  	[sflag:s5] =	ssyncadd.s32 $0xFFFFFF80;
	s24 =	sadd.s32 $0x0, s26  }
0x3d: {  	[tilespmem:s14], [sflag:$0x3] =	stream.linear.gather [hbm4b:s24+s2], $0x80, $0x38;
	[tilespmem:$0x10400] =	vst v63  }
0x3e: {  	_ =	swait.ge [sflag:s5], $0x80  }
0x3f: {  	[sflag:s5] =	ssyncset.done $0x0  }
0x40: {  	[sflag:s5] =	ssyncadd.s32 $0xFFFFFF80  }
0x41: {  	[tilespmem:s15], [sflag:$0x1] =	stream.indirect.gather [hbm4b:s3+s7], $0x40, s13, s7, $0xb8;
	[tilespmem:$0x10400] =	vst v63  }
0x42: {  	s28 =	rddreg [dreg:$0x4]  }
0x43: {  	[tilespmem:s16], [sflag:$0x1] =	stream.indirect.gather [hbm4b:s3+s7], $0x40, s14, s7, $0xb8;
	[tilespmem:$0x10400] =	vst v63  }
0x44: {  	s24 =	sadd.s32 $0x0, s28  }
0x45: {  	[tilespmem:s17], [sflag:$0x3] =	stream.linear.gather [hbm4b:s24+s2], $0x80, $0x38;
	[tilespmem:$0x10400] =	vst v63  }
0x46: {  	_ =	swait.ge [sflag:s5], $0x80  }
0x47: {  	s30 =	rddreg [dreg:$0x5];
	[sflag:s5] =	ssyncset.done $0x0  }
0x48: {  	[sflag:s5] =	ssyncadd.s32 $0xFFFFFF80;
	s24 =	sadd.s32 $0x0, s30  }
0x49: {  	[tilespmem:s18], [sflag:$0x3] =	stream.linear.gather [hbm4b:s24+s2], $0x80, $0x38;
	[tilespmem:$0x10400] =	vst v63  }
0x4a: {  	_ =	swait.ge [sflag:s5], $0x80  }
0x4b: {  	[sflag:s5] =	ssyncset.done $0x0  }
0x4c: {  	[sflag:s5] =	ssyncadd.s32 $0xFFFFFF80  }
0x4d: {  	[tilespmem:s19], [sflag:$0x1] =	stream.indirect.gather [hbm4b:s3+s7], $0x40, s17, s7, $0xb8;
	[tilespmem:$0x10400] =	vst v63  }
0x4e: {  	_ = 	snop  }
0x4f: {  	[tilespmem:s20], [sflag:$0x1] =	stream.indirect.gather [hbm4b:s3+s7], $0x40, s18, s7, $0xb8;
	[tilespmem:$0x10400] =	vst v63  }
0x50: {  	_ =	swait.ge [sflag:s21], $0x2000  }
0x51: {  	[sflag:s21] =	ssyncset.done $0x0  }
0x52: {  	[sflag:s21] =	ssyncadd.s32 $0xFFFFE000  }
0x53: {  	_ =	swait.ge [sflag:s21], $0x2000  }
0x54: {  	[sflag:s21] =	ssyncset.done $0x0  }
0x55: {  	[sflag:s21] =	ssyncadd.s32 $0xFFFFE000  }
0x56: {  	_ =	swait.ge [sflag:s21], $0x2000  }
0x57: {  	[sflag:s21] =	ssyncset.done $0x0  }
0x58: {  	[sflag:s21] =	ssyncadd.s32 $0xFFFFE000  }
0x59: {  	_ =	swait.ge [sflag:s21], $0x2000  }
0x5a: {  	[sflag:s21] =	ssyncset.done $0x0  }
0x5b: {  	[sflag:s21] =	ssyncadd.s32 $0xFFFFE000  }
0x5c: {  	_ =	swait.ge [sflag:s21], $0x2000  }
0x5d: {  	[sflag:s21] =	ssyncset.done $0x0  }
0x5e: {  	[sflag:s21] =	ssyncadd.s32 $0xFFFFE000  }
0x5f: {  	_ =	swait.ge [sflag:s21], $0x2000  }
0x60: {  	[sflag:s21] =	ssyncset.done $0x0  }
0x61: {  	[sflag:s21] =	ssyncadd.s32 $0xFFFFE000  }
0x62: {  	_ =	swait.ge [sflag:s21], $0x2000  }
0x63: {  	[sflag:s21] =	ssyncset.done $0x0  }
0x64: {  	[sflag:s21] =	ssyncadd.s32 $0xFFFFE000  }
0x65: {  	_ =	swait.ge [sflag:s21], $0x2000  }
0x66: {  	s31 =	rddreg [dreg:$0x11];
	[sflag:s21] =	ssyncset.done $0x0  }
0x67: {  	s25 =	rddreg [dreg:$0x10];
	[sflag:s21] =	ssyncadd.s32 $0xFFFFE000;
	s24 =	sadd.s32 $0x0, s31  }
0x68: {  	[hbm4b:s24+s2] =	stream.linear.scatter [tilespmem:s8], [sflag:$0x2], $0x2000, $0x38;
	[tilespmem:$0x10400] =	vst v63  }
0x69: {  	s26 =	rddreg [dreg:$0xa];
	s25 =	sadd.s32 $0x0, s25  }
0x6a: {  	[hbm4b:s25+s2] =	stream.linear.scatter [tilespmem:s9], [sflag:$0x2], $0x2000, $0x38;
	[tilespmem:$0x10400] =	vst v63  }
0x6b: {  	s28 =	rddreg [dreg:$0xb];
	s30 =	sadd.s32 $0x0, s26  }
0x6c: {  	[hbm4b:s30+s2] =	stream.linear.scatter [tilespmem:s11], [sflag:$0x2], $0x2000, $0x38;
	[tilespmem:$0x10400] =	vst v63  }
0x6d: {  	s31 =	rddreg [dreg:$0x6];
	s25 =	sadd.s32 $0x0, s28  }
0x6e: {  	[hbm4b:s25+s2] =	stream.linear.scatter [tilespmem:s12], [sflag:$0x2], $0x2000, $0x38;
	[tilespmem:$0x10400] =	vst v63  }
0x6f: {  	s28 =	rddreg [dreg:$0x7];
	s30 =	sadd.s32 $0x0, s31  }
0x70: {  	[hbm4b:s30+s2] =	stream.linear.scatter [tilespmem:s15], [sflag:$0x2], $0x2000, $0x38;
	[tilespmem:$0x10400] =	vst v63  }
0x71: {  	s31 =	rddreg [dreg:$0x2];
	s25 =	sadd.s32 $0x0, s28  }
0x72: {  	[hbm4b:s25+s2] =	stream.linear.scatter [tilespmem:s16], [sflag:$0x2], $0x2000, $0x38;
	[tilespmem:$0x10400] =	vst v63  }
0x73: {  	s28 =	rddreg [dreg:$0x3];
	s30 =	sadd.s32 $0x0, s31  }
0x74: {  	[hbm4b:s30+s2] =	stream.linear.scatter [tilespmem:s19], [sflag:$0x2], $0x2000, $0x38;
	[tilespmem:$0x10400] =	vst v63  }
0x75: {  	s31 =	sadd.s32 $0x0, s28  }
0x76: {  	[hbm4b:s31+s2] =	stream.linear.scatter [tilespmem:s20], [sflag:$0x2], $0x2000, $0x38;
	[tilespmem:$0x10400] =	vst v63  }
0x77: {  	_ =	swait.ge [sflag:s22], $0x2000  }
0x78: {  	[sflag:s22] =	ssyncset.done $0x0  }
0x79: {  	[sflag:s22] =	ssyncadd.s32 $0xFFFFE000  }
0x7a: {  	_ =	swait.ge [sflag:s22], $0x2000  }
0x7b: {  	[sflag:s22] =	ssyncset.done $0x0  }
0x7c: {  	[sflag:s22] =	ssyncadd.s32 $0xFFFFE000  }
0x7d: {  	_ =	swait.ge [sflag:s22], $0x2000  }
0x7e: {  	[sflag:s22] =	ssyncset.done $0x0  }
0x7f: {  	[sflag:s22] =	ssyncadd.s32 $0xFFFFE000  }
0x80: {  	_ =	swait.ge [sflag:s22], $0x2000  }
0x81: {  	[sflag:s22] =	ssyncset.done $0x0  }
0x82: {  	[sflag:s22] =	ssyncadd.s32 $0xFFFFE000  }
0x83: {  	_ =	swait.ge [sflag:s22], $0x2000  }
0x84: {  	[sflag:s22] =	ssyncset.done $0x0  }
0x85: {  	[sflag:s22] =	ssyncadd.s32 $0xFFFFE000  }
0x86: {  	_ =	swait.ge [sflag:s22], $0x2000  }
0x87: {  	[sflag:s22] =	ssyncset.done $0x0  }
0x88: {  	[sflag:s22] =	ssyncadd.s32 $0xFFFFE000  }
0x89: {  	_ =	swait.ge [sflag:s22], $0x2000  }
0x8a: {  	[sflag:s22] =	ssyncset.done $0x0  }
0x8b: {  	[sflag:s22] =	ssyncadd.s32 $0xFFFFE000  }
0x8c: {  	s26 =	simm.s32 $0x0;
	s24 =	simm.s32 $0x20000;
	_ =	swait.ge [sflag:s22], $0x2000  }
0x8d: {  	s25 =	simm.s32 $0x40000;
	s29 =	rddreg [dreg:$0xf];
	[sflag:s22] =	ssyncset.done $0x0  }
.LBB2_2:
0x8e: {  	s26 =	sadd.s32 $0x800, s26  }
0x8f: {  	[sflag:s22] =	ssyncadd.s32 $0xFFFFE000;
	s29 =	sadd.s32 s26, s29  }
0x90: {  	[tilespmem:s2], [sflag:$0x3] =	stream.linear.gather [hbm4b:s29+s2], $0x80, $0x38;
	[tilespmem:$0x10400] =	vst v63  }
0x91: {  	_ =	swait.ge [sflag:s5], $0x80  }
0x92: {  	s29 =	rddreg [dreg:$0xe];
	[sflag:s5] =	ssyncset.done $0x0  }
0x93: {  	[sflag:s5] =	ssyncadd.s32 $0xFFFFFF80;
	s29 =	sadd.s32 s26, s29  }
0x94: {  	[tilespmem:s6], [sflag:$0x3] =	stream.linear.gather [hbm4b:s29+s2], $0x80, $0x38;
	[tilespmem:$0x10400] =	vst v63  }
0x95: {  	_ =	swait.ge [sflag:s5], $0x80  }
0x96: {  	[sflag:s5] =	ssyncset.done $0x0  }
0x97: {  	[sflag:s5] =	ssyncadd.s32 $0xFFFFFF80  }
0x98: {  	[tilespmem:s8], [sflag:$0x1] =	stream.indirect.gather [hbm4b:s3+s7], $0x40, s2, s7, $0xb8;
	[tilespmem:$0x10400] =	vst v63  }
0x99: {  	s29 =	rddreg [dreg:$0xc]  }
0x9a: {  	[tilespmem:s9], [sflag:$0x1] =	stream.indirect.gather [hbm4b:s3+s7], $0x40, s6, s7, $0xb8;
	[tilespmem:$0x10400] =	vst v63  }
0x9b: {  	s29 =	sadd.s32 s26, s29  }
0x9c: {  	[tilespmem:s7], [sflag:$0x3] =	stream.linear.gather [hbm4b:s29+s2], $0x80, $0x38;
	[tilespmem:$0x10400] =	vst v63  }
0x9d: {  	_ =	swait.ge [sflag:s5], $0x80  }
0x9e: {  	s29 =	rddreg [dreg:$0xd];
	[sflag:s5] =	ssyncset.done $0x0  }
0x9f: {  	[sflag:s5] =	ssyncadd.s32 $0xFFFFFF80;
	s29 =	sadd.s32 s26, s29  }
0xa0: {  	[tilespmem:s10], [sflag:$0x3] =	stream.linear.gather [hbm4b:s29+s2], $0x80, $0x38;
	[tilespmem:$0x10400] =	vst v63  }
0xa1: {  	_ =	swait.ge [sflag:s5], $0x80  }
0xa2: {  	[sflag:s5] =	ssyncset.done $0x0  }
0xa3: {  	[sflag:s5] =	ssyncadd.s32 $0xFFFFFF80  }
0xa4: {  	[tilespmem:s11], [sflag:$0x1] =	stream.indirect.gather [hbm4b:s3+s7], $0x40, s7, s7, $0xb8;
	[tilespmem:$0x10400] =	vst v63  }
0xa5: {  	s29 =	rddreg [dreg:$0x8]  }
0xa6: {  	[tilespmem:s12], [sflag:$0x1] =	stream.indirect.gather [hbm4b:s3+s7], $0x40, s10, s7, $0xb8;
	[tilespmem:$0x10400] =	vst v63  }
0xa7: {  	s29 =	sadd.s32 s26, s29  }
0xa8: {  	[tilespmem:s13], [sflag:$0x3] =	stream.linear.gather [hbm4b:s29+s2], $0x80, $0x38;
	[tilespmem:$0x10400] =	vst v63  }
0xa9: {  	_ =	swait.ge [sflag:s5], $0x80  }
0xaa: {  	s29 =	rddreg [dreg:$0x9];
	[sflag:s5] =	ssyncset.done $0x0  }
0xab: {  	[sflag:s5] =	ssyncadd.s32 $0xFFFFFF80;
	s29 =	sadd.s32 s26, s29  }
0xac: {  	[tilespmem:s14], [sflag:$0x3] =	stream.linear.gather [hbm4b:s29+s2], $0x80, $0x38;
	[tilespmem:$0x10400] =	vst v63  }
0xad: {  	_ =	swait.ge [sflag:s5], $0x80  }
0xae: {  	[sflag:s5] =	ssyncset.done $0x0  }
0xaf: {  	[sflag:s5] =	ssyncadd.s32 $0xFFFFFF80  }
0xb0: {  	[tilespmem:s15], [sflag:$0x1] =	stream.indirect.gather [hbm4b:s3+s7], $0x40, s13, s7, $0xb8;
	[tilespmem:$0x10400] =	vst v63  }
0xb1: {  	s29 =	rddreg [dreg:$0x4]  }
0xb2: {  	[tilespmem:s16], [sflag:$0x1] =	stream.indirect.gather [hbm4b:s3+s7], $0x40, s14, s7, $0xb8;
	[tilespmem:$0x10400] =	vst v63  }
0xb3: {  	s29 =	sadd.s32 s26, s29  }
0xb4: {  	[tilespmem:s17], [sflag:$0x3] =	stream.linear.gather [hbm4b:s29+s2], $0x80, $0x38;
	[tilespmem:$0x10400] =	vst v63  }
0xb5: {  	_ =	swait.ge [sflag:s5], $0x80  }
0xb6: {  	s29 =	rddreg [dreg:$0x5];
	[sflag:s5] =	ssyncset.done $0x0  }
0xb7: {  	[sflag:s5] =	ssyncadd.s32 $0xFFFFFF80;
	s29 =	sadd.s32 s26, s29  }
0xb8: {  	[tilespmem:s18], [sflag:$0x3] =	stream.linear.gather [hbm4b:s29+s2], $0x80, $0x38;
	[tilespmem:$0x10400] =	vst v63  }
0xb9: {  	_ =	swait.ge [sflag:s5], $0x80  }
0xba: {  	[sflag:s5] =	ssyncset.done $0x0  }
0xbb: {  	[sflag:s5] =	ssyncadd.s32 $0xFFFFFF80  }
0xbc: {  	[tilespmem:s19], [sflag:$0x1] =	stream.indirect.gather [hbm4b:s3+s7], $0x40, s17, s7, $0xb8;
	[tilespmem:$0x10400] =	vst v63  }
0xbd: {  	_ = 	snop  }
0xbe: {  	[tilespmem:s20], [sflag:$0x1] =	stream.indirect.gather [hbm4b:s3+s7], $0x40, s18, s7, $0xb8;
	[tilespmem:$0x10400] =	vst v63  }
0xbf: {  	_ =	swait.ge [sflag:s21], $0x2000  }
0xc0: {  	[sflag:s21] =	ssyncset.done $0x0  }
0xc1: {  	[sflag:s21] =	ssyncadd.s32 $0xFFFFE000  }
0xc2: {  	_ =	swait.ge [sflag:s21], $0x2000  }
0xc3: {  	[sflag:s21] =	ssyncset.done $0x0  }
0xc4: {  	[sflag:s21] =	ssyncadd.s32 $0xFFFFE000  }
0xc5: {  	_ =	swait.ge [sflag:s21], $0x2000  }
0xc6: {  	[sflag:s21] =	ssyncset.done $0x0  }
0xc7: {  	[sflag:s21] =	ssyncadd.s32 $0xFFFFE000  }
0xc8: {  	_ =	swait.ge [sflag:s21], $0x2000  }
0xc9: {  	[sflag:s21] =	ssyncset.done $0x0  }
0xca: {  	[sflag:s21] =	ssyncadd.s32 $0xFFFFE000  }
0xcb: {  	_ =	swait.ge [sflag:s21], $0x2000  }
0xcc: {  	[sflag:s21] =	ssyncset.done $0x0  }
0xcd: {  	[sflag:s21] =	ssyncadd.s32 $0xFFFFE000  }
0xce: {  	_ =	swait.ge [sflag:s21], $0x2000  }
0xcf: {  	[sflag:s21] =	ssyncset.done $0x0  }
0xd0: {  	[sflag:s21] =	ssyncadd.s32 $0xFFFFE000  }
0xd1: {  	_ =	swait.ge [sflag:s21], $0x2000  }
0xd2: {  	[sflag:s21] =	ssyncset.done $0x0  }
0xd3: {  	[sflag:s21] =	ssyncadd.s32 $0xFFFFE000  }
0xd4: {  	_ =	swait.ge [sflag:s21], $0x2000  }
0xd5: {  	s29 =	rddreg [dreg:$0x11];
	[sflag:s21] =	ssyncset.done $0x0  }
0xd6: {  	s30 =	rddreg [dreg:$0x10];
	[sflag:s21] =	ssyncadd.s32 $0xFFFFE000;
	s29 =	sadd.s32 s24, s29  }
0xd7: {  	[hbm4b:s29+s2] =	stream.linear.scatter [tilespmem:s8], [sflag:$0x2], $0x2000, $0x38;
	[tilespmem:$0x10400] =	vst v63  }
0xd8: {  	s31 =	rddreg [dreg:$0xa];
	s29 =	sadd.s32 s24, s30  }
0xd9: {  	[hbm4b:s29+s2] =	stream.linear.scatter [tilespmem:s9], [sflag:$0x2], $0x2000, $0x38;
	[tilespmem:$0x10400] =	vst v63  }
0xda: {  	s30 =	rddreg [dreg:$0xb];
	s29 =	sadd.s32 s24, s31  }
0xdb: {  	[hbm4b:s29+s2] =	stream.linear.scatter [tilespmem:s11], [sflag:$0x2], $0x2000, $0x38;
	[tilespmem:$0x10400] =	vst v63  }
0xdc: {  	s31 =	rddreg [dreg:$0x6];
	s29 =	sadd.s32 s24, s30  }
0xdd: {  	[hbm4b:s29+s2] =	stream.linear.scatter [tilespmem:s12], [sflag:$0x2], $0x2000, $0x38;
	[tilespmem:$0x10400] =	vst v63  }
0xde: {  	s30 =	rddreg [dreg:$0x7];
	s29 =	sadd.s32 s24, s31  }
0xdf: {  	[hbm4b:s29+s2] =	stream.linear.scatter [tilespmem:s15], [sflag:$0x2], $0x2000, $0x38;
	[tilespmem:$0x10400] =	vst v63  }
0xe0: {  	s31 =	rddreg [dreg:$0x2];
	s29 =	sadd.s32 s24, s30  }
0xe1: {  	[hbm4b:s29+s2] =	stream.linear.scatter [tilespmem:s16], [sflag:$0x2], $0x2000, $0x38;
	[tilespmem:$0x10400] =	vst v63  }
0xe2: {  	s30 =	rddreg [dreg:$0x3];
	s29 =	sadd.s32 s24, s31  }
0xe3: {  	[hbm4b:s29+s2] =	stream.linear.scatter [tilespmem:s19], [sflag:$0x2], $0x2000, $0x38;
	[tilespmem:$0x10400] =	vst v63  }
0xe4: {  	s29 =	sadd.s32 s24, s30  }
0xe5: {  	[hbm4b:s29+s2] =	stream.linear.scatter [tilespmem:s20], [sflag:$0x2], $0x2000, $0x38;
	[tilespmem:$0x10400] =	vst v63  }
0xe6: {  	_ =	swait.ge [sflag:s22], $0x2000  }
0xe7: {  	[sflag:s22] =	ssyncset.done $0x0  }
0xe8: {  	[sflag:s22] =	ssyncadd.s32 $0xFFFFE000  }
0xe9: {  	_ =	swait.ge [sflag:s22], $0x2000  }
0xea: {  	[sflag:s22] =	ssyncset.done $0x0  }
0xeb: {  	[sflag:s22] =	ssyncadd.s32 $0xFFFFE000  }
0xec: {  	_ =	swait.ge [sflag:s22], $0x2000  }
0xed: {  	[sflag:s22] =	ssyncset.done $0x0  }
0xee: {  	[sflag:s22] =	ssyncadd.s32 $0xFFFFE000  }
0xef: {  	_ =	swait.ge [sflag:s22], $0x2000  }
0xf0: {  	[sflag:s22] =	ssyncset.done $0x0  }
0xf1: {  	[sflag:s22] =	ssyncadd.s32 $0xFFFFE000  }
0xf2: {  	_ =	swait.ge [sflag:s22], $0x2000  }
0xf3: {  	[sflag:s22] =	ssyncset.done $0x0  }
0xf4: {  	[sflag:s22] =	ssyncadd.s32 $0xFFFFE000  }
0xf5: {  	_ =	swait.ge [sflag:s22], $0x2000  }
0xf6: {  	[sflag:s22] =	ssyncset.done $0x0  }
0xf7: {  	p0 =	sne.s32 s25, $0x120000;
	[sflag:s22] =	ssyncadd.s32 $0xFFFFE000  }
.Ltmp0:
0xf8: {  	_ =	swait.ge [sflag:s22], $0x2000;
	(pc) =	sbr.rel @p0 .LBB2_2-.Ltmp0, $4  }
0xf9: {  	[sflag:s22] =	ssyncset.done $0x0  }
0xfa: {  	[sflag:s22] =	ssyncadd.s32 $0xFFFFE000  }
0xfb: {  	s28 =	smov.u32 s25;
	s25 =	sadd.s32 $0x20000, s25;
	_ =	swait.ge [sflag:s22], $0x2000  }
0xfc: {  	s24 =	smov.u32 s28;
	s29 =	rddreg [dreg:$0xf];
	[sflag:s22] =	ssyncset.done $0x0  }
0xfd: {  	s25 =	sadd.s32 $0x800, s26  }
0xfe: {  	[sflag:s22] =	ssyncadd.s32 $0xFFFFE000;
	s26 =	sadd.s32 s25, s29  }
0xff: {  	[tilespmem:s2], [sflag:$0x3] =	stream.linear.gather [hbm4b:s26+s2], $0x80, $0x38;
	[tilespmem:$0x10400] =	vst v63  }
0x100: {  	_ =	swait.ge [sflag:s5], $0x80  }
0x101: {  	s31 =	rddreg [dreg:$0xe];
	[sflag:s5] =	ssyncset.done $0x0  }
0x102: {  	[sflag:s5] =	ssyncadd.s32 $0xFFFFFF80;
	s26 =	sadd.s32 s25, s31  }
0x103: {  	[tilespmem:s6], [sflag:$0x3] =	stream.linear.gather [hbm4b:s26+s2], $0x80, $0x38;
	[tilespmem:$0x10400] =	vst v63  }
0x104: {  	_ =	swait.ge [sflag:s5], $0x80  }
0x105: {  	[sflag:s5] =	ssyncset.done $0x0  }
0x106: {  	[sflag:s5] =	ssyncadd.s32 $0xFFFFFF80  }
0x107: {  	[tilespmem:s8], [sflag:$0x1] =	stream.indirect.gather [hbm4b:s3+s7], $0x40, s2, s7, $0xb8;
	[tilespmem:$0x10400] =	vst v63  }
0x108: {  	s28 =	rddreg [dreg:$0xc]  }
0x109: {  	[tilespmem:s9], [sflag:$0x1] =	stream.indirect.gather [hbm4b:s3+s7], $0x40, s6, s7, $0xb8;
	[tilespmem:$0x10400] =	vst v63  }
0x10a: {  	s26 =	sadd.s32 s25, s28  }
0x10b: {  	[tilespmem:s7], [sflag:$0x3] =	stream.linear.gather [hbm4b:s26+s2], $0x80, $0x38;
	[tilespmem:$0x10400] =	vst v63  }
0x10c: {  	_ =	swait.ge [sflag:s5], $0x80  }
0x10d: {  	s29 =	rddreg [dreg:$0xd];
	[sflag:s5] =	ssyncset.done $0x0  }
0x10e: {  	[sflag:s5] =	ssyncadd.s32 $0xFFFFFF80;
	s26 =	sadd.s32 s25, s29  }
0x10f: {  	[tilespmem:s10], [sflag:$0x3] =	stream.linear.gather [hbm4b:s26+s2], $0x80, $0x38;
	[tilespmem:$0x10400] =	vst v63  }
0x110: {  	_ =	swait.ge [sflag:s5], $0x80  }
0x111: {  	[sflag:s5] =	ssyncset.done $0x0  }
0x112: {  	[sflag:s5] =	ssyncadd.s32 $0xFFFFFF80  }
0x113: {  	[tilespmem:s11], [sflag:$0x1] =	stream.indirect.gather [hbm4b:s3+s7], $0x40, s7, s7, $0xb8;
	[tilespmem:$0x10400] =	vst v63  }
0x114: {  	s30 =	rddreg [dreg:$0x8]  }
0x115: {  	[tilespmem:s12], [sflag:$0x1] =	stream.indirect.gather [hbm4b:s3+s7], $0x40, s10, s7, $0xb8;
	[tilespmem:$0x10400] =	vst v63  }
0x116: {  	s26 =	sadd.s32 s25, s30  }
0x117: {  	[tilespmem:s13], [sflag:$0x3] =	stream.linear.gather [hbm4b:s26+s2], $0x80, $0x38;
	[tilespmem:$0x10400] =	vst v63  }
0x118: {  	_ =	swait.ge [sflag:s5], $0x80  }
0x119: {  	s31 =	rddreg [dreg:$0x9];
	[sflag:s5] =	ssyncset.done $0x0  }
0x11a: {  	[sflag:s5] =	ssyncadd.s32 $0xFFFFFF80;
	s26 =	sadd.s32 s25, s31  }
0x11b: {  	[tilespmem:s14], [sflag:$0x3] =	stream.linear.gather [hbm4b:s26+s2], $0x80, $0x38;
	[tilespmem:$0x10400] =	vst v63  }
0x11c: {  	_ =	swait.ge [sflag:s5], $0x80  }
0x11d: {  	[sflag:s5] =	ssyncset.done $0x0  }
0x11e: {  	[sflag:s5] =	ssyncadd.s32 $0xFFFFFF80  }
0x11f: {  	[tilespmem:s15], [sflag:$0x1] =	stream.indirect.gather [hbm4b:s3+s7], $0x40, s13, s7, $0xb8;
	[tilespmem:$0x10400] =	vst v63  }
0x120: {  	s28 =	rddreg [dreg:$0x4]  }
0x121: {  	[tilespmem:s16], [sflag:$0x1] =	stream.indirect.gather [hbm4b:s3+s7], $0x40, s14, s7, $0xb8;
	[tilespmem:$0x10400] =	vst v63  }
0x122: {  	s26 =	sadd.s32 s25, s28  }
0x123: {  	[tilespmem:s17], [sflag:$0x3] =	stream.linear.gather [hbm4b:s26+s2], $0x80, $0x38;
	[tilespmem:$0x10400] =	vst v63  }
0x124: {  	_ =	swait.ge [sflag:s5], $0x80  }
0x125: {  	s29 =	rddreg [dreg:$0x5];
	[sflag:s5] =	ssyncset.done $0x0  }
0x126: {  	[sflag:s5] =	ssyncadd.s32 $0xFFFFFF80;
	s25 =	sadd.s32 s25, s29  }
0x127: {  	[tilespmem:s18], [sflag:$0x3] =	stream.linear.gather [hbm4b:s25+s2], $0x80, $0x38;
	[tilespmem:$0x10400] =	vst v63  }
0x128: {  	_ =	swait.ge [sflag:s5], $0x80  }
0x129: {  	[sflag:s5] =	ssyncset.done $0x0  }
0x12a: {  	[sflag:s5] =	ssyncadd.s32 $0xFFFFFF80  }
0x12b: {  	[tilespmem:s19], [sflag:$0x1] =	stream.indirect.gather [hbm4b:s3+s7], $0x40, s17, s7, $0xb8;
	[tilespmem:$0x10400] =	vst v63  }
0x12c: {  	_ = 	snop  }
0x12d: {  	[tilespmem:s20], [sflag:$0x1] =	stream.indirect.gather [hbm4b:s3+s7], $0x40, s18, s7, $0xb8;
	[tilespmem:$0x10400] =	vst v63  }
0x12e: {  	_ =	swait.ge [sflag:s21], $0x2000  }
0x12f: {  	[sflag:s21] =	ssyncset.done $0x0  }
0x130: {  	[sflag:s21] =	ssyncadd.s32 $0xFFFFE000  }
0x131: {  	_ =	swait.ge [sflag:s21], $0x2000  }
0x132: {  	[sflag:s21] =	ssyncset.done $0x0  }
0x133: {  	[sflag:s21] =	ssyncadd.s32 $0xFFFFE000  }
0x134: {  	_ =	swait.ge [sflag:s21], $0x2000  }
0x135: {  	[sflag:s21] =	ssyncset.done $0x0  }
0x136: {  	[sflag:s21] =	ssyncadd.s32 $0xFFFFE000  }
0x137: {  	_ =	swait.ge [sflag:s21], $0x2000  }
0x138: {  	[sflag:s21] =	ssyncset.done $0x0  }
0x139: {  	[sflag:s21] =	ssyncadd.s32 $0xFFFFE000  }
0x13a: {  	_ =	swait.ge [sflag:s21], $0x2000  }
0x13b: {  	[sflag:s21] =	ssyncset.done $0x0  }
0x13c: {  	[sflag:s21] =	ssyncadd.s32 $0xFFFFE000  }
0x13d: {  	_ =	swait.ge [sflag:s21], $0x2000  }
0x13e: {  	[sflag:s21] =	ssyncset.done $0x0  }
0x13f: {  	[sflag:s21] =	ssyncadd.s32 $0xFFFFE000  }
0x140: {  	_ =	swait.ge [sflag:s21], $0x2000  }
0x141: {  	[sflag:s21] =	ssyncset.done $0x0  }
0x142: {  	[sflag:s21] =	ssyncadd.s32 $0xFFFFE000  }
0x143: {  	_ =	swait.ge [sflag:s21], $0x2000  }
0x144: {  	s30 =	rddreg [dreg:$0x11];
	[sflag:s21] =	ssyncset.done $0x0  }
0x145: {  	s31 =	rddreg [dreg:$0x10];
	[sflag:s21] =	ssyncadd.s32 $0xFFFFE000;
	s25 =	sadd.s32 s24, s30  }
0x146: {  	[hbm4b:s25+s2] =	stream.linear.scatter [tilespmem:s8], [sflag:$0x2], $0x2000, $0x38;
	[tilespmem:$0x10400] =	vst v63  }
0x147: {  	s28 =	rddreg [dreg:$0xa];
	s26 =	sadd.s32 s24, s31  }
0x148: {  	[hbm4b:s26+s2] =	stream.linear.scatter [tilespmem:s9], [sflag:$0x2], $0x2000, $0x38;
	[tilespmem:$0x10400] =	vst v63  }
0x149: {  	s29 =	rddreg [dreg:$0xb];
	s30 =	sadd.s32 s24, s28  }
0x14a: {  	[hbm4b:s30+s2] =	stream.linear.scatter [tilespmem:s11], [sflag:$0x2], $0x2000, $0x38;
	[tilespmem:$0x10400] =	vst v63  }
0x14b: {  	s31 =	rddreg [dreg:$0x6];
	s26 =	sadd.s32 s24, s29  }
0x14c: {  	[hbm4b:s26+s2] =	stream.linear.scatter [tilespmem:s12], [sflag:$0x2], $0x2000, $0x38;
	[tilespmem:$0x10400] =	vst v63  }
0x14d: {  	s29 =	rddreg [dreg:$0x7];
	s30 =	sadd.s32 s24, s31  }
0x14e: {  	[hbm4b:s30+s2] =	stream.linear.scatter [tilespmem:s15], [sflag:$0x2], $0x2000, $0x38;
	[tilespmem:$0x10400] =	vst v63  }
0x14f: {  	s31 =	rddreg [dreg:$0x2];
	s26 =	sadd.s32 s24, s29  }
0x150: {  	[hbm4b:s26+s2] =	stream.linear.scatter [tilespmem:s16], [sflag:$0x2], $0x2000, $0x38;
	[tilespmem:$0x10400] =	vst v63  }
0x151: {  	s29 =	rddreg [dreg:$0x3];
	s30 =	sadd.s32 s24, s31  }
0x152: {  	[hbm4b:s30+s2] =	stream.linear.scatter [tilespmem:s19], [sflag:$0x2], $0x2000, $0x38;
	[tilespmem:$0x10400] =	vst v63  }
0x153: {  	s31 =	sadd.s32 s24, s29  }
0x154: {  	[hbm4b:s31+s2] =	stream.linear.scatter [tilespmem:s20], [sflag:$0x2], $0x2000, $0x38;
	[tilespmem:$0x10400] =	vst v63  }
0x155: {  	_ =	swait.ge [sflag:s22], $0x2000  }
0x156: {  	[sflag:s22] =	ssyncset.done $0x0  }
0x157: {  	[sflag:s22] =	ssyncadd.s32 $0xFFFFE000  }
0x158: {  	_ =	swait.ge [sflag:s22], $0x2000  }
0x159: {  	[sflag:s22] =	ssyncset.done $0x0  }
0x15a: {  	[sflag:s22] =	ssyncadd.s32 $0xFFFFE000  }
0x15b: {  	_ =	swait.ge [sflag:s22], $0x2000  }
0x15c: {  	[sflag:s22] =	ssyncset.done $0x0  }
0x15d: {  	[sflag:s22] =	ssyncadd.s32 $0xFFFFE000  }
0x15e: {  	_ =	swait.ge [sflag:s22], $0x2000  }
0x15f: {  	[sflag:s22] =	ssyncset.done $0x0  }
0x160: {  	[sflag:s22] =	ssyncadd.s32 $0xFFFFE000  }
0x161: {  	_ =	swait.ge [sflag:s22], $0x2000  }
0x162: {  	[sflag:s22] =	ssyncset.done $0x0  }
0x163: {  	[sflag:s22] =	ssyncadd.s32 $0xFFFFE000  }
0x164: {  	_ =	swait.ge [sflag:s22], $0x2000  }
0x165: {  	[sflag:s22] =	ssyncset.done $0x0  }
0x166: {  	s23 =	sadd.s32 $0x1, s23;
	[sflag:s22] =	ssyncadd.s32 $0xFFFFE000  }
0x167: {  	p0 =	sne.s32 s23, s4;
	_ =	swait.ge [sflag:s22], $0x2000  }
.Ltmp1:
0x168: {  	[sflag:s22] =	ssyncset.done $0x0;
	(pc) =	sbr.rel @p0 .LBB2_1-.Ltmp1, $4  }
0x169: {  	[sflag:s22] =	ssyncadd.s32 $0xFFFFE000  }
0x16a: {  	_ =	swait.ge [sflag:s22], $0x2000  }
0x16b: {  	[sflag:s22] =	ssyncset.done $0x0  }
0x16c: {  	[sflag:s22] =	ssyncadd.s32 $0xFFFFE000  }
0x16d: {  	_ =	sfence.sel $0x180000  }
0x16e: {  	[bflag:$0x0] =	sbarrier.arrive $0xFFFF  }
0x16f: {  	p0 =	sne.s32 s1, $0x0;
	_ =	strace $0x90000047  }
0x170: {  	s0 =	sadd.s32 @!p0 $0x100000, s0;
	[bflag:$0x2] =	sbarrier.arrive $0xFFFF  }
0x171: {  	[sflag:s0] =	ssyncadd.tile.s32 @!p0 $0x1;
	_ =	shalt  }
.Lfunc_end2:
_tile_overlayer_lowered:
.L_overlay_start_2:
0x172: {  	(tag) =	ssettag $0x2  }
0x173: {  	s0 =	rddreg [dreg:$0x0];
	s2 =	stileid.u32  }
0x174: {  	s1 =	rddreg [dreg:$0x1];
	p0 =	sne.s32 s2, $0x0  }
0x175: {  	s3 =	rddreg [dreg:$0x2];
	[bflag:$0x3] =	sbarrier.arrive $0xFFFF;
	s2 =	simm.s32 @!p0 $0x1C03  }
0x176: {  	[timem:s3], [sflag:s2] =	dma.local @!p0 [hbm:s0], s1  }
0x177: {  	s0 =	simm.s32 @!p0 $0x3  }
0x178: {  	_ =	swait.ge @!p0 [sflag:s0], s1  }
0x179: {  	s1 =	ssub.s32 @!p0 $0x0, s1;
	[sflag:s0] =	ssyncset.done @!p0 $0x0  }
0x17a: {  	[sflag:s0] =	ssyncadd.s32 @!p0 s1  }
0x17b: {  	[bflag:$0x3] =	sbarrier.arrive $0xFFFF  }
0x17c: {  	_ =	shalt  }

// kernel: kernel.13.cloned.1.call-start
scs
__scs_entry_jumppad:
0x0: {  	(pc) =	sbr.rel $0x88, $3  }
0x1: {  	(tag) =	ssettag $0x0;
	lr =	simm.s32 $0x1  }
0x2: {  	[smem:$0x3F8B] =	sst lr;
	_ =	strace $0xD0000000  }
0x3: {  	_ = 	snop  }
0x4: {  	_ = 	snop  }
0x5: {  	_ = 	snop  }
0x6: {  	_ = 	snop  }
0x7: {  	_ = 	snop  }
__scs_overlays_trampoline_lowered:
0x8: {  	[smem:$0x3F9A] =	sst s0  }
0x9: {  	[smem:$0x3F9B] =	sst s1  }
0xa: {  	[smem:$0x3F9C] =	sst s2  }
0xb: {  	[smem:$0x3F9D] =	sst s3  }
0xc: {  	[smem:$0x3F9E] =	sst s4  }
0xd: {  	[smem:$0x3F9F] =	sst s5  }
0xe: {  	[smem:$0x3FA0] =	sst s6  }
0xf: {  	[smem:$0x3FA1] =	sst s7  }
0x10: {  	[smem:$0x3FA2] =	sst s8  }
0x11: {  	[smem:$0x3FA3] =	sst s9;
	s0 =	simm.s32 @!p0 $0x0  }
0x12: {  	s1 =	sld [smem:$0x3F89];
	s0 =	simm.s32 @p0 $0x1  }
0x13: {  	[smem:$0x3FA4] =	sst s0;
	s0 =	simm.s32 @!p1 $0x0  }
0x14: {  	s2 =	sld [smem:$0x3F88];
	s0 =	simm.s32 @p1 $0x1  }
0x15: {  	[smem:$0x3FA5] =	sst s0;
	s0 =	simm.s32 @!p2 $0x0  }
0x16: {  	s3 =	sld [smem:$0x3FDB];
	s0 =	simm.s32 @p2 $0x1  }
0x17: {  	s4 =	simm.s32 $0x1BF5;
	[smem:$0x3FA7] =	sst s0  }
0x18: {  	s0 =	sld [smem:$0x3F8A];
	_ =	swait.ge [sflag:s4], $0x0  }
0x19: {  	s7 =	sld [smem:$0x3F8B]  }
0x1a: {  	s8 =	sadd.s32 $0xFFFFE003, lr  }
0x1b: {  	s9 =	sadd.s32 $0xFFFFFEF7, lr;
	s5 =	simm.s32 $0xFFFFFFFF;
	p2 =	slt.u32 s8, $0xFFFFF086  }
0x1c: {  	p1 =	slt.u32 s9, $0xF7A;
	s5 =	simm.s32 @!p2 $0x0  }
0x1d: {  	s5 =	simm.s32 @p1 $0x1;
	p0 =	seq.s32 s7, s2  }
0x1e: {  	s7 =	smul.u32 @!p0 $0xF7A, s2;
	p2 =	seq.s32 @!p0 s5, $0x0  }
0x1f: {  	s9 =	smul.u32 $0xF7A, s1;
	s8 =	simm.s32 @!p0 $0x1BF5;
	p2 =	por !p2, p0  }
0x20: {  	[sflag:s8] =	ssyncset.s32 @!p0 $0xFFFFF086;
	s6 =	sadd.s32 @!p0 s3, s7;
	s7 =	simm.s32 @!p0 $0x108  }
0x21: {  	s3 =	sadd.s32 s3, s9;
	s6 =	sadd.s32 @!p0 $0x88, s6;
	s7 =	simm.s32 @p2 $0x1082  }
0x22: {  	[simem:s7], [sflag:s8] =	dma.local @!p0 [hbm:s6], $0xF7A  }
0x23: {  	s9 =	sor.u32 $0xD0000000, s2;
	s6 =	simm.s32 $0x108;
	_ =	swait.ge @!p0 [sflag:s8], $0x0  }
0x24: {  	s3 =	sadd.s32 $0x88, s3;
	s6 =	simm.s32 @!p1 $0x1082;
	[sflag:s4] =	ssyncset.s32 $0xFFFFF086  }
0x25: {  	[simem:s6], [sflag:s4] =	dma.local [hbm:s3], $0xF7A  }
0x26: {  	[smem:$0x3F8B] =	sst s1;
	(tag) =	ssettag s2;
	_ =	strace s9  }
0x27: {  	s1 =	sld [smem:$0x3F9B]  }
0x28: {  	s2 =	sld [smem:$0x3F9C]  }
0x29: {  	s4 =	sld [smem:$0x3F9E]  }
0x2a: {  	p0 =	seq.s32 s5, $0x0;
	s5 =	sld [smem:$0x3F9F]  }
0x2b: {  	s6 =	sld [smem:$0x3FA0]  }
0x2c: {  	s7 =	sld [smem:$0x3FA1]  }
0x2d: {  	s3 =	simm.s32 $0x108;
	s8 =	sld [smem:$0x3FA2]  }
0x2e: {  	s3 =	simm.s32 @!p0 $0x1082;
	s9 =	sld [smem:$0x3FA3]  }
0x2f: {  	lr =	sadd.s32 s0, s3;
	s0 =	sld [smem:$0x3F9A]  }
0x30: {  	s3 =	sld [smem:$0x3F9D]  }
0x31: {  	[smem:$0x3FA6] =	sst s10  }
0x32: {  	s10 =	sld [smem:$0x3FA4];
	_ =	sdelay $0x3  }
0x33: {  	p0 =	seq.s32 s10, $0x1;
	s10 =	sld [smem:$0x3FA6];
	_ =	sdelay $0x3  }
0x34: {  	[smem:$0x3FA6] =	sst s10  }
0x35: {  	s10 =	sld [smem:$0x3FA5];
	_ =	sdelay $0x3  }
0x36: {  	p1 =	seq.s32 s10, $0x1;
	s10 =	sld [smem:$0x3FA6];
	_ =	sdelay $0x3  }
0x37: {  	[smem:$0x3FA6] =	sst s10  }
0x38: {  	s10 =	sld [smem:$0x3FA7]  }
0x39: {  	_ = 	snop;
	(pc) =	sbr.ind lr, $3  }
0x3a: {  	_ = 	snop  }
0x3b: {  	_ = 	snop  }
0x3c: {  	p2 =	seq.s32 s10, $0x1;
	s10 =	sld [smem:$0x3FA6]  }
0x3d: {  	_ =	shalt  }
0x3e: {  	_ =	shalt  }
0x3f: {  	_ =	shalt  }
0x40: {  	_ =	shalt  }
0x41: {  	_ =	shalt  }
0x42: {  	_ =	shalt  }
0x43: {  	_ =	shalt  }
0x44: {  	_ =	shalt  }
0x45: {  	_ =	shalt  }
0x46: {  	_ =	shalt  }
0x47: {  	_ =	shalt  }
0x48: {  	_ =	shalt  }
0x49: {  	_ =	shalt  }
0x4a: {  	_ =	shalt  }
0x4b: {  	_ =	shalt  }
0x4c: {  	_ =	shalt  }
0x4d: {  	_ =	shalt  }
0x4e: {  	_ =	shalt  }
0x4f: {  	_ =	shalt  }
0x50: {  	_ =	shalt  }
0x51: {  	_ =	shalt  }
0x52: {  	_ =	shalt  }
0x53: {  	_ =	shalt  }
0x54: {  	_ =	shalt  }
0x55: {  	_ =	shalt  }
0x56: {  	_ =	shalt  }
0x57: {  	_ =	shalt  }
0x58: {  	_ =	shalt  }
0x59: {  	_ =	shalt  }
0x5a: {  	_ =	shalt  }
0x5b: {  	_ =	shalt  }
0x5c: {  	_ =	shalt  }
0x5d: {  	_ =	shalt  }
0x5e: {  	_ =	shalt  }
0x5f: {  	_ =	shalt  }
0x60: {  	_ =	shalt  }
0x61: {  	_ =	shalt  }
0x62: {  	_ =	shalt  }
0x63: {  	_ =	shalt  }
0x64: {  	_ =	shalt  }
0x65: {  	_ =	shalt  }
0x66: {  	_ =	shalt  }
0x67: {  	_ =	shalt  }
0x68: {  	_ =	shalt  }
0x69: {  	_ =	shalt  }
0x6a: {  	_ =	shalt  }
0x6b: {  	_ =	shalt  }
0x6c: {  	_ =	shalt  }
0x6d: {  	_ =	shalt  }
0x6e: {  	_ =	shalt  }
0x6f: {  	_ =	shalt  }
0x70: {  	_ =	shalt  }
0x71: {  	_ =	shalt  }
0x72: {  	_ =	shalt  }
0x73: {  	_ =	shalt  }
0x74: {  	_ =	shalt  }
0x75: {  	_ =	shalt  }
0x76: {  	_ =	shalt  }
0x77: {  	_ =	shalt  }
0x78: {  	_ =	shalt  }
0x79: {  	_ =	shalt  }
0x7a: {  	_ =	shalt  }
0x7b: {  	_ =	shalt  }
0x7c: {  	_ =	shalt  }
0x7d: {  	_ =	shalt  }
0x7e: {  	_ =	shalt  }
0x7f: {  	_ =	shalt  }
0x80: {  	_ =	shalt  }
0x81: {  	_ =	shalt  }
0x82: {  	_ =	shalt  }
0x83: {  	_ =	shalt  }
0x84: {  	_ =	shalt  }
0x85: {  	_ =	shalt  }
0x86: {  	_ =	shalt  }
0x87: {  	_ =	shalt  }
.Lfunc_end0:
.L_simem_size_0:
called_computation.2_lowered:
.L_overlay_start_0:
0x88: {  	s2 =	sld [smem:$0x3FD9]  }
0x89: {  	s3 =	sld [smem:$0x3FFE];
	_ =	sdelay $0x1  }
0x8a: {  	s1 =	srdreg.scid  }
0x8b: {  	s0 =	sand.u32 $0x1, s1  }
0x8c: {  	s16 =	sshll.u32 s0, $0xA;
	s2 =	sadd.s32 s3, s2  }
0x8d: {  	s2 =	sadd.s32 s2, s16  }
0x8e: {  	[smem:$0x3FB2] =	sst s2  }
0x8f: {  	_ = 	snop  }
0x90: {  	(tm) =	ssettm $0x1  }
0x91: {  	s17 =	sld [smem:$0x3FFB];
	_ =	sdelay $0x3  }
0x92: {  	_ =	strace s17  }
0x93: {  	s2 =	sld [smem:$0x3FFC];
	_ =	sdelay $0x3  }
0x94: {  	_ =	strace s2  }
0x95: {  	s2 =	sld [smem:$0x3FFD];
	_ =	sdelay $0x3  }
0x96: {  	_ =	strace s2  }
0x97: {  	_ =	strace $0x8FFFFFFF  }
0x98: {  	s18 =	sld [smem:$0x3FDB];
	_ =	sdelay $0x1  }
0x99: {  	s19 =	simm.s32 $_scs_section_size  }
0x9a: {  	s4 =	simm.s32 $_size__tile_overlayer_lowered;
	s5 =	simm.s32 $_tile_overlayer_lowered  }
0x9b: {  	s22 =	simm.s32 $0x1BFF;
	s21 =	sshll.u32 s5, $0x1;
	s2 =	sadd.s32 s19, s18  }
0x9c: {  	s6 =	simm.s32 $0x0;
	s20 =	sshll.u32 s4, $0x1;
	s4 =	sadd.s32 s21, s2  }
0x9d: {  	[timem:s6], [sflag:s22] =	dma.local [hbm:s4], s20  }
0x9e: {  	_ =	swait.ge [sflag:s22], s20  }
0x9f: {  	s3 =	ssub.s32 $0x0, s20;
	[sflag:s22] =	ssyncset.done $0x0  }
0xa0: {  	[sflag:s22] =	ssyncadd.s32 s3;
	_ =	sdelay $0x1  }
0xa1: {  	s23 =	simm.s32 $0x1B8B  }
0xa2: {  	_ =	swait.ge [sflag:s23], $0x1  }
0xa3: {  	[sflag:s23] =	ssyncset.done $0x0  }
0xa4: {  	s25 =	simm.s32 $0x1B8E;
	s24 =	sld [smem:$0x3FFE];
	[sflag:s23] =	ssyncadd.s32 $0xFFFFFFFF  }
0xa5: {  	s26 =	simm.s32 $execute0_lowered;
	[smem:$0x3FD2] =	sst s25  }
0xa6: {  	s4 =	sshll.u32 s26, $0x1;
	_ =	strace $0x8000004C;
	[dreg:$0x1] =	wrdreg $0xFFFFFFFF  }
0xa7: {  	s28 =	simm.s32 $_size_execute0_lowered;
	s2 =	sadd.s32 s2, s4;
	[dreg:$0x0] =	wrdreg $0x0  }
0xa8: {  	s4 =	sshll.u32 s28, $0x1;
	[dreg:$0x2] =	wrdreg s2  }
0xa9: {  	[dreg:$0x3] =	wrdreg s4  }
0xaa: {  	[dreg:$0x4] =	wrdreg $0xC0  }
0xab: {  	_ =	task [dreg:s6], $0x5FFFF  }
0xac: {  	[dreg:$0x1] =	wrdreg $0xFFFFFFFF  }
0xad: {  	[dreg:$0x0] =	wrdreg $0x60  }
0xae: {  	[dreg:$0x2] =	wrdreg s24  }
0xaf: {  	[dreg:$0x3] =	wrdreg $0x14800  }
0xb0: {  	[dreg:$0x4] =	wrdreg $0x3C800  }
0xb1: {  	[dreg:$0x5] =	wrdreg $0x9  }
0xb2: {  	_ =	task.clear_ibuf [dreg:s6], $0x6FFFF;
	_ =	strace $0x9000004C  }
0xb3: {  	s29 =	simm.s32 $0x9;
	_ =	strace $0x8000004E  }
0xb4: {  	_ =	swait.ge [sflag:s29], $0x1  }
0xb5: {  	[sflag:s29] =	ssyncadd.s32 $0xFFFFFFFF  }
0xb6: {  	_ =	strace $0x9000004E  }
0xb7: {  	_ =	sfence  }
0xb8: {  	s30 =	sld [smem:$0x0];
	_ =	sdelay $0x2  }
0xb9: {  	s31 =	sshll.u32 s1, $0xD;
	s1 =	sshrl.u32 s1, $0x2  }
0xba: {  	s3 =	sand.u32 $0x4000, s31;
	s1 =	sadd.s32 s1, s30  }
0xbb: {  	s0 =	sor.u32 s3, s0;
	s1 =	sshll.u32 s1, $0x11  }
0xbc: {  	s0 =	sor.u32 s1, s0  }
0xbd: {  	s0 =	sadd.s32 $0x8F2B, s0  }
0xbe: {  	[sflag:s0] =	ssyncadd.remote.s32 $0x1  }
0xbf: {  	_ =	sfence.sel $0xFFFF  }
0xc0: {  	[dreg:$0x0] =	wrdreg $0xFFFFFFFF;
	(pc) =	sbr.abs _section_cstart, $3  }
0xc1: {  	[dreg:$0x1] =	wrdreg $0xFFFFFFFF  }
0xc2: {  	_ =	task.clear_ibuf [dreg:s6], $0x2FFFF;
	_ =	strace $0x9FFFFFFF  }
0xc3: {  	(tm) =	ssettm $0x7FFFFFFF  }
tec
execute0_lowered:
.L_overlay_start_1:
0x0: {  	(tag) =	ssettag $0x1  }
0x1: {  	s0 =	rddreg [dreg:$0x0]  }
0x2: {  	s1 =	rddreg [dreg:$0x1]  }
0x3: {  	s2 =	rddreg [dreg:$0x2];
	s4 =	simm.s32 $0x0;
	s3 =	srdreg.scid  }
0x4: {  	s11 =	stileid.u32;
	[smem:$0x7FF] =	sst s4  }
0x5: {  	s3 =	sand.u32 $0x1, s3;
	s5 =	sshll.u32 s11, $0x8;
	s7 =	smul.u32 $0x2800, s11  }
0x6: {  	s8 =	sshll.u32 s11, $0x9;
	s10 =	sadd.s32 $0x20800, s0;
	s12 =	sadd.s32 $0x20A00, s0  }
0x7: {  	s6 =	sshll.u32 s3, $0x7;
	s14 =	smul.u32 $0x28000, s3;
	_ =	strace $0x8000004D  }
0x8: {  	s8 =	sadd.s32 s8, s0;
	s9 =	ssub.s32 $0x2, s3;
	[dreg:$0x4] =	wrdreg s10  }
0x9: {  	[dreg:$0x5] =	wrdreg s12;
	s3 =	sshll.u32 s3, $0x8;
	s5 =	sor.u32 s6, s5  }
0xa: {  	s15 =	sshrl.u32 s9, $0x1;
	s17 =	sor.u32 $0x400, s7;
	s18 =	sadd.s32 $0x800, s7  }
0xb: {  	s22 =	sadd.s32 $0xC00, s7;
	s23 =	sadd.s32 $0x1000, s7;
	s10 =	sadd.s32 $0x1800, s7  }
0xc: {  	s12 =	sadd.s32 $0x1C00, s7;
	s3 =	sadd.s32 s3, s8;
	s13 =	sadd.s32 $0x2000, s7  }
0xd: {  	s8 =	simm.s32 $0x880;
	s5 =	sshrl.u32 s5, $0x3;
	s6 =	sadd.s32 s7, s14  }
0xe: {  	s16 =	ssub.s32 s9, s15;
	s19 =	sadd.s32 s17, s1;
	s20 =	sadd.s32 s18, s1  }
0xf: {  	s21 =	sadd.s32 s18, s2;
	s24 =	sadd.s32 s22, s1;
	[dreg:$0x7] =	wrdreg s19  }
0x10: {  	s25 =	sadd.s32 s23, s1;
	s26 =	sadd.s32 s23, s2;
	[dreg:$0x9] =	wrdreg s20  }
0x11: {  	s9 =	sadd.s32 $0x1400, s7;
	s18 =	sadd.s32 s10, s1;
	[dreg:$0xa] =	wrdreg s21  }
0x12: {  	s23 =	sadd.s32 s7, s2;
	s14 =	smul.u32 $0xA000, s11;
	[dreg:$0xb] =	wrdreg s24  }
0x13: {  	s29 =	sadd.s32 $0x2F800, s3;
	s5 =	sadd.s32 s5, s0;
	[dreg:$0xd] =	wrdreg s25  }
0x14: {  	s6 =	sshrl.u32 s6, $0x3;
	[dreg:$0xe] =	wrdreg s26;
	s19 =	sadd.s32 s10, s2  }
0x15: {  	s20 =	sadd.s32 s12, s1;
	s21 =	sadd.s32 s12, s2;
	s24 =	sadd.s32 s13, s1  }
0x16: {  	s25 =	sadd.s32 s13, s2;
	s10 =	simm.s32 $0x0;
	s0 =	sadd.s32 s6, s0  }
0x17: {  	s6 =	smax.u32 s16, $0x1;
	s16 =	sadd.s32 s9, s1;
	s30 =	sadd.s32 $0x7E00, s5  }
0x18: {  	s15 =	sshrl.u32 s14, $0x2;
	[dreg:$0x6] =	wrdreg s6;
	s6 =	sadd.s32 s17, s2  }
0x19: {  	s17 =	sadd.s32 s9, s2;
	s31 =	sadd.s32 $0xCE00, s0;
	s0 =	sadd.s32 $0x7F800, s0  }
0x1a: {  	s3 =	sadd.s32 s15, s2;
	s13 =	sadd.s32 s15, s1;
	[dreg:$0x8] =	wrdreg s6  }
0x1b: {  	s6 =	sadd.s32 s22, s2;
	s22 =	sadd.s32 s7, s1;
	s7 =	sadd.s32 $0x2400, s7  }
0x1c: {  	s9 =	simm.s32 $0x80;
	[dreg:$0xc] =	wrdreg s6;
	s26 =	sadd.s32 s7, s1  }
0x1d: {  	s28 =	sadd.s32 s7, s2;
	s6 =	simm.s32 $0x1080;
	s7 =	simm.s32 $0x1  }
.LBB2_1:
0x1e: {  	s5 =	rddreg [dreg:$0x4]  }
0x1f: {  	[tilespmem:s6], [sflag:$0x1] =	stream.linear.gather [hbm4b:s5+s4], $0x400, $0x38;
	[tilespmem:$0x6480] =	vst v63  }
0x20: {  	_ =	swait.ge [sflag:s7], $0x400  }
0x21: {  	[sflag:s7] =	ssyncset.done $0x0  }
0x22: {  	[sflag:s7] =	ssyncadd.s32 $0xFFFFFC00  }
0x23: {  	[spmem:s22] =	stream.linear.scatter [tilespmem:s6], [sflag:$0x1], $0x400, $0x38;
	[tilespmem:$0x6480] =	vst v63  }
0x24: {  	_ =	swait.ge [sflag:s7], $0x400  }
0x25: {  	[sflag:s7] =	ssyncset.done $0x0  }
0x26: {  	[sflag:s7] =	ssyncadd.s32 $0xFFFFFC00  }
0x27: {  	[spmem:s23] =	stream.linear.scatter [tilespmem:s6], [sflag:$0x1], $0x400, $0x38;
	[tilespmem:$0x6480] =	vst v63  }
0x28: {  	_ =	swait.ge [sflag:s7], $0x400  }
0x29: {  	[sflag:s7] =	ssyncset.done $0x0  }
0x2a: {  	s14 =	rddreg [dreg:$0x7];
	[sflag:s7] =	ssyncadd.s32 $0xFFFFFC00  }
0x2b: {  	[spmem:s14] =	stream.linear.scatter [tilespmem:s6], [sflag:$0x1], $0x400, $0x38;
	[tilespmem:$0x6480] =	vst v63  }
0x2c: {  	_ =	swait.ge [sflag:s7], $0x400  }
0x2d: {  	[sflag:s7] =	ssyncset.done $0x0  }
0x2e: {  	s15 =	rddreg [dreg:$0x8];
	[sflag:s7] =	ssyncadd.s32 $0xFFFFFC00  }
0x2f: {  	[spmem:s15] =	stream.linear.scatter [tilespmem:s6], [sflag:$0x1], $0x400, $0x38;
	[tilespmem:$0x6480] =	vst v63  }
0x30: {  	_ =	swait.ge [sflag:s7], $0x400  }
0x31: {  	[sflag:s7] =	ssyncset.done $0x0  }
0x32: {  	s11 =	rddreg [dreg:$0x9];
	[sflag:s7] =	ssyncadd.s32 $0xFFFFFC00  }
0x33: {  	[spmem:s11] =	stream.linear.scatter [tilespmem:s6], [sflag:$0x1], $0x400, $0x38;
	[tilespmem:$0x6480] =	vst v63  }
0x34: {  	_ =	swait.ge [sflag:s7], $0x400  }
0x35: {  	[sflag:s7] =	ssyncset.done $0x0  }
0x36: {  	s12 =	rddreg [dreg:$0xa];
	[sflag:s7] =	ssyncadd.s32 $0xFFFFFC00  }
0x37: {  	[spmem:s12] =	stream.linear.scatter [tilespmem:s6], [sflag:$0x1], $0x400, $0x38;
	[tilespmem:$0x6480] =	vst v63  }
0x38: {  	_ =	swait.ge [sflag:s7], $0x400  }
0x39: {  	[sflag:s7] =	ssyncset.done $0x0  }
0x3a: {  	s14 =	rddreg [dreg:$0xb];
	[sflag:s7] =	ssyncadd.s32 $0xFFFFFC00  }
0x3b: {  	[spmem:s14] =	stream.linear.scatter [tilespmem:s6], [sflag:$0x1], $0x400, $0x38;
	[tilespmem:$0x6480] =	vst v63  }
0x3c: {  	_ =	swait.ge [sflag:s7], $0x400  }
0x3d: {  	[sflag:s7] =	ssyncset.done $0x0  }
0x3e: {  	s15 =	rddreg [dreg:$0xc];
	[sflag:s7] =	ssyncadd.s32 $0xFFFFFC00  }
0x3f: {  	[spmem:s15] =	stream.linear.scatter [tilespmem:s6], [sflag:$0x1], $0x400, $0x38;
	[tilespmem:$0x6480] =	vst v63  }
0x40: {  	_ =	swait.ge [sflag:s7], $0x400  }
0x41: {  	[sflag:s7] =	ssyncset.done $0x0  }
0x42: {  	s11 =	rddreg [dreg:$0xd];
	[sflag:s7] =	ssyncadd.s32 $0xFFFFFC00  }
0x43: {  	[spmem:s11] =	stream.linear.scatter [tilespmem:s6], [sflag:$0x1], $0x400, $0x38;
	[tilespmem:$0x6480] =	vst v63  }
0x44: {  	_ =	swait.ge [sflag:s7], $0x400  }
0x45: {  	[sflag:s7] =	ssyncset.done $0x0  }
0x46: {  	s12 =	rddreg [dreg:$0xe];
	[sflag:s7] =	ssyncadd.s32 $0xFFFFFC00  }
0x47: {  	[spmem:s12] =	stream.linear.scatter [tilespmem:s6], [sflag:$0x1], $0x400, $0x38;
	[tilespmem:$0x6480] =	vst v63  }
0x48: {  	_ =	swait.ge [sflag:s7], $0x400  }
0x49: {  	[sflag:s7] =	ssyncset.done $0x0  }
0x4a: {  	[sflag:s7] =	ssyncadd.s32 $0xFFFFFC00  }
0x4b: {  	[spmem:s16] =	stream.linear.scatter [tilespmem:s6], [sflag:$0x1], $0x400, $0x38;
	[tilespmem:$0x6480] =	vst v63  }
0x4c: {  	_ =	swait.ge [sflag:s7], $0x400  }
0x4d: {  	[sflag:s7] =	ssyncset.done $0x0  }
0x4e: {  	[sflag:s7] =	ssyncadd.s32 $0xFFFFFC00  }
0x4f: {  	[spmem:s17] =	stream.linear.scatter [tilespmem:s6], [sflag:$0x1], $0x400, $0x38;
	[tilespmem:$0x6480] =	vst v63  }
0x50: {  	_ =	swait.ge [sflag:s7], $0x400  }
0x51: {  	[sflag:s7] =	ssyncset.done $0x0  }
0x52: {  	[sflag:s7] =	ssyncadd.s32 $0xFFFFFC00  }
0x53: {  	[spmem:s18] =	stream.linear.scatter [tilespmem:s6], [sflag:$0x1], $0x400, $0x38;
	[tilespmem:$0x6480] =	vst v63  }
0x54: {  	_ =	swait.ge [sflag:s7], $0x400  }
0x55: {  	[sflag:s7] =	ssyncset.done $0x0  }
0x56: {  	[sflag:s7] =	ssyncadd.s32 $0xFFFFFC00  }
0x57: {  	[spmem:s19] =	stream.linear.scatter [tilespmem:s6], [sflag:$0x1], $0x400, $0x38;
	[tilespmem:$0x6480] =	vst v63  }
0x58: {  	_ =	swait.ge [sflag:s7], $0x400  }
0x59: {  	[sflag:s7] =	ssyncset.done $0x0  }
0x5a: {  	[sflag:s7] =	ssyncadd.s32 $0xFFFFFC00  }
0x5b: {  	[spmem:s20] =	stream.linear.scatter [tilespmem:s6], [sflag:$0x1], $0x400, $0x38;
	[tilespmem:$0x6480] =	vst v63  }
0x5c: {  	_ =	swait.ge [sflag:s7], $0x400  }
0x5d: {  	[sflag:s7] =	ssyncset.done $0x0  }
0x5e: {  	[sflag:s7] =	ssyncadd.s32 $0xFFFFFC00  }
0x5f: {  	[spmem:s21] =	stream.linear.scatter [tilespmem:s6], [sflag:$0x1], $0x400, $0x38;
	[tilespmem:$0x6480] =	vst v63  }
0x60: {  	_ =	swait.ge [sflag:s7], $0x400  }
0x61: {  	[sflag:s7] =	ssyncset.done $0x0  }
0x62: {  	[sflag:s7] =	ssyncadd.s32 $0xFFFFFC00  }
0x63: {  	[spmem:s24] =	stream.linear.scatter [tilespmem:s6], [sflag:$0x1], $0x400, $0x38;
	[tilespmem:$0x6480] =	vst v63  }
0x64: {  	_ =	swait.ge [sflag:s7], $0x400  }
0x65: {  	[sflag:s7] =	ssyncset.done $0x0  }
0x66: {  	[sflag:s7] =	ssyncadd.s32 $0xFFFFFC00  }
0x67: {  	[spmem:s25] =	stream.linear.scatter [tilespmem:s6], [sflag:$0x1], $0x400, $0x38;
	[tilespmem:$0x6480] =	vst v63  }
0x68: {  	_ =	swait.ge [sflag:s7], $0x400  }
0x69: {  	[sflag:s7] =	ssyncset.done $0x0  }
0x6a: {  	[sflag:s7] =	ssyncadd.s32 $0xFFFFFC00  }
0x6b: {  	[spmem:s26] =	stream.linear.scatter [tilespmem:s6], [sflag:$0x1], $0x400, $0x38;
	[tilespmem:$0x6480] =	vst v63  }
0x6c: {  	_ =	swait.ge [sflag:s7], $0x400  }
0x6d: {  	[sflag:s7] =	ssyncset.done $0x0  }
0x6e: {  	[sflag:s7] =	ssyncadd.s32 $0xFFFFFC00  }
0x6f: {  	[spmem:s28] =	stream.linear.scatter [tilespmem:s6], [sflag:$0x1], $0x400, $0x38;
	[tilespmem:$0x6480] =	vst v63  }
0x70: {  	_ =	swait.ge [sflag:s7], $0x400  }
0x71: {  	[sflag:s7] =	ssyncset.done $0x0  }
0x72: {  	s14 =	rddreg [dreg:$0x5];
	[sflag:s7] =	ssyncadd.s32 $0xFFFFFC00  }
0x73: {  	[tilespmem:s8], [sflag:$0x1] =	stream.linear.gather [hbm4b:s14+s4], $0x800, $0x38;
	[tilespmem:$0x6480] =	vst v63  }
0x74: {  	_ =	swait.ge [sflag:s7], $0x800  }
0x75: {  	[sflag:s7] =	ssyncset.done $0x0  }
0x76: {  	[sflag:s7] =	ssyncadd.s32 $0xFFFFF800  }
0x77: {  	s15 =	sadd.s32 $0x0, s30;
	[bflag:$0x0] =	sbarrier.arrive $0xFFFF  }
0x78: {  	[tilespmem:s4], [sflag:$0x1] =	stream.linear.gather [hbm4b:s15+s4], $0x80, $0x38;
	[tilespmem:$0x6480] =	vst v63  }
0x79: {  	_ =	swait.ge [sflag:s7], $0x80  }
0x7a: {  	[sflag:s7] =	ssyncset.done $0x0  }
0x7b: {  	[sflag:s7] =	ssyncadd.s32 $0xFFFFFF80  }
0x7c: {  	[tilespmem:s9], [sflag:$0x1] =	stream.linear.gather [hbm4b:s29+s4], $0x800, $0x38;
	[tilespmem:$0x6480] =	vst v63  }
0x7d: {  	_ =	swait.ge [sflag:s7], $0x800  }
0x7e: {  	[sflag:s7] =	ssyncset.done $0x0  }
0x7f: {  	[sflag:s7] =	ssyncadd.s32 $0xFFFFF800  }
0x80: {  	[spmem:s1] =	stream.indirect.scatter.add.f32 [tilespmem:s9], [sflag:$0x1], $0x10, s4, s9, $0xb8;
	[tilespmem:$0x6480] =	vst v63  }
0x81: {  	_ =	swait.ge [sflag:s7], $0x800  }
0x82: {  	[sflag:s7] =	ssyncset.done $0x0  }
0x83: {  	[sflag:s7] =	ssyncadd.s32 $0xFFFFF800  }
0x84: {  	[spmem:s2] =	stream.indirect.scatter.add.f32 [tilespmem:s8], [sflag:$0x1], $0x10, s4, s9, $0xb8;
	[tilespmem:$0x6480] =	vst v63  }
0x85: {  	s5 =	simm.s32 $0x400;
	_ =	swait.ge [sflag:s7], $0x800  }
0x86: {  	s11 =	sadd.s32 $0x2000, s29;
	s12 =	simm.s32 $0x200;
	[sflag:s7] =	ssyncset.done $0x0  }
.LBB2_2:
0x87: {  	s14 =	sadd.s32 s12, s30  }
0x88: {  	[sflag:s7] =	ssyncadd.s32 $0xFFFFF800;
	s12 =	smov.u32 s5;
	s15 =	sadd.s32 $0x200, s5  }
0x89: {  	[tilespmem:s4], [sflag:$0x1] =	stream.linear.gather [hbm4b:s14+s4], $0x80, $0x38;
	[tilespmem:$0x6480] =	vst v63  }
0x8a: {  	p0 =	sne.s32 s5, $0x4E00;
	_ =	swait.ge [sflag:s7], $0x80  }
0x8b: {  	[sflag:s7] =	ssyncset.done $0x0  }
0x8c: {  	[sflag:s7] =	ssyncadd.s32 $0xFFFFFF80  }
0x8d: {  	[tilespmem:s9], [sflag:$0x1] =	stream.linear.gather [hbm4b:s11+s4], $0x800, $0x38;
	[tilespmem:$0x6480] =	vst v63  }
0x8e: {  	_ =	swait.ge [sflag:s7], $0x800  }
0x8f: {  	[sflag:s7] =	ssyncset.done $0x0  }
0x90: {  	[sflag:s7] =	ssyncadd.s32 $0xFFFFF800  }
0x91: {  	[spmem:s1] =	stream.indirect.scatter.add.f32 [tilespmem:s9], [sflag:$0x1], $0x10, s4, s9, $0xb8;
	[tilespmem:$0x6480] =	vst v63  }
0x92: {  	_ =	swait.ge [sflag:s7], $0x800  }
.Ltmp0:
0x93: {  	[sflag:s7] =	ssyncset.done $0x0;
	(pc) =	sbr.rel @p0 .LBB2_2-.Ltmp0, $4  }
0x94: {  	[sflag:s7] =	ssyncadd.s32 $0xFFFFF800  }
0x95: {  	[spmem:s2] =	stream.indirect.scatter.add.f32 [tilespmem:s8], [sflag:$0x1], $0x10, s4, s9, $0xb8;
	[tilespmem:$0x6480] =	vst v63  }
0x96: {  	_ =	swait.ge [sflag:s7], $0x800  }
0x97: {  	s5 =	smov.u32 s15;
	s11 =	sadd.s32 $0x2000, s11;
	[sflag:s7] =	ssyncset.done $0x0  }
0x98: {  	s5 =	sadd.s32 s12, s30;
	[sflag:s7] =	ssyncadd.s32 $0xFFFFF800  }
0x99: {  	[tilespmem:s4], [sflag:$0x1] =	stream.linear.gather [hbm4b:s5+s4], $0x80, $0x38;
	[tilespmem:$0x6480] =	vst v63  }
0x9a: {  	_ =	swait.ge [sflag:s7], $0x80  }
0x9b: {  	[sflag:s7] =	ssyncset.done $0x0  }
0x9c: {  	[sflag:s7] =	ssyncadd.s32 $0xFFFFFF80  }
0x9d: {  	[tilespmem:s9], [sflag:$0x1] =	stream.linear.gather [hbm4b:s11+s4], $0x800, $0x38;
	[tilespmem:$0x6480] =	vst v63  }
0x9e: {  	_ =	swait.ge [sflag:s7], $0x800  }
0x9f: {  	[sflag:s7] =	ssyncset.done $0x0  }
0xa0: {  	[sflag:s7] =	ssyncadd.s32 $0xFFFFF800  }
0xa1: {  	[spmem:s1] =	stream.indirect.scatter.add.f32 [tilespmem:s9], [sflag:$0x1], $0x10, s4, s9, $0xb8;
	[tilespmem:$0x6480] =	vst v63  }
0xa2: {  	_ =	swait.ge [sflag:s7], $0x800  }
0xa3: {  	[sflag:s7] =	ssyncset.done $0x0  }
0xa4: {  	[sflag:s7] =	ssyncadd.s32 $0xFFFFF800  }
0xa5: {  	[spmem:s2] =	stream.indirect.scatter.add.f32 [tilespmem:s8], [sflag:$0x1], $0x10, s4, s9, $0xb8;
	[tilespmem:$0x6480] =	vst v63  }
0xa6: {  	_ =	swait.ge [sflag:s7], $0x800  }
0xa7: {  	[sflag:s7] =	ssyncset.done $0x0  }
0xa8: {  	[sflag:s7] =	ssyncadd.s32 $0xFFFFF800  }
0xa9: {  	[bflag:$0x0] =	sbarrier.arrive $0xFFFF  }
0xaa: {  	[tilespmem:s6], [sflag:$0x1] =	stream.linear.gather [spmem:s13], $0x400, $0x38;
	[tilespmem:$0x6480] =	vst v63  }
0xab: {  	_ =	swait.ge [sflag:s7], $0x400  }
0xac: {  	[sflag:s7] =	ssyncset.done $0x0  }
0xad: {  	s14 =	sadd.s32 $0x0, s0;
	[sflag:s7] =	ssyncadd.s32 $0xFFFFFC00  }
0xae: {  	[hbm4b:s14+s4] =	stream.linear.scatter [tilespmem:s6], [sflag:$0x1], $0x400, $0x38;
	[tilespmem:$0x6480] =	vst v63  }
0xaf: {  	_ =	swait.ge [sflag:s7], $0x400  }
0xb0: {  	[sflag:s7] =	ssyncset.done $0x0  }
0xb1: {  	[sflag:s7] =	ssyncadd.s32 $0xFFFFFC00  }
0xb2: {  	[tilespmem:s6], [sflag:$0x1] =	stream.linear.gather [spmem:s3], $0x400, $0x38;
	[tilespmem:$0x6480] =	vst v63  }
0xb3: {  	_ =	swait.ge [sflag:s7], $0x400  }
0xb4: {  	[sflag:s7] =	ssyncset.done $0x0  }
0xb5: {  	s15 =	sadd.s32 $0x0, s31;
	[sflag:s7] =	ssyncadd.s32 $0xFFFFFC00  }
0xb6: {  	[hbm4b:s15+s4] =	stream.linear.scatter [tilespmem:s6], [sflag:$0x1], $0x400, $0x38;
	[tilespmem:$0x6480] =	vst v63  }
0xb7: {  	s12 =	smov.u32 s3;
	_ =	swait.ge [sflag:s7], $0x400  }
0xb8: {  	s5 =	smov.u32 s13;
	s11 =	simm.s32 $0x80;
	[sflag:s7] =	ssyncset.done $0x0  }
.LBB2_4:
0xb9: {  	[sflag:s7] =	ssyncadd.s32 $0xFFFFFC00  }
0xba: {  	s12 =	sadd.s32 $0x400, s12;
	s5 =	sadd.s32 $0x400, s5;
	s14 =	smov.u32 s11  }
0xbb: {  	[tilespmem:s6], [sflag:$0x1] =	stream.linear.gather [spmem:s5], $0x400, $0x38;
	[tilespmem:$0x6480] =	vst v63  }
0xbc: {  	p0 =	sne.s32 s11, $0x480;
	s11 =	sadd.s32 $0x80, s11;
	_ =	swait.ge [sflag:s7], $0x400  }
0xbd: {  	[sflag:s7] =	ssyncset.done $0x0  }
0xbe: {  	s15 =	sadd.s32 s14, s0;
	[sflag:s7] =	ssyncadd.s32 $0xFFFFFC00  }
0xbf: {  	[hbm4b:s15+s4] =	stream.linear.scatter [tilespmem:s6], [sflag:$0x1], $0x400, $0x38;
	[tilespmem:$0x6480] =	vst v63  }
0xc0: {  	_ =	swait.ge [sflag:s7], $0x400  }
0xc1: {  	[sflag:s7] =	ssyncset.done $0x0  }
0xc2: {  	[sflag:s7] =	ssyncadd.s32 $0xFFFFFC00  }
0xc3: {  	[tilespmem:s6], [sflag:$0x1] =	stream.linear.gather [spmem:s12], $0x400, $0x38;
	[tilespmem:$0x6480] =	vst v63  }
0xc4: {  	_ =	swait.ge [sflag:s7], $0x400  }
.Ltmp1:
0xc5: {  	[sflag:s7] =	ssyncset.done $0x0;
	(pc) =	sbr.rel @p0 .LBB2_4-.Ltmp1, $4  }
0xc6: {  	s14 =	sadd.s32 s14, s31;
	[sflag:s7] =	ssyncadd.s32 $0xFFFFFC00  }
0xc7: {  	[hbm4b:s14+s4] =	stream.linear.scatter [tilespmem:s6], [sflag:$0x1], $0x400, $0x38;
	[tilespmem:$0x6480] =	vst v63  }
0xc8: {  	_ =	swait.ge [sflag:s7], $0x400  }
0xc9: {  	[sflag:s7] =	ssyncset.done $0x0  }
0xca: {  	s10 =	sadd.s32 $0x1, s10;
	s5 =	rddreg [dreg:$0x6]  }
0xcb: {  	p0 =	sne.s32 s10, s5  }
.Ltmp2:
0xcc: {  	_ = 	snop;
	(pc) =	sbr.rel @p0 .LBB2_1-.Ltmp2, $2  }
0xcd: {  	_ =	sdelay $0x2  }
0xce: {  	[sflag:s7] =	ssyncadd.s32 $0xFFFFFC00  }
0xcf: {  	_ =	sfence.sel $0x180000  }
0xd0: {  	[bflag:$0x0] =	sbarrier.arrive $0xFFFF  }
0xd1: {  	_ =	strace $0x9000004D  }
0xd2: {  	s0 =	stileid.u32;
	[bflag:$0x2] =	sbarrier.arrive $0xFFFF  }
0xd3: {  	p0 =	sne.s32 s0, $0x0;
	s0 =	rddreg [dreg:$0x3]  }
0xd4: {  	s0 =	sadd.s32 @!p0 $0x100000, s0  }
0xd5: {  	[sflag:s0] =	ssyncadd.tile.s32 @!p0 $0x1;
	_ =	shalt  }
.Lfunc_end2:
_tile_overlayer_lowered:
.L_overlay_start_2:
0xd6: {  	(tag) =	ssettag $0x2  }
0xd7: {  	s0 =	rddreg [dreg:$0x0];
	s2 =	stileid.u32  }
0xd8: {  	s1 =	rddreg [dreg:$0x1];
	p0 =	sne.s32 s2, $0x0  }
0xd9: {  	s3 =	rddreg [dreg:$0x2];
	[bflag:$0x3] =	sbarrier.arrive $0xFFFF;
	s2 =	simm.s32 @!p0 $0x1C01  }
0xda: {  	[timem:s3], [sflag:s2] =	dma.local @!p0 [hbm:s0], s1  }
0xdb: {  	s0 =	simm.s32 @!p0 $0x1  }
0xdc: {  	_ =	swait.ge @!p0 [sflag:s0], s1  }
0xdd: {  	s1 =	ssub.s32 @!p0 $0x0, s1;
	[sflag:s0] =	ssyncset.done @!p0 $0x0  }
0xde: {  	[sflag:s0] =	ssyncadd.s32 @!p0 s1  }
0xdf: {  	[bflag:$0x3] =	sbarrier.arrive $0xFFFF  }
0xe0: {  	_ =	shalt  }

// kernel: kernel.16.cloned.1.call-start
scs
__scs_entry_jumppad:
0x0: {  	(pc) =	sbr.rel $0x88, $3  }
0x1: {  	(tag) =	ssettag $0x0;
	lr =	simm.s32 $0x1  }
0x2: {  	[smem:$0x3F8B] =	sst lr;
	_ =	strace $0xD0000000  }
0x3: {  	_ = 	snop  }
0x4: {  	_ = 	snop  }
0x5: {  	_ = 	snop  }
0x6: {  	_ = 	snop  }
0x7: {  	_ = 	snop  }
__scs_overlays_trampoline_lowered:
0x8: {  	[smem:$0x3F9A] =	sst s0  }
0x9: {  	[smem:$0x3F9B] =	sst s1  }
0xa: {  	[smem:$0x3F9C] =	sst s2  }
0xb: {  	[smem:$0x3F9D] =	sst s3  }
0xc: {  	[smem:$0x3F9E] =	sst s4  }
0xd: {  	[smem:$0x3F9F] =	sst s5  }
0xe: {  	[smem:$0x3FA0] =	sst s6  }
0xf: {  	[smem:$0x3FA1] =	sst s7  }
0x10: {  	[smem:$0x3FA2] =	sst s8  }
0x11: {  	[smem:$0x3FA3] =	sst s9;
	s0 =	simm.s32 @!p0 $0x0  }
0x12: {  	s1 =	sld [smem:$0x3F89];
	s0 =	simm.s32 @p0 $0x1  }
0x13: {  	[smem:$0x3FA4] =	sst s0;
	s0 =	simm.s32 @!p1 $0x0  }
0x14: {  	s2 =	sld [smem:$0x3F88];
	s0 =	simm.s32 @p1 $0x1  }
0x15: {  	[smem:$0x3FA5] =	sst s0;
	s0 =	simm.s32 @!p2 $0x0  }
0x16: {  	s3 =	sld [smem:$0x3FDB];
	s0 =	simm.s32 @p2 $0x1  }
0x17: {  	s4 =	simm.s32 $0x1BF5;
	[smem:$0x3FA7] =	sst s0  }
0x18: {  	s0 =	sld [smem:$0x3F8A];
	_ =	swait.ge [sflag:s4], $0x0  }
0x19: {  	s7 =	sld [smem:$0x3F8B]  }
0x1a: {  	s8 =	sadd.s32 $0xFFFFE003, lr  }
0x1b: {  	s9 =	sadd.s32 $0xFFFFFEF7, lr;
	s5 =	simm.s32 $0xFFFFFFFF;
	p2 =	slt.u32 s8, $0xFFFFF086  }
0x1c: {  	p1 =	slt.u32 s9, $0xF7A;
	s5 =	simm.s32 @!p2 $0x0  }
0x1d: {  	s5 =	simm.s32 @p1 $0x1;
	p0 =	seq.s32 s7, s2  }
0x1e: {  	s7 =	smul.u32 @!p0 $0xF7A, s2;
	p2 =	seq.s32 @!p0 s5, $0x0  }
0x1f: {  	s9 =	smul.u32 $0xF7A, s1;
	s8 =	simm.s32 @!p0 $0x1BF5;
	p2 =	por !p2, p0  }
0x20: {  	[sflag:s8] =	ssyncset.s32 @!p0 $0xFFFFF086;
	s6 =	sadd.s32 @!p0 s3, s7;
	s7 =	simm.s32 @!p0 $0x108  }
0x21: {  	s3 =	sadd.s32 s3, s9;
	s6 =	sadd.s32 @!p0 $0x88, s6;
	s7 =	simm.s32 @p2 $0x1082  }
0x22: {  	[simem:s7], [sflag:s8] =	dma.local @!p0 [hbm:s6], $0xF7A  }
0x23: {  	s9 =	sor.u32 $0xD0000000, s2;
	s6 =	simm.s32 $0x108;
	_ =	swait.ge @!p0 [sflag:s8], $0x0  }
0x24: {  	s3 =	sadd.s32 $0x88, s3;
	s6 =	simm.s32 @!p1 $0x1082;
	[sflag:s4] =	ssyncset.s32 $0xFFFFF086  }
0x25: {  	[simem:s6], [sflag:s4] =	dma.local [hbm:s3], $0xF7A  }
0x26: {  	[smem:$0x3F8B] =	sst s1;
	(tag) =	ssettag s2;
	_ =	strace s9  }
0x27: {  	s1 =	sld [smem:$0x3F9B]  }
0x28: {  	s2 =	sld [smem:$0x3F9C]  }
0x29: {  	s4 =	sld [smem:$0x3F9E]  }
0x2a: {  	p0 =	seq.s32 s5, $0x0;
	s5 =	sld [smem:$0x3F9F]  }
0x2b: {  	s6 =	sld [smem:$0x3FA0]  }
0x2c: {  	s7 =	sld [smem:$0x3FA1]  }
0x2d: {  	s3 =	simm.s32 $0x108;
	s8 =	sld [smem:$0x3FA2]  }
0x2e: {  	s3 =	simm.s32 @!p0 $0x1082;
	s9 =	sld [smem:$0x3FA3]  }
0x2f: {  	lr =	sadd.s32 s0, s3;
	s0 =	sld [smem:$0x3F9A]  }
0x30: {  	s3 =	sld [smem:$0x3F9D]  }
0x31: {  	[smem:$0x3FA6] =	sst s10  }
0x32: {  	s10 =	sld [smem:$0x3FA4];
	_ =	sdelay $0x3  }
0x33: {  	p0 =	seq.s32 s10, $0x1;
	s10 =	sld [smem:$0x3FA6];
	_ =	sdelay $0x3  }
0x34: {  	[smem:$0x3FA6] =	sst s10  }
0x35: {  	s10 =	sld [smem:$0x3FA5];
	_ =	sdelay $0x3  }
0x36: {  	p1 =	seq.s32 s10, $0x1;
	s10 =	sld [smem:$0x3FA6];
	_ =	sdelay $0x3  }
0x37: {  	[smem:$0x3FA6] =	sst s10  }
0x38: {  	s10 =	sld [smem:$0x3FA7]  }
0x39: {  	_ = 	snop;
	(pc) =	sbr.ind lr, $3  }
0x3a: {  	_ = 	snop  }
0x3b: {  	_ = 	snop  }
0x3c: {  	p2 =	seq.s32 s10, $0x1;
	s10 =	sld [smem:$0x3FA6]  }
0x3d: {  	_ =	shalt  }
0x3e: {  	_ =	shalt  }
0x3f: {  	_ =	shalt  }
0x40: {  	_ =	shalt  }
0x41: {  	_ =	shalt  }
0x42: {  	_ =	shalt  }
0x43: {  	_ =	shalt  }
0x44: {  	_ =	shalt  }
0x45: {  	_ =	shalt  }
0x46: {  	_ =	shalt  }
0x47: {  	_ =	shalt  }
0x48: {  	_ =	shalt  }
0x49: {  	_ =	shalt  }
0x4a: {  	_ =	shalt  }
0x4b: {  	_ =	shalt  }
0x4c: {  	_ =	shalt  }
0x4d: {  	_ =	shalt  }
0x4e: {  	_ =	shalt  }
0x4f: {  	_ =	shalt  }
0x50: {  	_ =	shalt  }
0x51: {  	_ =	shalt  }
0x52: {  	_ =	shalt  }
0x53: {  	_ =	shalt  }
0x54: {  	_ =	shalt  }
0x55: {  	_ =	shalt  }
0x56: {  	_ =	shalt  }
0x57: {  	_ =	shalt  }
0x58: {  	_ =	shalt  }
0x59: {  	_ =	shalt  }
0x5a: {  	_ =	shalt  }
0x5b: {  	_ =	shalt  }
0x5c: {  	_ =	shalt  }
0x5d: {  	_ =	shalt  }
0x5e: {  	_ =	shalt  }
0x5f: {  	_ =	shalt  }
0x60: {  	_ =	shalt  }
0x61: {  	_ =	shalt  }
0x62: {  	_ =	shalt  }
0x63: {  	_ =	shalt  }
0x64: {  	_ =	shalt  }
0x65: {  	_ =	shalt  }
0x66: {  	_ =	shalt  }
0x67: {  	_ =	shalt  }
0x68: {  	_ =	shalt  }
0x69: {  	_ =	shalt  }
0x6a: {  	_ =	shalt  }
0x6b: {  	_ =	shalt  }
0x6c: {  	_ =	shalt  }
0x6d: {  	_ =	shalt  }
0x6e: {  	_ =	shalt  }
0x6f: {  	_ =	shalt  }
0x70: {  	_ =	shalt  }
0x71: {  	_ =	shalt  }
0x72: {  	_ =	shalt  }
0x73: {  	_ =	shalt  }
0x74: {  	_ =	shalt  }
0x75: {  	_ =	shalt  }
0x76: {  	_ =	shalt  }
0x77: {  	_ =	shalt  }
0x78: {  	_ =	shalt  }
0x79: {  	_ =	shalt  }
0x7a: {  	_ =	shalt  }
0x7b: {  	_ =	shalt  }
0x7c: {  	_ =	shalt  }
0x7d: {  	_ =	shalt  }
0x7e: {  	_ =	shalt  }
0x7f: {  	_ =	shalt  }
0x80: {  	_ =	shalt  }
0x81: {  	_ =	shalt  }
0x82: {  	_ =	shalt  }
0x83: {  	_ =	shalt  }
0x84: {  	_ =	shalt  }
0x85: {  	_ =	shalt  }
0x86: {  	_ =	shalt  }
0x87: {  	_ =	shalt  }
.Lfunc_end0:
.L_simem_size_0:
called_computation.3_lowered:
.L_overlay_start_0:
0x88: {  	s2 =	sld [smem:$0x3FD9]  }
0x89: {  	s3 =	sld [smem:$0x3FFE];
	_ =	sdelay $0x1  }
0x8a: {  	s1 =	srdreg.scid  }
0x8b: {  	s0 =	sand.u32 $0x1, s1  }
0x8c: {  	s16 =	sshll.u32 s0, $0xA;
	s2 =	sadd.s32 s3, s2  }
0x8d: {  	s2 =	sadd.s32 s2, s16  }
0x8e: {  	[smem:$0x3FB2] =	sst s2  }
0x8f: {  	_ = 	snop  }
0x90: {  	(tm) =	ssettm $0x1  }
0x91: {  	s17 =	sld [smem:$0x3FFB];
	_ =	sdelay $0x3  }
0x92: {  	_ =	strace s17  }
0x93: {  	s2 =	sld [smem:$0x3FFC];
	_ =	sdelay $0x3  }
0x94: {  	_ =	strace s2  }
0x95: {  	s2 =	sld [smem:$0x3FFD];
	_ =	sdelay $0x3  }
0x96: {  	_ =	strace s2  }
0x97: {  	_ =	strace $0x8FFFFFFF  }
0x98: {  	s18 =	sld [smem:$0x3FDB];
	_ =	sdelay $0x1  }
0x99: {  	s19 =	simm.s32 $_scs_section_size  }
0x9a: {  	s4 =	simm.s32 $_size__tile_overlayer_lowered;
	s5 =	simm.s32 $_tile_overlayer_lowered  }
0x9b: {  	s22 =	simm.s32 $0x1BFF;
	s21 =	sshll.u32 s5, $0x1;
	s2 =	sadd.s32 s19, s18  }
0x9c: {  	s6 =	simm.s32 $0x0;
	s20 =	sshll.u32 s4, $0x1;
	s4 =	sadd.s32 s21, s2  }
0x9d: {  	[timem:s6], [sflag:s22] =	dma.local [hbm:s4], s20  }
0x9e: {  	_ =	swait.ge [sflag:s22], s20  }
0x9f: {  	s3 =	ssub.s32 $0x0, s20;
	[sflag:s22] =	ssyncset.done $0x0  }
0xa0: {  	[sflag:s22] =	ssyncadd.s32 s3;
	_ =	sdelay $0x1  }
0xa1: {  	s23 =	simm.s32 $0x1B8B  }
0xa2: {  	_ =	swait.ge [sflag:s23], $0x1  }
0xa3: {  	[sflag:s23] =	ssyncset.done $0x0  }
0xa4: {  	s25 =	simm.s32 $0x1B8E;
	s24 =	sld [smem:$0x3FFE];
	[sflag:s23] =	ssyncadd.s32 $0xFFFFFFFF  }
0xa5: {  	s26 =	simm.s32 $execute0_lowered;
	[smem:$0x3FD2] =	sst s25  }
0xa6: {  	s4 =	sshll.u32 s26, $0x1;
	_ =	strace $0x8000004F;
	[dreg:$0x1] =	wrdreg $0xFFFFFFFF  }
0xa7: {  	s28 =	simm.s32 $_size_execute0_lowered;
	s2 =	sadd.s32 s2, s4;
	[dreg:$0x0] =	wrdreg $0x0  }
0xa8: {  	s4 =	sshll.u32 s28, $0x1;
	[dreg:$0x2] =	wrdreg s2  }
0xa9: {  	[dreg:$0x3] =	wrdreg s4  }
0xaa: {  	[dreg:$0x4] =	wrdreg $0xC0  }
0xab: {  	_ =	task [dreg:s6], $0x5FFFF  }
0xac: {  	[dreg:$0x1] =	wrdreg $0xFFFFFFFF  }
0xad: {  	[dreg:$0x0] =	wrdreg $0x60  }
0xae: {  	[dreg:$0x2] =	wrdreg s24  }
0xaf: {  	[dreg:$0x3] =	wrdreg $0x9  }
0xb0: {  	_ =	task.clear_ibuf [dreg:s6], $0x4FFFF;
	_ =	strace $0x9000004F  }
0xb1: {  	s29 =	simm.s32 $0x9;
	_ =	strace $0x80000051  }
0xb2: {  	_ =	swait.ge [sflag:s29], $0x1  }
0xb3: {  	[sflag:s29] =	ssyncadd.s32 $0xFFFFFFFF  }
0xb4: {  	_ =	strace $0x90000051  }
0xb5: {  	_ =	sfence  }
0xb6: {  	s30 =	sld [smem:$0x0];
	_ =	sdelay $0x2  }
0xb7: {  	s31 =	sshll.u32 s1, $0xD;
	s1 =	sshrl.u32 s1, $0x2  }
0xb8: {  	s3 =	sand.u32 $0x4000, s31;
	s1 =	sadd.s32 s1, s30  }
0xb9: {  	s0 =	sor.u32 s3, s0;
	s1 =	sshll.u32 s1, $0x11  }
0xba: {  	s0 =	sor.u32 s1, s0  }
0xbb: {  	s0 =	sadd.s32 $0x8F2B, s0  }
0xbc: {  	[sflag:s0] =	ssyncadd.remote.s32 $0x1  }
0xbd: {  	_ =	sfence.sel $0xFFFF  }
0xbe: {  	[dreg:$0x0] =	wrdreg $0xFFFFFFFF;
	(pc) =	sbr.abs _section_cstart, $3  }
0xbf: {  	[dreg:$0x1] =	wrdreg $0xFFFFFFFF  }
0xc0: {  	_ =	task.clear_ibuf [dreg:s6], $0x2FFFF;
	_ =	strace $0x9FFFFFFF  }
0xc1: {  	(tm) =	ssettm $0x7FFFFFFF  }
tec
execute0_lowered:
.L_overlay_start_1:
0x0: {  	(tag) =	ssettag $0x1  }
0x1: {  	s3 =	rddreg [dreg:$0x0]  }
0x2: {  	s0 =	rddreg [dreg:$0x1]  }
0x3: {  	s2 =	simm.s32 $0x0;
	s4 =	srdreg.scid;
	s1 =	stileid.u32  }
0x4: {  	[smem:$0x7FF] =	sst s2;
	s4 =	sand.u32 $0x1, s4;
	s5 =	sshll.u32 s1, $0xB  }
0x5: {  	s7 =	sadd.s32 $0x1B800, s3;
	s8 =	sadd.s32 $0xBA400, s3;
	s11 =	sshll.u32 s1, $0x5  }
0x6: {  	s13 =	sadd.s32 $0x2C3A00, s3;
	s28 =	sadd.s32 $0x2A800, s3;
	s3 =	sadd.s32 $0xA6A00, s3  }
0x7: {  	s23 =	sshll.u32 s1, $0x8;
	_ =	strace $0x80000050;
	s6 =	sshll.u32 s4, $0xA  }
0x8: {  	s12 =	sshll.u32 s4, $0x4;
	s21 =	ssub.s32 $0x2, s4;
	s9 =	sor.u32 s6, s5  }
0x9: {  	s4 =	sshll.u32 s4, $0x7;
	s11 =	sor.u32 s12, s11;
	s10 =	sor.u32 $0x18000, s9  }
0xa: {  	s4 =	sor.u32 s4, s23;
	s26 =	sshrl.u32 s21, $0x1;
	s14 =	sadd.s32 s10, s8  }
0xb: {  	s12 =	sor.u32 $0x600, s11;
	s10 =	sadd.s32 s10, s13;
	[dreg:$0x2] =	wrdreg s14  }
0xc: {  	s23 =	simm.s32 $0x0;
	s29 =	sadd.s32 s12, s7;
	[dreg:$0x3] =	wrdreg s10  }
0xd: {  	s31 =	sor.u32 $0x10000, s9;
	s30 =	sadd.s32 s12, s28;
	[dreg:$0x4] =	wrdreg s29  }
0xe: {  	s17 =	sor.u32 $0x400, s11;
	s15 =	sadd.s32 s31, s8;
	[dreg:$0x5] =	wrdreg s30  }
0xf: {  	s9 =	sor.u32 $0x8000, s9;
	s16 =	sadd.s32 s31, s13;
	[dreg:$0x6] =	wrdreg s15  }
0x10: {  	s22 =	sor.u32 $0x200, s11;
	s18 =	sadd.s32 s17, s7;
	[dreg:$0x7] =	wrdreg s16  }
0x11: {  	s4 =	sshrl.u32 s4, $0x3;
	s19 =	sadd.s32 s17, s28;
	[dreg:$0x8] =	wrdreg s18  }
0x12: {  	s11 =	simm.s32 $0x2400;
	s20 =	sadd.s32 s9, s8;
	[dreg:$0x9] =	wrdreg s19  }
0x13: {  	s9 =	sadd.s32 s9, s13;
	s24 =	sadd.s32 s22, s7;
	[dreg:$0xa] =	wrdreg s20  }
0x14: {  	s25 =	sadd.s32 s22, s28;
	s28 =	sadd.s32 s4, s28;
	[dreg:$0xb] =	wrdreg s9  }
0x15: {  	s4 =	sadd.s32 s4, s7;
	s31 =	ssub.s32 s21, s26;
	[dreg:$0xc] =	wrdreg s24  }
0x16: {  	s7 =	simm.s32 $0x80;
	s12 =	simm.s32 $0xA400;
	[dreg:$0xd] =	wrdreg s25  }
0x17: {  	s17 =	simm.s32 $0x180;
	s21 =	simm.s32 $0x1;
	[dreg:$0xe] =	wrdreg s28  }
0x18: {  	s22 =	simm.s32 $0x2;
	s29 =	sadd.s32 s5, s13;
	[dreg:$0xf] =	wrdreg s4  }
0x19: {  	s5 =	sadd.s32 s5, s8;
	s4 =	smax.u32 s31, $0x1;
	s8 =	simm.s32 $0x400  }
0x1a: {  	s9 =	simm.s32 $0x8400;
	s10 =	simm.s32 $0x280;
	s13 =	simm.s32 $0x100  }
0x1b: {  	s14 =	simm.s32 $0x300;
	s15 =	simm.s32 $0x4400;
	s16 =	simm.s32 $0xC400  }
0x1c: {  	s18 =	simm.s32 $0x380;
	s19 =	simm.s32 $0x6400;
	s30 =	sadd.s32 s6, s29  }
0x1d: {  	s20 =	simm.s32 $0xE400;
	s5 =	sadd.s32 s6, s5;
	[dreg:$0x10] =	wrdreg s30  }
0x1e: {  	s6 =	simm.s32 $0x200;
	[dreg:$0x11] =	wrdreg s5;
	s5 =	simm.s32 $0x3  }
.LBB2_1:
0x1f: {  	s24 =	rddreg [dreg:$0xf]  }
0x20: {  	s24 =	sadd.s32 $0x0, s24  }
0x21: {  	[tilespmem:s2], [sflag:$0x3] =	stream.linear.gather [hbm4b:s24+s2], $0x80, $0x38;
	[tilespmem:$0x10400] =	vst v63  }
0x22: {  	_ =	swait.ge [sflag:s5], $0x80  }
0x23: {  	s28 =	rddreg [dreg:$0xe];
	[sflag:s5] =	ssyncset.done $0x0  }
0x24: {  	[sflag:s5] =	ssyncadd.s32 $0xFFFFFF80;
	s24 =	sadd.s32 $0x0, s28  }
0x25: {  	[tilespmem:s6], [sflag:$0x3] =	stream.linear.gather [hbm4b:s24+s2], $0x80, $0x38;
	[tilespmem:$0x10400] =	vst v63  }
0x26: {  	_ =	swait.ge [sflag:s5], $0x80  }
0x27: {  	[sflag:s5] =	ssyncset.done $0x0  }
0x28: {  	[sflag:s5] =	ssyncadd.s32 $0xFFFFFF80  }
0x29: {  	[tilespmem:s8], [sflag:$0x1] =	stream.indirect.gather [hbm4b:s3+s7], $0x40, s2, s7, $0xb8;
	[tilespmem:$0x10400] =	vst v63  }
0x2a: {  	s30 =	rddreg [dreg:$0xc]  }
0x2b: {  	[tilespmem:s9], [sflag:$0x1] =	stream.indirect.gather [hbm4b:s3+s7], $0x40, s6, s7, $0xb8;
	[tilespmem:$0x10400] =	vst v63  }
0x2c: {  	s24 =	sadd.s32 $0x0, s30  }
0x2d: {  	[tilespmem:s7], [sflag:$0x3] =	stream.linear.gather [hbm4b:s24+s2], $0x80, $0x38;
	[tilespmem:$0x10400] =	vst v63  }
0x2e: {  	_ =	swait.ge [sflag:s5], $0x80  }
0x2f: {  	s31 =	rddreg [dreg:$0xd];
	[sflag:s5] =	ssyncset.done $0x0  }
0x30: {  	[sflag:s5] =	ssyncadd.s32 $0xFFFFFF80;
	s24 =	sadd.s32 $0x0, s31  }
0x31: {  	[tilespmem:s10], [sflag:$0x3] =	stream.linear.gather [hbm4b:s24+s2], $0x80, $0x38;
	[tilespmem:$0x10400] =	vst v63  }
0x32: {  	_ =	swait.ge [sflag:s5], $0x80  }
0x33: {  	[sflag:s5] =	ssyncset.done $0x0  }
0x34: {  	[sflag:s5] =	ssyncadd.s32 $0xFFFFFF80  }
0x35: {  	[tilespmem:s11], [sflag:$0x1] =	stream.indirect.gather [hbm4b:s3+s7], $0x40, s7, s7, $0xb8;
	[tilespmem:$0x10400] =	vst v63  }
0x36: {  	s25 =	rddreg [dreg:$0x8]  }
0x37: {  	[tilespmem:s12], [sflag:$0x1] =	stream.indirect.gather [hbm4b:s3+s7], $0x40, s10, s7, $0xb8;
	[tilespmem:$0x10400] =	vst v63  }
0x38: {  	s24 =	sadd.s32 $0x0, s25  }
0x39: {  	[tilespmem:s13], [sflag:$0x3] =	stream.linear.gather [hbm4b:s24+s2], $0x80, $0x38;
	[tilespmem:$0x10400] =	vst v63  }
0x3a: {  	_ =	swait.ge [sflag:s5], $0x80  }
0x3b: {  	s26 =	rddreg [dreg:$0x9];
	[sflag:s5] =	ssyncset.done $0x0  }
0x3c: {  	[sflag:s5] =	ssyncadd.s32 $0xFFFFFF80;
	s24 =	sadd.s32 $0x0, s26  }
0x3d: {  	[tilespmem:s14], [sflag:$0x3] =	stream.linear.gather [hbm4b:s24+s2], $0x80, $0x38;
	[tilespmem:$0x10400] =	vst v63  }
0x3e: {  	_ =	swait.ge [sflag:s5], $0x80  }
0x3f: {  	[sflag:s5] =	ssyncset.done $0x0  }
0x40: {  	[sflag:s5] =	ssyncadd.s32 $0xFFFFFF80  }
0x41: {  	[tilespmem:s15], [sflag:$0x1] =	stream.indirect.gather [hbm4b:s3+s7], $0x40, s13, s7, $0xb8;
	[tilespmem:$0x10400] =	vst v63  }
0x42: {  	s28 =	rddreg [dreg:$0x4]  }
0x43: {  	[tilespmem:s16], [sflag:$0x1] =	stream.indirect.gather [hbm4b:s3+s7], $0x40, s14, s7, $0xb8;
	[tilespmem:$0x10400] =	vst v63  }
0x44: {  	s24 =	sadd.s32 $0x0, s28  }
0x45: {  	[tilespmem:s17], [sflag:$0x3] =	stream.linear.gather [hbm4b:s24+s2], $0x80, $0x38;
	[tilespmem:$0x10400] =	vst v63  }
0x46: {  	_ =	swait.ge [sflag:s5], $0x80  }
0x47: {  	s30 =	rddreg [dreg:$0x5];
	[sflag:s5] =	ssyncset.done $0x0  }
0x48: {  	[sflag:s5] =	ssyncadd.s32 $0xFFFFFF80;
	s24 =	sadd.s32 $0x0, s30  }
0x49: {  	[tilespmem:s18], [sflag:$0x3] =	stream.linear.gather [hbm4b:s24+s2], $0x80, $0x38;
	[tilespmem:$0x10400] =	vst v63  }
0x4a: {  	_ =	swait.ge [sflag:s5], $0x80  }
0x4b: {  	[sflag:s5] =	ssyncset.done $0x0  }
0x4c: {  	[sflag:s5] =	ssyncadd.s32 $0xFFFFFF80  }
0x4d: {  	[tilespmem:s19], [sflag:$0x1] =	stream.indirect.gather [hbm4b:s3+s7], $0x40, s17, s7, $0xb8;
	[tilespmem:$0x10400] =	vst v63  }
0x4e: {  	_ = 	snop  }
0x4f: {  	[tilespmem:s20], [sflag:$0x1] =	stream.indirect.gather [hbm4b:s3+s7], $0x40, s18, s7, $0xb8;
	[tilespmem:$0x10400] =	vst v63  }
0x50: {  	_ =	swait.ge [sflag:s21], $0x2000  }
0x51: {  	[sflag:s21] =	ssyncset.done $0x0  }
0x52: {  	[sflag:s21] =	ssyncadd.s32 $0xFFFFE000  }
0x53: {  	_ =	swait.ge [sflag:s21], $0x2000  }
0x54: {  	[sflag:s21] =	ssyncset.done $0x0  }
0x55: {  	[sflag:s21] =	ssyncadd.s32 $0xFFFFE000  }
0x56: {  	_ =	swait.ge [sflag:s21], $0x2000  }
0x57: {  	[sflag:s21] =	ssyncset.done $0x0  }
0x58: {  	[sflag:s21] =	ssyncadd.s32 $0xFFFFE000  }
0x59: {  	_ =	swait.ge [sflag:s21], $0x2000  }
0x5a: {  	[sflag:s21] =	ssyncset.done $0x0  }
0x5b: {  	[sflag:s21] =	ssyncadd.s32 $0xFFFFE000  }
0x5c: {  	_ =	swait.ge [sflag:s21], $0x2000  }
0x5d: {  	[sflag:s21] =	ssyncset.done $0x0  }
0x5e: {  	[sflag:s21] =	ssyncadd.s32 $0xFFFFE000  }
0x5f: {  	_ =	swait.ge [sflag:s21], $0x2000  }
0x60: {  	[sflag:s21] =	ssyncset.done $0x0  }
0x61: {  	[sflag:s21] =	ssyncadd.s32 $0xFFFFE000  }
0x62: {  	_ =	swait.ge [sflag:s21], $0x2000  }
0x63: {  	[sflag:s21] =	ssyncset.done $0x0  }
0x64: {  	[sflag:s21] =	ssyncadd.s32 $0xFFFFE000  }
0x65: {  	_ =	swait.ge [sflag:s21], $0x2000  }
0x66: {  	s31 =	rddreg [dreg:$0x11];
	[sflag:s21] =	ssyncset.done $0x0  }
0x67: {  	s25 =	rddreg [dreg:$0x10];
	[sflag:s21] =	ssyncadd.s32 $0xFFFFE000;
	s24 =	sadd.s32 $0x0, s31  }
0x68: {  	[hbm4b:s24+s2] =	stream.linear.scatter [tilespmem:s8], [sflag:$0x2], $0x2000, $0x38;
	[tilespmem:$0x10400] =	vst v63  }
0x69: {  	s26 =	rddreg [dreg:$0xa];
	s25 =	sadd.s32 $0x0, s25  }
0x6a: {  	[hbm4b:s25+s2] =	stream.linear.scatter [tilespmem:s9], [sflag:$0x2], $0x2000, $0x38;
	[tilespmem:$0x10400] =	vst v63  }
0x6b: {  	s28 =	rddreg [dreg:$0xb];
	s30 =	sadd.s32 $0x0, s26  }
0x6c: {  	[hbm4b:s30+s2] =	stream.linear.scatter [tilespmem:s11], [sflag:$0x2], $0x2000, $0x38;
	[tilespmem:$0x10400] =	vst v63  }
0x6d: {  	s31 =	rddreg [dreg:$0x6];
	s25 =	sadd.s32 $0x0, s28  }
0x6e: {  	[hbm4b:s25+s2] =	stream.linear.scatter [tilespmem:s12], [sflag:$0x2], $0x2000, $0x38;
	[tilespmem:$0x10400] =	vst v63  }
0x6f: {  	s28 =	rddreg [dreg:$0x7];
	s30 =	sadd.s32 $0x0, s31  }
0x70: {  	[hbm4b:s30+s2] =	stream.linear.scatter [tilespmem:s15], [sflag:$0x2], $0x2000, $0x38;
	[tilespmem:$0x10400] =	vst v63  }
0x71: {  	s31 =	rddreg [dreg:$0x2];
	s25 =	sadd.s32 $0x0, s28  }
0x72: {  	[hbm4b:s25+s2] =	stream.linear.scatter [tilespmem:s16], [sflag:$0x2], $0x2000, $0x38;
	[tilespmem:$0x10400] =	vst v63  }
0x73: {  	s28 =	rddreg [dreg:$0x3];
	s30 =	sadd.s32 $0x0, s31  }
0x74: {  	[hbm4b:s30+s2] =	stream.linear.scatter [tilespmem:s19], [sflag:$0x2], $0x2000, $0x38;
	[tilespmem:$0x10400] =	vst v63  }
0x75: {  	s31 =	sadd.s32 $0x0, s28  }
0x76: {  	[hbm4b:s31+s2] =	stream.linear.scatter [tilespmem:s20], [sflag:$0x2], $0x2000, $0x38;
	[tilespmem:$0x10400] =	vst v63  }
0x77: {  	_ =	swait.ge [sflag:s22], $0x2000  }
0x78: {  	[sflag:s22] =	ssyncset.done $0x0  }
0x79: {  	[sflag:s22] =	ssyncadd.s32 $0xFFFFE000  }
0x7a: {  	_ =	swait.ge [sflag:s22], $0x2000  }
0x7b: {  	[sflag:s22] =	ssyncset.done $0x0  }
0x7c: {  	[sflag:s22] =	ssyncadd.s32 $0xFFFFE000  }
0x7d: {  	_ =	swait.ge [sflag:s22], $0x2000  }
0x7e: {  	[sflag:s22] =	ssyncset.done $0x0  }
0x7f: {  	[sflag:s22] =	ssyncadd.s32 $0xFFFFE000  }
0x80: {  	_ =	swait.ge [sflag:s22], $0x2000  }
0x81: {  	[sflag:s22] =	ssyncset.done $0x0  }
0x82: {  	[sflag:s22] =	ssyncadd.s32 $0xFFFFE000  }
0x83: {  	_ =	swait.ge [sflag:s22], $0x2000  }
0x84: {  	[sflag:s22] =	ssyncset.done $0x0  }
0x85: {  	[sflag:s22] =	ssyncadd.s32 $0xFFFFE000  }
0x86: {  	_ =	swait.ge [sflag:s22], $0x2000  }
0x87: {  	[sflag:s22] =	ssyncset.done $0x0  }
0x88: {  	[sflag:s22] =	ssyncadd.s32 $0xFFFFE000  }
0x89: {  	_ =	swait.ge [sflag:s22], $0x2000  }
0x8a: {  	[sflag:s22] =	ssyncset.done $0x0  }
0x8b: {  	[sflag:s22] =	ssyncadd.s32 $0xFFFFE000  }
0x8c: {  	s26 =	simm.s32 $0x0;
	s24 =	simm.s32 $0x20000;
	_ =	swait.ge [sflag:s22], $0x2000  }
0x8d: {  	s25 =	simm.s32 $0x40000;
	s29 =	rddreg [dreg:$0xf];
	[sflag:s22] =	ssyncset.done $0x0  }
.LBB2_2:
0x8e: {  	s26 =	sadd.s32 $0x800, s26  }
0x8f: {  	[sflag:s22] =	ssyncadd.s32 $0xFFFFE000;
	s29 =	sadd.s32 s26, s29  }
0x90: {  	[tilespmem:s2], [sflag:$0x3] =	stream.linear.gather [hbm4b:s29+s2], $0x80, $0x38;
	[tilespmem:$0x10400] =	vst v63  }
0x91: {  	_ =	swait.ge [sflag:s5], $0x80  }
0x92: {  	s29 =	rddreg [dreg:$0xe];
	[sflag:s5] =	ssyncset.done $0x0  }
0x93: {  	[sflag:s5] =	ssyncadd.s32 $0xFFFFFF80;
	s29 =	sadd.s32 s26, s29  }
0x94: {  	[tilespmem:s6], [sflag:$0x3] =	stream.linear.gather [hbm4b:s29+s2], $0x80, $0x38;
	[tilespmem:$0x10400] =	vst v63  }
0x95: {  	_ =	swait.ge [sflag:s5], $0x80  }
0x96: {  	[sflag:s5] =	ssyncset.done $0x0  }
0x97: {  	[sflag:s5] =	ssyncadd.s32 $0xFFFFFF80  }
0x98: {  	[tilespmem:s8], [sflag:$0x1] =	stream.indirect.gather [hbm4b:s3+s7], $0x40, s2, s7, $0xb8;
	[tilespmem:$0x10400] =	vst v63  }
0x99: {  	s29 =	rddreg [dreg:$0xc]  }
0x9a: {  	[tilespmem:s9], [sflag:$0x1] =	stream.indirect.gather [hbm4b:s3+s7], $0x40, s6, s7, $0xb8;
	[tilespmem:$0x10400] =	vst v63  }
0x9b: {  	s29 =	sadd.s32 s26, s29  }
0x9c: {  	[tilespmem:s7], [sflag:$0x3] =	stream.linear.gather [hbm4b:s29+s2], $0x80, $0x38;
	[tilespmem:$0x10400] =	vst v63  }
0x9d: {  	_ =	swait.ge [sflag:s5], $0x80  }
0x9e: {  	s29 =	rddreg [dreg:$0xd];
	[sflag:s5] =	ssyncset.done $0x0  }
0x9f: {  	[sflag:s5] =	ssyncadd.s32 $0xFFFFFF80;
	s29 =	sadd.s32 s26, s29  }
0xa0: {  	[tilespmem:s10], [sflag:$0x3] =	stream.linear.gather [hbm4b:s29+s2], $0x80, $0x38;
	[tilespmem:$0x10400] =	vst v63  }
0xa1: {  	_ =	swait.ge [sflag:s5], $0x80  }
0xa2: {  	[sflag:s5] =	ssyncset.done $0x0  }
0xa3: {  	[sflag:s5] =	ssyncadd.s32 $0xFFFFFF80  }
0xa4: {  	[tilespmem:s11], [sflag:$0x1] =	stream.indirect.gather [hbm4b:s3+s7], $0x40, s7, s7, $0xb8;
	[tilespmem:$0x10400] =	vst v63  }
0xa5: {  	s29 =	rddreg [dreg:$0x8]  }
0xa6: {  	[tilespmem:s12], [sflag:$0x1] =	stream.indirect.gather [hbm4b:s3+s7], $0x40, s10, s7, $0xb8;
	[tilespmem:$0x10400] =	vst v63  }
0xa7: {  	s29 =	sadd.s32 s26, s29  }
0xa8: {  	[tilespmem:s13], [sflag:$0x3] =	stream.linear.gather [hbm4b:s29+s2], $0x80, $0x38;
	[tilespmem:$0x10400] =	vst v63  }
0xa9: {  	_ =	swait.ge [sflag:s5], $0x80  }
0xaa: {  	s29 =	rddreg [dreg:$0x9];
	[sflag:s5] =	ssyncset.done $0x0  }
0xab: {  	[sflag:s5] =	ssyncadd.s32 $0xFFFFFF80;
	s29 =	sadd.s32 s26, s29  }
0xac: {  	[tilespmem:s14], [sflag:$0x3] =	stream.linear.gather [hbm4b:s29+s2], $0x80, $0x38;
	[tilespmem:$0x10400] =	vst v63  }
0xad: {  	_ =	swait.ge [sflag:s5], $0x80  }
0xae: {  	[sflag:s5] =	ssyncset.done $0x0  }
0xaf: {  	[sflag:s5] =	ssyncadd.s32 $0xFFFFFF80  }
0xb0: {  	[tilespmem:s15], [sflag:$0x1] =	stream.indirect.gather [hbm4b:s3+s7], $0x40, s13, s7, $0xb8;
	[tilespmem:$0x10400] =	vst v63  }
0xb1: {  	s29 =	rddreg [dreg:$0x4]  }
0xb2: {  	[tilespmem:s16], [sflag:$0x1] =	stream.indirect.gather [hbm4b:s3+s7], $0x40, s14, s7, $0xb8;
	[tilespmem:$0x10400] =	vst v63  }
0xb3: {  	s29 =	sadd.s32 s26, s29  }
0xb4: {  	[tilespmem:s17], [sflag:$0x3] =	stream.linear.gather [hbm4b:s29+s2], $0x80, $0x38;
	[tilespmem:$0x10400] =	vst v63  }
0xb5: {  	_ =	swait.ge [sflag:s5], $0x80  }
0xb6: {  	s29 =	rddreg [dreg:$0x5];
	[sflag:s5] =	ssyncset.done $0x0  }
0xb7: {  	[sflag:s5] =	ssyncadd.s32 $0xFFFFFF80;
	s29 =	sadd.s32 s26, s29  }
0xb8: {  	[tilespmem:s18], [sflag:$0x3] =	stream.linear.gather [hbm4b:s29+s2], $0x80, $0x38;
	[tilespmem:$0x10400] =	vst v63  }
0xb9: {  	_ =	swait.ge [sflag:s5], $0x80  }
0xba: {  	[sflag:s5] =	ssyncset.done $0x0  }
0xbb: {  	[sflag:s5] =	ssyncadd.s32 $0xFFFFFF80  }
0xbc: {  	[tilespmem:s19], [sflag:$0x1] =	stream.indirect.gather [hbm4b:s3+s7], $0x40, s17, s7, $0xb8;
	[tilespmem:$0x10400] =	vst v63  }
0xbd: {  	_ = 	snop  }
0xbe: {  	[tilespmem:s20], [sflag:$0x1] =	stream.indirect.gather [hbm4b:s3+s7], $0x40, s18, s7, $0xb8;
	[tilespmem:$0x10400] =	vst v63  }
0xbf: {  	_ =	swait.ge [sflag:s21], $0x2000  }
0xc0: {  	[sflag:s21] =	ssyncset.done $0x0  }
0xc1: {  	[sflag:s21] =	ssyncadd.s32 $0xFFFFE000  }
0xc2: {  	_ =	swait.ge [sflag:s21], $0x2000  }
0xc3: {  	[sflag:s21] =	ssyncset.done $0x0  }
0xc4: {  	[sflag:s21] =	ssyncadd.s32 $0xFFFFE000  }
0xc5: {  	_ =	swait.ge [sflag:s21], $0x2000  }
0xc6: {  	[sflag:s21] =	ssyncset.done $0x0  }
0xc7: {  	[sflag:s21] =	ssyncadd.s32 $0xFFFFE000  }
0xc8: {  	_ =	swait.ge [sflag:s21], $0x2000  }
0xc9: {  	[sflag:s21] =	ssyncset.done $0x0  }
0xca: {  	[sflag:s21] =	ssyncadd.s32 $0xFFFFE000  }
0xcb: {  	_ =	swait.ge [sflag:s21], $0x2000  }
0xcc: {  	[sflag:s21] =	ssyncset.done $0x0  }
0xcd: {  	[sflag:s21] =	ssyncadd.s32 $0xFFFFE000  }
0xce: {  	_ =	swait.ge [sflag:s21], $0x2000  }
0xcf: {  	[sflag:s21] =	ssyncset.done $0x0  }
0xd0: {  	[sflag:s21] =	ssyncadd.s32 $0xFFFFE000  }
0xd1: {  	_ =	swait.ge [sflag:s21], $0x2000  }
0xd2: {  	[sflag:s21] =	ssyncset.done $0x0  }
0xd3: {  	[sflag:s21] =	ssyncadd.s32 $0xFFFFE000  }
0xd4: {  	_ =	swait.ge [sflag:s21], $0x2000  }
0xd5: {  	s29 =	rddreg [dreg:$0x11];
	[sflag:s21] =	ssyncset.done $0x0  }
0xd6: {  	s30 =	rddreg [dreg:$0x10];
	[sflag:s21] =	ssyncadd.s32 $0xFFFFE000;
	s29 =	sadd.s32 s24, s29  }
0xd7: {  	[hbm4b:s29+s2] =	stream.linear.scatter [tilespmem:s8], [sflag:$0x2], $0x2000, $0x38;
	[tilespmem:$0x10400] =	vst v63  }
0xd8: {  	s31 =	rddreg [dreg:$0xa];
	s29 =	sadd.s32 s24, s30  }
0xd9: {  	[hbm4b:s29+s2] =	stream.linear.scatter [tilespmem:s9], [sflag:$0x2], $0x2000, $0x38;
	[tilespmem:$0x10400] =	vst v63  }
0xda: {  	s30 =	rddreg [dreg:$0xb];
	s29 =	sadd.s32 s24, s31  }
0xdb: {  	[hbm4b:s29+s2] =	stream.linear.scatter [tilespmem:s11], [sflag:$0x2], $0x2000, $0x38;
	[tilespmem:$0x10400] =	vst v63  }
0xdc: {  	s31 =	rddreg [dreg:$0x6];
	s29 =	sadd.s32 s24, s30  }
0xdd: {  	[hbm4b:s29+s2] =	stream.linear.scatter [tilespmem:s12], [sflag:$0x2], $0x2000, $0x38;
	[tilespmem:$0x10400] =	vst v63  }
0xde: {  	s30 =	rddreg [dreg:$0x7];
	s29 =	sadd.s32 s24, s31  }
0xdf: {  	[hbm4b:s29+s2] =	stream.linear.scatter [tilespmem:s15], [sflag:$0x2], $0x2000, $0x38;
	[tilespmem:$0x10400] =	vst v63  }
0xe0: {  	s31 =	rddreg [dreg:$0x2];
	s29 =	sadd.s32 s24, s30  }
0xe1: {  	[hbm4b:s29+s2] =	stream.linear.scatter [tilespmem:s16], [sflag:$0x2], $0x2000, $0x38;
	[tilespmem:$0x10400] =	vst v63  }
0xe2: {  	s30 =	rddreg [dreg:$0x3];
	s29 =	sadd.s32 s24, s31  }
0xe3: {  	[hbm4b:s29+s2] =	stream.linear.scatter [tilespmem:s19], [sflag:$0x2], $0x2000, $0x38;
	[tilespmem:$0x10400] =	vst v63  }
0xe4: {  	s29 =	sadd.s32 s24, s30  }
0xe5: {  	[hbm4b:s29+s2] =	stream.linear.scatter [tilespmem:s20], [sflag:$0x2], $0x2000, $0x38;
	[tilespmem:$0x10400] =	vst v63  }
0xe6: {  	_ =	swait.ge [sflag:s22], $0x2000  }
0xe7: {  	[sflag:s22] =	ssyncset.done $0x0  }
0xe8: {  	[sflag:s22] =	ssyncadd.s32 $0xFFFFE000  }
0xe9: {  	_ =	swait.ge [sflag:s22], $0x2000  }
0xea: {  	[sflag:s22] =	ssyncset.done $0x0  }
0xeb: {  	[sflag:s22] =	ssyncadd.s32 $0xFFFFE000  }
0xec: {  	_ =	swait.ge [sflag:s22], $0x2000  }
0xed: {  	[sflag:s22] =	ssyncset.done $0x0  }
0xee: {  	[sflag:s22] =	ssyncadd.s32 $0xFFFFE000  }
0xef: {  	_ =	swait.ge [sflag:s22], $0x2000  }
0xf0: {  	[sflag:s22] =	ssyncset.done $0x0  }
0xf1: {  	[sflag:s22] =	ssyncadd.s32 $0xFFFFE000  }
0xf2: {  	_ =	swait.ge [sflag:s22], $0x2000  }
0xf3: {  	[sflag:s22] =	ssyncset.done $0x0  }
0xf4: {  	[sflag:s22] =	ssyncadd.s32 $0xFFFFE000  }
0xf5: {  	_ =	swait.ge [sflag:s22], $0x2000  }
0xf6: {  	[sflag:s22] =	ssyncset.done $0x0  }
0xf7: {  	p0 =	sne.s32 s25, $0x120000;
	[sflag:s22] =	ssyncadd.s32 $0xFFFFE000  }
.Ltmp0:
0xf8: {  	_ =	swait.ge [sflag:s22], $0x2000;
	(pc) =	sbr.rel @p0 .LBB2_2-.Ltmp0, $4  }
0xf9: {  	[sflag:s22] =	ssyncset.done $0x0  }
0xfa: {  	[sflag:s22] =	ssyncadd.s32 $0xFFFFE000  }
0xfb: {  	s28 =	smov.u32 s25;
	s25 =	sadd.s32 $0x20000, s25;
	_ =	swait.ge [sflag:s22], $0x2000  }
0xfc: {  	s24 =	smov.u32 s28;
	s29 =	rddreg [dreg:$0xf];
	[sflag:s22] =	ssyncset.done $0x0  }
0xfd: {  	s25 =	sadd.s32 $0x800, s26  }
0xfe: {  	[sflag:s22] =	ssyncadd.s32 $0xFFFFE000;
	s26 =	sadd.s32 s25, s29  }
0xff: {  	[tilespmem:s2], [sflag:$0x3] =	stream.linear.gather [hbm4b:s26+s2], $0x80, $0x38;
	[tilespmem:$0x10400] =	vst v63  }
0x100: {  	_ =	swait.ge [sflag:s5], $0x80  }
0x101: {  	s31 =	rddreg [dreg:$0xe];
	[sflag:s5] =	ssyncset.done $0x0  }
0x102: {  	[sflag:s5] =	ssyncadd.s32 $0xFFFFFF80;
	s26 =	sadd.s32 s25, s31  }
0x103: {  	[tilespmem:s6], [sflag:$0x3] =	stream.linear.gather [hbm4b:s26+s2], $0x80, $0x38;
	[tilespmem:$0x10400] =	vst v63  }
0x104: {  	_ =	swait.ge [sflag:s5], $0x80  }
0x105: {  	[sflag:s5] =	ssyncset.done $0x0  }
0x106: {  	[sflag:s5] =	ssyncadd.s32 $0xFFFFFF80  }
0x107: {  	[tilespmem:s8], [sflag:$0x1] =	stream.indirect.gather [hbm4b:s3+s7], $0x40, s2, s7, $0xb8;
	[tilespmem:$0x10400] =	vst v63  }
0x108: {  	s28 =	rddreg [dreg:$0xc]  }
0x109: {  	[tilespmem:s9], [sflag:$0x1] =	stream.indirect.gather [hbm4b:s3+s7], $0x40, s6, s7, $0xb8;
	[tilespmem:$0x10400] =	vst v63  }
0x10a: {  	s26 =	sadd.s32 s25, s28  }
0x10b: {  	[tilespmem:s7], [sflag:$0x3] =	stream.linear.gather [hbm4b:s26+s2], $0x80, $0x38;
	[tilespmem:$0x10400] =	vst v63  }
0x10c: {  	_ =	swait.ge [sflag:s5], $0x80  }
0x10d: {  	s29 =	rddreg [dreg:$0xd];
	[sflag:s5] =	ssyncset.done $0x0  }
0x10e: {  	[sflag:s5] =	ssyncadd.s32 $0xFFFFFF80;
	s26 =	sadd.s32 s25, s29  }
0x10f: {  	[tilespmem:s10], [sflag:$0x3] =	stream.linear.gather [hbm4b:s26+s2], $0x80, $0x38;
	[tilespmem:$0x10400] =	vst v63  }
0x110: {  	_ =	swait.ge [sflag:s5], $0x80  }
0x111: {  	[sflag:s5] =	ssyncset.done $0x0  }
0x112: {  	[sflag:s5] =	ssyncadd.s32 $0xFFFFFF80  }
0x113: {  	[tilespmem:s11], [sflag:$0x1] =	stream.indirect.gather [hbm4b:s3+s7], $0x40, s7, s7, $0xb8;
	[tilespmem:$0x10400] =	vst v63  }
0x114: {  	s30 =	rddreg [dreg:$0x8]  }
0x115: {  	[tilespmem:s12], [sflag:$0x1] =	stream.indirect.gather [hbm4b:s3+s7], $0x40, s10, s7, $0xb8;
	[tilespmem:$0x10400] =	vst v63  }
0x116: {  	s26 =	sadd.s32 s25, s30  }
0x117: {  	[tilespmem:s13], [sflag:$0x3] =	stream.linear.gather [hbm4b:s26+s2], $0x80, $0x38;
	[tilespmem:$0x10400] =	vst v63  }
0x118: {  	_ =	swait.ge [sflag:s5], $0x80  }
0x119: {  	s31 =	rddreg [dreg:$0x9];
	[sflag:s5] =	ssyncset.done $0x0  }
0x11a: {  	[sflag:s5] =	ssyncadd.s32 $0xFFFFFF80;
	s26 =	sadd.s32 s25, s31  }
0x11b: {  	[tilespmem:s14], [sflag:$0x3] =	stream.linear.gather [hbm4b:s26+s2], $0x80, $0x38;
	[tilespmem:$0x10400] =	vst v63  }
0x11c: {  	_ =	swait.ge [sflag:s5], $0x80  }
0x11d: {  	[sflag:s5] =	ssyncset.done $0x0  }
0x11e: {  	[sflag:s5] =	ssyncadd.s32 $0xFFFFFF80  }
0x11f: {  	[tilespmem:s15], [sflag:$0x1] =	stream.indirect.gather [hbm4b:s3+s7], $0x40, s13, s7, $0xb8;
	[tilespmem:$0x10400] =	vst v63  }
0x120: {  	s28 =	rddreg [dreg:$0x4]  }
0x121: {  	[tilespmem:s16], [sflag:$0x1] =	stream.indirect.gather [hbm4b:s3+s7], $0x40, s14, s7, $0xb8;
	[tilespmem:$0x10400] =	vst v63  }
0x122: {  	s26 =	sadd.s32 s25, s28  }
0x123: {  	[tilespmem:s17], [sflag:$0x3] =	stream.linear.gather [hbm4b:s26+s2], $0x80, $0x38;
	[tilespmem:$0x10400] =	vst v63  }
0x124: {  	_ =	swait.ge [sflag:s5], $0x80  }
0x125: {  	s29 =	rddreg [dreg:$0x5];
	[sflag:s5] =	ssyncset.done $0x0  }
0x126: {  	[sflag:s5] =	ssyncadd.s32 $0xFFFFFF80;
	s25 =	sadd.s32 s25, s29  }
0x127: {  	[tilespmem:s18], [sflag:$0x3] =	stream.linear.gather [hbm4b:s25+s2], $0x80, $0x38;
	[tilespmem:$0x10400] =	vst v63  }
0x128: {  	_ =	swait.ge [sflag:s5], $0x80  }
0x129: {  	[sflag:s5] =	ssyncset.done $0x0  }
0x12a: {  	[sflag:s5] =	ssyncadd.s32 $0xFFFFFF80  }
0x12b: {  	[tilespmem:s19], [sflag:$0x1] =	stream.indirect.gather [hbm4b:s3+s7], $0x40, s17, s7, $0xb8;
	[tilespmem:$0x10400] =	vst v63  }
0x12c: {  	_ = 	snop  }
0x12d: {  	[tilespmem:s20], [sflag:$0x1] =	stream.indirect.gather [hbm4b:s3+s7], $0x40, s18, s7, $0xb8;
	[tilespmem:$0x10400] =	vst v63  }
0x12e: {  	_ =	swait.ge [sflag:s21], $0x2000  }
0x12f: {  	[sflag:s21] =	ssyncset.done $0x0  }
0x130: {  	[sflag:s21] =	ssyncadd.s32 $0xFFFFE000  }
0x131: {  	_ =	swait.ge [sflag:s21], $0x2000  }
0x132: {  	[sflag:s21] =	ssyncset.done $0x0  }
0x133: {  	[sflag:s21] =	ssyncadd.s32 $0xFFFFE000  }
0x134: {  	_ =	swait.ge [sflag:s21], $0x2000  }
0x135: {  	[sflag:s21] =	ssyncset.done $0x0  }
0x136: {  	[sflag:s21] =	ssyncadd.s32 $0xFFFFE000  }
0x137: {  	_ =	swait.ge [sflag:s21], $0x2000  }
0x138: {  	[sflag:s21] =	ssyncset.done $0x0  }
0x139: {  	[sflag:s21] =	ssyncadd.s32 $0xFFFFE000  }
0x13a: {  	_ =	swait.ge [sflag:s21], $0x2000  }
0x13b: {  	[sflag:s21] =	ssyncset.done $0x0  }
0x13c: {  	[sflag:s21] =	ssyncadd.s32 $0xFFFFE000  }
0x13d: {  	_ =	swait.ge [sflag:s21], $0x2000  }
0x13e: {  	[sflag:s21] =	ssyncset.done $0x0  }
0x13f: {  	[sflag:s21] =	ssyncadd.s32 $0xFFFFE000  }
0x140: {  	_ =	swait.ge [sflag:s21], $0x2000  }
0x141: {  	[sflag:s21] =	ssyncset.done $0x0  }
0x142: {  	[sflag:s21] =	ssyncadd.s32 $0xFFFFE000  }
0x143: {  	_ =	swait.ge [sflag:s21], $0x2000  }
0x144: {  	s30 =	rddreg [dreg:$0x11];
	[sflag:s21] =	ssyncset.done $0x0  }
0x145: {  	s31 =	rddreg [dreg:$0x10];
	[sflag:s21] =	ssyncadd.s32 $0xFFFFE000;
	s25 =	sadd.s32 s24, s30  }
0x146: {  	[hbm4b:s25+s2] =	stream.linear.scatter [tilespmem:s8], [sflag:$0x2], $0x2000, $0x38;
	[tilespmem:$0x10400] =	vst v63  }
0x147: {  	s28 =	rddreg [dreg:$0xa];
	s26 =	sadd.s32 s24, s31  }
0x148: {  	[hbm4b:s26+s2] =	stream.linear.scatter [tilespmem:s9], [sflag:$0x2], $0x2000, $0x38;
	[tilespmem:$0x10400] =	vst v63  }
0x149: {  	s29 =	rddreg [dreg:$0xb];
	s30 =	sadd.s32 s24, s28  }
0x14a: {  	[hbm4b:s30+s2] =	stream.linear.scatter [tilespmem:s11], [sflag:$0x2], $0x2000, $0x38;
	[tilespmem:$0x10400] =	vst v63  }
0x14b: {  	s31 =	rddreg [dreg:$0x6];
	s26 =	sadd.s32 s24, s29  }
0x14c: {  	[hbm4b:s26+s2] =	stream.linear.scatter [tilespmem:s12], [sflag:$0x2], $0x2000, $0x38;
	[tilespmem:$0x10400] =	vst v63  }
0x14d: {  	s29 =	rddreg [dreg:$0x7];
	s30 =	sadd.s32 s24, s31  }
0x14e: {  	[hbm4b:s30+s2] =	stream.linear.scatter [tilespmem:s15], [sflag:$0x2], $0x2000, $0x38;
	[tilespmem:$0x10400] =	vst v63  }
0x14f: {  	s31 =	rddreg [dreg:$0x2];
	s26 =	sadd.s32 s24, s29  }
0x150: {  	[hbm4b:s26+s2] =	stream.linear.scatter [tilespmem:s16], [sflag:$0x2], $0x2000, $0x38;
	[tilespmem:$0x10400] =	vst v63  }
0x151: {  	s29 =	rddreg [dreg:$0x3];
	s30 =	sadd.s32 s24, s31  }
0x152: {  	[hbm4b:s30+s2] =	stream.linear.scatter [tilespmem:s19], [sflag:$0x2], $0x2000, $0x38;
	[tilespmem:$0x10400] =	vst v63  }
0x153: {  	s31 =	sadd.s32 s24, s29  }
0x154: {  	[hbm4b:s31+s2] =	stream.linear.scatter [tilespmem:s20], [sflag:$0x2], $0x2000, $0x38;
	[tilespmem:$0x10400] =	vst v63  }
0x155: {  	_ =	swait.ge [sflag:s22], $0x2000  }
0x156: {  	[sflag:s22] =	ssyncset.done $0x0  }
0x157: {  	[sflag:s22] =	ssyncadd.s32 $0xFFFFE000  }
0x158: {  	_ =	swait.ge [sflag:s22], $0x2000  }
0x159: {  	[sflag:s22] =	ssyncset.done $0x0  }
0x15a: {  	[sflag:s22] =	ssyncadd.s32 $0xFFFFE000  }
0x15b: {  	_ =	swait.ge [sflag:s22], $0x2000  }
0x15c: {  	[sflag:s22] =	ssyncset.done $0x0  }
0x15d: {  	[sflag:s22] =	ssyncadd.s32 $0xFFFFE000  }
0x15e: {  	_ =	swait.ge [sflag:s22], $0x2000  }
0x15f: {  	[sflag:s22] =	ssyncset.done $0x0  }
0x160: {  	[sflag:s22] =	ssyncadd.s32 $0xFFFFE000  }
0x161: {  	_ =	swait.ge [sflag:s22], $0x2000  }
0x162: {  	[sflag:s22] =	ssyncset.done $0x0  }
0x163: {  	[sflag:s22] =	ssyncadd.s32 $0xFFFFE000  }
0x164: {  	_ =	swait.ge [sflag:s22], $0x2000  }
0x165: {  	[sflag:s22] =	ssyncset.done $0x0  }
0x166: {  	s23 =	sadd.s32 $0x1, s23;
	[sflag:s22] =	ssyncadd.s32 $0xFFFFE000  }
0x167: {  	p0 =	sne.s32 s23, s4;
	_ =	swait.ge [sflag:s22], $0x2000  }
.Ltmp1:
0x168: {  	[sflag:s22] =	ssyncset.done $0x0;
	(pc) =	sbr.rel @p0 .LBB2_1-.Ltmp1, $4  }
0x169: {  	[sflag:s22] =	ssyncadd.s32 $0xFFFFE000  }
0x16a: {  	_ =	swait.ge [sflag:s22], $0x2000  }
0x16b: {  	[sflag:s22] =	ssyncset.done $0x0  }
0x16c: {  	[sflag:s22] =	ssyncadd.s32 $0xFFFFE000  }
0x16d: {  	_ =	sfence.sel $0x180000  }
0x16e: {  	[bflag:$0x0] =	sbarrier.arrive $0xFFFF  }
0x16f: {  	p0 =	sne.s32 s1, $0x0;
	_ =	strace $0x90000050  }
0x170: {  	s0 =	sadd.s32 @!p0 $0x100000, s0;
	[bflag:$0x2] =	sbarrier.arrive $0xFFFF  }
0x171: {  	[sflag:s0] =	ssyncadd.tile.s32 @!p0 $0x1;
	_ =	shalt  }
.Lfunc_end2:
_tile_overlayer_lowered:
.L_overlay_start_2:
0x172: {  	(tag) =	ssettag $0x2  }
0x173: {  	s0 =	rddreg [dreg:$0x0];
	s2 =	stileid.u32  }
0x174: {  	s1 =	rddreg [dreg:$0x1];
	p0 =	sne.s32 s2, $0x0  }
0x175: {  	s3 =	rddreg [dreg:$0x2];
	[bflag:$0x3] =	sbarrier.arrive $0xFFFF;
	s2 =	simm.s32 @!p0 $0x1C03  }
0x176: {  	[timem:s3], [sflag:s2] =	dma.local @!p0 [hbm:s0], s1  }
0x177: {  	s0 =	simm.s32 @!p0 $0x3  }
0x178: {  	_ =	swait.ge @!p0 [sflag:s0], s1  }
0x179: {  	s1 =	ssub.s32 @!p0 $0x0, s1;
	[sflag:s0] =	ssyncset.done @!p0 $0x0  }
0x17a: {  	[sflag:s0] =	ssyncadd.s32 @!p0 s1  }
0x17b: {  	[bflag:$0x3] =	sbarrier.arrive $0xFFFF  }
0x17c: {  	_ =	shalt  }

// kernel: kernel.19.cloned.1.call-start
scs
__scs_entry_jumppad:
0x0: {  	(pc) =	sbr.rel $0x88, $3  }
0x1: {  	(tag) =	ssettag $0x0;
	lr =	simm.s32 $0x1  }
0x2: {  	[smem:$0x3F8B] =	sst lr;
	_ =	strace $0xD0000000  }
0x3: {  	_ = 	snop  }
0x4: {  	_ = 	snop  }
0x5: {  	_ = 	snop  }
0x6: {  	_ = 	snop  }
0x7: {  	_ = 	snop  }
__scs_overlays_trampoline_lowered:
0x8: {  	[smem:$0x3F9A] =	sst s0  }
0x9: {  	[smem:$0x3F9B] =	sst s1  }
0xa: {  	[smem:$0x3F9C] =	sst s2  }
0xb: {  	[smem:$0x3F9D] =	sst s3  }
0xc: {  	[smem:$0x3F9E] =	sst s4  }
0xd: {  	[smem:$0x3F9F] =	sst s5  }
0xe: {  	[smem:$0x3FA0] =	sst s6  }
0xf: {  	[smem:$0x3FA1] =	sst s7  }
0x10: {  	[smem:$0x3FA2] =	sst s8  }
0x11: {  	[smem:$0x3FA3] =	sst s9;
	s0 =	simm.s32 @!p0 $0x0  }
0x12: {  	s1 =	sld [smem:$0x3F89];
	s0 =	simm.s32 @p0 $0x1  }
0x13: {  	[smem:$0x3FA4] =	sst s0;
	s0 =	simm.s32 @!p1 $0x0  }
0x14: {  	s2 =	sld [smem:$0x3F88];
	s0 =	simm.s32 @p1 $0x1  }
0x15: {  	[smem:$0x3FA5] =	sst s0;
	s0 =	simm.s32 @!p2 $0x0  }
0x16: {  	s3 =	sld [smem:$0x3FDB];
	s0 =	simm.s32 @p2 $0x1  }
0x17: {  	s4 =	simm.s32 $0x1BF5;
	[smem:$0x3FA7] =	sst s0  }
0x18: {  	s0 =	sld [smem:$0x3F8A];
	_ =	swait.ge [sflag:s4], $0x0  }
0x19: {  	s7 =	sld [smem:$0x3F8B]  }
0x1a: {  	s8 =	sadd.s32 $0xFFFFE003, lr  }
0x1b: {  	s9 =	sadd.s32 $0xFFFFFEF7, lr;
	s5 =	simm.s32 $0xFFFFFFFF;
	p2 =	slt.u32 s8, $0xFFFFF086  }
0x1c: {  	p1 =	slt.u32 s9, $0xF7A;
	s5 =	simm.s32 @!p2 $0x0  }
0x1d: {  	s5 =	simm.s32 @p1 $0x1;
	p0 =	seq.s32 s7, s2  }
0x1e: {  	s7 =	smul.u32 @!p0 $0xF7A, s2;
	p2 =	seq.s32 @!p0 s5, $0x0  }
0x1f: {  	s9 =	smul.u32 $0xF7A, s1;
	s8 =	simm.s32 @!p0 $0x1BF5;
	p2 =	por !p2, p0  }
0x20: {  	[sflag:s8] =	ssyncset.s32 @!p0 $0xFFFFF086;
	s6 =	sadd.s32 @!p0 s3, s7;
	s7 =	simm.s32 @!p0 $0x108  }
0x21: {  	s3 =	sadd.s32 s3, s9;
	s6 =	sadd.s32 @!p0 $0x88, s6;
	s7 =	simm.s32 @p2 $0x1082  }
0x22: {  	[simem:s7], [sflag:s8] =	dma.local @!p0 [hbm:s6], $0xF7A  }
0x23: {  	s9 =	sor.u32 $0xD0000000, s2;
	s6 =	simm.s32 $0x108;
	_ =	swait.ge @!p0 [sflag:s8], $0x0  }
0x24: {  	s3 =	sadd.s32 $0x88, s3;
	s6 =	simm.s32 @!p1 $0x1082;
	[sflag:s4] =	ssyncset.s32 $0xFFFFF086  }
0x25: {  	[simem:s6], [sflag:s4] =	dma.local [hbm:s3], $0xF7A  }
0x26: {  	[smem:$0x3F8B] =	sst s1;
	(tag) =	ssettag s2;
	_ =	strace s9  }
0x27: {  	s1 =	sld [smem:$0x3F9B]  }
0x28: {  	s2 =	sld [smem:$0x3F9C]  }
0x29: {  	s4 =	sld [smem:$0x3F9E]  }
0x2a: {  	p0 =	seq.s32 s5, $0x0;
	s5 =	sld [smem:$0x3F9F]  }
0x2b: {  	s6 =	sld [smem:$0x3FA0]  }
0x2c: {  	s7 =	sld [smem:$0x3FA1]  }
0x2d: {  	s3 =	simm.s32 $0x108;
	s8 =	sld [smem:$0x3FA2]  }
0x2e: {  	s3 =	simm.s32 @!p0 $0x1082;
	s9 =	sld [smem:$0x3FA3]  }
0x2f: {  	lr =	sadd.s32 s0, s3;
	s0 =	sld [smem:$0x3F9A]  }
0x30: {  	s3 =	sld [smem:$0x3F9D]  }
0x31: {  	[smem:$0x3FA6] =	sst s10  }
0x32: {  	s10 =	sld [smem:$0x3FA4];
	_ =	sdelay $0x3  }
0x33: {  	p0 =	seq.s32 s10, $0x1;
	s10 =	sld [smem:$0x3FA6];
	_ =	sdelay $0x3  }
0x34: {  	[smem:$0x3FA6] =	sst s10  }
0x35: {  	s10 =	sld [smem:$0x3FA5];
	_ =	sdelay $0x3  }
0x36: {  	p1 =	seq.s32 s10, $0x1;
	s10 =	sld [smem:$0x3FA6];
	_ =	sdelay $0x3  }
0x37: {  	[smem:$0x3FA6] =	sst s10  }
0x38: {  	s10 =	sld [smem:$0x3FA7]  }
0x39: {  	_ = 	snop;
	(pc) =	sbr.ind lr, $3  }
0x3a: {  	_ = 	snop  }
0x3b: {  	_ = 	snop  }
0x3c: {  	p2 =	seq.s32 s10, $0x1;
	s10 =	sld [smem:$0x3FA6]  }
0x3d: {  	_ =	shalt  }
0x3e: {  	_ =	shalt  }
0x3f: {  	_ =	shalt  }
0x40: {  	_ =	shalt  }
0x41: {  	_ =	shalt  }
0x42: {  	_ =	shalt  }
0x43: {  	_ =	shalt  }
0x44: {  	_ =	shalt  }
0x45: {  	_ =	shalt  }
0x46: {  	_ =	shalt  }
0x47: {  	_ =	shalt  }
0x48: {  	_ =	shalt  }
0x49: {  	_ =	shalt  }
0x4a: {  	_ =	shalt  }
0x4b: {  	_ =	shalt  }
0x4c: {  	_ =	shalt  }
0x4d: {  	_ =	shalt  }
0x4e: {  	_ =	shalt  }
0x4f: {  	_ =	shalt  }
0x50: {  	_ =	shalt  }
0x51: {  	_ =	shalt  }
0x52: {  	_ =	shalt  }
0x53: {  	_ =	shalt  }
0x54: {  	_ =	shalt  }
0x55: {  	_ =	shalt  }
0x56: {  	_ =	shalt  }
0x57: {  	_ =	shalt  }
0x58: {  	_ =	shalt  }
0x59: {  	_ =	shalt  }
0x5a: {  	_ =	shalt  }
0x5b: {  	_ =	shalt  }
0x5c: {  	_ =	shalt  }
0x5d: {  	_ =	shalt  }
0x5e: {  	_ =	shalt  }
0x5f: {  	_ =	shalt  }
0x60: {  	_ =	shalt  }
0x61: {  	_ =	shalt  }
0x62: {  	_ =	shalt  }
0x63: {  	_ =	shalt  }
0x64: {  	_ =	shalt  }
0x65: {  	_ =	shalt  }
0x66: {  	_ =	shalt  }
0x67: {  	_ =	shalt  }
0x68: {  	_ =	shalt  }
0x69: {  	_ =	shalt  }
0x6a: {  	_ =	shalt  }
0x6b: {  	_ =	shalt  }
0x6c: {  	_ =	shalt  }
0x6d: {  	_ =	shalt  }
0x6e: {  	_ =	shalt  }
0x6f: {  	_ =	shalt  }
0x70: {  	_ =	shalt  }
0x71: {  	_ =	shalt  }
0x72: {  	_ =	shalt  }
0x73: {  	_ =	shalt  }
0x74: {  	_ =	shalt  }
0x75: {  	_ =	shalt  }
0x76: {  	_ =	shalt  }
0x77: {  	_ =	shalt  }
0x78: {  	_ =	shalt  }
0x79: {  	_ =	shalt  }
0x7a: {  	_ =	shalt  }
0x7b: {  	_ =	shalt  }
0x7c: {  	_ =	shalt  }
0x7d: {  	_ =	shalt  }
0x7e: {  	_ =	shalt  }
0x7f: {  	_ =	shalt  }
0x80: {  	_ =	shalt  }
0x81: {  	_ =	shalt  }
0x82: {  	_ =	shalt  }
0x83: {  	_ =	shalt  }
0x84: {  	_ =	shalt  }
0x85: {  	_ =	shalt  }
0x86: {  	_ =	shalt  }
0x87: {  	_ =	shalt  }
.Lfunc_end0:
.L_simem_size_0:
called_computation.4_lowered:
.L_overlay_start_0:
0x88: {  	s2 =	sld [smem:$0x3FD9]  }
0x89: {  	s3 =	sld [smem:$0x3FFE];
	_ =	sdelay $0x1  }
0x8a: {  	s1 =	srdreg.scid  }
0x8b: {  	s0 =	sand.u32 $0x1, s1  }
0x8c: {  	s16 =	sshll.u32 s0, $0xA;
	s2 =	sadd.s32 s3, s2  }
0x8d: {  	s2 =	sadd.s32 s2, s16  }
0x8e: {  	[smem:$0x3FB2] =	sst s2  }
0x8f: {  	_ = 	snop  }
0x90: {  	(tm) =	ssettm $0x1  }
0x91: {  	s17 =	sld [smem:$0x3FFB];
	_ =	sdelay $0x3  }
0x92: {  	_ =	strace s17  }
0x93: {  	s2 =	sld [smem:$0x3FFC];
	_ =	sdelay $0x3  }
0x94: {  	_ =	strace s2  }
0x95: {  	s2 =	sld [smem:$0x3FFD];
	_ =	sdelay $0x3  }
0x96: {  	_ =	strace s2  }
0x97: {  	_ =	strace $0x8FFFFFFF  }
0x98: {  	s18 =	sld [smem:$0x3FDB];
	_ =	sdelay $0x1  }
0x99: {  	s19 =	simm.s32 $_scs_section_size  }
0x9a: {  	s4 =	simm.s32 $_size__tile_overlayer_lowered;
	s5 =	simm.s32 $_tile_overlayer_lowered  }
0x9b: {  	s22 =	simm.s32 $0x1BFF;
	s21 =	sshll.u32 s5, $0x1;
	s2 =	sadd.s32 s19, s18  }
0x9c: {  	s6 =	simm.s32 $0x0;
	s20 =	sshll.u32 s4, $0x1;
	s4 =	sadd.s32 s21, s2  }
0x9d: {  	[timem:s6], [sflag:s22] =	dma.local [hbm:s4], s20  }
0x9e: {  	_ =	swait.ge [sflag:s22], s20  }
0x9f: {  	s3 =	ssub.s32 $0x0, s20;
	[sflag:s22] =	ssyncset.done $0x0  }
0xa0: {  	[sflag:s22] =	ssyncadd.s32 s3;
	_ =	sdelay $0x1  }
0xa1: {  	s23 =	simm.s32 $0x1B8B  }
0xa2: {  	_ =	swait.ge [sflag:s23], $0x1  }
0xa3: {  	[sflag:s23] =	ssyncset.done $0x0  }
0xa4: {  	s25 =	simm.s32 $0x1B8E;
	s24 =	sld [smem:$0x3FFE];
	[sflag:s23] =	ssyncadd.s32 $0xFFFFFFFF  }
0xa5: {  	s26 =	simm.s32 $execute0_lowered;
	[smem:$0x3FD2] =	sst s25  }
0xa6: {  	s4 =	sshll.u32 s26, $0x1;
	_ =	strace $0x80000052;
	[dreg:$0x1] =	wrdreg $0xFFFFFFFF  }
0xa7: {  	s28 =	simm.s32 $_size_execute0_lowered;
	s2 =	sadd.s32 s2, s4;
	[dreg:$0x0] =	wrdreg $0x0  }
0xa8: {  	s4 =	sshll.u32 s28, $0x1;
	[dreg:$0x2] =	wrdreg s2  }
0xa9: {  	[dreg:$0x3] =	wrdreg s4  }
0xaa: {  	[dreg:$0x4] =	wrdreg $0xC0  }
0xab: {  	_ =	task [dreg:s6], $0x5FFFF  }
0xac: {  	[dreg:$0x1] =	wrdreg $0xFFFFFFFF  }
0xad: {  	[dreg:$0x0] =	wrdreg $0x60  }
0xae: {  	[dreg:$0x2] =	wrdreg s24  }
0xaf: {  	[dreg:$0x3] =	wrdreg $0x14800  }
0xb0: {  	[dreg:$0x4] =	wrdreg $0x9  }
0xb1: {  	_ =	task.clear_ibuf [dreg:s6], $0x5FFFF;
	_ =	strace $0x90000052  }
0xb2: {  	s29 =	simm.s32 $0x9;
	_ =	strace $0x80000054  }
0xb3: {  	_ =	swait.ge [sflag:s29], $0x1  }
0xb4: {  	[sflag:s29] =	ssyncadd.s32 $0xFFFFFFFF  }
0xb5: {  	_ =	strace $0x90000054  }
0xb6: {  	_ =	sfence  }
0xb7: {  	s30 =	sld [smem:$0x0];
	_ =	sdelay $0x2  }
0xb8: {  	s31 =	sshll.u32 s1, $0xD;
	s1 =	sshrl.u32 s1, $0x2  }
0xb9: {  	s3 =	sand.u32 $0x4000, s31;
	s1 =	sadd.s32 s1, s30  }
0xba: {  	s0 =	sor.u32 s3, s0;
	s1 =	sshll.u32 s1, $0x11  }
0xbb: {  	s0 =	sor.u32 s1, s0  }
0xbc: {  	s0 =	sadd.s32 $0x8F2B, s0  }
0xbd: {  	[sflag:s0] =	ssyncadd.remote.s32 $0x1  }
0xbe: {  	_ =	sfence.sel $0xFFFF  }
0xbf: {  	[dreg:$0x0] =	wrdreg $0xFFFFFFFF;
	(pc) =	sbr.abs _section_cstart, $3  }
0xc0: {  	[dreg:$0x1] =	wrdreg $0xFFFFFFFF  }
0xc1: {  	_ =	task.clear_ibuf [dreg:s6], $0x2FFFF;
	_ =	strace $0x9FFFFFFF  }
0xc2: {  	(tm) =	ssettm $0x7FFFFFFF  }
0xc3: {  	_ =	shalt  }
tec
execute0_lowered:
.L_overlay_start_1:
0x0: {  	(tag) =	ssettag $0x1  }
0x1: {  	s16 =	stileid.u32  }
0x2: {  	s0 =	srdreg.scid;
	s6 =	rddreg [dreg:$0x0]  }
0x3: {  	s1 =	sand.u32 $0x1, s0;
	s2 =	sshll.u32 s16, $0x8;
	s0 =	smul.u32 $0x2800, s16  }
0x4: {  	s7 =	sadd.s32 $0x20C00, s6;
	s3 =	sshll.u32 s1, $0x7;
	s4 =	ssub.s32 $0x2, s1  }
0x5: {  	s5 =	smul.u32 $0x28000, s1;
	s1 =	sshll.u32 s1, $0x8;
	s2 =	sor.u32 s3, s2  }
0x6: {  	s14 =	sshrl.u32 s4, $0x1;
	s8 =	sor.u32 $0x400, s0;
	s9 =	sadd.s32 $0x800, s0  }
0x7: {  	s11 =	sadd.s32 $0xC00, s0;
	s12 =	sadd.s32 $0x1000, s0;
	s26 =	sadd.s32 $0x2000, s0  }
0x8: {  	s28 =	sadd.s32 $0x2400, s0;
	s3 =	ssub.s32 s4, s14;
	s15 =	sadd.s32 s5, s0  }
0x9: {  	s17 =	sadd.s32 s5, s8;
	s10 =	sadd.s32 s5, s9;
	s19 =	sadd.s32 s5, s11  }
0xa: {  	s14 =	sadd.s32 $0x1400, s0;
	s20 =	sadd.s32 s5, s12;
	s25 =	sadd.s32 s5, s26  }
0xb: {  	s13 =	sadd.s32 s5, s28;
	s2 =	sshrl.u32 s2, $0x3;
	s4 =	sshrl.u32 s15, $0x3  }
0xc: {  	s10 =	sshrl.u32 s10, $0x3;
	s21 =	sadd.s32 s5, s14;
	s15 =	sadd.s32 $0x1800, s0  }
0xd: {  	s2 =	sadd.s32 s2, s6;
	s4 =	sadd.s32 s7, s4;
	s18 =	sadd.s32 s7, s10  }
0xe: {  	s10 =	sshrl.u32 s21, $0x3;
	s23 =	sadd.s32 s5, s15;
	[dreg:$0x3] =	wrdreg s4  }
0xf: {  	s30 =	sadd.s32 $0x7E00, s2;
	s4 =	sshrl.u32 s17, $0x3;
	[dreg:$0x5] =	wrdreg s18  }
0x10: {  	s22 =	sadd.s32 s7, s10;
	s17 =	sadd.s32 $0x1C00, s0;
	s4 =	sadd.s32 s7, s4  }
0x11: {  	s10 =	sshrl.u32 s25, $0x3;
	[dreg:$0x4] =	wrdreg s4;
	s4 =	sshrl.u32 s19, $0x3  }
0x12: {  	s18 =	sshll.u32 s16, $0x9;
	[dreg:$0x8] =	wrdreg s22;
	s4 =	sadd.s32 s7, s4  }
0x13: {  	s10 =	sadd.s32 s7, s10;
	[dreg:$0x6] =	wrdreg s4;
	s4 =	sshrl.u32 s20, $0x3  }
0x14: {  	s24 =	sadd.s32 s5, s17;
	[dreg:$0xb] =	wrdreg s10;
	s4 =	sadd.s32 s7, s4  }
0x15: {  	s22 =	sadd.s32 $0x20800, s6;
	[dreg:$0x7] =	wrdreg s4;
	s4 =	sshrl.u32 s23, $0x3  }
0x16: {  	s10 =	simm.s32 $0x0;
	s19 =	sadd.s32 s18, s6;
	s4 =	sadd.s32 s7, s4  }
0x17: {  	s20 =	smul.u32 $0xA000, s16;
	[dreg:$0x9] =	wrdreg s4;
	s4 =	sshrl.u32 s24, $0x3  }
0x18: {  	[smem:$0x7FF] =	sst s10;
	s1 =	sadd.s32 s1, s19;
	s4 =	sadd.s32 s7, s4  }
0x19: {  	s29 =	sadd.s32 $0xA6A00, s1;
	s21 =	sshrl.u32 s20, $0x2;
	[dreg:$0xa] =	wrdreg s4  }
0x1a: {  	s23 =	sadd.s32 $0x20A00, s6;
	s4 =	sshrl.u32 s13, $0x3;
	s13 =	rddreg [dreg:$0x1]  }
0x1b: {  	s24 =	smax.u32 s3, $0x1;
	s4 =	sadd.s32 s7, s4;
	s16 =	sadd.s32 s21, s13  }
0x1c: {  	s0 =	sadd.s32 s0, s13;
	s25 =	sadd.s32 s8, s13;
	s20 =	sadd.s32 s9, s13  }
0x1d: {  	s21 =	sadd.s32 s11, s13;
	s26 =	sadd.s32 s26, s13;
	s28 =	sadd.s32 s28, s13  }
0x1e: {  	s7 =	simm.s32 $0x1080;
	s8 =	simm.s32 $0x1;
	[dreg:$0xc] =	wrdreg s4  }
0x1f: {  	s9 =	simm.s32 $0x80;
	_ =	strace $0x80000053;
	[dreg:$0xd] =	wrdreg s22  }
0x20: {  	s11 =	simm.s32 $0x0;
	s31 =	sadd.s32 $0x400, s16;
	[dreg:$0xe] =	wrdreg s23  }
0x21: {  	s1 =	sadd.s32 $0x1000, s16;
	s2 =	sadd.s32 $0x1400, s16;
	[dreg:$0xf] =	wrdreg s0  }
0x22: {  	s3 =	sadd.s32 $0x1800, s16;
	s4 =	sadd.s32 $0x1C00, s16;
	[dreg:$0x10] =	wrdreg s24  }
0x23: {  	s5 =	sadd.s32 $0x2000, s16;
	s6 =	sadd.s32 $0x2400, s16;
	[dreg:$0x11] =	wrdreg s25  }
0x24: {  	s22 =	sadd.s32 s12, s13;
	s23 =	sadd.s32 s14, s13;
	s24 =	sadd.s32 s15, s13  }
0x25: {  	s25 =	sadd.s32 s17, s13;
	s12 =	sadd.s32 $0x800, s16;
	s0 =	sadd.s32 $0xC00, s16  }
.LBB2_1:
0x26: {  	s14 =	rddreg [dreg:$0xd]  }
0x27: {  	[tilespmem:s7], [sflag:$0x1] =	stream.linear.gather [hbm4b:s14+s10], $0x400, $0x38;
	[tilespmem:$0x3C80] =	vst v63  }
0x28: {  	_ =	swait.ge [sflag:s8], $0x400  }
0x29: {  	[sflag:s8] =	ssyncset.done $0x0  }
0x2a: {  	[sflag:s8] =	ssyncadd.s32 $0xFFFFFC00  }
0x2b: {  	[spmem:s16] =	stream.linear.scatter [tilespmem:s7], [sflag:$0x1], $0x400, $0x38;
	[tilespmem:$0x3C80] =	vst v63  }
0x2c: {  	_ =	swait.ge [sflag:s8], $0x400  }
0x2d: {  	[sflag:s8] =	ssyncset.done $0x0  }
0x2e: {  	[sflag:s8] =	ssyncadd.s32 $0xFFFFFC00  }
0x2f: {  	[spmem:s31] =	stream.linear.scatter [tilespmem:s7], [sflag:$0x1], $0x400, $0x38;
	[tilespmem:$0x3C80] =	vst v63  }
0x30: {  	_ =	swait.ge [sflag:s8], $0x400  }
0x31: {  	[sflag:s8] =	ssyncset.done $0x0  }
0x32: {  	[sflag:s8] =	ssyncadd.s32 $0xFFFFFC00  }
0x33: {  	[spmem:s12] =	stream.linear.scatter [tilespmem:s7], [sflag:$0x1], $0x400, $0x38;
	[tilespmem:$0x3C80] =	vst v63  }
0x34: {  	_ =	swait.ge [sflag:s8], $0x400  }
0x35: {  	[sflag:s8] =	ssyncset.done $0x0  }
0x36: {  	[sflag:s8] =	ssyncadd.s32 $0xFFFFFC00  }
0x37: {  	[spmem:s0] =	stream.linear.scatter [tilespmem:s7], [sflag:$0x1], $0x400, $0x38;
	[tilespmem:$0x3C80] =	vst v63  }
0x38: {  	_ =	swait.ge [sflag:s8], $0x400  }
0x39: {  	[sflag:s8] =	ssyncset.done $0x0  }
0x3a: {  	[sflag:s8] =	ssyncadd.s32 $0xFFFFFC00  }
0x3b: {  	[spmem:s1] =	stream.linear.scatter [tilespmem:s7], [sflag:$0x1], $0x400, $0x38;
	[tilespmem:$0x3C80] =	vst v63  }
0x3c: {  	_ =	swait.ge [sflag:s8], $0x400  }
0x3d: {  	[sflag:s8] =	ssyncset.done $0x0  }
0x3e: {  	[sflag:s8] =	ssyncadd.s32 $0xFFFFFC00  }
0x3f: {  	[spmem:s2] =	stream.linear.scatter [tilespmem:s7], [sflag:$0x1], $0x400, $0x38;
	[tilespmem:$0x3C80] =	vst v63  }
0x40: {  	_ =	swait.ge [sflag:s8], $0x400  }
0x41: {  	[sflag:s8] =	ssyncset.done $0x0  }
0x42: {  	[sflag:s8] =	ssyncadd.s32 $0xFFFFFC00  }
0x43: {  	[spmem:s3] =	stream.linear.scatter [tilespmem:s7], [sflag:$0x1], $0x400, $0x38;
	[tilespmem:$0x3C80] =	vst v63  }
0x44: {  	_ =	swait.ge [sflag:s8], $0x400  }
0x45: {  	[sflag:s8] =	ssyncset.done $0x0  }
0x46: {  	[sflag:s8] =	ssyncadd.s32 $0xFFFFFC00  }
0x47: {  	[spmem:s4] =	stream.linear.scatter [tilespmem:s7], [sflag:$0x1], $0x400, $0x38;
	[tilespmem:$0x3C80] =	vst v63  }
0x48: {  	_ =	swait.ge [sflag:s8], $0x400  }
0x49: {  	[sflag:s8] =	ssyncset.done $0x0  }
0x4a: {  	[sflag:s8] =	ssyncadd.s32 $0xFFFFFC00  }
0x4b: {  	[spmem:s5] =	stream.linear.scatter [tilespmem:s7], [sflag:$0x1], $0x400, $0x38;
	[tilespmem:$0x3C80] =	vst v63  }
0x4c: {  	_ =	swait.ge [sflag:s8], $0x400  }
0x4d: {  	[sflag:s8] =	ssyncset.done $0x0  }
0x4e: {  	[sflag:s8] =	ssyncadd.s32 $0xFFFFFC00  }
0x4f: {  	[spmem:s6] =	stream.linear.scatter [tilespmem:s7], [sflag:$0x1], $0x400, $0x38;
	[tilespmem:$0x3C80] =	vst v63  }
0x50: {  	_ =	swait.ge [sflag:s8], $0x400  }
0x51: {  	[sflag:s8] =	ssyncset.done $0x0  }
0x52: {  	s15 =	simm.s32 $0x880;
	s18 =	rddreg [dreg:$0xe];
	[sflag:s8] =	ssyncadd.s32 $0xFFFFFC00  }
0x53: {  	[tilespmem:s15], [sflag:$0x1] =	stream.linear.gather [hbm4b:s18+s10], $0x800, $0x38;
	[tilespmem:$0x3C80] =	vst v63  }
0x54: {  	_ =	swait.ge [sflag:s8], $0x800  }
0x55: {  	[sflag:s8] =	ssyncset.done $0x0  }
0x56: {  	[sflag:s8] =	ssyncadd.s32 $0xFFFFF800  }
0x57: {  	s19 =	sadd.s32 $0x0, s30;
	[bflag:$0x0] =	sbarrier.arrive $0xFFFF  }
0x58: {  	[tilespmem:s10], [sflag:$0x1] =	stream.linear.gather [hbm4b:s19+s10], $0x80, $0x38;
	[tilespmem:$0x3C80] =	vst v63  }
0x59: {  	_ =	swait.ge [sflag:s8], $0x80  }
0x5a: {  	[sflag:s8] =	ssyncset.done $0x0  }
0x5b: {  	[sflag:s8] =	ssyncadd.s32 $0xFFFFFF80  }
0x5c: {  	[tilespmem:s9], [sflag:$0x1] =	stream.linear.gather [hbm4b:s29+s10], $0x800, $0x38;
	[tilespmem:$0x3C80] =	vst v63  }
0x5d: {  	_ =	swait.ge [sflag:s8], $0x800  }
0x5e: {  	[sflag:s8] =	ssyncset.done $0x0  }
0x5f: {  	[sflag:s8] =	ssyncadd.s32 $0xFFFFF800  }
0x60: {  	[spmem:s13] =	stream.indirect.scatter.add.f32 [tilespmem:s9], [sflag:$0x1], $0x10, s10, s9, $0xb8;
	[tilespmem:$0x3C80] =	vst v63  }
0x61: {  	s17 =	simm.s32 $0x400;
	_ =	swait.ge [sflag:s8], $0x800  }
0x62: {  	s14 =	sadd.s32 $0x2000, s29;
	s15 =	simm.s32 $0x200;
	[sflag:s8] =	ssyncset.done $0x0  }
.LBB2_2:
0x63: {  	s18 =	sadd.s32 s15, s30  }
0x64: {  	[sflag:s8] =	ssyncadd.s32 $0xFFFFF800;
	s15 =	smov.u32 s17;
	s19 =	sadd.s32 $0x200, s17  }
0x65: {  	[tilespmem:s10], [sflag:$0x1] =	stream.linear.gather [hbm4b:s18+s10], $0x80, $0x38;
	[tilespmem:$0x3C80] =	vst v63  }
0x66: {  	p0 =	sne.s32 s17, $0x4E00;
	_ =	swait.ge [sflag:s8], $0x80  }
0x67: {  	[sflag:s8] =	ssyncset.done $0x0  }
0x68: {  	[sflag:s8] =	ssyncadd.s32 $0xFFFFFF80  }
0x69: {  	[tilespmem:s9], [sflag:$0x1] =	stream.linear.gather [hbm4b:s14+s10], $0x800, $0x38;
	[tilespmem:$0x3C80] =	vst v63  }
0x6a: {  	_ =	swait.ge [sflag:s8], $0x800  }
.Ltmp0:
0x6b: {  	[sflag:s8] =	ssyncset.done $0x0;
	(pc) =	sbr.rel @p0 .LBB2_2-.Ltmp0, $4  }
0x6c: {  	[sflag:s8] =	ssyncadd.s32 $0xFFFFF800  }
0x6d: {  	[spmem:s13] =	stream.indirect.scatter.add.f32 [tilespmem:s9], [sflag:$0x1], $0x10, s10, s9, $0xb8;
	[tilespmem:$0x3C80] =	vst v63  }
0x6e: {  	_ =	swait.ge [sflag:s8], $0x800  }
0x6f: {  	s17 =	smov.u32 s19;
	s14 =	sadd.s32 $0x2000, s14;
	[sflag:s8] =	ssyncset.done $0x0  }
0x70: {  	s15 =	sadd.s32 s15, s30;
	[sflag:s8] =	ssyncadd.s32 $0xFFFFF800  }
0x71: {  	[tilespmem:s10], [sflag:$0x1] =	stream.linear.gather [hbm4b:s15+s10], $0x80, $0x38;
	[tilespmem:$0x3C80] =	vst v63  }
0x72: {  	_ =	swait.ge [sflag:s8], $0x80  }
0x73: {  	[sflag:s8] =	ssyncset.done $0x0  }
0x74: {  	[sflag:s8] =	ssyncadd.s32 $0xFFFFFF80  }
0x75: {  	[tilespmem:s9], [sflag:$0x1] =	stream.linear.gather [hbm4b:s14+s10], $0x800, $0x38;
	[tilespmem:$0x3C80] =	vst v63  }
0x76: {  	_ =	swait.ge [sflag:s8], $0x800  }
0x77: {  	[sflag:s8] =	ssyncset.done $0x0  }
0x78: {  	[sflag:s8] =	ssyncadd.s32 $0xFFFFF800  }
0x79: {  	[spmem:s13] =	stream.indirect.scatter.add.f32 [tilespmem:s9], [sflag:$0x1], $0x10, s10, s9, $0xb8;
	[tilespmem:$0x3C80] =	vst v63  }
0x7a: {  	_ =	swait.ge [sflag:s8], $0x800  }
0x7b: {  	[sflag:s8] =	ssyncset.done $0x0  }
0x7c: {  	[sflag:s8] =	ssyncadd.s32 $0xFFFFF800  }
0x7d: {  	[bflag:$0x0] =	sbarrier.arrive $0xFFFF  }
0x7e: {  	s19 =	rddreg [dreg:$0xf]  }
0x7f: {  	[tilespmem:s7], [sflag:$0x1] =	stream.linear.gather [spmem:s19], $0x400, $0x38;
	[tilespmem:$0x3C80] =	vst v63  }
0x80: {  	_ =	swait.ge [sflag:s8], $0x400  }
0x81: {  	[sflag:s8] =	ssyncset.done $0x0  }
0x82: {  	s15 =	rddreg [dreg:$0x3];
	[sflag:s8] =	ssyncadd.s32 $0xFFFFFC00  }
0x83: {  	[hbm4b:s15+s10] =	stream.linear.scatter [tilespmem:s7], [sflag:$0x1], $0x400, $0x38;
	[tilespmem:$0x3C80] =	vst v63  }
0x84: {  	_ =	swait.ge [sflag:s8], $0x400  }
0x85: {  	[sflag:s8] =	ssyncset.done $0x0  }
0x86: {  	s17 =	rddreg [dreg:$0x11];
	[sflag:s8] =	ssyncadd.s32 $0xFFFFFC00  }
0x87: {  	[tilespmem:s7], [sflag:$0x1] =	stream.linear.gather [spmem:s17], $0x400, $0x38;
	[tilespmem:$0x3C80] =	vst v63  }
0x88: {  	_ =	swait.ge [sflag:s8], $0x400  }
0x89: {  	[sflag:s8] =	ssyncset.done $0x0  }
0x8a: {  	s18 =	rddreg [dreg:$0x4];
	[sflag:s8] =	ssyncadd.s32 $0xFFFFFC00  }
0x8b: {  	[hbm4b:s18+s10] =	stream.linear.scatter [tilespmem:s7], [sflag:$0x1], $0x400, $0x38;
	[tilespmem:$0x3C80] =	vst v63  }
0x8c: {  	_ =	swait.ge [sflag:s8], $0x400  }
0x8d: {  	[sflag:s8] =	ssyncset.done $0x0  }
0x8e: {  	[sflag:s8] =	ssyncadd.s32 $0xFFFFFC00  }
0x8f: {  	[tilespmem:s7], [sflag:$0x1] =	stream.linear.gather [spmem:s20], $0x400, $0x38;
	[tilespmem:$0x3C80] =	vst v63  }
0x90: {  	_ =	swait.ge [sflag:s8], $0x400  }
0x91: {  	[sflag:s8] =	ssyncset.done $0x0  }
0x92: {  	s19 =	rddreg [dreg:$0x5];
	[sflag:s8] =	ssyncadd.s32 $0xFFFFFC00  }
0x93: {  	[hbm4b:s19+s10] =	stream.linear.scatter [tilespmem:s7], [sflag:$0x1], $0x400, $0x38;
	[tilespmem:$0x3C80] =	vst v63  }
0x94: {  	_ =	swait.ge [sflag:s8], $0x400  }
0x95: {  	[sflag:s8] =	ssyncset.done $0x0  }
0x96: {  	[sflag:s8] =	ssyncadd.s32 $0xFFFFFC00  }
0x97: {  	[tilespmem:s7], [sflag:$0x1] =	stream.linear.gather [spmem:s21], $0x400, $0x38;
	[tilespmem:$0x3C80] =	vst v63  }
0x98: {  	_ =	swait.ge [sflag:s8], $0x400  }
0x99: {  	[sflag:s8] =	ssyncset.done $0x0  }
0x9a: {  	s15 =	rddreg [dreg:$0x6];
	[sflag:s8] =	ssyncadd.s32 $0xFFFFFC00  }
0x9b: {  	[hbm4b:s15+s10] =	stream.linear.scatter [tilespmem:s7], [sflag:$0x1], $0x400, $0x38;
	[tilespmem:$0x3C80] =	vst v63  }
0x9c: {  	_ =	swait.ge [sflag:s8], $0x400  }
0x9d: {  	[sflag:s8] =	ssyncset.done $0x0  }
0x9e: {  	[sflag:s8] =	ssyncadd.s32 $0xFFFFFC00  }
0x9f: {  	[tilespmem:s7], [sflag:$0x1] =	stream.linear.gather [spmem:s22], $0x400, $0x38;
	[tilespmem:$0x3C80] =	vst v63  }
0xa0: {  	_ =	swait.ge [sflag:s8], $0x400  }
0xa1: {  	[sflag:s8] =	ssyncset.done $0x0  }
0xa2: {  	s17 =	rddreg [dreg:$0x7];
	[sflag:s8] =	ssyncadd.s32 $0xFFFFFC00  }
0xa3: {  	[hbm4b:s17+s10] =	stream.linear.scatter [tilespmem:s7], [sflag:$0x1], $0x400, $0x38;
	[tilespmem:$0x3C80] =	vst v63  }
0xa4: {  	_ =	swait.ge [sflag:s8], $0x400  }
0xa5: {  	[sflag:s8] =	ssyncset.done $0x0  }
0xa6: {  	[sflag:s8] =	ssyncadd.s32 $0xFFFFFC00  }
0xa7: {  	[tilespmem:s7], [sflag:$0x1] =	stream.linear.gather [spmem:s23], $0x400, $0x38;
	[tilespmem:$0x3C80] =	vst v63  }
0xa8: {  	_ =	swait.ge [sflag:s8], $0x400  }
0xa9: {  	[sflag:s8] =	ssyncset.done $0x0  }
0xaa: {  	s18 =	rddreg [dreg:$0x8];
	[sflag:s8] =	ssyncadd.s32 $0xFFFFFC00  }
0xab: {  	[hbm4b:s18+s10] =	stream.linear.scatter [tilespmem:s7], [sflag:$0x1], $0x400, $0x38;
	[tilespmem:$0x3C80] =	vst v63  }
0xac: {  	_ =	swait.ge [sflag:s8], $0x400  }
0xad: {  	[sflag:s8] =	ssyncset.done $0x0  }
0xae: {  	[sflag:s8] =	ssyncadd.s32 $0xFFFFFC00  }
0xaf: {  	[tilespmem:s7], [sflag:$0x1] =	stream.linear.gather [spmem:s24], $0x400, $0x38;
	[tilespmem:$0x3C80] =	vst v63  }
0xb0: {  	_ =	swait.ge [sflag:s8], $0x400  }
0xb1: {  	[sflag:s8] =	ssyncset.done $0x0  }
0xb2: {  	s19 =	rddreg [dreg:$0x9];
	[sflag:s8] =	ssyncadd.s32 $0xFFFFFC00  }
0xb3: {  	[hbm4b:s19+s10] =	stream.linear.scatter [tilespmem:s7], [sflag:$0x1], $0x400, $0x38;
	[tilespmem:$0x3C80] =	vst v63  }
0xb4: {  	_ =	swait.ge [sflag:s8], $0x400  }
0xb5: {  	[sflag:s8] =	ssyncset.done $0x0  }
0xb6: {  	[sflag:s8] =	ssyncadd.s32 $0xFFFFFC00  }
0xb7: {  	[tilespmem:s7], [sflag:$0x1] =	stream.linear.gather [spmem:s25], $0x400, $0x38;
	[tilespmem:$0x3C80] =	vst v63  }
0xb8: {  	_ =	swait.ge [sflag:s8], $0x400  }
0xb9: {  	[sflag:s8] =	ssyncset.done $0x0  }
0xba: {  	s15 =	rddreg [dreg:$0xa];
	[sflag:s8] =	ssyncadd.s32 $0xFFFFFC00  }
0xbb: {  	[hbm4b:s15+s10] =	stream.linear.scatter [tilespmem:s7], [sflag:$0x1], $0x400, $0x38;
	[tilespmem:$0x3C80] =	vst v63  }
0xbc: {  	_ =	swait.ge [sflag:s8], $0x400  }
0xbd: {  	[sflag:s8] =	ssyncset.done $0x0  }
0xbe: {  	[sflag:s8] =	ssyncadd.s32 $0xFFFFFC00  }
0xbf: {  	[tilespmem:s7], [sflag:$0x1] =	stream.linear.gather [spmem:s26], $0x400, $0x38;
	[tilespmem:$0x3C80] =	vst v63  }
0xc0: {  	_ =	swait.ge [sflag:s8], $0x400  }
0xc1: {  	[sflag:s8] =	ssyncset.done $0x0  }
0xc2: {  	s17 =	rddreg [dreg:$0xb];
	[sflag:s8] =	ssyncadd.s32 $0xFFFFFC00  }
0xc3: {  	[hbm4b:s17+s10] =	stream.linear.scatter [tilespmem:s7], [sflag:$0x1], $0x400, $0x38;
	[tilespmem:$0x3C80] =	vst v63  }
0xc4: {  	_ =	swait.ge [sflag:s8], $0x400  }
0xc5: {  	[sflag:s8] =	ssyncset.done $0x0  }
0xc6: {  	[sflag:s8] =	ssyncadd.s32 $0xFFFFFC00  }
0xc7: {  	[tilespmem:s7], [sflag:$0x1] =	stream.linear.gather [spmem:s28], $0x400, $0x38;
	[tilespmem:$0x3C80] =	vst v63  }
0xc8: {  	_ =	swait.ge [sflag:s8], $0x400  }
0xc9: {  	[sflag:s8] =	ssyncset.done $0x0  }
0xca: {  	s18 =	rddreg [dreg:$0xc];
	[sflag:s8] =	ssyncadd.s32 $0xFFFFFC00  }
0xcb: {  	[hbm4b:s18+s10] =	stream.linear.scatter [tilespmem:s7], [sflag:$0x1], $0x400, $0x38;
	[tilespmem:$0x3C80] =	vst v63  }
0xcc: {  	_ =	swait.ge [sflag:s8], $0x400  }
0xcd: {  	s11 =	sadd.s32 $0x1, s11;
	s19 =	rddreg [dreg:$0x10]  }
0xce: {  	p0 =	sne.s32 s11, s19  }
.Ltmp1:
0xcf: {  	_ = 	snop;
	(pc) =	sbr.rel @p0 .LBB2_1-.Ltmp1, $3  }
0xd0: {  	_ =	sdelay $0x1  }
0xd1: {  	[sflag:s8] =	ssyncset.done $0x0  }
0xd2: {  	[sflag:s8] =	ssyncadd.s32 $0xFFFFFC00  }
0xd3: {  	_ =	sfence.sel $0x180000  }
0xd4: {  	[bflag:$0x0] =	sbarrier.arrive $0xFFFF  }
0xd5: {  	_ =	strace $0x90000053  }
0xd6: {  	s0 =	stileid.u32;
	[bflag:$0x2] =	sbarrier.arrive $0xFFFF  }
0xd7: {  	p0 =	sne.s32 s0, $0x0;
	s0 =	rddreg [dreg:$0x2]  }
0xd8: {  	s0 =	sadd.s32 @!p0 $0x100000, s0  }
0xd9: {  	[sflag:s0] =	ssyncadd.tile.s32 @!p0 $0x1;
	_ =	shalt  }
.Lfunc_end2:
_tile_overlayer_lowered:
.L_overlay_start_2:
0xda: {  	(tag) =	ssettag $0x2  }
0xdb: {  	s0 =	rddreg [dreg:$0x0];
	s2 =	stileid.u32  }
0xdc: {  	s1 =	rddreg [dreg:$0x1];
	p0 =	sne.s32 s2, $0x0  }
0xdd: {  	s3 =	rddreg [dreg:$0x2];
	[bflag:$0x3] =	sbarrier.arrive $0xFFFF;
	s2 =	simm.s32 @!p0 $0x1C01  }
0xde: {  	[timem:s3], [sflag:s2] =	dma.local @!p0 [hbm:s0], s1  }
0xdf: {  	s0 =	simm.s32 @!p0 $0x1  }
0xe0: {  	_ =	swait.ge @!p0 [sflag:s0], s1  }
0xe1: {  	s1 =	ssub.s32 @!p0 $0x0, s1;
	[sflag:s0] =	ssyncset.done @!p0 $0x0  }
0xe2: {  	[sflag:s0] =	ssyncadd.s32 @!p0 s1  }
0xe3: {  	[bflag:$0x3] =	sbarrier.arrive $0xFFFF  }
0xe4: {  	_ =	shalt  }

</sc_bundles>
